<compile_context>
chip_gen: v7x
topology: tpu7x:2x2x1
jax: 0.10.2.dev20260603
libtpu: 0.0.44.dev20260713+nightly
codegen_flags: <defaults>
</compile_context>

<pallas_src>
import functools

import jax
import jax.numpy as jnp
from jax import lax
from jax.experimental import pallas as pl
from jax.experimental.pallas import tpu as pltpu
from jax.experimental.pallas import tpu_sc as plsc

B, L, D = 1024, 200, 128
MAX_POS = 10000
LANE = 16
_info = plsc.get_sparse_core_info()
NC, NS = _info.num_cores, _info.num_subcores
NW = NC * NS
ROWS_PER_W = B // NW
NHALF = 2 * ROWS_PER_W
CH = (104, 96)
OFF = (0, 104)

_mesh = plsc.VectorSubcoreMesh(core_axis_name="c", subcore_axis_name="s")

_GATHER_DNUMS = lax.GatherDimensionNumbers(
    offset_dims=(), collapsed_slice_dims=(0,), start_index_map=(0,))


def _lane_permute(x, perm):
    return lax.gather(
        x, perm[:, None], _GATHER_DNUMS, slice_sizes=(1,),
        mode=lax.GatherScatterMode.PROMISE_IN_BOUNDS)


@functools.partial(
    pl.kernel,
    out_type=jax.ShapeDtypeStruct((B, L, D), jnp.float32),
    mesh=_mesh,
    scratch_types=[
        pltpu.VMEM((ROWS_PER_W, L), jnp.int32),
        pltpu.VMEM((L,), jnp.int32),
        pltpu.VMEM((L,), jnp.int32),
        pltpu.VMEM((CH[0], D), jnp.float32),
        pltpu.VMEM((CH[0], D), jnp.float32),
        pltpu.VMEM((CH[0], D), jnp.float32),
        pltpu.VMEM_SHARED((MAX_POS, D), jnp.float32),
        pltpu.SemaphoreType.DMA,
        pltpu.SemaphoreType.DMA,
        pltpu.SemaphoreType.DMA,
        pltpu.SemaphoreType.DMA,
        pltpu.SemaphoreType.DMA,
        pltpu.SemaphoreType.DMA,
        pltpu.SemaphoreType.DMA,
    ],
)
def _pe_kernel(vco_hbm, table_hbm, out_hbm, idx_v, rel0_v, rel1_v,
               bufa, bufb, bufc, table_sh,
               gs0, gs1, gs2, os0, os1, os2, stage_sem):
    wid = lax.axis_index("s") * NC + lax.axis_index("c")
    base = wid * ROWS_PER_W
    sid = lax.axis_index("s")
    stage_rows = (MAX_POS // NS) // 8 * 8
    tail = MAX_POS - NS * stage_rows
    stage_cp = pltpu.async_copy(
        table_hbm.at[pl.ds(sid * stage_rows, stage_rows)],
        table_sh.at[pl.ds(sid * stage_rows, stage_rows)], stage_sem)

    @pl.when(sid == 0)
    def _stage_tail():
        pltpu.sync_copy(table_hbm.at[pl.ds(NS * stage_rows, tail)],
                        table_sh.at[pl.ds(NS * stage_rows, tail)])

    pltpu.sync_copy(vco_hbm.at[pl.ds(base, ROWS_PER_W)], idx_v)

    rels = (rel0_v, rel1_v)
    bufs = (bufa, bufb, bufc)
    gsems = (gs0, gs1, gs2)
    osems = (os0, os1, os2)

    def compute_rel(r, p):
        m = idx_v[r, pl.ds(0, LANE)]
        for k in range(1, L // LANE):
            m = jnp.minimum(m, idx_v[r, pl.ds(k * LANE, LANE)])
        m = jnp.minimum(m, idx_v[r, pl.ds(L - LANE, LANE)])
        lanes = lax.iota(jnp.int32, LANE)
        for sh in (8, 4, 2, 1):
            perm = lax.rem(lanes + sh, LANE)
            m = jnp.minimum(m, _lane_permute(m, perm))
        rel_v = rels[p]
        for k in range(L // LANE):
            rel_v[pl.ds(k * LANE, LANE)] = jnp.abs(
                idx_v[r, pl.ds(k * LANE, LANE)] - m)
        rel_v[pl.ds(L - LANE, LANE)] = jnp.abs(
            idx_v[r, pl.ds(L - LANE, LANE)] - m)

    def g_desc(r, p, h, b):
        return pltpu.make_async_copy(
            table_sh.at[rels[p].at[pl.ds(OFF[h], CH[h])]],
            bufs[b].at[pl.ds(0, CH[h])], gsems[b])

    def o_desc(r, h, b):
        return pltpu.make_async_copy(
            bufs[b].at[pl.ds(0, CH[h])],
            out_hbm.at[base + r, pl.ds(OFF[h], CH[h])], osems[b])

    def fire_g(r, p, h, b):
        pltpu.async_copy(
            table_sh.at[rels[p].at[pl.ds(OFF[h], CH[h])]],
            bufs[b].at[pl.ds(0, CH[h])], gsems[b])

    def fire_o(r, h, b):
        pltpu.async_copy(
            bufs[b].at[pl.ds(0, CH[h])],
            out_hbm.at[base + r, pl.ds(OFF[h], CH[h])], osems[b])

    def do_step(c_mod12, row_of, first=False, fire_next=True):
        j = c_mod12
        hc, bc = j % 2, j % 3
        pc = (j // 2) % 2
        g_desc(row_of(j), pc, hc, bc).wait()
        fire_o(row_of(j), hc, bc)
        if not first:
            hp, bp = (j - 1) % 2, (j - 1) % 3
            o_desc(row_of(j - 1), hp, bp).wait()
        if fire_next:
            hn, bn = (j + 2) % 2, (j + 2) % 3
            pn = ((j + 2) // 2) % 2
            if j % 2 == 0:
                compute_rel(row_of(j + 2), pn)
            fire_g(row_of(j + 2), pn, hn, bn)

    compute_rel(0, 0)
    stage_cp.wait()
    plsc.subcore_barrier()
    fire_g(0, 0, 0, 0)
    fire_g(0, 0, 1, 1)
    do_step(0, lambda j: j // 2, first=True)
    do_step(1, lambda j: j // 2)

    def step(s, carry):
        base_c = 12 * s + 2
        for k in range(12):
            c = base_c + k
            jmod = (2 + k) % 12

            def row_of(j, c=c, jmod=jmod):
                return (c + (j - jmod)) // 2

            do_step(jmod, row_of)
        return carry

    lax.fori_loop(0, (NHALF - 4) // 12, step, 0)

    last = ROWS_PER_W - 1

    def row_of_62(j):
        return (62 + (j - (62 % 12))) // 2

    def row_of_63(j):
        return (63 + (j - (63 % 12))) // 2

    do_step(62 % 12, row_of_62, fire_next=False)
    do_step(63 % 12, row_of_63, fire_next=False)
    o_desc(last, 1, 63 % 3).wait()


def kernel(visit_concept_orders, pos_encoding):
    return _pe_kernel(visit_concept_orders.astype(jnp.int32), pos_encoding)

# --- scband reference (transcript-rebuilt; emitter-appended) ---
"""Pipeline reference for scband-positional-encoding-layer-40269613367541 (READ-ONLY COPY).

The authoritative reference and input builder live on the scoring server;
editing this copy changes nothing except your own understanding.
"""

import jax, jax.numpy as jnp
import numpy as np

MAX_POS = 10000
D_MODEL = 128

def _positional_encoding(position, d_model):
    pos = np.arange(position)[:, np.newaxis].astype(np.float64)
    i = np.arange(d_model)[np.newaxis, :].astype(np.float64)
    angle_rates = 1.0 / np.power(10000, 2 * (i // 2) / np.float32(d_model))
    angle_rads = pos * angle_rates
    angle_rads[:, 0::2] = np.sin(angle_rads[:, 0::2])
    angle_rads[:, 1::2] = np.cos(angle_rads[:, 1::2])
    return jnp.asarray(angle_rads, dtype=jnp.float32)

def setup_inputs(seed: int = 0) -> dict:
    key = jax.random.key(seed)
    visit_concept_orders = jax.random.randint(key, (1024, 200), 0, MAX_POS, dtype=jnp.int64 if jax.config.jax_enable_x64 else jnp.int32)
    pos_encoding = _positional_encoding(MAX_POS, D_MODEL)
    return {"visit_concept_orders": visit_concept_orders, "pos_encoding": pos_encoding}

def reference(visit_concept_orders, pos_encoding):
    # relative position: subtract per-row min, take abs
    rel = jnp.abs(visit_concept_orders - jnp.min(visit_concept_orders, axis=1, keepdims=True))
    # gather rows of the sinusoidal table -> [B, L, d_model]
    positional_embeddings = jnp.take(pos_encoding, rel, axis=0)
    return positional_embeddings

if __name__ == "__main__":
    import jax
    _d = setup_inputs()
    print(jax.jit(kernel)(*tuple(_d.values())))

</pallas_src>

<mosaic_0001>
#map = affine_map<(d0, d1) -> (0, 0)>
#map1 = affine_map<(d0, d1) -> (0, 0, 0)>
module attributes {stable_mosaic.version = 14 : i64} {
  func.func @_pe_kernel(%arg0: i32, %arg1: i32, %arg2: memref<1024x200xi32, #tpu.memory_space<hbm>>, %arg3: memref<10000x128xf32, #tpu.memory_space<hbm>>, %arg4: memref<1024x200x128xf32, #tpu.memory_space<hbm>>, %arg5: memref<32x200xi32, #tpu.memory_space<vmem>>, %arg6: memref<200xi32, #tpu.memory_space<vmem>>, %arg7: memref<200xi32, #tpu.memory_space<vmem>>, %arg8: memref<104x128xf32, #tpu.memory_space<vmem>>, %arg9: memref<104x128xf32, #tpu.memory_space<vmem>>, %arg10: memref<104x128xf32, #tpu.memory_space<vmem>>, %arg11: memref<10000x128xf32, #tpu.memory_space<vmem_shared>>, %arg12: memref<!tpu.dma_semaphore, #tpu.memory_space<semaphore_mem>>, %arg13: memref<!tpu.dma_semaphore, #tpu.memory_space<semaphore_mem>>, %arg14: memref<!tpu.dma_semaphore, #tpu.memory_space<semaphore_mem>>, %arg15: memref<!tpu.dma_semaphore, #tpu.memory_space<semaphore_mem>>, %arg16: memref<!tpu.dma_semaphore, #tpu.memory_space<semaphore_mem>>, %arg17: memref<!tpu.dma_semaphore, #tpu.memory_space<semaphore_mem>>, %arg18: memref<!tpu.dma_semaphore, #tpu.memory_space<semaphore_mem>>) attributes {dimension_semantics = [#tpu.dimension_semantics<core_parallel>, #tpu.dimension_semantics<subcore_parallel>], iteration_bounds = array<i64: 2, 16>, scalar_prefetch = 0 : i64, scratch_operands = 14 : i64, tpu.core_type = #tpu.core_type<sc_vector_subcore>, window_params = [{transform_indices = #map}, {transform_indices = #map}, {transform_indices = #map1}]} {
    %mul3A = arith.constant 2 : i32
    %mul3A_0 = arith.muli %arg1, %mul3A : i32
    %add3A = arith.addi %mul3A_0, %arg0 : i32
    %mul3A_1 = arith.constant 32 : i32
    %mul3A_2 = arith.muli %add3A, %mul3A_1 : i32
    %mul3A_3 = arith.constant 624 : i32
    %mul3A_4 = arith.muli %arg1, %mul3A_3 : i32
    %mul3A_5 = arith.constant 624 : i32
    %mul3A_6 = arith.muli %arg1, %mul3A_5 : i32
    %dma_start3A = arith.constant 0 : i32
    %dma_start3A_7 = tpu.memref_slice %arg11[%mul3A_6, %dma_start3A] : memref<10000x128xf32, #tpu.memory_space<vmem_shared>> -> memref<624x128xf32, #tpu.memory_space<vmem_shared>>
    %dma_start3A_8 = arith.constant 0 : i32
    %dma_start3A_9 = tpu.memref_slice %arg3[%mul3A_4, %dma_start3A_8] : memref<10000x128xf32, #tpu.memory_space<hbm>> -> memref<624x128xf32, #tpu.memory_space<hbm>>
    tpu.enqueue_dma source(%dma_start3A_9 : memref<624x128xf32, #tpu.memory_space<hbm>>) target(%dma_start3A_7 : memref<624x128xf32, #tpu.memory_space<vmem_shared>>) target_semaphore(%arg18 : memref<!tpu.dma_semaphore, #tpu.memory_space<semaphore_mem>>)
    %eq3A = arith.constant 0 : i32
    %eq3A_10 = arith.cmpi eq, %arg1, %eq3A : i32
    %convert_element_type3A = arith.extui %eq3A_10 : i1 to i32
    %cond3A = arith.constant 0 : i32
    %cond3A_11 = arith.cmpi ne, %convert_element_type3A, %cond3A : i32
    scf.if %cond3A_11 {
      "tpu.region"() ({
        %run_scoped3A = tpu.sem_alloc : memref<!tpu.dma_semaphore, #tpu.memory_space<semaphore_mem>>
        %dma_start3A_725 = arith.constant 9984 : i32
        %dma_start3A_726 = arith.constant 0 : i32
        %dma_start3A_727 = tpu.memref_slice %arg11[%dma_start3A_725, %dma_start3A_726] : memref<10000x128xf32, #tpu.memory_space<vmem_shared>> -> memref<16x128xf32, #tpu.memory_space<vmem_shared>>
        %dma_start3A_728 = arith.constant 9984 : i32
        %dma_start3A_729 = arith.constant 0 : i32
        %dma_start3A_730 = tpu.memref_slice %arg3[%dma_start3A_728, %dma_start3A_729] : memref<10000x128xf32, #tpu.memory_space<hbm>> -> memref<16x128xf32, #tpu.memory_space<hbm>>
        tpu.enqueue_dma source(%dma_start3A_730 : memref<16x128xf32, #tpu.memory_space<hbm>>) target(%dma_start3A_727 : memref<16x128xf32, #tpu.memory_space<vmem_shared>>) target_semaphore(%run_scoped3A : memref<!tpu.dma_semaphore, #tpu.memory_space<semaphore_mem>>)
        %dma_wait3A_731 = arith.constant 9984 : i32
        %dma_wait3A_732 = arith.constant 0 : i32
        %dma_wait3A_733 = tpu.memref_slice %arg11[%dma_wait3A_731, %dma_wait3A_732] : memref<10000x128xf32, #tpu.memory_space<vmem_shared>> -> memref<16x128xf32, #tpu.memory_space<vmem_shared>>
        %dma_wait3A_734 = arith.constant 9984 : i32
        %dma_wait3A_735 = arith.constant 0 : i32
        %dma_wait3A_736 = tpu.memref_slice %arg3[%dma_wait3A_734, %dma_wait3A_735] : memref<10000x128xf32, #tpu.memory_space<hbm>> -> memref<16x128xf32, #tpu.memory_space<hbm>>
        tpu.wait_dma2 semaphore(%run_scoped3A : memref<!tpu.dma_semaphore, #tpu.memory_space<semaphore_mem>>) src(%dma_wait3A_736 : memref<16x128xf32, #tpu.memory_space<hbm>>) dst(%dma_wait3A_733 : memref<16x128xf32, #tpu.memory_space<vmem_shared>>)
        tpu.yield
      }) : () -> ()
    } else {
    }
    "tpu.region"() ({
      %run_scoped3A = tpu.sem_alloc : memref<!tpu.dma_semaphore, #tpu.memory_space<semaphore_mem>>
      %dma_start3A_725 = arith.constant 0 : i32
      %dma_start3A_726 = tpu.memref_slice %arg2[%mul3A_2, %dma_start3A_725] : memref<1024x200xi32, #tpu.memory_space<hbm>> -> memref<32x200xi32, #tpu.memory_space<hbm>>
      %dma_start3A_727 = arith.constant 0 : i32
      %dma_start3A_728 = tpu.memref_slice %arg2[%mul3A_2, %dma_start3A_727] : memref<1024x200xi32, #tpu.memory_space<hbm>> -> memref<32x200xi32, #tpu.memory_space<hbm>>
      tpu.enqueue_dma source(%dma_start3A_728 : memref<32x200xi32, #tpu.memory_space<hbm>>) target(%arg5 : memref<32x200xi32, #tpu.memory_space<vmem>>) target_semaphore(%run_scoped3A : memref<!tpu.dma_semaphore, #tpu.memory_space<semaphore_mem>>)
      %dma_wait3A_729 = arith.constant 0 : i32
      %dma_wait3A_730 = tpu.memref_slice %arg2[%mul3A_2, %dma_wait3A_729] : memref<1024x200xi32, #tpu.memory_space<hbm>> -> memref<32x200xi32, #tpu.memory_space<hbm>>
      %dma_wait3A_731 = arith.constant 0 : i32
      %dma_wait3A_732 = tpu.memref_slice %arg2[%mul3A_2, %dma_wait3A_731] : memref<1024x200xi32, #tpu.memory_space<hbm>> -> memref<32x200xi32, #tpu.memory_space<hbm>>
      tpu.wait_dma2 semaphore(%run_scoped3A : memref<!tpu.dma_semaphore, #tpu.memory_space<semaphore_mem>>) src(%dma_wait3A_732 : memref<32x200xi32, #tpu.memory_space<hbm>>) dst(%arg5 : memref<32x200xi32, #tpu.memory_space<vmem>>)
      tpu.yield
    }) : () -> ()
    %get3A = arith.constant 0 : i32
    %get3A_12 = arith.index_cast %get3A : i32 to index
    %get3A_13 = arith.constant 0 : index
    %get3A_14 = tpu.vector_load %arg5[%get3A_12, %get3A_13] {strides = array<i32>} : memref<32x200xi32, #tpu.memory_space<vmem>>, vector<1x16xi32>,
    %get3A_15 = vector.shape_cast %get3A_14 : vector<1x16xi32> to vector<16xi32>
    %get3A_16 = arith.constant 0 : i32
    %get3A_17 = arith.index_cast %get3A_16 : i32 to index
    %get3A_18 = arith.constant 16 : index
    %get3A_19 = tpu.vector_load %arg5[%get3A_17, %get3A_18] {strides = array<i32>} : memref<32x200xi32, #tpu.memory_space<vmem>>, vector<1x16xi32>,
    %get3A_20 = vector.shape_cast %get3A_19 : vector<1x16xi32> to vector<16xi32>
    %min3A = arith.minsi %get3A_15, %get3A_20 : vector<16xi32>
    %get3A_21 = arith.constant 0 : i32
    %get3A_22 = arith.index_cast %get3A_21 : i32 to index
    %get3A_23 = arith.constant 32 : index
    %get3A_24 = tpu.vector_load %arg5[%get3A_22, %get3A_23] {strides = array<i32>} : memref<32x200xi32, #tpu.memory_space<vmem>>, vector<1x16xi32>,
    %get3A_25 = vector.shape_cast %get3A_24 : vector<1x16xi32> to vector<16xi32>
    %min3A_26 = arith.minsi %min3A, %get3A_25 : vector<16xi32>
    %get3A_27 = arith.constant 0 : i32
    %get3A_28 = arith.index_cast %get3A_27 : i32 to index
    %get3A_29 = arith.constant 48 : index
    %get3A_30 = tpu.vector_load %arg5[%get3A_28, %get3A_29] {strides = array<i32>} : memref<32x200xi32, #tpu.memory_space<vmem>>, vector<1x16xi32>,
    %get3A_31 = vector.shape_cast %get3A_30 : vector<1x16xi32> to vector<16xi32>
    %min3A_32 = arith.minsi %min3A_26, %get3A_31 : vector<16xi32>
    %get3A_33 = arith.constant 0 : i32
    %get3A_34 = arith.index_cast %get3A_33 : i32 to index
    %get3A_35 = arith.constant 64 : index
    %get3A_36 = tpu.vector_load %arg5[%get3A_34, %get3A_35] {strides = array<i32>} : memref<32x200xi32, #tpu.memory_space<vmem>>, vector<1x16xi32>,
    %get3A_37 = vector.shape_cast %get3A_36 : vector<1x16xi32> to vector<16xi32>
    %min3A_38 = arith.minsi %min3A_32, %get3A_37 : vector<16xi32>
    %get3A_39 = arith.constant 0 : i32
    %get3A_40 = arith.index_cast %get3A_39 : i32 to index
    %get3A_41 = arith.constant 80 : index
    %get3A_42 = tpu.vector_load %arg5[%get3A_40, %get3A_41] {strides = array<i32>} : memref<32x200xi32, #tpu.memory_space<vmem>>, vector<1x16xi32>,
    %get3A_43 = vector.shape_cast %get3A_42 : vector<1x16xi32> to vector<16xi32>
    %min3A_44 = arith.minsi %min3A_38, %get3A_43 : vector<16xi32>
    %get3A_45 = arith.constant 0 : i32
    %get3A_46 = arith.index_cast %get3A_45 : i32 to index
    %get3A_47 = arith.constant 96 : index
    %get3A_48 = tpu.vector_load %arg5[%get3A_46, %get3A_47] {strides = array<i32>} : memref<32x200xi32, #tpu.memory_space<vmem>>, vector<1x16xi32>,
    %get3A_49 = vector.shape_cast %get3A_48 : vector<1x16xi32> to vector<16xi32>
    %min3A_50 = arith.minsi %min3A_44, %get3A_49 : vector<16xi32>
    %get3A_51 = arith.constant 0 : i32
    %get3A_52 = arith.index_cast %get3A_51 : i32 to index
    %get3A_53 = arith.constant 112 : index
    %get3A_54 = tpu.vector_load %arg5[%get3A_52, %get3A_53] {strides = array<i32>} : memref<32x200xi32, #tpu.memory_space<vmem>>, vector<1x16xi32>,
    %get3A_55 = vector.shape_cast %get3A_54 : vector<1x16xi32> to vector<16xi32>
    %min3A_56 = arith.minsi %min3A_50, %get3A_55 : vector<16xi32>
    %get3A_57 = arith.constant 0 : i32
    %get3A_58 = arith.index_cast %get3A_57 : i32 to index
    %get3A_59 = arith.constant 128 : index
    %get3A_60 = tpu.vector_load %arg5[%get3A_58, %get3A_59] {strides = array<i32>} : memref<32x200xi32, #tpu.memory_space<vmem>>, vector<1x16xi32>,
    %get3A_61 = vector.shape_cast %get3A_60 : vector<1x16xi32> to vector<16xi32>
    %min3A_62 = arith.minsi %min3A_56, %get3A_61 : vector<16xi32>
    %get3A_63 = arith.constant 0 : i32
    %get3A_64 = arith.index_cast %get3A_63 : i32 to index
    %get3A_65 = arith.constant 144 : index
    %get3A_66 = tpu.vector_load %arg5[%get3A_64, %get3A_65] {strides = array<i32>} : memref<32x200xi32, #tpu.memory_space<vmem>>, vector<1x16xi32>,
    %get3A_67 = vector.shape_cast %get3A_66 : vector<1x16xi32> to vector<16xi32>
    %min3A_68 = arith.minsi %min3A_62, %get3A_67 : vector<16xi32>
    %get3A_69 = arith.constant 0 : i32
    %get3A_70 = arith.index_cast %get3A_69 : i32 to index
    %get3A_71 = arith.constant 160 : index
    %get3A_72 = tpu.vector_load %arg5[%get3A_70, %get3A_71] {strides = array<i32>} : memref<32x200xi32, #tpu.memory_space<vmem>>, vector<1x16xi32>,
    %get3A_73 = vector.shape_cast %get3A_72 : vector<1x16xi32> to vector<16xi32>
    %min3A_74 = arith.minsi %min3A_68, %get3A_73 : vector<16xi32>
    %get3A_75 = arith.constant 0 : i32
    %get3A_76 = arith.index_cast %get3A_75 : i32 to index
    %get3A_77 = arith.constant 176 : index
    %get3A_78 = tpu.vector_load %arg5[%get3A_76, %get3A_77] {strides = array<i32>} : memref<32x200xi32, #tpu.memory_space<vmem>>, vector<1x16xi32>,
    %get3A_79 = vector.shape_cast %get3A_78 : vector<1x16xi32> to vector<16xi32>
    %min3A_80 = arith.minsi %min3A_74, %get3A_79 : vector<16xi32>
    %get3A_81 = arith.constant 0 : i32
    %get3A_82 = arith.index_cast %get3A_81 : i32 to index
    %get3A_83 = arith.constant 184 : index
    %get3A_84 = tpu.vector_load %arg5[%get3A_82, %get3A_83] {strides = array<i32>} : memref<32x200xi32, #tpu.memory_space<vmem>>, vector<1x16xi32>,
    %get3A_85 = vector.shape_cast %get3A_84 : vector<1x16xi32> to vector<16xi32>
    %min3A_86 = arith.minsi %min3A_80, %get3A_85 : vector<16xi32>
    %iota3A = tpu.iota {dimensions = array<i32: 0>} : vector<16xi32>
    %add3A_87 = arith.constant 8 : i32
    %add3A_88 = vector.broadcast %add3A_87 : i32 to vector<16xi32>
    %add3A_89 = arith.addi %iota3A, %add3A_88 : vector<16xi32>
    %rem3A = arith.constant 16 : i32
    %rem3A_90 = vector.broadcast %rem3A : i32 to vector<16xi32>
    %rem3A_91 = arith.remsi %add3A_89, %rem3A_90 : vector<16xi32>
    %broadcast_in_dim3A = vector.shape_cast %rem3A_91 : vector<16xi32> to vector<16x1xi32>
    %gather3A = vector.shape_cast %broadcast_in_dim3A : vector<16x1xi32> to vector<16xi32>
    %gather3A_92 = tpu.dynamic_gather %min3A_86[%gather3A] in [0] : vector<16xi32>, vector<16xi32> -> vector<16xi32>
    %min3A_93 = arith.minsi %min3A_86, %gather3A_92 : vector<16xi32>
    %add3A_94 = arith.constant 4 : i32
    %add3A_95 = vector.broadcast %add3A_94 : i32 to vector<16xi32>
    %add3A_96 = arith.addi %iota3A, %add3A_95 : vector<16xi32>
    %rem3A_97 = arith.constant 16 : i32
    %rem3A_98 = vector.broadcast %rem3A_97 : i32 to vector<16xi32>
    %rem3A_99 = arith.remsi %add3A_96, %rem3A_98 : vector<16xi32>
    %broadcast_in_dim3A_100 = vector.shape_cast %rem3A_99 : vector<16xi32> to vector<16x1xi32>
    %gather3A_101 = vector.shape_cast %broadcast_in_dim3A_100 : vector<16x1xi32> to vector<16xi32>
    %gather3A_102 = tpu.dynamic_gather %min3A_93[%gather3A_101] in [0] : vector<16xi32>, vector<16xi32> -> vector<16xi32>
    %min3A_103 = arith.minsi %min3A_93, %gather3A_102 : vector<16xi32>
    %add3A_104 = arith.constant 2 : i32
    %add3A_105 = vector.broadcast %add3A_104 : i32 to vector<16xi32>
    %add3A_106 = arith.addi %iota3A, %add3A_105 : vector<16xi32>
    %rem3A_107 = arith.constant 16 : i32
    %rem3A_108 = vector.broadcast %rem3A_107 : i32 to vector<16xi32>
    %rem3A_109 = arith.remsi %add3A_106, %rem3A_108 : vector<16xi32>
    %broadcast_in_dim3A_110 = vector.shape_cast %rem3A_109 : vector<16xi32> to vector<16x1xi32>
    %gather3A_111 = vector.shape_cast %broadcast_in_dim3A_110 : vector<16x1xi32> to vector<16xi32>
    %gather3A_112 = tpu.dynamic_gather %min3A_103[%gather3A_111] in [0] : vector<16xi32>, vector<16xi32> -> vector<16xi32>
    %min3A_113 = arith.minsi %min3A_103, %gather3A_112 : vector<16xi32>
    %add3A_114 = arith.constant 1 : i32
    %add3A_115 = vector.broadcast %add3A_114 : i32 to vector<16xi32>
    %add3A_116 = arith.addi %iota3A, %add3A_115 : vector<16xi32>
    %rem3A_117 = arith.constant 16 : i32
    %rem3A_118 = vector.broadcast %rem3A_117 : i32 to vector<16xi32>
    %rem3A_119 = arith.remsi %add3A_116, %rem3A_118 : vector<16xi32>
    %broadcast_in_dim3A_120 = vector.shape_cast %rem3A_119 : vector<16xi32> to vector<16x1xi32>
    %gather3A_121 = vector.shape_cast %broadcast_in_dim3A_120 : vector<16x1xi32> to vector<16xi32>
    %gather3A_122 = tpu.dynamic_gather %min3A_113[%gather3A_121] in [0] : vector<16xi32>, vector<16xi32> -> vector<16xi32>
    %min3A_123 = arith.minsi %min3A_113, %gather3A_122 : vector<16xi32>
    %get3A_124 = arith.constant 0 : i32
    %get3A_125 = arith.index_cast %get3A_124 : i32 to index
    %get3A_126 = arith.constant 0 : index
    %get3A_127 = tpu.vector_load %arg5[%get3A_125, %get3A_126] {strides = array<i32>} : memref<32x200xi32, #tpu.memory_space<vmem>>, vector<1x16xi32>,
    %get3A_128 = vector.shape_cast %get3A_127 : vector<1x16xi32> to vector<16xi32>
    %sub3A = arith.subi %get3A_128, %min3A_123 : vector<16xi32>
    %abs3A = math.absi %sub3A : vector<16xi32>
    %swap3A = arith.constant 0 : index
    %swap3A_129 = tpu.vector_load %arg6[%swap3A] {strides = array<i32>} : memref<200xi32, #tpu.memory_space<vmem>>, vector<16xi32>,
    %swap3A_130 = vector.shape_cast %swap3A_129 : vector<16xi32> to vector<16xi32>
    %swap3A_131 = vector.shape_cast %abs3A : vector<16xi32> to vector<16xi32>
    tpu.vector_store %arg6[%swap3A], %swap3A_131 {strides = array<i32>} : memref<200xi32, #tpu.memory_space<vmem>>, vector<16xi32>,
    %get3A_132 = arith.constant 0 : i32
    %get3A_133 = arith.index_cast %get3A_132 : i32 to index
    %get3A_134 = arith.constant 16 : index
    %get3A_135 = tpu.vector_load %arg5[%get3A_133, %get3A_134] {strides = array<i32>} : memref<32x200xi32, #tpu.memory_space<vmem>>, vector<1x16xi32>,
    %get3A_136 = vector.shape_cast %get3A_135 : vector<1x16xi32> to vector<16xi32>
    %sub3A_137 = arith.subi %get3A_136, %min3A_123 : vector<16xi32>
    %abs3A_138 = math.absi %sub3A_137 : vector<16xi32>
    %swap3A_139 = arith.constant 16 : index
    %swap3A_140 = tpu.vector_load %arg6[%swap3A_139] {strides = array<i32>} : memref<200xi32, #tpu.memory_space<vmem>>, vector<16xi32>,
    %swap3A_141 = vector.shape_cast %swap3A_140 : vector<16xi32> to vector<16xi32>
    %swap3A_142 = vector.shape_cast %abs3A_138 : vector<16xi32> to vector<16xi32>
    tpu.vector_store %arg6[%swap3A_139], %swap3A_142 {strides = array<i32>} : memref<200xi32, #tpu.memory_space<vmem>>, vector<16xi32>,
    %get3A_143 = arith.constant 0 : i32
    %get3A_144 = arith.index_cast %get3A_143 : i32 to index
    %get3A_145 = arith.constant 32 : index
    %get3A_146 = tpu.vector_load %arg5[%get3A_144, %get3A_145] {strides = array<i32>} : memref<32x200xi32, #tpu.memory_space<vmem>>, vector<1x16xi32>,
    %get3A_147 = vector.shape_cast %get3A_146 : vector<1x16xi32> to vector<16xi32>
    %sub3A_148 = arith.subi %get3A_147, %min3A_123 : vector<16xi32>
    %abs3A_149 = math.absi %sub3A_148 : vector<16xi32>
    %swap3A_150 = arith.constant 32 : index
    %swap3A_151 = tpu.vector_load %arg6[%swap3A_150] {strides = array<i32>} : memref<200xi32, #tpu.memory_space<vmem>>, vector<16xi32>,
    %swap3A_152 = vector.shape_cast %swap3A_151 : vector<16xi32> to vector<16xi32>
    %swap3A_153 = vector.shape_cast %abs3A_149 : vector<16xi32> to vector<16xi32>
    tpu.vector_store %arg6[%swap3A_150], %swap3A_153 {strides = array<i32>} : memref<200xi32, #tpu.memory_space<vmem>>, vector<16xi32>,
    %get3A_154 = arith.constant 0 : i32
    %get3A_155 = arith.index_cast %get3A_154 : i32 to index
    %get3A_156 = arith.constant 48 : index
    %get3A_157 = tpu.vector_load %arg5[%get3A_155, %get3A_156] {strides = array<i32>} : memref<32x200xi32, #tpu.memory_space<vmem>>, vector<1x16xi32>,
    %get3A_158 = vector.shape_cast %get3A_157 : vector<1x16xi32> to vector<16xi32>
    %sub3A_159 = arith.subi %get3A_158, %min3A_123 : vector<16xi32>
    %abs3A_160 = math.absi %sub3A_159 : vector<16xi32>
    %swap3A_161 = arith.constant 48 : index
    %swap3A_162 = tpu.vector_load %arg6[%swap3A_161] {strides = array<i32>} : memref<200xi32, #tpu.memory_space<vmem>>, vector<16xi32>,
    %swap3A_163 = vector.shape_cast %swap3A_162 : vector<16xi32> to vector<16xi32>
    %swap3A_164 = vector.shape_cast %abs3A_160 : vector<16xi32> to vector<16xi32>
    tpu.vector_store %arg6[%swap3A_161], %swap3A_164 {strides = array<i32>} : memref<200xi32, #tpu.memory_space<vmem>>, vector<16xi32>,
    %get3A_165 = arith.constant 0 : i32
    %get3A_166 = arith.index_cast %get3A_165 : i32 to index
    %get3A_167 = arith.constant 64 : index
    %get3A_168 = tpu.vector_load %arg5[%get3A_166, %get3A_167] {strides = array<i32>} : memref<32x200xi32, #tpu.memory_space<vmem>>, vector<1x16xi32>,
    %get3A_169 = vector.shape_cast %get3A_168 : vector<1x16xi32> to vector<16xi32>
    %sub3A_170 = arith.subi %get3A_169, %min3A_123 : vector<16xi32>
    %abs3A_171 = math.absi %sub3A_170 : vector<16xi32>
    %swap3A_172 = arith.constant 64 : index
    %swap3A_173 = tpu.vector_load %arg6[%swap3A_172] {strides = array<i32>} : memref<200xi32, #tpu.memory_space<vmem>>, vector<16xi32>,
    %swap3A_174 = vector.shape_cast %swap3A_173 : vector<16xi32> to vector<16xi32>
    %swap3A_175 = vector.shape_cast %abs3A_171 : vector<16xi32> to vector<16xi32>
    tpu.vector_store %arg6[%swap3A_172], %swap3A_175 {strides = array<i32>} : memref<200xi32, #tpu.memory_space<vmem>>, vector<16xi32>,
    %get3A_176 = arith.constant 0 : i32
    %get3A_177 = arith.index_cast %get3A_176 : i32 to index
    %get3A_178 = arith.constant 80 : index
    %get3A_179 = tpu.vector_load %arg5[%get3A_177, %get3A_178] {strides = array<i32>} : memref<32x200xi32, #tpu.memory_space<vmem>>, vector<1x16xi32>,
    %get3A_180 = vector.shape_cast %get3A_179 : vector<1x16xi32> to vector<16xi32>
    %sub3A_181 = arith.subi %get3A_180, %min3A_123 : vector<16xi32>
    %abs3A_182 = math.absi %sub3A_181 : vector<16xi32>
    %swap3A_183 = arith.constant 80 : index
    %swap3A_184 = tpu.vector_load %arg6[%swap3A_183] {strides = array<i32>} : memref<200xi32, #tpu.memory_space<vmem>>, vector<16xi32>,
    %swap3A_185 = vector.shape_cast %swap3A_184 : vector<16xi32> to vector<16xi32>
    %swap3A_186 = vector.shape_cast %abs3A_182 : vector<16xi32> to vector<16xi32>
    tpu.vector_store %arg6[%swap3A_183], %swap3A_186 {strides = array<i32>} : memref<200xi32, #tpu.memory_space<vmem>>, vector<16xi32>,
    %get3A_187 = arith.constant 0 : i32
    %get3A_188 = arith.index_cast %get3A_187 : i32 to index
    %get3A_189 = arith.constant 96 : index
    %get3A_190 = tpu.vector_load %arg5[%get3A_188, %get3A_189] {strides = array<i32>} : memref<32x200xi32, #tpu.memory_space<vmem>>, vector<1x16xi32>,
    %get3A_191 = vector.shape_cast %get3A_190 : vector<1x16xi32> to vector<16xi32>
    %sub3A_192 = arith.subi %get3A_191, %min3A_123 : vector<16xi32>
    %abs3A_193 = math.absi %sub3A_192 : vector<16xi32>
    %swap3A_194 = arith.constant 96 : index
    %swap3A_195 = tpu.vector_load %arg6[%swap3A_194] {strides = array<i32>} : memref<200xi32, #tpu.memory_space<vmem>>, vector<16xi32>,
    %swap3A_196 = vector.shape_cast %swap3A_195 : vector<16xi32> to vector<16xi32>
    %swap3A_197 = vector.shape_cast %abs3A_193 : vector<16xi32> to vector<16xi32>
    tpu.vector_store %arg6[%swap3A_194], %swap3A_197 {strides = array<i32>} : memref<200xi32, #tpu.memory_space<vmem>>, vector<16xi32>,
    %get3A_198 = arith.constant 0 : i32
    %get3A_199 = arith.index_cast %get3A_198 : i32 to index
    %get3A_200 = arith.constant 112 : index
    %get3A_201 = tpu.vector_load %arg5[%get3A_199, %get3A_200] {strides = array<i32>} : memref<32x200xi32, #tpu.memory_space<vmem>>, vector<1x16xi32>,
    %get3A_202 = vector.shape_cast %get3A_201 : vector<1x16xi32> to vector<16xi32>
    %sub3A_203 = arith.subi %get3A_202, %min3A_123 : vector<16xi32>
    %abs3A_204 = math.absi %sub3A_203 : vector<16xi32>
    %swap3A_205 = arith.constant 112 : index
    %swap3A_206 = tpu.vector_load %arg6[%swap3A_205] {strides = array<i32>} : memref<200xi32, #tpu.memory_space<vmem>>, vector<16xi32>,
    %swap3A_207 = vector.shape_cast %swap3A_206 : vector<16xi32> to vector<16xi32>
    %swap3A_208 = vector.shape_cast %abs3A_204 : vector<16xi32> to vector<16xi32>
    tpu.vector_store %arg6[%swap3A_205], %swap3A_208 {strides = array<i32>} : memref<200xi32, #tpu.memory_space<vmem>>, vector<16xi32>,
    %get3A_209 = arith.constant 0 : i32
    %get3A_210 = arith.index_cast %get3A_209 : i32 to index
    %get3A_211 = arith.constant 128 : index
    %get3A_212 = tpu.vector_load %arg5[%get3A_210, %get3A_211] {strides = array<i32>} : memref<32x200xi32, #tpu.memory_space<vmem>>, vector<1x16xi32>,
    %get3A_213 = vector.shape_cast %get3A_212 : vector<1x16xi32> to vector<16xi32>
    %sub3A_214 = arith.subi %get3A_213, %min3A_123 : vector<16xi32>
    %abs3A_215 = math.absi %sub3A_214 : vector<16xi32>
    %swap3A_216 = arith.constant 128 : index
    %swap3A_217 = tpu.vector_load %arg6[%swap3A_216] {strides = array<i32>} : memref<200xi32, #tpu.memory_space<vmem>>, vector<16xi32>,
    %swap3A_218 = vector.shape_cast %swap3A_217 : vector<16xi32> to vector<16xi32>
    %swap3A_219 = vector.shape_cast %abs3A_215 : vector<16xi32> to vector<16xi32>
    tpu.vector_store %arg6[%swap3A_216], %swap3A_219 {strides = array<i32>} : memref<200xi32, #tpu.memory_space<vmem>>, vector<16xi32>,
    %get3A_220 = arith.constant 0 : i32
    %get3A_221 = arith.index_cast %get3A_220 : i32 to index
    %get3A_222 = arith.constant 144 : index
    %get3A_223 = tpu.vector_load %arg5[%get3A_221, %get3A_222] {strides = array<i32>} : memref<32x200xi32, #tpu.memory_space<vmem>>, vector<1x16xi32>,
    %get3A_224 = vector.shape_cast %get3A_223 : vector<1x16xi32> to vector<16xi32>
    %sub3A_225 = arith.subi %get3A_224, %min3A_123 : vector<16xi32>
    %abs3A_226 = math.absi %sub3A_225 : vector<16xi32>
    %swap3A_227 = arith.constant 144 : index
    %swap3A_228 = tpu.vector_load %arg6[%swap3A_227] {strides = array<i32>} : memref<200xi32, #tpu.memory_space<vmem>>, vector<16xi32>,
    %swap3A_229 = vector.shape_cast %swap3A_228 : vector<16xi32> to vector<16xi32>
    %swap3A_230 = vector.shape_cast %abs3A_226 : vector<16xi32> to vector<16xi32>
    tpu.vector_store %arg6[%swap3A_227], %swap3A_230 {strides = array<i32>} : memref<200xi32, #tpu.memory_space<vmem>>, vector<16xi32>,
    %get3A_231 = arith.constant 0 : i32
    %get3A_232 = arith.index_cast %get3A_231 : i32 to index
    %get3A_233 = arith.constant 160 : index
    %get3A_234 = tpu.vector_load %arg5[%get3A_232, %get3A_233] {strides = array<i32>} : memref<32x200xi32, #tpu.memory_space<vmem>>, vector<1x16xi32>,
    %get3A_235 = vector.shape_cast %get3A_234 : vector<1x16xi32> to vector<16xi32>
    %sub3A_236 = arith.subi %get3A_235, %min3A_123 : vector<16xi32>
    %abs3A_237 = math.absi %sub3A_236 : vector<16xi32>
    %swap3A_238 = arith.constant 160 : index
    %swap3A_239 = tpu.vector_load %arg6[%swap3A_238] {strides = array<i32>} : memref<200xi32, #tpu.memory_space<vmem>>, vector<16xi32>,
    %swap3A_240 = vector.shape_cast %swap3A_239 : vector<16xi32> to vector<16xi32>
    %swap3A_241 = vector.shape_cast %abs3A_237 : vector<16xi32> to vector<16xi32>
    tpu.vector_store %arg6[%swap3A_238], %swap3A_241 {strides = array<i32>} : memref<200xi32, #tpu.memory_space<vmem>>, vector<16xi32>,
    %get3A_242 = arith.constant 0 : i32
    %get3A_243 = arith.index_cast %get3A_242 : i32 to index
    %get3A_244 = arith.constant 176 : index
    %get3A_245 = tpu.vector_load %arg5[%get3A_243, %get3A_244] {strides = array<i32>} : memref<32x200xi32, #tpu.memory_space<vmem>>, vector<1x16xi32>,
    %get3A_246 = vector.shape_cast %get3A_245 : vector<1x16xi32> to vector<16xi32>
    %sub3A_247 = arith.subi %get3A_246, %min3A_123 : vector<16xi32>
    %abs3A_248 = math.absi %sub3A_247 : vector<16xi32>
    %swap3A_249 = arith.constant 176 : index
    %swap3A_250 = tpu.vector_load %arg6[%swap3A_249] {strides = array<i32>} : memref<200xi32, #tpu.memory_space<vmem>>, vector<16xi32>,
    %swap3A_251 = vector.shape_cast %swap3A_250 : vector<16xi32> to vector<16xi32>
    %swap3A_252 = vector.shape_cast %abs3A_248 : vector<16xi32> to vector<16xi32>
    tpu.vector_store %arg6[%swap3A_249], %swap3A_252 {strides = array<i32>} : memref<200xi32, #tpu.memory_space<vmem>>, vector<16xi32>,
    %get3A_253 = arith.constant 0 : i32
    %get3A_254 = arith.index_cast %get3A_253 : i32 to index
    %get3A_255 = arith.constant 184 : index
    %get3A_256 = tpu.vector_load %arg5[%get3A_254, %get3A_255] {strides = array<i32>} : memref<32x200xi32, #tpu.memory_space<vmem>>, vector<1x16xi32>,
    %get3A_257 = vector.shape_cast %get3A_256 : vector<1x16xi32> to vector<16xi32>
    %sub3A_258 = arith.subi %get3A_257, %min3A_123 : vector<16xi32>
    %abs3A_259 = math.absi %sub3A_258 : vector<16xi32>
    %swap3A_260 = arith.constant 184 : index
    %swap3A_261 = tpu.vector_load %arg6[%swap3A_260] {strides = array<i32>} : memref<200xi32, #tpu.memory_space<vmem>>, vector<16xi32>,
    %swap3A_262 = vector.shape_cast %swap3A_261 : vector<16xi32> to vector<16xi32>
    %swap3A_263 = vector.shape_cast %abs3A_259 : vector<16xi32> to vector<16xi32>
    tpu.vector_store %arg6[%swap3A_260], %swap3A_263 {strides = array<i32>} : memref<200xi32, #tpu.memory_space<vmem>>, vector<16xi32>,
    %dma_wait3A = arith.constant 0 : i32
    %dma_wait3A_264 = tpu.memref_slice %arg11[%mul3A_6, %dma_wait3A] : memref<10000x128xf32, #tpu.memory_space<vmem_shared>> -> memref<624x128xf32, #tpu.memory_space<vmem_shared>>
    %dma_wait3A_265 = arith.constant 0 : i32
    %dma_wait3A_266 = tpu.memref_slice %arg3[%mul3A_4, %dma_wait3A_265] : memref<10000x128xf32, #tpu.memory_space<hbm>> -> memref<624x128xf32, #tpu.memory_space<hbm>>
    tpu.wait_dma2 semaphore(%arg18 : memref<!tpu.dma_semaphore, #tpu.memory_space<semaphore_mem>>) src(%dma_wait3A_266 : memref<624x128xf32, #tpu.memory_space<hbm>>) dst(%dma_wait3A_264 : memref<624x128xf32, #tpu.memory_space<vmem_shared>>)
    %barrier3A = arith.constant 0 : index
    tpu.barrier barrier_id(%barrier3A)
    %dma_start3A_267 = arith.constant 0 : i32
    %dma_start3A_268 = arith.constant 0 : i32
    %dma_start3A_269 = tpu.memref_slice %arg8[%dma_start3A_267, %dma_start3A_268] : memref<104x128xf32, #tpu.memory_space<vmem>> -> memref<104x128xf32, #tpu.memory_space<vmem>>
    %dma_start3A_270 = arith.constant 0 : i32
    %dma_start3A_271 = tpu.memref_slice %arg6[%dma_start3A_270] : memref<200xi32, #tpu.memory_space<vmem>> -> memref<104xi32, #tpu.memory_space<vmem>>
    %dma_start3A_272 = arith.constant 0 : i32
    %dma_start3A_273 = arith.constant 0 : i32
    %dma_start3A_274 = tpu.memref_slice %arg11[%dma_start3A_272, %dma_start3A_273] : memref<10000x128xf32, #tpu.memory_space<vmem_shared>> -> memref<10000x128xf32, #tpu.memory_space<vmem_shared>>
    tpu.enqueue_indirect_dma source(%dma_start3A_274 : memref<10000x128xf32, #tpu.memory_space<vmem_shared>>) target(%dma_start3A_269 : memref<104x128xf32, #tpu.memory_space<vmem>>) offsets(%dma_start3A_271 : memref<104xi32, #tpu.memory_space<vmem>>) semaphore(%arg12 : memref<!tpu.dma_semaphore, #tpu.memory_space<semaphore_mem>>)
    %dma_start3A_275 = arith.constant 0 : i32
    %dma_start3A_276 = arith.constant 0 : i32
    %dma_start3A_277 = tpu.memref_slice %arg9[%dma_start3A_275, %dma_start3A_276] : memref<104x128xf32, #tpu.memory_space<vmem>> -> memref<96x128xf32, #tpu.memory_space<vmem>>
    %dma_start3A_278 = arith.constant 104 : i32
    %dma_start3A_279 = tpu.memref_slice %arg6[%dma_start3A_278] : memref<200xi32, #tpu.memory_space<vmem>> -> memref<96xi32, #tpu.memory_space<vmem>>
    %dma_start3A_280 = arith.constant 0 : i32
    %dma_start3A_281 = arith.constant 0 : i32
    %dma_start3A_282 = tpu.memref_slice %arg11[%dma_start3A_280, %dma_start3A_281] : memref<10000x128xf32, #tpu.memory_space<vmem_shared>> -> memref<10000x128xf32, #tpu.memory_space<vmem_shared>>
    tpu.enqueue_indirect_dma source(%dma_start3A_282 : memref<10000x128xf32, #tpu.memory_space<vmem_shared>>) target(%dma_start3A_277 : memref<96x128xf32, #tpu.memory_space<vmem>>) offsets(%dma_start3A_279 : memref<96xi32, #tpu.memory_space<vmem>>) semaphore(%arg13 : memref<!tpu.dma_semaphore, #tpu.memory_space<semaphore_mem>>)
    %dma_wait3A_283 = arith.constant 0 : i32
    %dma_wait3A_284 = arith.constant 0 : i32
    %dma_wait3A_285 = tpu.memref_slice %arg8[%dma_wait3A_283, %dma_wait3A_284] : memref<104x128xf32, #tpu.memory_space<vmem>> -> memref<104x128xf32, #tpu.memory_space<vmem>>
    %dma_wait3A_286 = arith.constant 0 : i32
    %dma_wait3A_287 = tpu.memref_slice %arg6[%dma_wait3A_286] : memref<200xi32, #tpu.memory_space<vmem>> -> memref<104xi32, #tpu.memory_space<vmem>>
    %dma_wait3A_288 = arith.constant 0 : i32
    %dma_wait3A_289 = arith.constant 0 : i32
    %dma_wait3A_290 = tpu.memref_slice %arg11[%dma_wait3A_288, %dma_wait3A_289] : memref<10000x128xf32, #tpu.memory_space<vmem_shared>> -> memref<10000x128xf32, #tpu.memory_space<vmem_shared>>
    tpu.wait_indirect_dma semaphore(%arg12 : memref<!tpu.dma_semaphore, #tpu.memory_space<semaphore_mem>>) src(%dma_wait3A_290 : memref<10000x128xf32, #tpu.memory_space<vmem_shared>>) dst(%dma_wait3A_285 : memref<104x128xf32, #tpu.memory_space<vmem>>)
    %add3A_291 = arith.constant 0 : i32
    %add3A_292 = arith.addi %mul3A_2, %add3A_291 : i32
    %dma_start3A_293 = arith.constant 0 : i32
    %dma_start3A_294 = arith.constant 0 : i32
    %dma_start3A_295 = tpu.memref_slice %arg8[%dma_start3A_293, %dma_start3A_294] : memref<104x128xf32, #tpu.memory_space<vmem>> -> memref<104x128xf32, #tpu.memory_space<vmem>>
    %dma_start3A_296 = arith.constant 0 : i32
    %dma_start3A_297 = arith.constant 0 : i32
    %dma_start3A_298 = tpu.memref_slice %arg4[%add3A_292, %dma_start3A_296, %dma_start3A_297] : memref<1024x200x128xf32, #tpu.memory_space<hbm>> -> memref<1x104x128xf32, #tpu.memory_space<hbm>>
    %dma_start3A_299 = tpu.memref_squeeze %dma_start3A_298 : memref<1x104x128xf32, #tpu.memory_space<hbm>> -> memref<104x128xf32, #tpu.memory_space<hbm>>
    %dma_start3A_300 = arith.constant 0 : i32
    %dma_start3A_301 = arith.constant 0 : i32
    %dma_start3A_302 = tpu.memref_slice %arg4[%add3A_292, %dma_start3A_300, %dma_start3A_301] : memref<1024x200x128xf32, #tpu.memory_space<hbm>> -> memref<1x104x128xf32, #tpu.memory_space<hbm>>
    %dma_start3A_303 = tpu.memref_squeeze %dma_start3A_302 : memref<1x104x128xf32, #tpu.memory_space<hbm>> -> memref<104x128xf32, #tpu.memory_space<hbm>>
    %dma_start3A_304 = arith.constant 0 : i32
    %dma_start3A_305 = arith.constant 0 : i32
    %dma_start3A_306 = tpu.memref_slice %arg8[%dma_start3A_304, %dma_start3A_305] : memref<104x128xf32, #tpu.memory_space<vmem>> -> memref<104x128xf32, #tpu.memory_space<vmem>>
    tpu.enqueue_dma source(%dma_start3A_306 : memref<104x128xf32, #tpu.memory_space<vmem>>) target(%dma_start3A_303 : memref<104x128xf32, #tpu.memory_space<hbm>>) target_semaphore(%arg15 : memref<!tpu.dma_semaphore, #tpu.memory_space<semaphore_mem>>)
    %get3A_307 = arith.constant 1 : i32
    %get3A_308 = arith.index_cast %get3A_307 : i32 to index
    %get3A_309 = arith.constant 0 : index
    %get3A_310 = tpu.vector_load %arg5[%get3A_308, %get3A_309] {strides = array<i32>} : memref<32x200xi32, #tpu.memory_space<vmem>>, vector<1x16xi32>,
    %get3A_311 = vector.shape_cast %get3A_310 : vector<1x16xi32> to vector<16xi32>
    %get3A_312 = arith.constant 1 : i32
    %get3A_313 = arith.index_cast %get3A_312 : i32 to index
    %get3A_314 = arith.constant 16 : index
    %get3A_315 = tpu.vector_load %arg5[%get3A_313, %get3A_314] {strides = array<i32>} : memref<32x200xi32, #tpu.memory_space<vmem>>, vector<1x16xi32>,
    %get3A_316 = vector.shape_cast %get3A_315 : vector<1x16xi32> to vector<16xi32>
    %min3A_317 = arith.minsi %get3A_311, %get3A_316 : vector<16xi32>
    %get3A_318 = arith.constant 1 : i32
    %get3A_319 = arith.index_cast %get3A_318 : i32 to index
    %get3A_320 = arith.constant 32 : index
    %get3A_321 = tpu.vector_load %arg5[%get3A_319, %get3A_320] {strides = array<i32>} : memref<32x200xi32, #tpu.memory_space<vmem>>, vector<1x16xi32>,
    %get3A_322 = vector.shape_cast %get3A_321 : vector<1x16xi32> to vector<16xi32>
    %min3A_323 = arith.minsi %min3A_317, %get3A_322 : vector<16xi32>
    %get3A_324 = arith.constant 1 : i32
    %get3A_325 = arith.index_cast %get3A_324 : i32 to index
    %get3A_326 = arith.constant 48 : index
    %get3A_327 = tpu.vector_load %arg5[%get3A_325, %get3A_326] {strides = array<i32>} : memref<32x200xi32, #tpu.memory_space<vmem>>, vector<1x16xi32>,
    %get3A_328 = vector.shape_cast %get3A_327 : vector<1x16xi32> to vector<16xi32>
    %min3A_329 = arith.minsi %min3A_323, %get3A_328 : vector<16xi32>
    %get3A_330 = arith.constant 1 : i32
    %get3A_331 = arith.index_cast %get3A_330 : i32 to index
    %get3A_332 = arith.constant 64 : index
    %get3A_333 = tpu.vector_load %arg5[%get3A_331, %get3A_332] {strides = array<i32>} : memref<32x200xi32, #tpu.memory_space<vmem>>, vector<1x16xi32>,
    %get3A_334 = vector.shape_cast %get3A_333 : vector<1x16xi32> to vector<16xi32>
    %min3A_335 = arith.minsi %min3A_329, %get3A_334 : vector<16xi32>
    %get3A_336 = arith.constant 1 : i32
    %get3A_337 = arith.index_cast %get3A_336 : i32 to index
    %get3A_338 = arith.constant 80 : index
    %get3A_339 = tpu.vector_load %arg5[%get3A_337, %get3A_338] {strides = array<i32>} : memref<32x200xi32, #tpu.memory_space<vmem>>, vector<1x16xi32>,
    %get3A_340 = vector.shape_cast %get3A_339 : vector<1x16xi32> to vector<16xi32>
    %min3A_341 = arith.minsi %min3A_335, %get3A_340 : vector<16xi32>
    %get3A_342 = arith.constant 1 : i32
    %get3A_343 = arith.index_cast %get3A_342 : i32 to index
    %get3A_344 = arith.constant 96 : index
    %get3A_345 = tpu.vector_load %arg5[%get3A_343, %get3A_344] {strides = array<i32>} : memref<32x200xi32, #tpu.memory_space<vmem>>, vector<1x16xi32>,
    %get3A_346 = vector.shape_cast %get3A_345 : vector<1x16xi32> to vector<16xi32>
    %min3A_347 = arith.minsi %min3A_341, %get3A_346 : vector<16xi32>
    %get3A_348 = arith.constant 1 : i32
    %get3A_349 = arith.index_cast %get3A_348 : i32 to index
    %get3A_350 = arith.constant 112 : index
    %get3A_351 = tpu.vector_load %arg5[%get3A_349, %get3A_350] {strides = array<i32>} : memref<32x200xi32, #tpu.memory_space<vmem>>, vector<1x16xi32>,
    %get3A_352 = vector.shape_cast %get3A_351 : vector<1x16xi32> to vector<16xi32>
    %min3A_353 = arith.minsi %min3A_347, %get3A_352 : vector<16xi32>
    %get3A_354 = arith.constant 1 : i32
    %get3A_355 = arith.index_cast %get3A_354 : i32 to index
    %get3A_356 = arith.constant 128 : index
    %get3A_357 = tpu.vector_load %arg5[%get3A_355, %get3A_356] {strides = array<i32>} : memref<32x200xi32, #tpu.memory_space<vmem>>, vector<1x16xi32>,
    %get3A_358 = vector.shape_cast %get3A_357 : vector<1x16xi32> to vector<16xi32>
    %min3A_359 = arith.minsi %min3A_353, %get3A_358 : vector<16xi32>
    %get3A_360 = arith.constant 1 : i32
    %get3A_361 = arith.index_cast %get3A_360 : i32 to index
    %get3A_362 = arith.constant 144 : index
    %get3A_363 = tpu.vector_load %arg5[%get3A_361, %get3A_362] {strides = array<i32>} : memref<32x200xi32, #tpu.memory_space<vmem>>, vector<1x16xi32>,
    %get3A_364 = vector.shape_cast %get3A_363 : vector<1x16xi32> to vector<16xi32>
    %min3A_365 = arith.minsi %min3A_359, %get3A_364 : vector<16xi32>
    %get3A_366 = arith.constant 1 : i32
    %get3A_367 = arith.index_cast %get3A_366 : i32 to index
    %get3A_368 = arith.constant 160 : index
    %get3A_369 = tpu.vector_load %arg5[%get3A_367, %get3A_368] {strides = array<i32>} : memref<32x200xi32, #tpu.memory_space<vmem>>, vector<1x16xi32>,
    %get3A_370 = vector.shape_cast %get3A_369 : vector<1x16xi32> to vector<16xi32>
    %min3A_371 = arith.minsi %min3A_365, %get3A_370 : vector<16xi32>
    %get3A_372 = arith.constant 1 : i32
    %get3A_373 = arith.index_cast %get3A_372 : i32 to index
    %get3A_374 = arith.constant 176 : index
    %get3A_375 = tpu.vector_load %arg5[%get3A_373, %get3A_374] {strides = array<i32>} : memref<32x200xi32, #tpu.memory_space<vmem>>, vector<1x16xi32>,
    %get3A_376 = vector.shape_cast %get3A_375 : vector<1x16xi32> to vector<16xi32>
    %min3A_377 = arith.minsi %min3A_371, %get3A_376 : vector<16xi32>
    %get3A_378 = arith.constant 1 : i32
    %get3A_379 = arith.index_cast %get3A_378 : i32 to index
    %get3A_380 = arith.constant 184 : index
    %get3A_381 = tpu.vector_load %arg5[%get3A_379, %get3A_380] {strides = array<i32>} : memref<32x200xi32, #tpu.memory_space<vmem>>, vector<1x16xi32>,
    %get3A_382 = vector.shape_cast %get3A_381 : vector<1x16xi32> to vector<16xi32>
    %min3A_383 = arith.minsi %min3A_377, %get3A_382 : vector<16xi32>
    %iota3A_384 = tpu.iota {dimensions = array<i32: 0>} : vector<16xi32>
    %add3A_385 = arith.constant 8 : i32
    %add3A_386 = vector.broadcast %add3A_385 : i32 to vector<16xi32>
    %add3A_387 = arith.addi %iota3A_384, %add3A_386 : vector<16xi32>
    %rem3A_388 = arith.constant 16 : i32
    %rem3A_389 = vector.broadcast %rem3A_388 : i32 to vector<16xi32>
    %rem3A_390 = arith.remsi %add3A_387, %rem3A_389 : vector<16xi32>
    %broadcast_in_dim3A_391 = vector.shape_cast %rem3A_390 : vector<16xi32> to vector<16x1xi32>
    %gather3A_392 = vector.shape_cast %broadcast_in_dim3A_391 : vector<16x1xi32> to vector<16xi32>
    %gather3A_393 = tpu.dynamic_gather %min3A_383[%gather3A_392] in [0] : vector<16xi32>, vector<16xi32> -> vector<16xi32>
    %min3A_394 = arith.minsi %min3A_383, %gather3A_393 : vector<16xi32>
    %add3A_395 = arith.constant 4 : i32
    %add3A_396 = vector.broadcast %add3A_395 : i32 to vector<16xi32>
    %add3A_397 = arith.addi %iota3A_384, %add3A_396 : vector<16xi32>
    %rem3A_398 = arith.constant 16 : i32
    %rem3A_399 = vector.broadcast %rem3A_398 : i32 to vector<16xi32>
    %rem3A_400 = arith.remsi %add3A_397, %rem3A_399 : vector<16xi32>
    %broadcast_in_dim3A_401 = vector.shape_cast %rem3A_400 : vector<16xi32> to vector<16x1xi32>
    %gather3A_402 = vector.shape_cast %broadcast_in_dim3A_401 : vector<16x1xi32> to vector<16xi32>
    %gather3A_403 = tpu.dynamic_gather %min3A_394[%gather3A_402] in [0] : vector<16xi32>, vector<16xi32> -> vector<16xi32>
    %min3A_404 = arith.minsi %min3A_394, %gather3A_403 : vector<16xi32>
    %add3A_405 = arith.constant 2 : i32
    %add3A_406 = vector.broadcast %add3A_405 : i32 to vector<16xi32>
    %add3A_407 = arith.addi %iota3A_384, %add3A_406 : vector<16xi32>
    %rem3A_408 = arith.constant 16 : i32
    %rem3A_409 = vector.broadcast %rem3A_408 : i32 to vector<16xi32>
    %rem3A_410 = arith.remsi %add3A_407, %rem3A_409 : vector<16xi32>
    %broadcast_in_dim3A_411 = vector.shape_cast %rem3A_410 : vector<16xi32> to vector<16x1xi32>
    %gather3A_412 = vector.shape_cast %broadcast_in_dim3A_411 : vector<16x1xi32> to vector<16xi32>
    %gather3A_413 = tpu.dynamic_gather %min3A_404[%gather3A_412] in [0] : vector<16xi32>, vector<16xi32> -> vector<16xi32>
    %min3A_414 = arith.minsi %min3A_404, %gather3A_413 : vector<16xi32>
    %add3A_415 = arith.constant 1 : i32
    %add3A_416 = vector.broadcast %add3A_415 : i32 to vector<16xi32>
    %add3A_417 = arith.addi %iota3A_384, %add3A_416 : vector<16xi32>
    %rem3A_418 = arith.constant 16 : i32
    %rem3A_419 = vector.broadcast %rem3A_418 : i32 to vector<16xi32>
    %rem3A_420 = arith.remsi %add3A_417, %rem3A_419 : vector<16xi32>
    %broadcast_in_dim3A_421 = vector.shape_cast %rem3A_420 : vector<16xi32> to vector<16x1xi32>
    %gather3A_422 = vector.shape_cast %broadcast_in_dim3A_421 : vector<16x1xi32> to vector<16xi32>
    %gather3A_423 = tpu.dynamic_gather %min3A_414[%gather3A_422] in [0] : vector<16xi32>, vector<16xi32> -> vector<16xi32>
    %min3A_424 = arith.minsi %min3A_414, %gather3A_423 : vector<16xi32>
    %get3A_425 = arith.constant 1 : i32
    %get3A_426 = arith.index_cast %get3A_425 : i32 to index
    %get3A_427 = arith.constant 0 : index
    %get3A_428 = tpu.vector_load %arg5[%get3A_426, %get3A_427] {strides = array<i32>} : memref<32x200xi32, #tpu.memory_space<vmem>>, vector<1x16xi32>,
    %get3A_429 = vector.shape_cast %get3A_428 : vector<1x16xi32> to vector<16xi32>
    %sub3A_430 = arith.subi %get3A_429, %min3A_424 : vector<16xi32>
    %abs3A_431 = math.absi %sub3A_430 : vector<16xi32>
    %swap3A_432 = arith.constant 0 : index
    %swap3A_433 = tpu.vector_load %arg7[%swap3A_432] {strides = array<i32>} : memref<200xi32, #tpu.memory_space<vmem>>, vector<16xi32>,
    %swap3A_434 = vector.shape_cast %swap3A_433 : vector<16xi32> to vector<16xi32>
    %swap3A_435 = vector.shape_cast %abs3A_431 : vector<16xi32> to vector<16xi32>
    tpu.vector_store %arg7[%swap3A_432], %swap3A_435 {strides = array<i32>} : memref<200xi32, #tpu.memory_space<vmem>>, vector<16xi32>,
    %get3A_436 = arith.constant 1 : i32
    %get3A_437 = arith.index_cast %get3A_436 : i32 to index
    %get3A_438 = arith.constant 16 : index
    %get3A_439 = tpu.vector_load %arg5[%get3A_437, %get3A_438] {strides = array<i32>} : memref<32x200xi32, #tpu.memory_space<vmem>>, vector<1x16xi32>,
    %get3A_440 = vector.shape_cast %get3A_439 : vector<1x16xi32> to vector<16xi32>
    %sub3A_441 = arith.subi %get3A_440, %min3A_424 : vector<16xi32>
    %abs3A_442 = math.absi %sub3A_441 : vector<16xi32>
    %swap3A_443 = arith.constant 16 : index
    %swap3A_444 = tpu.vector_load %arg7[%swap3A_443] {strides = array<i32>} : memref<200xi32, #tpu.memory_space<vmem>>, vector<16xi32>,
    %swap3A_445 = vector.shape_cast %swap3A_444 : vector<16xi32> to vector<16xi32>
    %swap3A_446 = vector.shape_cast %abs3A_442 : vector<16xi32> to vector<16xi32>
    tpu.vector_store %arg7[%swap3A_443], %swap3A_446 {strides = array<i32>} : memref<200xi32, #tpu.memory_space<vmem>>, vector<16xi32>,
    %get3A_447 = arith.constant 1 : i32
    %get3A_448 = arith.index_cast %get3A_447 : i32 to index
    %get3A_449 = arith.constant 32 : index
    %get3A_450 = tpu.vector_load %arg5[%get3A_448, %get3A_449] {strides = array<i32>} : memref<32x200xi32, #tpu.memory_space<vmem>>, vector<1x16xi32>,
    %get3A_451 = vector.shape_cast %get3A_450 : vector<1x16xi32> to vector<16xi32>
    %sub3A_452 = arith.subi %get3A_451, %min3A_424 : vector<16xi32>
    %abs3A_453 = math.absi %sub3A_452 : vector<16xi32>
    %swap3A_454 = arith.constant 32 : index
    %swap3A_455 = tpu.vector_load %arg7[%swap3A_454] {strides = array<i32>} : memref<200xi32, #tpu.memory_space<vmem>>, vector<16xi32>,
    %swap3A_456 = vector.shape_cast %swap3A_455 : vector<16xi32> to vector<16xi32>
    %swap3A_457 = vector.shape_cast %abs3A_453 : vector<16xi32> to vector<16xi32>
    tpu.vector_store %arg7[%swap3A_454], %swap3A_457 {strides = array<i32>} : memref<200xi32, #tpu.memory_space<vmem>>, vector<16xi32>,
    %get3A_458 = arith.constant 1 : i32
    %get3A_459 = arith.index_cast %get3A_458 : i32 to index
    %get3A_460 = arith.constant 48 : index
    %get3A_461 = tpu.vector_load %arg5[%get3A_459, %get3A_460] {strides = array<i32>} : memref<32x200xi32, #tpu.memory_space<vmem>>, vector<1x16xi32>,
    %get3A_462 = vector.shape_cast %get3A_461 : vector<1x16xi32> to vector<16xi32>
    %sub3A_463 = arith.subi %get3A_462, %min3A_424 : vector<16xi32>
    %abs3A_464 = math.absi %sub3A_463 : vector<16xi32>
    %swap3A_465 = arith.constant 48 : index
    %swap3A_466 = tpu.vector_load %arg7[%swap3A_465] {strides = array<i32>} : memref<200xi32, #tpu.memory_space<vmem>>, vector<16xi32>,
    %swap3A_467 = vector.shape_cast %swap3A_466 : vector<16xi32> to vector<16xi32>
    %swap3A_468 = vector.shape_cast %abs3A_464 : vector<16xi32> to vector<16xi32>
    tpu.vector_store %arg7[%swap3A_465], %swap3A_468 {strides = array<i32>} : memref<200xi32, #tpu.memory_space<vmem>>, vector<16xi32>,
    %get3A_469 = arith.constant 1 : i32
    %get3A_470 = arith.index_cast %get3A_469 : i32 to index
    %get3A_471 = arith.constant 64 : index
    %get3A_472 = tpu.vector_load %arg5[%get3A_470, %get3A_471] {strides = array<i32>} : memref<32x200xi32, #tpu.memory_space<vmem>>, vector<1x16xi32>,
    %get3A_473 = vector.shape_cast %get3A_472 : vector<1x16xi32> to vector<16xi32>
    %sub3A_474 = arith.subi %get3A_473, %min3A_424 : vector<16xi32>
    %abs3A_475 = math.absi %sub3A_474 : vector<16xi32>
    %swap3A_476 = arith.constant 64 : index
    %swap3A_477 = tpu.vector_load %arg7[%swap3A_476] {strides = array<i32>} : memref<200xi32, #tpu.memory_space<vmem>>, vector<16xi32>,
    %swap3A_478 = vector.shape_cast %swap3A_477 : vector<16xi32> to vector<16xi32>
    %swap3A_479 = vector.shape_cast %abs3A_475 : vector<16xi32> to vector<16xi32>
    tpu.vector_store %arg7[%swap3A_476], %swap3A_479 {strides = array<i32>} : memref<200xi32, #tpu.memory_space<vmem>>, vector<16xi32>,
    %get3A_480 = arith.constant 1 : i32
    %get3A_481 = arith.index_cast %get3A_480 : i32 to index
    %get3A_482 = arith.constant 80 : index
    %get3A_483 = tpu.vector_load %arg5[%get3A_481, %get3A_482] {strides = array<i32>} : memref<32x200xi32, #tpu.memory_space<vmem>>, vector<1x16xi32>,
    %get3A_484 = vector.shape_cast %get3A_483 : vector<1x16xi32> to vector<16xi32>
    %sub3A_485 = arith.subi %get3A_484, %min3A_424 : vector<16xi32>
    %abs3A_486 = math.absi %sub3A_485 : vector<16xi32>
    %swap3A_487 = arith.constant 80 : index
    %swap3A_488 = tpu.vector_load %arg7[%swap3A_487] {strides = array<i32>} : memref<200xi32, #tpu.memory_space<vmem>>, vector<16xi32>,
    %swap3A_489 = vector.shape_cast %swap3A_488 : vector<16xi32> to vector<16xi32>
    %swap3A_490 = vector.shape_cast %abs3A_486 : vector<16xi32> to vector<16xi32>
    tpu.vector_store %arg7[%swap3A_487], %swap3A_490 {strides = array<i32>} : memref<200xi32, #tpu.memory_space<vmem>>, vector<16xi32>,
    %get3A_491 = arith.constant 1 : i32
    %get3A_492 = arith.index_cast %get3A_491 : i32 to index
    %get3A_493 = arith.constant 96 : index
    %get3A_494 = tpu.vector_load %arg5[%get3A_492, %get3A_493] {strides = array<i32>} : memref<32x200xi32, #tpu.memory_space<vmem>>, vector<1x16xi32>,
    %get3A_495 = vector.shape_cast %get3A_494 : vector<1x16xi32> to vector<16xi32>
    %sub3A_496 = arith.subi %get3A_495, %min3A_424 : vector<16xi32>
    %abs3A_497 = math.absi %sub3A_496 : vector<16xi32>
    %swap3A_498 = arith.constant 96 : index
    %swap3A_499 = tpu.vector_load %arg7[%swap3A_498] {strides = array<i32>} : memref<200xi32, #tpu.memory_space<vmem>>, vector<16xi32>,
    %swap3A_500 = vector.shape_cast %swap3A_499 : vector<16xi32> to vector<16xi32>
    %swap3A_501 = vector.shape_cast %abs3A_497 : vector<16xi32> to vector<16xi32>
    tpu.vector_store %arg7[%swap3A_498], %swap3A_501 {strides = array<i32>} : memref<200xi32, #tpu.memory_space<vmem>>, vector<16xi32>,
    %get3A_502 = arith.constant 1 : i32
    %get3A_503 = arith.index_cast %get3A_502 : i32 to index
    %get3A_504 = arith.constant 112 : index
    %get3A_505 = tpu.vector_load %arg5[%get3A_503, %get3A_504] {strides = array<i32>} : memref<32x200xi32, #tpu.memory_space<vmem>>, vector<1x16xi32>,
    %get3A_506 = vector.shape_cast %get3A_505 : vector<1x16xi32> to vector<16xi32>
    %sub3A_507 = arith.subi %get3A_506, %min3A_424 : vector<16xi32>
    %abs3A_508 = math.absi %sub3A_507 : vector<16xi32>
    %swap3A_509 = arith.constant 112 : index
    %swap3A_510 = tpu.vector_load %arg7[%swap3A_509] {strides = array<i32>} : memref<200xi32, #tpu.memory_space<vmem>>, vector<16xi32>,
    %swap3A_511 = vector.shape_cast %swap3A_510 : vector<16xi32> to vector<16xi32>
    %swap3A_512 = vector.shape_cast %abs3A_508 : vector<16xi32> to vector<16xi32>
    tpu.vector_store %arg7[%swap3A_509], %swap3A_512 {strides = array<i32>} : memref<200xi32, #tpu.memory_space<vmem>>, vector<16xi32>,
    %get3A_513 = arith.constant 1 : i32
    %get3A_514 = arith.index_cast %get3A_513 : i32 to index
    %get3A_515 = arith.constant 128 : index
    %get3A_516 = tpu.vector_load %arg5[%get3A_514, %get3A_515] {strides = array<i32>} : memref<32x200xi32, #tpu.memory_space<vmem>>, vector<1x16xi32>,
    %get3A_517 = vector.shape_cast %get3A_516 : vector<1x16xi32> to vector<16xi32>
    %sub3A_518 = arith.subi %get3A_517, %min3A_424 : vector<16xi32>
    %abs3A_519 = math.absi %sub3A_518 : vector<16xi32>
    %swap3A_520 = arith.constant 128 : index
    %swap3A_521 = tpu.vector_load %arg7[%swap3A_520] {strides = array<i32>} : memref<200xi32, #tpu.memory_space<vmem>>, vector<16xi32>,
    %swap3A_522 = vector.shape_cast %swap3A_521 : vector<16xi32> to vector<16xi32>
    %swap3A_523 = vector.shape_cast %abs3A_519 : vector<16xi32> to vector<16xi32>
    tpu.vector_store %arg7[%swap3A_520], %swap3A_523 {strides = array<i32>} : memref<200xi32, #tpu.memory_space<vmem>>, vector<16xi32>,
    %get3A_524 = arith.constant 1 : i32
    %get3A_525 = arith.index_cast %get3A_524 : i32 to index
    %get3A_526 = arith.constant 144 : index
    %get3A_527 = tpu.vector_load %arg5[%get3A_525, %get3A_526] {strides = array<i32>} : memref<32x200xi32, #tpu.memory_space<vmem>>, vector<1x16xi32>,
    %get3A_528 = vector.shape_cast %get3A_527 : vector<1x16xi32> to vector<16xi32>
    %sub3A_529 = arith.subi %get3A_528, %min3A_424 : vector<16xi32>
    %abs3A_530 = math.absi %sub3A_529 : vector<16xi32>
    %swap3A_531 = arith.constant 144 : index
    %swap3A_532 = tpu.vector_load %arg7[%swap3A_531] {strides = array<i32>} : memref<200xi32, #tpu.memory_space<vmem>>, vector<16xi32>,
    %swap3A_533 = vector.shape_cast %swap3A_532 : vector<16xi32> to vector<16xi32>
    %swap3A_534 = vector.shape_cast %abs3A_530 : vector<16xi32> to vector<16xi32>
    tpu.vector_store %arg7[%swap3A_531], %swap3A_534 {strides = array<i32>} : memref<200xi32, #tpu.memory_space<vmem>>, vector<16xi32>,
    %get3A_535 = arith.constant 1 : i32
    %get3A_536 = arith.index_cast %get3A_535 : i32 to index
    %get3A_537 = arith.constant 160 : index
    %get3A_538 = tpu.vector_load %arg5[%get3A_536, %get3A_537] {strides = array<i32>} : memref<32x200xi32, #tpu.memory_space<vmem>>, vector<1x16xi32>,
    %get3A_539 = vector.shape_cast %get3A_538 : vector<1x16xi32> to vector<16xi32>
    %sub3A_540 = arith.subi %get3A_539, %min3A_424 : vector<16xi32>
    %abs3A_541 = math.absi %sub3A_540 : vector<16xi32>
    %swap3A_542 = arith.constant 160 : index
    %swap3A_543 = tpu.vector_load %arg7[%swap3A_542] {strides = array<i32>} : memref<200xi32, #tpu.memory_space<vmem>>, vector<16xi32>,
    %swap3A_544 = vector.shape_cast %swap3A_543 : vector<16xi32> to vector<16xi32>
    %swap3A_545 = vector.shape_cast %abs3A_541 : vector<16xi32> to vector<16xi32>
    tpu.vector_store %arg7[%swap3A_542], %swap3A_545 {strides = array<i32>} : memref<200xi32, #tpu.memory_space<vmem>>, vector<16xi32>,
    %get3A_546 = arith.constant 1 : i32
    %get3A_547 = arith.index_cast %get3A_546 : i32 to index
    %get3A_548 = arith.constant 176 : index
    %get3A_549 = tpu.vector_load %arg5[%get3A_547, %get3A_548] {strides = array<i32>} : memref<32x200xi32, #tpu.memory_space<vmem>>, vector<1x16xi32>,
    %get3A_550 = vector.shape_cast %get3A_549 : vector<1x16xi32> to vector<16xi32>
    %sub3A_551 = arith.subi %get3A_550, %min3A_424 : vector<16xi32>
    %abs3A_552 = math.absi %sub3A_551 : vector<16xi32>
    %swap3A_553 = arith.constant 176 : index
    %swap3A_554 = tpu.vector_load %arg7[%swap3A_553] {strides = array<i32>} : memref<200xi32, #tpu.memory_space<vmem>>, vector<16xi32>,
    %swap3A_555 = vector.shape_cast %swap3A_554 : vector<16xi32> to vector<16xi32>
    %swap3A_556 = vector.shape_cast %abs3A_552 : vector<16xi32> to vector<16xi32>
    tpu.vector_store %arg7[%swap3A_553], %swap3A_556 {strides = array<i32>} : memref<200xi32, #tpu.memory_space<vmem>>, vector<16xi32>,
    %get3A_557 = arith.constant 1 : i32
    %get3A_558 = arith.index_cast %get3A_557 : i32 to index
    %get3A_559 = arith.constant 184 : index
    %get3A_560 = tpu.vector_load %arg5[%get3A_558, %get3A_559] {strides = array<i32>} : memref<32x200xi32, #tpu.memory_space<vmem>>, vector<1x16xi32>,
    %get3A_561 = vector.shape_cast %get3A_560 : vector<1x16xi32> to vector<16xi32>
    %sub3A_562 = arith.subi %get3A_561, %min3A_424 : vector<16xi32>
    %abs3A_563 = math.absi %sub3A_562 : vector<16xi32>
    %swap3A_564 = arith.constant 184 : index
    %swap3A_565 = tpu.vector_load %arg7[%swap3A_564] {strides = array<i32>} : memref<200xi32, #tpu.memory_space<vmem>>, vector<16xi32>,
    %swap3A_566 = vector.shape_cast %swap3A_565 : vector<16xi32> to vector<16xi32>
    %swap3A_567 = vector.shape_cast %abs3A_563 : vector<16xi32> to vector<16xi32>
    tpu.vector_store %arg7[%swap3A_564], %swap3A_567 {strides = array<i32>} : memref<200xi32, #tpu.memory_space<vmem>>, vector<16xi32>,
    %dma_start3A_568 = arith.constant 0 : i32
    %dma_start3A_569 = arith.constant 0 : i32
    %dma_start3A_570 = tpu.memref_slice %arg10[%dma_start3A_568, %dma_start3A_569] : memref<104x128xf32, #tpu.memory_space<vmem>> -> memref<104x128xf32, #tpu.memory_space<vmem>>
    %dma_start3A_571 = arith.constant 0 : i32
    %dma_start3A_572 = tpu.memref_slice %arg7[%dma_start3A_571] : memref<200xi32, #tpu.memory_space<vmem>> -> memref<104xi32, #tpu.memory_space<vmem>>
    %dma_start3A_573 = arith.constant 0 : i32
    %dma_start3A_574 = arith.constant 0 : i32
    %dma_start3A_575 = tpu.memref_slice %arg11[%dma_start3A_573, %dma_start3A_574] : memref<10000x128xf32, #tpu.memory_space<vmem_shared>> -> memref<10000x128xf32, #tpu.memory_space<vmem_shared>>
    tpu.enqueue_indirect_dma source(%dma_start3A_575 : memref<10000x128xf32, #tpu.memory_space<vmem_shared>>) target(%dma_start3A_570 : memref<104x128xf32, #tpu.memory_space<vmem>>) offsets(%dma_start3A_572 : memref<104xi32, #tpu.memory_space<vmem>>) semaphore(%arg14 : memref<!tpu.dma_semaphore, #tpu.memory_space<semaphore_mem>>)
    %dma_wait3A_576 = arith.constant 0 : i32
    %dma_wait3A_577 = arith.constant 0 : i32
    %dma_wait3A_578 = tpu.memref_slice %arg9[%dma_wait3A_576, %dma_wait3A_577] : memref<104x128xf32, #tpu.memory_space<vmem>> -> memref<96x128xf32, #tpu.memory_space<vmem>>
    %dma_wait3A_579 = arith.constant 104 : i32
    %dma_wait3A_580 = tpu.memref_slice %arg6[%dma_wait3A_579] : memref<200xi32, #tpu.memory_space<vmem>> -> memref<96xi32, #tpu.memory_space<vmem>>
    %dma_wait3A_581 = arith.constant 0 : i32
    %dma_wait3A_582 = arith.constant 0 : i32
    %dma_wait3A_583 = tpu.memref_slice %arg11[%dma_wait3A_581, %dma_wait3A_582] : memref<10000x128xf32, #tpu.memory_space<vmem_shared>> -> memref<10000x128xf32, #tpu.memory_space<vmem_shared>>
    tpu.wait_indirect_dma semaphore(%arg13 : memref<!tpu.dma_semaphore, #tpu.memory_space<semaphore_mem>>) src(%dma_wait3A_583 : memref<10000x128xf32, #tpu.memory_space<vmem_shared>>) dst(%dma_wait3A_578 : memref<96x128xf32, #tpu.memory_space<vmem>>)
    %add3A_584 = arith.constant 0 : i32
    %add3A_585 = arith.addi %mul3A_2, %add3A_584 : i32
    %dma_start3A_586 = arith.constant 0 : i32
    %dma_start3A_587 = arith.constant 0 : i32
    %dma_start3A_588 = tpu.memref_slice %arg9[%dma_start3A_586, %dma_start3A_587] : memref<104x128xf32, #tpu.memory_space<vmem>> -> memref<96x128xf32, #tpu.memory_space<vmem>>
    %dma_start3A_589 = arith.constant 104 : i32
    %dma_start3A_590 = arith.constant 0 : i32
    %dma_start3A_591 = tpu.memref_slice %arg4[%add3A_585, %dma_start3A_589, %dma_start3A_590] : memref<1024x200x128xf32, #tpu.memory_space<hbm>> -> memref<1x96x128xf32, #tpu.memory_space<hbm>>
    %dma_start3A_592 = tpu.memref_squeeze %dma_start3A_591 : memref<1x96x128xf32, #tpu.memory_space<hbm>> -> memref<96x128xf32, #tpu.memory_space<hbm>>
    %dma_start3A_593 = arith.constant 104 : i32
    %dma_start3A_594 = arith.constant 0 : i32
    %dma_start3A_595 = tpu.memref_slice %arg4[%add3A_585, %dma_start3A_593, %dma_start3A_594] : memref<1024x200x128xf32, #tpu.memory_space<hbm>> -> memref<1x96x128xf32, #tpu.memory_space<hbm>>
    %dma_start3A_596 = tpu.memref_squeeze %dma_start3A_595 : memref<1x96x128xf32, #tpu.memory_space<hbm>> -> memref<96x128xf32, #tpu.memory_space<hbm>>
    %dma_start3A_597 = arith.constant 0 : i32
    %dma_start3A_598 = arith.constant 0 : i32
    %dma_start3A_599 = tpu.memref_slice %arg9[%dma_start3A_597, %dma_start3A_598] : memref<104x128xf32, #tpu.memory_space<vmem>> -> memref<96x128xf32, #tpu.memory_space<vmem>>
    tpu.enqueue_dma source(%dma_start3A_599 : memref<96x128xf32, #tpu.memory_space<vmem>>) target(%dma_start3A_596 : memref<96x128xf32, #tpu.memory_space<hbm>>) target_semaphore(%arg16 : memref<!tpu.dma_semaphore, #tpu.memory_space<semaphore_mem>>)
    %add3A_600 = arith.constant 0 : i32
    %add3A_601 = arith.addi %mul3A_2, %add3A_600 : i32
    %dma_wait3A_602 = arith.constant 0 : i32
    %dma_wait3A_603 = arith.constant 0 : i32
    %dma_wait3A_604 = tpu.memref_slice %arg8[%dma_wait3A_602, %dma_wait3A_603] : memref<104x128xf32, #tpu.memory_space<vmem>> -> memref<104x128xf32, #tpu.memory_space<vmem>>
    %dma_wait3A_605 = arith.constant 0 : i32
    %dma_wait3A_606 = arith.constant 0 : i32
    %dma_wait3A_607 = tpu.memref_slice %arg4[%add3A_601, %dma_wait3A_605, %dma_wait3A_606] : memref<1024x200x128xf32, #tpu.memory_space<hbm>> -> memref<1x104x128xf32, #tpu.memory_space<hbm>>
    %dma_wait3A_608 = tpu.memref_squeeze %dma_wait3A_607 : memref<1x104x128xf32, #tpu.memory_space<hbm>> -> memref<104x128xf32, #tpu.memory_space<hbm>>
    %dma_wait3A_609 = arith.constant 0 : i32
    %dma_wait3A_610 = arith.constant 0 : i32
    %dma_wait3A_611 = tpu.memref_slice %arg4[%add3A_601, %dma_wait3A_609, %dma_wait3A_610] : memref<1024x200x128xf32, #tpu.memory_space<hbm>> -> memref<1x104x128xf32, #tpu.memory_space<hbm>>
    %dma_wait3A_612 = tpu.memref_squeeze %dma_wait3A_611 : memref<1x104x128xf32, #tpu.memory_space<hbm>> -> memref<104x128xf32, #tpu.memory_space<hbm>>
    %dma_wait3A_613 = arith.constant 0 : i32
    %dma_wait3A_614 = arith.constant 0 : i32
    %dma_wait3A_615 = tpu.memref_slice %arg8[%dma_wait3A_613, %dma_wait3A_614] : memref<104x128xf32, #tpu.memory_space<vmem>> -> memref<104x128xf32, #tpu.memory_space<vmem>>
    tpu.wait_dma2 semaphore(%arg15 : memref<!tpu.dma_semaphore, #tpu.memory_space<semaphore_mem>>) src(%dma_wait3A_615 : memref<104x128xf32, #tpu.memory_space<vmem>>) dst(%dma_wait3A_612 : memref<104x128xf32, #tpu.memory_space<hbm>>)
    %dma_start3A_616 = arith.constant 0 : i32
    %dma_start3A_617 = arith.constant 0 : i32
    %dma_start3A_618 = tpu.memref_slice %arg8[%dma_start3A_616, %dma_start3A_617] : memref<104x128xf32, #tpu.memory_space<vmem>> -> memref<96x128xf32, #tpu.memory_space<vmem>>
    %dma_start3A_619 = arith.constant 104 : i32
    %dma_start3A_620 = tpu.memref_slice %arg7[%dma_start3A_619] : memref<200xi32, #tpu.memory_space<vmem>> -> memref<96xi32, #tpu.memory_space<vmem>>
    %dma_start3A_621 = arith.constant 0 : i32
    %dma_start3A_622 = arith.constant 0 : i32
    %dma_start3A_623 = tpu.memref_slice %arg11[%dma_start3A_621, %dma_start3A_622] : memref<10000x128xf32, #tpu.memory_space<vmem_shared>> -> memref<10000x128xf32, #tpu.memory_space<vmem_shared>>
    tpu.enqueue_indirect_dma source(%dma_start3A_623 : memref<10000x128xf32, #tpu.memory_space<vmem_shared>>) target(%dma_start3A_618 : memref<96x128xf32, #tpu.memory_space<vmem>>) offsets(%dma_start3A_620 : memref<96xi32, #tpu.memory_space<vmem>>) semaphore(%arg12 : memref<!tpu.dma_semaphore, #tpu.memory_space<semaphore_mem>>)
    %scan3A = arith.constant 0 : i32
    %scan3A_624 = arith.constant 0 : i32
    %scan3A_625 = arith.constant 5 : i32
    %scan3A_626 = arith.addi %scan3A_624, %scan3A_625 : i32
    %scan3A_627 = arith.constant 1 : i32
    scf.for %scan3A_725 = %scan3A_624 to %scan3A_626 step %scan3A_627  : i32 {
      %mul3A_726 = arith.constant 12 : i32
      %mul3A_727 = arith.muli %mul3A_726, %scan3A_725 : i32
      %add3A_728 = arith.constant 2 : i32
      %add3A_729 = arith.addi %mul3A_727, %add3A_728 : i32
      %add3A_730 = arith.constant 0 : i32
      %add3A_731 = arith.addi %add3A_729, %add3A_730 : i32
      %add3A_732 = arith.constant 0 : i32
      %add3A_733 = arith.addi %add3A_731, %add3A_732 : i32
      %jit3A = arith.constant 2 : i32
      %div3A = arith.divsi %add3A_733, %jit3A : i32
      %sign3A = arith.constant 0 : i32
      %sign3A_734 = arith.cmpi sgt, %add3A_733, %sign3A : i32
      %sign3A_735 = arith.extui %sign3A_734 : i1 to i32
      %sign3A_736 = arith.constant 0 : i32
      %sign3A_737 = arith.cmpi slt, %add3A_733, %sign3A_736 : i32
      %sign3A_738 = arith.extui %sign3A_737 : i1 to i32
      %sign3A_739 = arith.subi %sign3A_735, %sign3A_738 : i32
      %sign3A_740 = arith.constant 0 : i32
      %sign3A_741 = arith.cmpi sgt, %jit3A, %sign3A_740 : i32
      %sign3A_742 = arith.extui %sign3A_741 : i1 to i32
      %sign3A_743 = arith.constant 0 : i32
      %sign3A_744 = arith.cmpi slt, %jit3A, %sign3A_743 : i32
      %sign3A_745 = arith.extui %sign3A_744 : i1 to i32
      %sign3A_746 = arith.subi %sign3A_742, %sign3A_745 : i32
      %ne3A = arith.cmpi ne, %sign3A_739, %sign3A_746 : i32
      %rem3A_747 = arith.remsi %add3A_733, %jit3A : i32
      %ne3A_748 = arith.constant 0 : i32
      %ne3A_749 = arith.cmpi ne, %rem3A_747, %ne3A_748 : i32
      %and3A = arith.andi %ne3A, %ne3A_749 : i1
      %sub3A_750 = arith.constant 1 : i32
      %sub3A_751 = arith.subi %div3A, %sub3A_750 : i32
      %select_n3A = arith.select %and3A, %sub3A_751, %div3A : i32
      %dma_wait3A_752 = arith.constant 0 : i32
      %dma_wait3A_753 = arith.constant 0 : i32
      %dma_wait3A_754 = tpu.memref_slice %arg10[%dma_wait3A_752, %dma_wait3A_753] : memref<104x128xf32, #tpu.memory_space<vmem>> -> memref<104x128xf32, #tpu.memory_space<vmem>>
      %dma_wait3A_755 = arith.constant 0 : i32
      %dma_wait3A_756 = tpu.memref_slice %arg7[%dma_wait3A_755] : memref<200xi32, #tpu.memory_space<vmem>> -> memref<104xi32, #tpu.memory_space<vmem>>
      %dma_wait3A_757 = arith.constant 0 : i32
      %dma_wait3A_758 = arith.constant 0 : i32
      %dma_wait3A_759 = tpu.memref_slice %arg11[%dma_wait3A_757, %dma_wait3A_758] : memref<10000x128xf32, #tpu.memory_space<vmem_shared>> -> memref<10000x128xf32, #tpu.memory_space<vmem_shared>>
      tpu.wait_indirect_dma semaphore(%arg14 : memref<!tpu.dma_semaphore, #tpu.memory_space<semaphore_mem>>) src(%dma_wait3A_759 : memref<10000x128xf32, #tpu.memory_space<vmem_shared>>) dst(%dma_wait3A_754 : memref<104x128xf32, #tpu.memory_space<vmem>>)
      %add3A_760 = arith.constant 0 : i32
      %add3A_761 = arith.addi %add3A_731, %add3A_760 : i32
      %jit3A_762 = arith.constant 2 : i32
      %div3A_763 = arith.divsi %add3A_761, %jit3A_762 : i32
      %sign3A_764 = arith.constant 0 : i32
      %sign3A_765 = arith.cmpi sgt, %add3A_761, %sign3A_764 : i32
      %sign3A_766 = arith.extui %sign3A_765 : i1 to i32
      %sign3A_767 = arith.constant 0 : i32
      %sign3A_768 = arith.cmpi slt, %add3A_761, %sign3A_767 : i32
      %sign3A_769 = arith.extui %sign3A_768 : i1 to i32
      %sign3A_770 = arith.subi %sign3A_766, %sign3A_769 : i32
      %sign3A_771 = arith.constant 0 : i32
      %sign3A_772 = arith.cmpi sgt, %jit3A_762, %sign3A_771 : i32
      %sign3A_773 = arith.extui %sign3A_772 : i1 to i32
      %sign3A_774 = arith.constant 0 : i32
      %sign3A_775 = arith.cmpi slt, %jit3A_762, %sign3A_774 : i32
      %sign3A_776 = arith.extui %sign3A_775 : i1 to i32
      %sign3A_777 = arith.subi %sign3A_773, %sign3A_776 : i32
      %ne3A_778 = arith.cmpi ne, %sign3A_770, %sign3A_777 : i32
      %rem3A_779 = arith.remsi %add3A_761, %jit3A_762 : i32
      %ne3A_780 = arith.constant 0 : i32
      %ne3A_781 = arith.cmpi ne, %rem3A_779, %ne3A_780 : i32
      %and3A_782 = arith.andi %ne3A_778, %ne3A_781 : i1
      %sub3A_783 = arith.constant 1 : i32
      %sub3A_784 = arith.subi %div3A_763, %sub3A_783 : i32
      %select_n3A_785 = arith.select %and3A_782, %sub3A_784, %div3A_763 : i32
      %add3A_786 = arith.addi %mul3A_2, %select_n3A_785 : i32
      %dma_start3A_787 = arith.constant 0 : i32
      %dma_start3A_788 = arith.constant 0 : i32
      %dma_start3A_789 = tpu.memref_slice %arg10[%dma_start3A_787, %dma_start3A_788] : memref<104x128xf32, #tpu.memory_space<vmem>> -> memref<104x128xf32, #tpu.memory_space<vmem>>
      %dma_start3A_790 = arith.constant 0 : i32
      %dma_start3A_791 = arith.constant 0 : i32
      %dma_start3A_792 = tpu.memref_slice %arg4[%add3A_786, %dma_start3A_790, %dma_start3A_791] : memref<1024x200x128xf32, #tpu.memory_space<hbm>> -> memref<1x104x128xf32, #tpu.memory_space<hbm>>
      %dma_start3A_793 = tpu.memref_squeeze %dma_start3A_792 : memref<1x104x128xf32, #tpu.memory_space<hbm>> -> memref<104x128xf32, #tpu.memory_space<hbm>>
      %dma_start3A_794 = arith.constant 0 : i32
      %dma_start3A_795 = arith.constant 0 : i32
      %dma_start3A_796 = tpu.memref_slice %arg4[%add3A_786, %dma_start3A_794, %dma_start3A_795] : memref<1024x200x128xf32, #tpu.memory_space<hbm>> -> memref<1x104x128xf32, #tpu.memory_space<hbm>>
      %dma_start3A_797 = tpu.memref_squeeze %dma_start3A_796 : memref<1x104x128xf32, #tpu.memory_space<hbm>> -> memref<104x128xf32, #tpu.memory_space<hbm>>
      %dma_start3A_798 = arith.constant 0 : i32
      %dma_start3A_799 = arith.constant 0 : i32
      %dma_start3A_800 = tpu.memref_slice %arg10[%dma_start3A_798, %dma_start3A_799] : memref<104x128xf32, #tpu.memory_space<vmem>> -> memref<104x128xf32, #tpu.memory_space<vmem>>
      tpu.enqueue_dma source(%dma_start3A_800 : memref<104x128xf32, #tpu.memory_space<vmem>>) target(%dma_start3A_797 : memref<104x128xf32, #tpu.memory_space<hbm>>) target_semaphore(%arg17 : memref<!tpu.dma_semaphore, #tpu.memory_space<semaphore_mem>>)
      %add3A_801 = arith.constant -1 : i32
      %add3A_802 = arith.addi %add3A_731, %add3A_801 : i32
      %jit3A_803 = arith.constant 2 : i32
      %div3A_804 = arith.divsi %add3A_802, %jit3A_803 : i32
      %sign3A_805 = arith.constant 0 : i32
      %sign3A_806 = arith.cmpi sgt, %add3A_802, %sign3A_805 : i32
      %sign3A_807 = arith.extui %sign3A_806 : i1 to i32
      %sign3A_808 = arith.constant 0 : i32
      %sign3A_809 = arith.cmpi slt, %add3A_802, %sign3A_808 : i32
      %sign3A_810 = arith.extui %sign3A_809 : i1 to i32
      %sign3A_811 = arith.subi %sign3A_807, %sign3A_810 : i32
      %sign3A_812 = arith.constant 0 : i32
      %sign3A_813 = arith.cmpi sgt, %jit3A_803, %sign3A_812 : i32
      %sign3A_814 = arith.extui %sign3A_813 : i1 to i32
      %sign3A_815 = arith.constant 0 : i32
      %sign3A_816 = arith.cmpi slt, %jit3A_803, %sign3A_815 : i32
      %sign3A_817 = arith.extui %sign3A_816 : i1 to i32
      %sign3A_818 = arith.subi %sign3A_814, %sign3A_817 : i32
      %ne3A_819 = arith.cmpi ne, %sign3A_811, %sign3A_818 : i32
      %rem3A_820 = arith.remsi %add3A_802, %jit3A_803 : i32
      %ne3A_821 = arith.constant 0 : i32
      %ne3A_822 = arith.cmpi ne, %rem3A_820, %ne3A_821 : i32
      %and3A_823 = arith.andi %ne3A_819, %ne3A_822 : i1
      %sub3A_824 = arith.constant 1 : i32
      %sub3A_825 = arith.subi %div3A_804, %sub3A_824 : i32
      %select_n3A_826 = arith.select %and3A_823, %sub3A_825, %div3A_804 : i32
      %add3A_827 = arith.addi %mul3A_2, %select_n3A_826 : i32
      %dma_wait3A_828 = arith.constant 0 : i32
      %dma_wait3A_829 = arith.constant 0 : i32
      %dma_wait3A_830 = tpu.memref_slice %arg9[%dma_wait3A_828, %dma_wait3A_829] : memref<104x128xf32, #tpu.memory_space<vmem>> -> memref<96x128xf32, #tpu.memory_space<vmem>>
      %dma_wait3A_831 = arith.constant 104 : i32
      %dma_wait3A_832 = arith.constant 0 : i32
      %dma_wait3A_833 = tpu.memref_slice %arg4[%add3A_827, %dma_wait3A_831, %dma_wait3A_832] : memref<1024x200x128xf32, #tpu.memory_space<hbm>> -> memref<1x96x128xf32, #tpu.memory_space<hbm>>
      %dma_wait3A_834 = tpu.memref_squeeze %dma_wait3A_833 : memref<1x96x128xf32, #tpu.memory_space<hbm>> -> memref<96x128xf32, #tpu.memory_space<hbm>>
      %dma_wait3A_835 = arith.constant 104 : i32
      %dma_wait3A_836 = arith.constant 0 : i32
      %dma_wait3A_837 = tpu.memref_slice %arg4[%add3A_827, %dma_wait3A_835, %dma_wait3A_836] : memref<1024x200x128xf32, #tpu.memory_space<hbm>> -> memref<1x96x128xf32, #tpu.memory_space<hbm>>
      %dma_wait3A_838 = tpu.memref_squeeze %dma_wait3A_837 : memref<1x96x128xf32, #tpu.memory_space<hbm>> -> memref<96x128xf32, #tpu.memory_space<hbm>>
      %dma_wait3A_839 = arith.constant 0 : i32
      %dma_wait3A_840 = arith.constant 0 : i32
      %dma_wait3A_841 = tpu.memref_slice %arg9[%dma_wait3A_839, %dma_wait3A_840] : memref<104x128xf32, #tpu.memory_space<vmem>> -> memref<96x128xf32, #tpu.memory_space<vmem>>
      tpu.wait_dma2 semaphore(%arg16 : memref<!tpu.dma_semaphore, #tpu.memory_space<semaphore_mem>>) src(%dma_wait3A_841 : memref<96x128xf32, #tpu.memory_space<vmem>>) dst(%dma_wait3A_838 : memref<96x128xf32, #tpu.memory_space<hbm>>)
      %add3A_842 = arith.constant 2 : i32
      %add3A_843 = arith.addi %add3A_731, %add3A_842 : i32
      %jit3A_844 = arith.constant 2 : i32
      %div3A_845 = arith.divsi %add3A_843, %jit3A_844 : i32
      %sign3A_846 = arith.constant 0 : i32
      %sign3A_847 = arith.cmpi sgt, %add3A_843, %sign3A_846 : i32
      %sign3A_848 = arith.extui %sign3A_847 : i1 to i32
      %sign3A_849 = arith.constant 0 : i32
      %sign3A_850 = arith.cmpi slt, %add3A_843, %sign3A_849 : i32
      %sign3A_851 = arith.extui %sign3A_850 : i1 to i32
      %sign3A_852 = arith.subi %sign3A_848, %sign3A_851 : i32
      %sign3A_853 = arith.constant 0 : i32
      %sign3A_854 = arith.cmpi sgt, %jit3A_844, %sign3A_853 : i32
      %sign3A_855 = arith.extui %sign3A_854 : i1 to i32
      %sign3A_856 = arith.constant 0 : i32
      %sign3A_857 = arith.cmpi slt, %jit3A_844, %sign3A_856 : i32
      %sign3A_858 = arith.extui %sign3A_857 : i1 to i32
      %sign3A_859 = arith.subi %sign3A_855, %sign3A_858 : i32
      %ne3A_860 = arith.cmpi ne, %sign3A_852, %sign3A_859 : i32
      %rem3A_861 = arith.remsi %add3A_843, %jit3A_844 : i32
      %ne3A_862 = arith.constant 0 : i32
      %ne3A_863 = arith.cmpi ne, %rem3A_861, %ne3A_862 : i32
      %and3A_864 = arith.andi %ne3A_860, %ne3A_863 : i1
      %sub3A_865 = arith.constant 1 : i32
      %sub3A_866 = arith.subi %div3A_845, %sub3A_865 : i32
      %select_n3A_867 = arith.select %and3A_864, %sub3A_866, %div3A_845 : i32
      %get3A_868 = arith.index_cast %select_n3A_867 : i32 to index
      %get3A_869 = arith.constant 0 : index
      %get3A_870 = tpu.vector_load %arg5[%get3A_868, %get3A_869] {strides = array<i32>} : memref<32x200xi32, #tpu.memory_space<vmem>>, vector<1x16xi32>,
      %get3A_871 = vector.shape_cast %get3A_870 : vector<1x16xi32> to vector<16xi32>
      %get3A_872 = arith.index_cast %select_n3A_867 : i32 to index
      %get3A_873 = arith.constant 16 : index
      %get3A_874 = tpu.vector_load %arg5[%get3A_872, %get3A_873] {strides = array<i32>} : memref<32x200xi32, #tpu.memory_space<vmem>>, vector<1x16xi32>,
      %get3A_875 = vector.shape_cast %get3A_874 : vector<1x16xi32> to vector<16xi32>
      %min3A_876 = arith.minsi %get3A_871, %get3A_875 : vector<16xi32>
      %get3A_877 = arith.index_cast %select_n3A_867 : i32 to index
      %get3A_878 = arith.constant 32 : index
      %get3A_879 = tpu.vector_load %arg5[%get3A_877, %get3A_878] {strides = array<i32>} : memref<32x200xi32, #tpu.memory_space<vmem>>, vector<1x16xi32>,
      %get3A_880 = vector.shape_cast %get3A_879 : vector<1x16xi32> to vector<16xi32>
      %min3A_881 = arith.minsi %min3A_876, %get3A_880 : vector<16xi32>
      %get3A_882 = arith.index_cast %select_n3A_867 : i32 to index
      %get3A_883 = arith.constant 48 : index
      %get3A_884 = tpu.vector_load %arg5[%get3A_882, %get3A_883] {strides = array<i32>} : memref<32x200xi32, #tpu.memory_space<vmem>>, vector<1x16xi32>,
      %get3A_885 = vector.shape_cast %get3A_884 : vector<1x16xi32> to vector<16xi32>
      %min3A_886 = arith.minsi %min3A_881, %get3A_885 : vector<16xi32>
      %get3A_887 = arith.index_cast %select_n3A_867 : i32 to index
      %get3A_888 = arith.constant 64 : index
      %get3A_889 = tpu.vector_load %arg5[%get3A_887, %get3A_888] {strides = array<i32>} : memref<32x200xi32, #tpu.memory_space<vmem>>, vector<1x16xi32>,
      %get3A_890 = vector.shape_cast %get3A_889 : vector<1x16xi32> to vector<16xi32>
      %min3A_891 = arith.minsi %min3A_886, %get3A_890 : vector<16xi32>
      %get3A_892 = arith.index_cast %select_n3A_867 : i32 to index
      %get3A_893 = arith.constant 80 : index
      %get3A_894 = tpu.vector_load %arg5[%get3A_892, %get3A_893] {strides = array<i32>} : memref<32x200xi32, #tpu.memory_space<vmem>>, vector<1x16xi32>,
      %get3A_895 = vector.shape_cast %get3A_894 : vector<1x16xi32> to vector<16xi32>
      %min3A_896 = arith.minsi %min3A_891, %get3A_895 : vector<16xi32>
      %get3A_897 = arith.index_cast %select_n3A_867 : i32 to index
      %get3A_898 = arith.constant 96 : index
      %get3A_899 = tpu.vector_load %arg5[%get3A_897, %get3A_898] {strides = array<i32>} : memref<32x200xi32, #tpu.memory_space<vmem>>, vector<1x16xi32>,
      %get3A_900 = vector.shape_cast %get3A_899 : vector<1x16xi32> to vector<16xi32>
      %min3A_901 = arith.minsi %min3A_896, %get3A_900 : vector<16xi32>
      %get3A_902 = arith.index_cast %select_n3A_867 : i32 to index
      %get3A_903 = arith.constant 112 : index
      %get3A_904 = tpu.vector_load %arg5[%get3A_902, %get3A_903] {strides = array<i32>} : memref<32x200xi32, #tpu.memory_space<vmem>>, vector<1x16xi32>,
      %get3A_905 = vector.shape_cast %get3A_904 : vector<1x16xi32> to vector<16xi32>
      %min3A_906 = arith.minsi %min3A_901, %get3A_905 : vector<16xi32>
      %get3A_907 = arith.index_cast %select_n3A_867 : i32 to index
      %get3A_908 = arith.constant 128 : index
      %get3A_909 = tpu.vector_load %arg5[%get3A_907, %get3A_908] {strides = array<i32>} : memref<32x200xi32, #tpu.memory_space<vmem>>, vector<1x16xi32>,
      %get3A_910 = vector.shape_cast %get3A_909 : vector<1x16xi32> to vector<16xi32>
      %min3A_911 = arith.minsi %min3A_906, %get3A_910 : vector<16xi32>
      %get3A_912 = arith.index_cast %select_n3A_867 : i32 to index
      %get3A_913 = arith.constant 144 : index
      %get3A_914 = tpu.vector_load %arg5[%get3A_912, %get3A_913] {strides = array<i32>} : memref<32x200xi32, #tpu.memory_space<vmem>>, vector<1x16xi32>,
      %get3A_915 = vector.shape_cast %get3A_914 : vector<1x16xi32> to vector<16xi32>
      %min3A_916 = arith.minsi %min3A_911, %get3A_915 : vector<16xi32>
      %get3A_917 = arith.index_cast %select_n3A_867 : i32 to index
      %get3A_918 = arith.constant 160 : index
      %get3A_919 = tpu.vector_load %arg5[%get3A_917, %get3A_918] {strides = array<i32>} : memref<32x200xi32, #tpu.memory_space<vmem>>, vector<1x16xi32>,
      %get3A_920 = vector.shape_cast %get3A_919 : vector<1x16xi32> to vector<16xi32>
      %min3A_921 = arith.minsi %min3A_916, %get3A_920 : vector<16xi32>
      %get3A_922 = arith.index_cast %select_n3A_867 : i32 to index
      %get3A_923 = arith.constant 176 : index
      %get3A_924 = tpu.vector_load %arg5[%get3A_922, %get3A_923] {strides = array<i32>} : memref<32x200xi32, #tpu.memory_space<vmem>>, vector<1x16xi32>,
      %get3A_925 = vector.shape_cast %get3A_924 : vector<1x16xi32> to vector<16xi32>
      %min3A_926 = arith.minsi %min3A_921, %get3A_925 : vector<16xi32>
      %get3A_927 = arith.index_cast %select_n3A_867 : i32 to index
      %get3A_928 = arith.constant 184 : index
      %get3A_929 = tpu.vector_load %arg5[%get3A_927, %get3A_928] {strides = array<i32>} : memref<32x200xi32, #tpu.memory_space<vmem>>, vector<1x16xi32>,
      %get3A_930 = vector.shape_cast %get3A_929 : vector<1x16xi32> to vector<16xi32>
      %min3A_931 = arith.minsi %min3A_926, %get3A_930 : vector<16xi32>
      %iota3A_932 = tpu.iota {dimensions = array<i32: 0>} : vector<16xi32>
      %add3A_933 = arith.constant 8 : i32
      %add3A_934 = vector.broadcast %add3A_933 : i32 to vector<16xi32>
      %add3A_935 = arith.addi %iota3A_932, %add3A_934 : vector<16xi32>
      %rem3A_936 = arith.constant 16 : i32
      %rem3A_937 = vector.broadcast %rem3A_936 : i32 to vector<16xi32>
      %rem3A_938 = arith.remsi %add3A_935, %rem3A_937 : vector<16xi32>
      %broadcast_in_dim3A_939 = vector.shape_cast %rem3A_938 : vector<16xi32> to vector<16x1xi32>
      %gather3A_940 = vector.shape_cast %broadcast_in_dim3A_939 : vector<16x1xi32> to vector<16xi32>
      %gather3A_941 = tpu.dynamic_gather %min3A_931[%gather3A_940] in [0] : vector<16xi32>, vector<16xi32> -> vector<16xi32>
      %min3A_942 = arith.minsi %min3A_931, %gather3A_941 : vector<16xi32>
      %add3A_943 = arith.constant 4 : i32
      %add3A_944 = vector.broadcast %add3A_943 : i32 to vector<16xi32>
      %add3A_945 = arith.addi %iota3A_932, %add3A_944 : vector<16xi32>
      %rem3A_946 = arith.constant 16 : i32
      %rem3A_947 = vector.broadcast %rem3A_946 : i32 to vector<16xi32>
      %rem3A_948 = arith.remsi %add3A_945, %rem3A_947 : vector<16xi32>
      %broadcast_in_dim3A_949 = vector.shape_cast %rem3A_948 : vector<16xi32> to vector<16x1xi32>
      %gather3A_950 = vector.shape_cast %broadcast_in_dim3A_949 : vector<16x1xi32> to vector<16xi32>
      %gather3A_951 = tpu.dynamic_gather %min3A_942[%gather3A_950] in [0] : vector<16xi32>, vector<16xi32> -> vector<16xi32>
      %min3A_952 = arith.minsi %min3A_942, %gather3A_951 : vector<16xi32>
      %add3A_953 = arith.constant 2 : i32
      %add3A_954 = vector.broadcast %add3A_953 : i32 to vector<16xi32>
      %add3A_955 = arith.addi %iota3A_932, %add3A_954 : vector<16xi32>
      %rem3A_956 = arith.constant 16 : i32
      %rem3A_957 = vector.broadcast %rem3A_956 : i32 to vector<16xi32>
      %rem3A_958 = arith.remsi %add3A_955, %rem3A_957 : vector<16xi32>
      %broadcast_in_dim3A_959 = vector.shape_cast %rem3A_958 : vector<16xi32> to vector<16x1xi32>
      %gather3A_960 = vector.shape_cast %broadcast_in_dim3A_959 : vector<16x1xi32> to vector<16xi32>
      %gather3A_961 = tpu.dynamic_gather %min3A_952[%gather3A_960] in [0] : vector<16xi32>, vector<16xi32> -> vector<16xi32>
      %min3A_962 = arith.minsi %min3A_952, %gather3A_961 : vector<16xi32>
      %add3A_963 = arith.constant 1 : i32
      %add3A_964 = vector.broadcast %add3A_963 : i32 to vector<16xi32>
      %add3A_965 = arith.addi %iota3A_932, %add3A_964 : vector<16xi32>
      %rem3A_966 = arith.constant 16 : i32
      %rem3A_967 = vector.broadcast %rem3A_966 : i32 to vector<16xi32>
      %rem3A_968 = arith.remsi %add3A_965, %rem3A_967 : vector<16xi32>
      %broadcast_in_dim3A_969 = vector.shape_cast %rem3A_968 : vector<16xi32> to vector<16x1xi32>
      %gather3A_970 = vector.shape_cast %broadcast_in_dim3A_969 : vector<16x1xi32> to vector<16xi32>
      %gather3A_971 = tpu.dynamic_gather %min3A_962[%gather3A_970] in [0] : vector<16xi32>, vector<16xi32> -> vector<16xi32>
      %min3A_972 = arith.minsi %min3A_962, %gather3A_971 : vector<16xi32>
      %get3A_973 = arith.index_cast %select_n3A_867 : i32 to index
      %get3A_974 = arith.constant 0 : index
      %get3A_975 = tpu.vector_load %arg5[%get3A_973, %get3A_974] {strides = array<i32>} : memref<32x200xi32, #tpu.memory_space<vmem>>, vector<1x16xi32>,
      %get3A_976 = vector.shape_cast %get3A_975 : vector<1x16xi32> to vector<16xi32>
      %sub3A_977 = arith.subi %get3A_976, %min3A_972 : vector<16xi32>
      %abs3A_978 = math.absi %sub3A_977 : vector<16xi32>
      %swap3A_979 = arith.constant 0 : index
      %swap3A_980 = tpu.vector_load %arg6[%swap3A_979] {strides = array<i32>} : memref<200xi32, #tpu.memory_space<vmem>>, vector<16xi32>,
      %swap3A_981 = vector.shape_cast %swap3A_980 : vector<16xi32> to vector<16xi32>
      %swap3A_982 = vector.shape_cast %abs3A_978 : vector<16xi32> to vector<16xi32>
      tpu.vector_store %arg6[%swap3A_979], %swap3A_982 {strides = array<i32>} : memref<200xi32, #tpu.memory_space<vmem>>, vector<16xi32>,
      %get3A_983 = arith.index_cast %select_n3A_867 : i32 to index
      %get3A_984 = arith.constant 16 : index
      %get3A_985 = tpu.vector_load %arg5[%get3A_983, %get3A_984] {strides = array<i32>} : memref<32x200xi32, #tpu.memory_space<vmem>>, vector<1x16xi32>,
      %get3A_986 = vector.shape_cast %get3A_985 : vector<1x16xi32> to vector<16xi32>
      %sub3A_987 = arith.subi %get3A_986, %min3A_972 : vector<16xi32>
      %abs3A_988 = math.absi %sub3A_987 : vector<16xi32>
      %swap3A_989 = arith.constant 16 : index
      %swap3A_990 = tpu.vector_load %arg6[%swap3A_989] {strides = array<i32>} : memref<200xi32, #tpu.memory_space<vmem>>, vector<16xi32>,
      %swap3A_991 = vector.shape_cast %swap3A_990 : vector<16xi32> to vector<16xi32>
      %swap3A_992 = vector.shape_cast %abs3A_988 : vector<16xi32> to vector<16xi32>
      tpu.vector_store %arg6[%swap3A_989], %swap3A_992 {strides = array<i32>} : memref<200xi32, #tpu.memory_space<vmem>>, vector<16xi32>,
      %get3A_993 = arith.index_cast %select_n3A_867 : i32 to index
      %get3A_994 = arith.constant 32 : index
      %get3A_995 = tpu.vector_load %arg5[%get3A_993, %get3A_994] {strides = array<i32>} : memref<32x200xi32, #tpu.memory_space<vmem>>, vector<1x16xi32>,
      %get3A_996 = vector.shape_cast %get3A_995 : vector<1x16xi32> to vector<16xi32>
      %sub3A_997 = arith.subi %get3A_996, %min3A_972 : vector<16xi32>
      %abs3A_998 = math.absi %sub3A_997 : vector<16xi32>
      %swap3A_999 = arith.constant 32 : index
      %swap3A_1000 = tpu.vector_load %arg6[%swap3A_999] {strides = array<i32>} : memref<200xi32, #tpu.memory_space<vmem>>, vector<16xi32>,
      %swap3A_1001 = vector.shape_cast %swap3A_1000 : vector<16xi32> to vector<16xi32>
      %swap3A_1002 = vector.shape_cast %abs3A_998 : vector<16xi32> to vector<16xi32>
      tpu.vector_store %arg6[%swap3A_999], %swap3A_1002 {strides = array<i32>} : memref<200xi32, #tpu.memory_space<vmem>>, vector<16xi32>,
      %get3A_1003 = arith.index_cast %select_n3A_867 : i32 to index
      %get3A_1004 = arith.constant 48 : index
      %get3A_1005 = tpu.vector_load %arg5[%get3A_1003, %get3A_1004] {strides = array<i32>} : memref<32x200xi32, #tpu.memory_space<vmem>>, vector<1x16xi32>,
      %get3A_1006 = vector.shape_cast %get3A_1005 : vector<1x16xi32> to vector<16xi32>
      %sub3A_1007 = arith.subi %get3A_1006, %min3A_972 : vector<16xi32>
      %abs3A_1008 = math.absi %sub3A_1007 : vector<16xi32>
      %swap3A_1009 = arith.constant 48 : index
      %swap3A_1010 = tpu.vector_load %arg6[%swap3A_1009] {strides = array<i32>} : memref<200xi32, #tpu.memory_space<vmem>>, vector<16xi32>,
      %swap3A_1011 = vector.shape_cast %swap3A_1010 : vector<16xi32> to vector<16xi32>
      %swap3A_1012 = vector.shape_cast %abs3A_1008 : vector<16xi32> to vector<16xi32>
      tpu.vector_store %arg6[%swap3A_1009], %swap3A_1012 {strides = array<i32>} : memref<200xi32, #tpu.memory_space<vmem>>, vector<16xi32>,
      %get3A_1013 = arith.index_cast %select_n3A_867 : i32 to index
      %get3A_1014 = arith.constant 64 : index
      %get3A_1015 = tpu.vector_load %arg5[%get3A_1013, %get3A_1014] {strides = array<i32>} : memref<32x200xi32, #tpu.memory_space<vmem>>, vector<1x16xi32>,
      %get3A_1016 = vector.shape_cast %get3A_1015 : vector<1x16xi32> to vector<16xi32>
      %sub3A_1017 = arith.subi %get3A_1016, %min3A_972 : vector<16xi32>
      %abs3A_1018 = math.absi %sub3A_1017 : vector<16xi32>
      %swap3A_1019 = arith.constant 64 : index
      %swap3A_1020 = tpu.vector_load %arg6[%swap3A_1019] {strides = array<i32>} : memref<200xi32, #tpu.memory_space<vmem>>, vector<16xi32>,
      %swap3A_1021 = vector.shape_cast %swap3A_1020 : vector<16xi32> to vector<16xi32>
      %swap3A_1022 = vector.shape_cast %abs3A_1018 : vector<16xi32> to vector<16xi32>
      tpu.vector_store %arg6[%swap3A_1019], %swap3A_1022 {strides = array<i32>} : memref<200xi32, #tpu.memory_space<vmem>>, vector<16xi32>,
      %get3A_1023 = arith.index_cast %select_n3A_867 : i32 to index
      %get3A_1024 = arith.constant 80 : index
      %get3A_1025 = tpu.vector_load %arg5[%get3A_1023, %get3A_1024] {strides = array<i32>} : memref<32x200xi32, #tpu.memory_space<vmem>>, vector<1x16xi32>,
      %get3A_1026 = vector.shape_cast %get3A_1025 : vector<1x16xi32> to vector<16xi32>
      %sub3A_1027 = arith.subi %get3A_1026, %min3A_972 : vector<16xi32>
      %abs3A_1028 = math.absi %sub3A_1027 : vector<16xi32>
      %swap3A_1029 = arith.constant 80 : index
      %swap3A_1030 = tpu.vector_load %arg6[%swap3A_1029] {strides = array<i32>} : memref<200xi32, #tpu.memory_space<vmem>>, vector<16xi32>,
      %swap3A_1031 = vector.shape_cast %swap3A_1030 : vector<16xi32> to vector<16xi32>
      %swap3A_1032 = vector.shape_cast %abs3A_1028 : vector<16xi32> to vector<16xi32>
      tpu.vector_store %arg6[%swap3A_1029], %swap3A_1032 {strides = array<i32>} : memref<200xi32, #tpu.memory_space<vmem>>, vector<16xi32>,
      %get3A_1033 = arith.index_cast %select_n3A_867 : i32 to index
      %get3A_1034 = arith.constant 96 : index
      %get3A_1035 = tpu.vector_load %arg5[%get3A_1033, %get3A_1034] {strides = array<i32>} : memref<32x200xi32, #tpu.memory_space<vmem>>, vector<1x16xi32>,
      %get3A_1036 = vector.shape_cast %get3A_1035 : vector<1x16xi32> to vector<16xi32>
      %sub3A_1037 = arith.subi %get3A_1036, %min3A_972 : vector<16xi32>
      %abs3A_1038 = math.absi %sub3A_1037 : vector<16xi32>
      %swap3A_1039 = arith.constant 96 : index
      %swap3A_1040 = tpu.vector_load %arg6[%swap3A_1039] {strides = array<i32>} : memref<200xi32, #tpu.memory_space<vmem>>, vector<16xi32>,
      %swap3A_1041 = vector.shape_cast %swap3A_1040 : vector<16xi32> to vector<16xi32>
      %swap3A_1042 = vector.shape_cast %abs3A_1038 : vector<16xi32> to vector<16xi32>
      tpu.vector_store %arg6[%swap3A_1039], %swap3A_1042 {strides = array<i32>} : memref<200xi32, #tpu.memory_space<vmem>>, vector<16xi32>,
      %get3A_1043 = arith.index_cast %select_n3A_867 : i32 to index
      %get3A_1044 = arith.constant 112 : index
      %get3A_1045 = tpu.vector_load %arg5[%get3A_1043, %get3A_1044] {strides = array<i32>} : memref<32x200xi32, #tpu.memory_space<vmem>>, vector<1x16xi32>,
      %get3A_1046 = vector.shape_cast %get3A_1045 : vector<1x16xi32> to vector<16xi32>
      %sub3A_1047 = arith.subi %get3A_1046, %min3A_972 : vector<16xi32>
      %abs3A_1048 = math.absi %sub3A_1047 : vector<16xi32>
      %swap3A_1049 = arith.constant 112 : index
      %swap3A_1050 = tpu.vector_load %arg6[%swap3A_1049] {strides = array<i32>} : memref<200xi32, #tpu.memory_space<vmem>>, vector<16xi32>,
      %swap3A_1051 = vector.shape_cast %swap3A_1050 : vector<16xi32> to vector<16xi32>
      %swap3A_1052 = vector.shape_cast %abs3A_1048 : vector<16xi32> to vector<16xi32>
      tpu.vector_store %arg6[%swap3A_1049], %swap3A_1052 {strides = array<i32>} : memref<200xi32, #tpu.memory_space<vmem>>, vector<16xi32>,
      %get3A_1053 = arith.index_cast %select_n3A_867 : i32 to index
      %get3A_1054 = arith.constant 128 : index
      %get3A_1055 = tpu.vector_load %arg5[%get3A_1053, %get3A_1054] {strides = array<i32>} : memref<32x200xi32, #tpu.memory_space<vmem>>, vector<1x16xi32>,
      %get3A_1056 = vector.shape_cast %get3A_1055 : vector<1x16xi32> to vector<16xi32>
      %sub3A_1057 = arith.subi %get3A_1056, %min3A_972 : vector<16xi32>
      %abs3A_1058 = math.absi %sub3A_1057 : vector<16xi32>
      %swap3A_1059 = arith.constant 128 : index
      %swap3A_1060 = tpu.vector_load %arg6[%swap3A_1059] {strides = array<i32>} : memref<200xi32, #tpu.memory_space<vmem>>, vector<16xi32>,
      %swap3A_1061 = vector.shape_cast %swap3A_1060 : vector<16xi32> to vector<16xi32>
      %swap3A_1062 = vector.shape_cast %abs3A_1058 : vector<16xi32> to vector<16xi32>
      tpu.vector_store %arg6[%swap3A_1059], %swap3A_1062 {strides = array<i32>} : memref<200xi32, #tpu.memory_space<vmem>>, vector<16xi32>,
      %get3A_1063 = arith.index_cast %select_n3A_867 : i32 to index
      %get3A_1064 = arith.constant 144 : index
      %get3A_1065 = tpu.vector_load %arg5[%get3A_1063, %get3A_1064] {strides = array<i32>} : memref<32x200xi32, #tpu.memory_space<vmem>>, vector<1x16xi32>,
      %get3A_1066 = vector.shape_cast %get3A_1065 : vector<1x16xi32> to vector<16xi32>
      %sub3A_1067 = arith.subi %get3A_1066, %min3A_972 : vector<16xi32>
      %abs3A_1068 = math.absi %sub3A_1067 : vector<16xi32>
      %swap3A_1069 = arith.constant 144 : index
      %swap3A_1070 = tpu.vector_load %arg6[%swap3A_1069] {strides = array<i32>} : memref<200xi32, #tpu.memory_space<vmem>>, vector<16xi32>,
      %swap3A_1071 = vector.shape_cast %swap3A_1070 : vector<16xi32> to vector<16xi32>
      %swap3A_1072 = vector.shape_cast %abs3A_1068 : vector<16xi32> to vector<16xi32>
      tpu.vector_store %arg6[%swap3A_1069], %swap3A_1072 {strides = array<i32>} : memref<200xi32, #tpu.memory_space<vmem>>, vector<16xi32>,
      %get3A_1073 = arith.index_cast %select_n3A_867 : i32 to index
      %get3A_1074 = arith.constant 160 : index
      %get3A_1075 = tpu.vector_load %arg5[%get3A_1073, %get3A_1074] {strides = array<i32>} : memref<32x200xi32, #tpu.memory_space<vmem>>, vector<1x16xi32>,
      %get3A_1076 = vector.shape_cast %get3A_1075 : vector<1x16xi32> to vector<16xi32>
      %sub3A_1077 = arith.subi %get3A_1076, %min3A_972 : vector<16xi32>
      %abs3A_1078 = math.absi %sub3A_1077 : vector<16xi32>
      %swap3A_1079 = arith.constant 160 : index
      %swap3A_1080 = tpu.vector_load %arg6[%swap3A_1079] {strides = array<i32>} : memref<200xi32, #tpu.memory_space<vmem>>, vector<16xi32>,
      %swap3A_1081 = vector.shape_cast %swap3A_1080 : vector<16xi32> to vector<16xi32>
      %swap3A_1082 = vector.shape_cast %abs3A_1078 : vector<16xi32> to vector<16xi32>
      tpu.vector_store %arg6[%swap3A_1079], %swap3A_1082 {strides = array<i32>} : memref<200xi32, #tpu.memory_space<vmem>>, vector<16xi32>,
      %get3A_1083 = arith.index_cast %select_n3A_867 : i32 to index
      %get3A_1084 = arith.constant 176 : index
      %get3A_1085 = tpu.vector_load %arg5[%get3A_1083, %get3A_1084] {strides = array<i32>} : memref<32x200xi32, #tpu.memory_space<vmem>>, vector<1x16xi32>,
      %get3A_1086 = vector.shape_cast %get3A_1085 : vector<1x16xi32> to vector<16xi32>
      %sub3A_1087 = arith.subi %get3A_1086, %min3A_972 : vector<16xi32>
      %abs3A_1088 = math.absi %sub3A_1087 : vector<16xi32>
      %swap3A_1089 = arith.constant 176 : index
      %swap3A_1090 = tpu.vector_load %arg6[%swap3A_1089] {strides = array<i32>} : memref<200xi32, #tpu.memory_space<vmem>>, vector<16xi32>,
      %swap3A_1091 = vector.shape_cast %swap3A_1090 : vector<16xi32> to vector<16xi32>
      %swap3A_1092 = vector.shape_cast %abs3A_1088 : vector<16xi32> to vector<16xi32>
      tpu.vector_store %arg6[%swap3A_1089], %swap3A_1092 {strides = array<i32>} : memref<200xi32, #tpu.memory_space<vmem>>, vector<16xi32>,
      %get3A_1093 = arith.index_cast %select_n3A_867 : i32 to index
      %get3A_1094 = arith.constant 184 : index
      %get3A_1095 = tpu.vector_load %arg5[%get3A_1093, %get3A_1094] {strides = array<i32>} : memref<32x200xi32, #tpu.memory_space<vmem>>, vector<1x16xi32>,
      %get3A_1096 = vector.shape_cast %get3A_1095 : vector<1x16xi32> to vector<16xi32>
      %sub3A_1097 = arith.subi %get3A_1096, %min3A_972 : vector<16xi32>
      %abs3A_1098 = math.absi %sub3A_1097 : vector<16xi32>
      %swap3A_1099 = arith.constant 184 : index
      %swap3A_1100 = tpu.vector_load %arg6[%swap3A_1099] {strides = array<i32>} : memref<200xi32, #tpu.memory_space<vmem>>, vector<16xi32>,
      %swap3A_1101 = vector.shape_cast %swap3A_1100 : vector<16xi32> to vector<16xi32>
      %swap3A_1102 = vector.shape_cast %abs3A_1098 : vector<16xi32> to vector<16xi32>
      tpu.vector_store %arg6[%swap3A_1099], %swap3A_1102 {strides = array<i32>} : memref<200xi32, #tpu.memory_space<vmem>>, vector<16xi32>,
      %add3A_1103 = arith.constant 2 : i32
      %add3A_1104 = arith.addi %add3A_731, %add3A_1103 : i32
      %jit3A_1105 = arith.constant 2 : i32
      %div3A_1106 = arith.divsi %add3A_1104, %jit3A_1105 : i32
      %sign3A_1107 = arith.constant 0 : i32
      %sign3A_1108 = arith.cmpi sgt, %add3A_1104, %sign3A_1107 : i32
      %sign3A_1109 = arith.extui %sign3A_1108 : i1 to i32
      %sign3A_1110 = arith.constant 0 : i32
      %sign3A_1111 = arith.cmpi slt, %add3A_1104, %sign3A_1110 : i32
      %sign3A_1112 = arith.extui %sign3A_1111 : i1 to i32
      %sign3A_1113 = arith.subi %sign3A_1109, %sign3A_1112 : i32
      %sign3A_1114 = arith.constant 0 : i32
      %sign3A_1115 = arith.cmpi sgt, %jit3A_1105, %sign3A_1114 : i32
      %sign3A_1116 = arith.extui %sign3A_1115 : i1 to i32
      %sign3A_1117 = arith.constant 0 : i32
      %sign3A_1118 = arith.cmpi slt, %jit3A_1105, %sign3A_1117 : i32
      %sign3A_1119 = arith.extui %sign3A_1118 : i1 to i32
      %sign3A_1120 = arith.subi %sign3A_1116, %sign3A_1119 : i32
      %ne3A_1121 = arith.cmpi ne, %sign3A_1113, %sign3A_1120 : i32
      %rem3A_1122 = arith.remsi %add3A_1104, %jit3A_1105 : i32
      %ne3A_1123 = arith.constant 0 : i32
      %ne3A_1124 = arith.cmpi ne, %rem3A_1122, %ne3A_1123 : i32
      %and3A_1125 = arith.andi %ne3A_1121, %ne3A_1124 : i1
      %sub3A_1126 = arith.constant 1 : i32
      %sub3A_1127 = arith.subi %div3A_1106, %sub3A_1126 : i32
      %select_n3A_1128 = arith.select %and3A_1125, %sub3A_1127, %div3A_1106 : i32
      %dma_start3A_1129 = arith.constant 0 : i32
      %dma_start3A_1130 = arith.constant 0 : i32
      %dma_start3A_1131 = tpu.memref_slice %arg9[%dma_start3A_1129, %dma_start3A_1130] : memref<104x128xf32, #tpu.memory_space<vmem>> -> memref<104x128xf32, #tpu.memory_space<vmem>>
      %dma_start3A_1132 = arith.constant 0 : i32
      %dma_start3A_1133 = tpu.memref_slice %arg6[%dma_start3A_1132] : memref<200xi32, #tpu.memory_space<vmem>> -> memref<104xi32, #tpu.memory_space<vmem>>
      %dma_start3A_1134 = arith.constant 0 : i32
      %dma_start3A_1135 = arith.constant 0 : i32
      %dma_start3A_1136 = tpu.memref_slice %arg11[%dma_start3A_1134, %dma_start3A_1135] : memref<10000x128xf32, #tpu.memory_space<vmem_shared>> -> memref<10000x128xf32, #tpu.memory_space<vmem_shared>>
      tpu.enqueue_indirect_dma source(%dma_start3A_1136 : memref<10000x128xf32, #tpu.memory_space<vmem_shared>>) target(%dma_start3A_1131 : memref<104x128xf32, #tpu.memory_space<vmem>>) offsets(%dma_start3A_1133 : memref<104xi32, #tpu.memory_space<vmem>>) semaphore(%arg13 : memref<!tpu.dma_semaphore, #tpu.memory_space<semaphore_mem>>)
      %add3A_1137 = arith.constant 1 : i32
      %add3A_1138 = arith.addi %add3A_729, %add3A_1137 : i32
      %add3A_1139 = arith.constant 0 : i32
      %add3A_1140 = arith.addi %add3A_1138, %add3A_1139 : i32
      %jit3A_1141 = arith.constant 2 : i32
      %div3A_1142 = arith.divsi %add3A_1140, %jit3A_1141 : i32
      %sign3A_1143 = arith.constant 0 : i32
      %sign3A_1144 = arith.cmpi sgt, %add3A_1140, %sign3A_1143 : i32
      %sign3A_1145 = arith.extui %sign3A_1144 : i1 to i32
      %sign3A_1146 = arith.constant 0 : i32
      %sign3A_1147 = arith.cmpi slt, %add3A_1140, %sign3A_1146 : i32
      %sign3A_1148 = arith.extui %sign3A_1147 : i1 to i32
      %sign3A_1149 = arith.subi %sign3A_1145, %sign3A_1148 : i32
      %sign3A_1150 = arith.constant 0 : i32
      %sign3A_1151 = arith.cmpi sgt, %jit3A_1141, %sign3A_1150 : i32
      %sign3A_1152 = arith.extui %sign3A_1151 : i1 to i32
      %sign3A_1153 = arith.constant 0 : i32
      %sign3A_1154 = arith.cmpi slt, %jit3A_1141, %sign3A_1153 : i32
      %sign3A_1155 = arith.extui %sign3A_1154 : i1 to i32
      %sign3A_1156 = arith.subi %sign3A_1152, %sign3A_1155 : i32
      %ne3A_1157 = arith.cmpi ne, %sign3A_1149, %sign3A_1156 : i32
      %rem3A_1158 = arith.remsi %add3A_1140, %jit3A_1141 : i32
      %ne3A_1159 = arith.constant 0 : i32
      %ne3A_1160 = arith.cmpi ne, %rem3A_1158, %ne3A_1159 : i32
      %and3A_1161 = arith.andi %ne3A_1157, %ne3A_1160 : i1
      %sub3A_1162 = arith.constant 1 : i32
      %sub3A_1163 = arith.subi %div3A_1142, %sub3A_1162 : i32
      %select_n3A_1164 = arith.select %and3A_1161, %sub3A_1163, %div3A_1142 : i32
      %dma_wait3A_1165 = arith.constant 0 : i32
      %dma_wait3A_1166 = arith.constant 0 : i32
      %dma_wait3A_1167 = tpu.memref_slice %arg8[%dma_wait3A_1165, %dma_wait3A_1166] : memref<104x128xf32, #tpu.memory_space<vmem>> -> memref<96x128xf32, #tpu.memory_space<vmem>>
      %dma_wait3A_1168 = arith.constant 104 : i32
      %dma_wait3A_1169 = tpu.memref_slice %arg7[%dma_wait3A_1168] : memref<200xi32, #tpu.memory_space<vmem>> -> memref<96xi32, #tpu.memory_space<vmem>>
      %dma_wait3A_1170 = arith.constant 0 : i32
      %dma_wait3A_1171 = arith.constant 0 : i32
      %dma_wait3A_1172 = tpu.memref_slice %arg11[%dma_wait3A_1170, %dma_wait3A_1171] : memref<10000x128xf32, #tpu.memory_space<vmem_shared>> -> memref<10000x128xf32, #tpu.memory_space<vmem_shared>>
      tpu.wait_indirect_dma semaphore(%arg12 : memref<!tpu.dma_semaphore, #tpu.memory_space<semaphore_mem>>) src(%dma_wait3A_1172 : memref<10000x128xf32, #tpu.memory_space<vmem_shared>>) dst(%dma_wait3A_1167 : memref<96x128xf32, #tpu.memory_space<vmem>>)
      %add3A_1173 = arith.constant 0 : i32
      %add3A_1174 = arith.addi %add3A_1138, %add3A_1173 : i32
      %jit3A_1175 = arith.constant 2 : i32
      %div3A_1176 = arith.divsi %add3A_1174, %jit3A_1175 : i32
      %sign3A_1177 = arith.constant 0 : i32
      %sign3A_1178 = arith.cmpi sgt, %add3A_1174, %sign3A_1177 : i32
      %sign3A_1179 = arith.extui %sign3A_1178 : i1 to i32
      %sign3A_1180 = arith.constant 0 : i32
      %sign3A_1181 = arith.cmpi slt, %add3A_1174, %sign3A_1180 : i32
      %sign3A_1182 = arith.extui %sign3A_1181 : i1 to i32
      %sign3A_1183 = arith.subi %sign3A_1179, %sign3A_1182 : i32
      %sign3A_1184 = arith.constant 0 : i32
      %sign3A_1185 = arith.cmpi sgt, %jit3A_1175, %sign3A_1184 : i32
      %sign3A_1186 = arith.extui %sign3A_1185 : i1 to i32
      %sign3A_1187 = arith.constant 0 : i32
      %sign3A_1188 = arith.cmpi slt, %jit3A_1175, %sign3A_1187 : i32
      %sign3A_1189 = arith.extui %sign3A_1188 : i1 to i32
      %sign3A_1190 = arith.subi %sign3A_1186, %sign3A_1189 : i32
      %ne3A_1191 = arith.cmpi ne, %sign3A_1183, %sign3A_1190 : i32
      %rem3A_1192 = arith.remsi %add3A_1174, %jit3A_1175 : i32
      %ne3A_1193 = arith.constant 0 : i32
      %ne3A_1194 = arith.cmpi ne, %rem3A_1192, %ne3A_1193 : i32
      %and3A_1195 = arith.andi %ne3A_1191, %ne3A_1194 : i1
      %sub3A_1196 = arith.constant 1 : i32
      %sub3A_1197 = arith.subi %div3A_1176, %sub3A_1196 : i32
      %select_n3A_1198 = arith.select %and3A_1195, %sub3A_1197, %div3A_1176 : i32
      %add3A_1199 = arith.addi %mul3A_2, %select_n3A_1198 : i32
      %dma_start3A_1200 = arith.constant 0 : i32
      %dma_start3A_1201 = arith.constant 0 : i32
      %dma_start3A_1202 = tpu.memref_slice %arg8[%dma_start3A_1200, %dma_start3A_1201] : memref<104x128xf32, #tpu.memory_space<vmem>> -> memref<96x128xf32, #tpu.memory_space<vmem>>
      %dma_start3A_1203 = arith.constant 104 : i32
      %dma_start3A_1204 = arith.constant 0 : i32
      %dma_start3A_1205 = tpu.memref_slice %arg4[%add3A_1199, %dma_start3A_1203, %dma_start3A_1204] : memref<1024x200x128xf32, #tpu.memory_space<hbm>> -> memref<1x96x128xf32, #tpu.memory_space<hbm>>
      %dma_start3A_1206 = tpu.memref_squeeze %dma_start3A_1205 : memref<1x96x128xf32, #tpu.memory_space<hbm>> -> memref<96x128xf32, #tpu.memory_space<hbm>>
      %dma_start3A_1207 = arith.constant 104 : i32
      %dma_start3A_1208 = arith.constant 0 : i32
      %dma_start3A_1209 = tpu.memref_slice %arg4[%add3A_1199, %dma_start3A_1207, %dma_start3A_1208] : memref<1024x200x128xf32, #tpu.memory_space<hbm>> -> memref<1x96x128xf32, #tpu.memory_space<hbm>>
      %dma_start3A_1210 = tpu.memref_squeeze %dma_start3A_1209 : memref<1x96x128xf32, #tpu.memory_space<hbm>> -> memref<96x128xf32, #tpu.memory_space<hbm>>
      %dma_start3A_1211 = arith.constant 0 : i32
      %dma_start3A_1212 = arith.constant 0 : i32
      %dma_start3A_1213 = tpu.memref_slice %arg8[%dma_start3A_1211, %dma_start3A_1212] : memref<104x128xf32, #tpu.memory_space<vmem>> -> memref<96x128xf32, #tpu.memory_space<vmem>>
      tpu.enqueue_dma source(%dma_start3A_1213 : memref<96x128xf32, #tpu.memory_space<vmem>>) target(%dma_start3A_1210 : memref<96x128xf32, #tpu.memory_space<hbm>>) target_semaphore(%arg15 : memref<!tpu.dma_semaphore, #tpu.memory_space<semaphore_mem>>)
      %add3A_1214 = arith.constant -1 : i32
      %add3A_1215 = arith.addi %add3A_1138, %add3A_1214 : i32
      %jit3A_1216 = arith.constant 2 : i32
      %div3A_1217 = arith.divsi %add3A_1215, %jit3A_1216 : i32
      %sign3A_1218 = arith.constant 0 : i32
      %sign3A_1219 = arith.cmpi sgt, %add3A_1215, %sign3A_1218 : i32
      %sign3A_1220 = arith.extui %sign3A_1219 : i1 to i32
      %sign3A_1221 = arith.constant 0 : i32
      %sign3A_1222 = arith.cmpi slt, %add3A_1215, %sign3A_1221 : i32
      %sign3A_1223 = arith.extui %sign3A_1222 : i1 to i32
      %sign3A_1224 = arith.subi %sign3A_1220, %sign3A_1223 : i32
      %sign3A_1225 = arith.constant 0 : i32
      %sign3A_1226 = arith.cmpi sgt, %jit3A_1216, %sign3A_1225 : i32
      %sign3A_1227 = arith.extui %sign3A_1226 : i1 to i32
      %sign3A_1228 = arith.constant 0 : i32
      %sign3A_1229 = arith.cmpi slt, %jit3A_1216, %sign3A_1228 : i32
      %sign3A_1230 = arith.extui %sign3A_1229 : i1 to i32
      %sign3A_1231 = arith.subi %sign3A_1227, %sign3A_1230 : i32
      %ne3A_1232 = arith.cmpi ne, %sign3A_1224, %sign3A_1231 : i32
      %rem3A_1233 = arith.remsi %add3A_1215, %jit3A_1216 : i32
      %ne3A_1234 = arith.constant 0 : i32
      %ne3A_1235 = arith.cmpi ne, %rem3A_1233, %ne3A_1234 : i32
      %and3A_1236 = arith.andi %ne3A_1232, %ne3A_1235 : i1
      %sub3A_1237 = arith.constant 1 : i32
      %sub3A_1238 = arith.subi %div3A_1217, %sub3A_1237 : i32
      %select_n3A_1239 = arith.select %and3A_1236, %sub3A_1238, %div3A_1217 : i32
      %add3A_1240 = arith.addi %mul3A_2, %select_n3A_1239 : i32
      %dma_wait3A_1241 = arith.constant 0 : i32
      %dma_wait3A_1242 = arith.constant 0 : i32
      %dma_wait3A_1243 = tpu.memref_slice %arg10[%dma_wait3A_1241, %dma_wait3A_1242] : memref<104x128xf32, #tpu.memory_space<vmem>> -> memref<104x128xf32, #tpu.memory_space<vmem>>
      %dma_wait3A_1244 = arith.constant 0 : i32
      %dma_wait3A_1245 = arith.constant 0 : i32
      %dma_wait3A_1246 = tpu.memref_slice %arg4[%add3A_1240, %dma_wait3A_1244, %dma_wait3A_1245] : memref<1024x200x128xf32, #tpu.memory_space<hbm>> -> memref<1x104x128xf32, #tpu.memory_space<hbm>>
      %dma_wait3A_1247 = tpu.memref_squeeze %dma_wait3A_1246 : memref<1x104x128xf32, #tpu.memory_space<hbm>> -> memref<104x128xf32, #tpu.memory_space<hbm>>
      %dma_wait3A_1248 = arith.constant 0 : i32
      %dma_wait3A_1249 = arith.constant 0 : i32
      %dma_wait3A_1250 = tpu.memref_slice %arg4[%add3A_1240, %dma_wait3A_1248, %dma_wait3A_1249] : memref<1024x200x128xf32, #tpu.memory_space<hbm>> -> memref<1x104x128xf32, #tpu.memory_space<hbm>>
      %dma_wait3A_1251 = tpu.memref_squeeze %dma_wait3A_1250 : memref<1x104x128xf32, #tpu.memory_space<hbm>> -> memref<104x128xf32, #tpu.memory_space<hbm>>
      %dma_wait3A_1252 = arith.constant 0 : i32
      %dma_wait3A_1253 = arith.constant 0 : i32
      %dma_wait3A_1254 = tpu.memref_slice %arg10[%dma_wait3A_1252, %dma_wait3A_1253] : memref<104x128xf32, #tpu.memory_space<vmem>> -> memref<104x128xf32, #tpu.memory_space<vmem>>
      tpu.wait_dma2 semaphore(%arg17 : memref<!tpu.dma_semaphore, #tpu.memory_space<semaphore_mem>>) src(%dma_wait3A_1254 : memref<104x128xf32, #tpu.memory_space<vmem>>) dst(%dma_wait3A_1251 : memref<104x128xf32, #tpu.memory_space<hbm>>)
      %add3A_1255 = arith.constant 2 : i32
      %add3A_1256 = arith.addi %add3A_1138, %add3A_1255 : i32
      %jit3A_1257 = arith.constant 2 : i32
      %div3A_1258 = arith.divsi %add3A_1256, %jit3A_1257 : i32
      %sign3A_1259 = arith.constant 0 : i32
      %sign3A_1260 = arith.cmpi sgt, %add3A_1256, %sign3A_1259 : i32
      %sign3A_1261 = arith.extui %sign3A_1260 : i1 to i32
      %sign3A_1262 = arith.constant 0 : i32
      %sign3A_1263 = arith.cmpi slt, %add3A_1256, %sign3A_1262 : i32
      %sign3A_1264 = arith.extui %sign3A_1263 : i1 to i32
      %sign3A_1265 = arith.subi %sign3A_1261, %sign3A_1264 : i32
      %sign3A_1266 = arith.constant 0 : i32
      %sign3A_1267 = arith.cmpi sgt, %jit3A_1257, %sign3A_1266 : i32
      %sign3A_1268 = arith.extui %sign3A_1267 : i1 to i32
      %sign3A_1269 = arith.constant 0 : i32
      %sign3A_1270 = arith.cmpi slt, %jit3A_1257, %sign3A_1269 : i32
      %sign3A_1271 = arith.extui %sign3A_1270 : i1 to i32
      %sign3A_1272 = arith.subi %sign3A_1268, %sign3A_1271 : i32
      %ne3A_1273 = arith.cmpi ne, %sign3A_1265, %sign3A_1272 : i32
      %rem3A_1274 = arith.remsi %add3A_1256, %jit3A_1257 : i32
      %ne3A_1275 = arith.constant 0 : i32
      %ne3A_1276 = arith.cmpi ne, %rem3A_1274, %ne3A_1275 : i32
      %and3A_1277 = arith.andi %ne3A_1273, %ne3A_1276 : i1
      %sub3A_1278 = arith.constant 1 : i32
      %sub3A_1279 = arith.subi %div3A_1258, %sub3A_1278 : i32
      %select_n3A_1280 = arith.select %and3A_1277, %sub3A_1279, %div3A_1258 : i32
      %dma_start3A_1281 = arith.constant 0 : i32
      %dma_start3A_1282 = arith.constant 0 : i32
      %dma_start3A_1283 = tpu.memref_slice %arg10[%dma_start3A_1281, %dma_start3A_1282] : memref<104x128xf32, #tpu.memory_space<vmem>> -> memref<96x128xf32, #tpu.memory_space<vmem>>
      %dma_start3A_1284 = arith.constant 104 : i32
      %dma_start3A_1285 = tpu.memref_slice %arg6[%dma_start3A_1284] : memref<200xi32, #tpu.memory_space<vmem>> -> memref<96xi32, #tpu.memory_space<vmem>>
      %dma_start3A_1286 = arith.constant 0 : i32
      %dma_start3A_1287 = arith.constant 0 : i32
      %dma_start3A_1288 = tpu.memref_slice %arg11[%dma_start3A_1286, %dma_start3A_1287] : memref<10000x128xf32, #tpu.memory_space<vmem_shared>> -> memref<10000x128xf32, #tpu.memory_space<vmem_shared>>
      tpu.enqueue_indirect_dma source(%dma_start3A_1288 : memref<10000x128xf32, #tpu.memory_space<vmem_shared>>) target(%dma_start3A_1283 : memref<96x128xf32, #tpu.memory_space<vmem>>) offsets(%dma_start3A_1285 : memref<96xi32, #tpu.memory_space<vmem>>) semaphore(%arg14 : memref<!tpu.dma_semaphore, #tpu.memory_space<semaphore_mem>>)
      %add3A_1289 = arith.constant 2 : i32
      %add3A_1290 = arith.addi %add3A_729, %add3A_1289 : i32
      %add3A_1291 = arith.constant 0 : i32
      %add3A_1292 = arith.addi %add3A_1290, %add3A_1291 : i32
      %jit3A_1293 = arith.constant 2 : i32
      %div3A_1294 = arith.divsi %add3A_1292, %jit3A_1293 : i32
      %sign3A_1295 = arith.constant 0 : i32
      %sign3A_1296 = arith.cmpi sgt, %add3A_1292, %sign3A_1295 : i32
      %sign3A_1297 = arith.extui %sign3A_1296 : i1 to i32
      %sign3A_1298 = arith.constant 0 : i32
      %sign3A_1299 = arith.cmpi slt, %add3A_1292, %sign3A_1298 : i32
      %sign3A_1300 = arith.extui %sign3A_1299 : i1 to i32
      %sign3A_1301 = arith.subi %sign3A_1297, %sign3A_1300 : i32
      %sign3A_1302 = arith.constant 0 : i32
      %sign3A_1303 = arith.cmpi sgt, %jit3A_1293, %sign3A_1302 : i32
      %sign3A_1304 = arith.extui %sign3A_1303 : i1 to i32
      %sign3A_1305 = arith.constant 0 : i32
      %sign3A_1306 = arith.cmpi slt, %jit3A_1293, %sign3A_1305 : i32
      %sign3A_1307 = arith.extui %sign3A_1306 : i1 to i32
      %sign3A_1308 = arith.subi %sign3A_1304, %sign3A_1307 : i32
      %ne3A_1309 = arith.cmpi ne, %sign3A_1301, %sign3A_1308 : i32
      %rem3A_1310 = arith.remsi %add3A_1292, %jit3A_1293 : i32
      %ne3A_1311 = arith.constant 0 : i32
      %ne3A_1312 = arith.cmpi ne, %rem3A_1310, %ne3A_1311 : i32
      %and3A_1313 = arith.andi %ne3A_1309, %ne3A_1312 : i1
      %sub3A_1314 = arith.constant 1 : i32
      %sub3A_1315 = arith.subi %div3A_1294, %sub3A_1314 : i32
      %select_n3A_1316 = arith.select %and3A_1313, %sub3A_1315, %div3A_1294 : i32
      %dma_wait3A_1317 = arith.constant 0 : i32
      %dma_wait3A_1318 = arith.constant 0 : i32
      %dma_wait3A_1319 = tpu.memref_slice %arg9[%dma_wait3A_1317, %dma_wait3A_1318] : memref<104x128xf32, #tpu.memory_space<vmem>> -> memref<104x128xf32, #tpu.memory_space<vmem>>
      %dma_wait3A_1320 = arith.constant 0 : i32
      %dma_wait3A_1321 = tpu.memref_slice %arg6[%dma_wait3A_1320] : memref<200xi32, #tpu.memory_space<vmem>> -> memref<104xi32, #tpu.memory_space<vmem>>
      %dma_wait3A_1322 = arith.constant 0 : i32
      %dma_wait3A_1323 = arith.constant 0 : i32
      %dma_wait3A_1324 = tpu.memref_slice %arg11[%dma_wait3A_1322, %dma_wait3A_1323] : memref<10000x128xf32, #tpu.memory_space<vmem_shared>> -> memref<10000x128xf32, #tpu.memory_space<vmem_shared>>
      tpu.wait_indirect_dma semaphore(%arg13 : memref<!tpu.dma_semaphore, #tpu.memory_space<semaphore_mem>>) src(%dma_wait3A_1324 : memref<10000x128xf32, #tpu.memory_space<vmem_shared>>) dst(%dma_wait3A_1319 : memref<104x128xf32, #tpu.memory_space<vmem>>)
      %add3A_1325 = arith.constant 0 : i32
      %add3A_1326 = arith.addi %add3A_1290, %add3A_1325 : i32
      %jit3A_1327 = arith.constant 2 : i32
      %div3A_1328 = arith.divsi %add3A_1326, %jit3A_1327 : i32
      %sign3A_1329 = arith.constant 0 : i32
      %sign3A_1330 = arith.cmpi sgt, %add3A_1326, %sign3A_1329 : i32
      %sign3A_1331 = arith.extui %sign3A_1330 : i1 to i32
      %sign3A_1332 = arith.constant 0 : i32
      %sign3A_1333 = arith.cmpi slt, %add3A_1326, %sign3A_1332 : i32
      %sign3A_1334 = arith.extui %sign3A_1333 : i1 to i32
      %sign3A_1335 = arith.subi %sign3A_1331, %sign3A_1334 : i32
      %sign3A_1336 = arith.constant 0 : i32
      %sign3A_1337 = arith.cmpi sgt, %jit3A_1327, %sign3A_1336 : i32
      %sign3A_1338 = arith.extui %sign3A_1337 : i1 to i32
      %sign3A_1339 = arith.constant 0 : i32
      %sign3A_1340 = arith.cmpi slt, %jit3A_1327, %sign3A_1339 : i32
      %sign3A_1341 = arith.extui %sign3A_1340 : i1 to i32
      %sign3A_1342 = arith.subi %sign3A_1338, %sign3A_1341 : i32
      %ne3A_1343 = arith.cmpi ne, %sign3A_1335, %sign3A_1342 : i32
      %rem3A_1344 = arith.remsi %add3A_1326, %jit3A_1327 : i32
      %ne3A_1345 = arith.constant 0 : i32
      %ne3A_1346 = arith.cmpi ne, %rem3A_1344, %ne3A_1345 : i32
      %and3A_1347 = arith.andi %ne3A_1343, %ne3A_1346 : i1
      %sub3A_1348 = arith.constant 1 : i32
      %sub3A_1349 = arith.subi %div3A_1328, %sub3A_1348 : i32
      %select_n3A_1350 = arith.select %and3A_1347, %sub3A_1349, %div3A_1328 : i32
      %add3A_1351 = arith.addi %mul3A_2, %select_n3A_1350 : i32
      %dma_start3A_1352 = arith.constant 0 : i32
      %dma_start3A_1353 = arith.constant 0 : i32
      %dma_start3A_1354 = tpu.memref_slice %arg9[%dma_start3A_1352, %dma_start3A_1353] : memref<104x128xf32, #tpu.memory_space<vmem>> -> memref<104x128xf32, #tpu.memory_space<vmem>>
      %dma_start3A_1355 = arith.constant 0 : i32
      %dma_start3A_1356 = arith.constant 0 : i32
      %dma_start3A_1357 = tpu.memref_slice %arg4[%add3A_1351, %dma_start3A_1355, %dma_start3A_1356] : memref<1024x200x128xf32, #tpu.memory_space<hbm>> -> memref<1x104x128xf32, #tpu.memory_space<hbm>>
      %dma_start3A_1358 = tpu.memref_squeeze %dma_start3A_1357 : memref<1x104x128xf32, #tpu.memory_space<hbm>> -> memref<104x128xf32, #tpu.memory_space<hbm>>
      %dma_start3A_1359 = arith.constant 0 : i32
      %dma_start3A_1360 = arith.constant 0 : i32
      %dma_start3A_1361 = tpu.memref_slice %arg4[%add3A_1351, %dma_start3A_1359, %dma_start3A_1360] : memref<1024x200x128xf32, #tpu.memory_space<hbm>> -> memref<1x104x128xf32, #tpu.memory_space<hbm>>
      %dma_start3A_1362 = tpu.memref_squeeze %dma_start3A_1361 : memref<1x104x128xf32, #tpu.memory_space<hbm>> -> memref<104x128xf32, #tpu.memory_space<hbm>>
      %dma_start3A_1363 = arith.constant 0 : i32
      %dma_start3A_1364 = arith.constant 0 : i32
      %dma_start3A_1365 = tpu.memref_slice %arg9[%dma_start3A_1363, %dma_start3A_1364] : memref<104x128xf32, #tpu.memory_space<vmem>> -> memref<104x128xf32, #tpu.memory_space<vmem>>
      tpu.enqueue_dma source(%dma_start3A_1365 : memref<104x128xf32, #tpu.memory_space<vmem>>) target(%dma_start3A_1362 : memref<104x128xf32, #tpu.memory_space<hbm>>) target_semaphore(%arg16 : memref<!tpu.dma_semaphore, #tpu.memory_space<semaphore_mem>>)
      %add3A_1366 = arith.constant -1 : i32
      %add3A_1367 = arith.addi %add3A_1290, %add3A_1366 : i32
      %jit3A_1368 = arith.constant 2 : i32
      %div3A_1369 = arith.divsi %add3A_1367, %jit3A_1368 : i32
      %sign3A_1370 = arith.constant 0 : i32
      %sign3A_1371 = arith.cmpi sgt, %add3A_1367, %sign3A_1370 : i32
      %sign3A_1372 = arith.extui %sign3A_1371 : i1 to i32
      %sign3A_1373 = arith.constant 0 : i32
      %sign3A_1374 = arith.cmpi slt, %add3A_1367, %sign3A_1373 : i32
      %sign3A_1375 = arith.extui %sign3A_1374 : i1 to i32
      %sign3A_1376 = arith.subi %sign3A_1372, %sign3A_1375 : i32
      %sign3A_1377 = arith.constant 0 : i32
      %sign3A_1378 = arith.cmpi sgt, %jit3A_1368, %sign3A_1377 : i32
      %sign3A_1379 = arith.extui %sign3A_1378 : i1 to i32
      %sign3A_1380 = arith.constant 0 : i32
      %sign3A_1381 = arith.cmpi slt, %jit3A_1368, %sign3A_1380 : i32
      %sign3A_1382 = arith.extui %sign3A_1381 : i1 to i32
      %sign3A_1383 = arith.subi %sign3A_1379, %sign3A_1382 : i32
      %ne3A_1384 = arith.cmpi ne, %sign3A_1376, %sign3A_1383 : i32
      %rem3A_1385 = arith.remsi %add3A_1367, %jit3A_1368 : i32
      %ne3A_1386 = arith.constant 0 : i32
      %ne3A_1387 = arith.cmpi ne, %rem3A_1385, %ne3A_1386 : i32
      %and3A_1388 = arith.andi %ne3A_1384, %ne3A_1387 : i1
      %sub3A_1389 = arith.constant 1 : i32
      %sub3A_1390 = arith.subi %div3A_1369, %sub3A_1389 : i32
      %select_n3A_1391 = arith.select %and3A_1388, %sub3A_1390, %div3A_1369 : i32
      %add3A_1392 = arith.addi %mul3A_2, %select_n3A_1391 : i32
      %dma_wait3A_1393 = arith.constant 0 : i32
      %dma_wait3A_1394 = arith.constant 0 : i32
      %dma_wait3A_1395 = tpu.memref_slice %arg8[%dma_wait3A_1393, %dma_wait3A_1394] : memref<104x128xf32, #tpu.memory_space<vmem>> -> memref<96x128xf32, #tpu.memory_space<vmem>>
      %dma_wait3A_1396 = arith.constant 104 : i32
      %dma_wait3A_1397 = arith.constant 0 : i32
      %dma_wait3A_1398 = tpu.memref_slice %arg4[%add3A_1392, %dma_wait3A_1396, %dma_wait3A_1397] : memref<1024x200x128xf32, #tpu.memory_space<hbm>> -> memref<1x96x128xf32, #tpu.memory_space<hbm>>
      %dma_wait3A_1399 = tpu.memref_squeeze %dma_wait3A_1398 : memref<1x96x128xf32, #tpu.memory_space<hbm>> -> memref<96x128xf32, #tpu.memory_space<hbm>>
      %dma_wait3A_1400 = arith.constant 104 : i32
      %dma_wait3A_1401 = arith.constant 0 : i32
      %dma_wait3A_1402 = tpu.memref_slice %arg4[%add3A_1392, %dma_wait3A_1400, %dma_wait3A_1401] : memref<1024x200x128xf32, #tpu.memory_space<hbm>> -> memref<1x96x128xf32, #tpu.memory_space<hbm>>
      %dma_wait3A_1403 = tpu.memref_squeeze %dma_wait3A_1402 : memref<1x96x128xf32, #tpu.memory_space<hbm>> -> memref<96x128xf32, #tpu.memory_space<hbm>>
      %dma_wait3A_1404 = arith.constant 0 : i32
      %dma_wait3A_1405 = arith.constant 0 : i32
      %dma_wait3A_1406 = tpu.memref_slice %arg8[%dma_wait3A_1404, %dma_wait3A_1405] : memref<104x128xf32, #tpu.memory_space<vmem>> -> memref<96x128xf32, #tpu.memory_space<vmem>>
      tpu.wait_dma2 semaphore(%arg15 : memref<!tpu.dma_semaphore, #tpu.memory_space<semaphore_mem>>) src(%dma_wait3A_1406 : memref<96x128xf32, #tpu.memory_space<vmem>>) dst(%dma_wait3A_1403 : memref<96x128xf32, #tpu.memory_space<hbm>>)
      %add3A_1407 = arith.constant 2 : i32
      %add3A_1408 = arith.addi %add3A_1290, %add3A_1407 : i32
      %jit3A_1409 = arith.constant 2 : i32
      %div3A_1410 = arith.divsi %add3A_1408, %jit3A_1409 : i32
      %sign3A_1411 = arith.constant 0 : i32
      %sign3A_1412 = arith.cmpi sgt, %add3A_1408, %sign3A_1411 : i32
      %sign3A_1413 = arith.extui %sign3A_1412 : i1 to i32
      %sign3A_1414 = arith.constant 0 : i32
      %sign3A_1415 = arith.cmpi slt, %add3A_1408, %sign3A_1414 : i32
      %sign3A_1416 = arith.extui %sign3A_1415 : i1 to i32
      %sign3A_1417 = arith.subi %sign3A_1413, %sign3A_1416 : i32
      %sign3A_1418 = arith.constant 0 : i32
      %sign3A_1419 = arith.cmpi sgt, %jit3A_1409, %sign3A_1418 : i32
      %sign3A_1420 = arith.extui %sign3A_1419 : i1 to i32
      %sign3A_1421 = arith.constant 0 : i32
      %sign3A_1422 = arith.cmpi slt, %jit3A_1409, %sign3A_1421 : i32
      %sign3A_1423 = arith.extui %sign3A_1422 : i1 to i32
      %sign3A_1424 = arith.subi %sign3A_1420, %sign3A_1423 : i32
      %ne3A_1425 = arith.cmpi ne, %sign3A_1417, %sign3A_1424 : i32
      %rem3A_1426 = arith.remsi %add3A_1408, %jit3A_1409 : i32
      %ne3A_1427 = arith.constant 0 : i32
      %ne3A_1428 = arith.cmpi ne, %rem3A_1426, %ne3A_1427 : i32
      %and3A_1429 = arith.andi %ne3A_1425, %ne3A_1428 : i1
      %sub3A_1430 = arith.constant 1 : i32
      %sub3A_1431 = arith.subi %div3A_1410, %sub3A_1430 : i32
      %select_n3A_1432 = arith.select %and3A_1429, %sub3A_1431, %div3A_1410 : i32
      %get3A_1433 = arith.index_cast %select_n3A_1432 : i32 to index
      %get3A_1434 = arith.constant 0 : index
      %get3A_1435 = tpu.vector_load %arg5[%get3A_1433, %get3A_1434] {strides = array<i32>} : memref<32x200xi32, #tpu.memory_space<vmem>>, vector<1x16xi32>,
      %get3A_1436 = vector.shape_cast %get3A_1435 : vector<1x16xi32> to vector<16xi32>
      %get3A_1437 = arith.index_cast %select_n3A_1432 : i32 to index
      %get3A_1438 = arith.constant 16 : index
      %get3A_1439 = tpu.vector_load %arg5[%get3A_1437, %get3A_1438] {strides = array<i32>} : memref<32x200xi32, #tpu.memory_space<vmem>>, vector<1x16xi32>,
      %get3A_1440 = vector.shape_cast %get3A_1439 : vector<1x16xi32> to vector<16xi32>
      %min3A_1441 = arith.minsi %get3A_1436, %get3A_1440 : vector<16xi32>
      %get3A_1442 = arith.index_cast %select_n3A_1432 : i32 to index
      %get3A_1443 = arith.constant 32 : index
      %get3A_1444 = tpu.vector_load %arg5[%get3A_1442, %get3A_1443] {strides = array<i32>} : memref<32x200xi32, #tpu.memory_space<vmem>>, vector<1x16xi32>,
      %get3A_1445 = vector.shape_cast %get3A_1444 : vector<1x16xi32> to vector<16xi32>
      %min3A_1446 = arith.minsi %min3A_1441, %get3A_1445 : vector<16xi32>
      %get3A_1447 = arith.index_cast %select_n3A_1432 : i32 to index
      %get3A_1448 = arith.constant 48 : index
      %get3A_1449 = tpu.vector_load %arg5[%get3A_1447, %get3A_1448] {strides = array<i32>} : memref<32x200xi32, #tpu.memory_space<vmem>>, vector<1x16xi32>,
      %get3A_1450 = vector.shape_cast %get3A_1449 : vector<1x16xi32> to vector<16xi32>
      %min3A_1451 = arith.minsi %min3A_1446, %get3A_1450 : vector<16xi32>
      %get3A_1452 = arith.index_cast %select_n3A_1432 : i32 to index
      %get3A_1453 = arith.constant 64 : index
      %get3A_1454 = tpu.vector_load %arg5[%get3A_1452, %get3A_1453] {strides = array<i32>} : memref<32x200xi32, #tpu.memory_space<vmem>>, vector<1x16xi32>,
      %get3A_1455 = vector.shape_cast %get3A_1454 : vector<1x16xi32> to vector<16xi32>
      %min3A_1456 = arith.minsi %min3A_1451, %get3A_1455 : vector<16xi32>
      %get3A_1457 = arith.index_cast %select_n3A_1432 : i32 to index
      %get3A_1458 = arith.constant 80 : index
      %get3A_1459 = tpu.vector_load %arg5[%get3A_1457, %get3A_1458] {strides = array<i32>} : memref<32x200xi32, #tpu.memory_space<vmem>>, vector<1x16xi32>,
      %get3A_1460 = vector.shape_cast %get3A_1459 : vector<1x16xi32> to vector<16xi32>
      %min3A_1461 = arith.minsi %min3A_1456, %get3A_1460 : vector<16xi32>
      %get3A_1462 = arith.index_cast %select_n3A_1432 : i32 to index
      %get3A_1463 = arith.constant 96 : index
      %get3A_1464 = tpu.vector_load %arg5[%get3A_1462, %get3A_1463] {strides = array<i32>} : memref<32x200xi32, #tpu.memory_space<vmem>>, vector<1x16xi32>,
      %get3A_1465 = vector.shape_cast %get3A_1464 : vector<1x16xi32> to vector<16xi32>
      %min3A_1466 = arith.minsi %min3A_1461, %get3A_1465 : vector<16xi32>
      %get3A_1467 = arith.index_cast %select_n3A_1432 : i32 to index
      %get3A_1468 = arith.constant 112 : index
      %get3A_1469 = tpu.vector_load %arg5[%get3A_1467, %get3A_1468] {strides = array<i32>} : memref<32x200xi32, #tpu.memory_space<vmem>>, vector<1x16xi32>,
      %get3A_1470 = vector.shape_cast %get3A_1469 : vector<1x16xi32> to vector<16xi32>
      %min3A_1471 = arith.minsi %min3A_1466, %get3A_1470 : vector<16xi32>
      %get3A_1472 = arith.index_cast %select_n3A_1432 : i32 to index
      %get3A_1473 = arith.constant 128 : index
      %get3A_1474 = tpu.vector_load %arg5[%get3A_1472, %get3A_1473] {strides = array<i32>} : memref<32x200xi32, #tpu.memory_space<vmem>>, vector<1x16xi32>,
      %get3A_1475 = vector.shape_cast %get3A_1474 : vector<1x16xi32> to vector<16xi32>
      %min3A_1476 = arith.minsi %min3A_1471, %get3A_1475 : vector<16xi32>
      %get3A_1477 = arith.index_cast %select_n3A_1432 : i32 to index
      %get3A_1478 = arith.constant 144 : index
      %get3A_1479 = tpu.vector_load %arg5[%get3A_1477, %get3A_1478] {strides = array<i32>} : memref<32x200xi32, #tpu.memory_space<vmem>>, vector<1x16xi32>,
      %get3A_1480 = vector.shape_cast %get3A_1479 : vector<1x16xi32> to vector<16xi32>
      %min3A_1481 = arith.minsi %min3A_1476, %get3A_1480 : vector<16xi32>
      %get3A_1482 = arith.index_cast %select_n3A_1432 : i32 to index
      %get3A_1483 = arith.constant 160 : index
      %get3A_1484 = tpu.vector_load %arg5[%get3A_1482, %get3A_1483] {strides = array<i32>} : memref<32x200xi32, #tpu.memory_space<vmem>>, vector<1x16xi32>,
      %get3A_1485 = vector.shape_cast %get3A_1484 : vector<1x16xi32> to vector<16xi32>
      %min3A_1486 = arith.minsi %min3A_1481, %get3A_1485 : vector<16xi32>
      %get3A_1487 = arith.index_cast %select_n3A_1432 : i32 to index
      %get3A_1488 = arith.constant 176 : index
      %get3A_1489 = tpu.vector_load %arg5[%get3A_1487, %get3A_1488] {strides = array<i32>} : memref<32x200xi32, #tpu.memory_space<vmem>>, vector<1x16xi32>,
      %get3A_1490 = vector.shape_cast %get3A_1489 : vector<1x16xi32> to vector<16xi32>
      %min3A_1491 = arith.minsi %min3A_1486, %get3A_1490 : vector<16xi32>
      %get3A_1492 = arith.index_cast %select_n3A_1432 : i32 to index
      %get3A_1493 = arith.constant 184 : index
      %get3A_1494 = tpu.vector_load %arg5[%get3A_1492, %get3A_1493] {strides = array<i32>} : memref<32x200xi32, #tpu.memory_space<vmem>>, vector<1x16xi32>,
      %get3A_1495 = vector.shape_cast %get3A_1494 : vector<1x16xi32> to vector<16xi32>
      %min3A_1496 = arith.minsi %min3A_1491, %get3A_1495 : vector<16xi32>
      %iota3A_1497 = tpu.iota {dimensions = array<i32: 0>} : vector<16xi32>
      %add3A_1498 = arith.constant 8 : i32
      %add3A_1499 = vector.broadcast %add3A_1498 : i32 to vector<16xi32>
      %add3A_1500 = arith.addi %iota3A_1497, %add3A_1499 : vector<16xi32>
      %rem3A_1501 = arith.constant 16 : i32
      %rem3A_1502 = vector.broadcast %rem3A_1501 : i32 to vector<16xi32>
      %rem3A_1503 = arith.remsi %add3A_1500, %rem3A_1502 : vector<16xi32>
      %broadcast_in_dim3A_1504 = vector.shape_cast %rem3A_1503 : vector<16xi32> to vector<16x1xi32>
      %gather3A_1505 = vector.shape_cast %broadcast_in_dim3A_1504 : vector<16x1xi32> to vector<16xi32>
      %gather3A_1506 = tpu.dynamic_gather %min3A_1496[%gather3A_1505] in [0] : vector<16xi32>, vector<16xi32> -> vector<16xi32>
      %min3A_1507 = arith.minsi %min3A_1496, %gather3A_1506 : vector<16xi32>
      %add3A_1508 = arith.constant 4 : i32
      %add3A_1509 = vector.broadcast %add3A_1508 : i32 to vector<16xi32>
      %add3A_1510 = arith.addi %iota3A_1497, %add3A_1509 : vector<16xi32>
      %rem3A_1511 = arith.constant 16 : i32
      %rem3A_1512 = vector.broadcast %rem3A_1511 : i32 to vector<16xi32>
      %rem3A_1513 = arith.remsi %add3A_1510, %rem3A_1512 : vector<16xi32>
      %broadcast_in_dim3A_1514 = vector.shape_cast %rem3A_1513 : vector<16xi32> to vector<16x1xi32>
      %gather3A_1515 = vector.shape_cast %broadcast_in_dim3A_1514 : vector<16x1xi32> to vector<16xi32>
      %gather3A_1516 = tpu.dynamic_gather %min3A_1507[%gather3A_1515] in [0] : vector<16xi32>, vector<16xi32> -> vector<16xi32>
      %min3A_1517 = arith.minsi %min3A_1507, %gather3A_1516 : vector<16xi32>
      %add3A_1518 = arith.constant 2 : i32
      %add3A_1519 = vector.broadcast %add3A_1518 : i32 to vector<16xi32>
      %add3A_1520 = arith.addi %iota3A_1497, %add3A_1519 : vector<16xi32>
      %rem3A_1521 = arith.constant 16 : i32
      %rem3A_1522 = vector.broadcast %rem3A_1521 : i32 to vector<16xi32>
      %rem3A_1523 = arith.remsi %add3A_1520, %rem3A_1522 : vector<16xi32>
      %broadcast_in_dim3A_1524 = vector.shape_cast %rem3A_1523 : vector<16xi32> to vector<16x1xi32>
      %gather3A_1525 = vector.shape_cast %broadcast_in_dim3A_1524 : vector<16x1xi32> to vector<16xi32>
      %gather3A_1526 = tpu.dynamic_gather %min3A_1517[%gather3A_1525] in [0] : vector<16xi32>, vector<16xi32> -> vector<16xi32>
      %min3A_1527 = arith.minsi %min3A_1517, %gather3A_1526 : vector<16xi32>
      %add3A_1528 = arith.constant 1 : i32
      %add3A_1529 = vector.broadcast %add3A_1528 : i32 to vector<16xi32>
      %add3A_1530 = arith.addi %iota3A_1497, %add3A_1529 : vector<16xi32>
      %rem3A_1531 = arith.constant 16 : i32
      %rem3A_1532 = vector.broadcast %rem3A_1531 : i32 to vector<16xi32>
      %rem3A_1533 = arith.remsi %add3A_1530, %rem3A_1532 : vector<16xi32>
      %broadcast_in_dim3A_1534 = vector.shape_cast %rem3A_1533 : vector<16xi32> to vector<16x1xi32>
      %gather3A_1535 = vector.shape_cast %broadcast_in_dim3A_1534 : vector<16x1xi32> to vector<16xi32>
      %gather3A_1536 = tpu.dynamic_gather %min3A_1527[%gather3A_1535] in [0] : vector<16xi32>, vector<16xi32> -> vector<16xi32>
      %min3A_1537 = arith.minsi %min3A_1527, %gather3A_1536 : vector<16xi32>
      %get3A_1538 = arith.index_cast %select_n3A_1432 : i32 to index
      %get3A_1539 = arith.constant 0 : index
      %get3A_1540 = tpu.vector_load %arg5[%get3A_1538, %get3A_1539] {strides = array<i32>} : memref<32x200xi32, #tpu.memory_space<vmem>>, vector<1x16xi32>,
      %get3A_1541 = vector.shape_cast %get3A_1540 : vector<1x16xi32> to vector<16xi32>
      %sub3A_1542 = arith.subi %get3A_1541, %min3A_1537 : vector<16xi32>
      %abs3A_1543 = math.absi %sub3A_1542 : vector<16xi32>
      %swap3A_1544 = arith.constant 0 : index
      %swap3A_1545 = tpu.vector_load %arg7[%swap3A_1544] {strides = array<i32>} : memref<200xi32, #tpu.memory_space<vmem>>, vector<16xi32>,
      %swap3A_1546 = vector.shape_cast %swap3A_1545 : vector<16xi32> to vector<16xi32>
      %swap3A_1547 = vector.shape_cast %abs3A_1543 : vector<16xi32> to vector<16xi32>
      tpu.vector_store %arg7[%swap3A_1544], %swap3A_1547 {strides = array<i32>} : memref<200xi32, #tpu.memory_space<vmem>>, vector<16xi32>,
      %get3A_1548 = arith.index_cast %select_n3A_1432 : i32 to index
      %get3A_1549 = arith.constant 16 : index
      %get3A_1550 = tpu.vector_load %arg5[%get3A_1548, %get3A_1549] {strides = array<i32>} : memref<32x200xi32, #tpu.memory_space<vmem>>, vector<1x16xi32>,
      %get3A_1551 = vector.shape_cast %get3A_1550 : vector<1x16xi32> to vector<16xi32>
      %sub3A_1552 = arith.subi %get3A_1551, %min3A_1537 : vector<16xi32>
      %abs3A_1553 = math.absi %sub3A_1552 : vector<16xi32>
      %swap3A_1554 = arith.constant 16 : index
      %swap3A_1555 = tpu.vector_load %arg7[%swap3A_1554] {strides = array<i32>} : memref<200xi32, #tpu.memory_space<vmem>>, vector<16xi32>,
      %swap3A_1556 = vector.shape_cast %swap3A_1555 : vector<16xi32> to vector<16xi32>
      %swap3A_1557 = vector.shape_cast %abs3A_1553 : vector<16xi32> to vector<16xi32>
      tpu.vector_store %arg7[%swap3A_1554], %swap3A_1557 {strides = array<i32>} : memref<200xi32, #tpu.memory_space<vmem>>, vector<16xi32>,
      %get3A_1558 = arith.index_cast %select_n3A_1432 : i32 to index
      %get3A_1559 = arith.constant 32 : index
      %get3A_1560 = tpu.vector_load %arg5[%get3A_1558, %get3A_1559] {strides = array<i32>} : memref<32x200xi32, #tpu.memory_space<vmem>>, vector<1x16xi32>,
      %get3A_1561 = vector.shape_cast %get3A_1560 : vector<1x16xi32> to vector<16xi32>
      %sub3A_1562 = arith.subi %get3A_1561, %min3A_1537 : vector<16xi32>
      %abs3A_1563 = math.absi %sub3A_1562 : vector<16xi32>
      %swap3A_1564 = arith.constant 32 : index
      %swap3A_1565 = tpu.vector_load %arg7[%swap3A_1564] {strides = array<i32>} : memref<200xi32, #tpu.memory_space<vmem>>, vector<16xi32>,
      %swap3A_1566 = vector.shape_cast %swap3A_1565 : vector<16xi32> to vector<16xi32>
      %swap3A_1567 = vector.shape_cast %abs3A_1563 : vector<16xi32> to vector<16xi32>
      tpu.vector_store %arg7[%swap3A_1564], %swap3A_1567 {strides = array<i32>} : memref<200xi32, #tpu.memory_space<vmem>>, vector<16xi32>,
      %get3A_1568 = arith.index_cast %select_n3A_1432 : i32 to index
      %get3A_1569 = arith.constant 48 : index
      %get3A_1570 = tpu.vector_load %arg5[%get3A_1568, %get3A_1569] {strides = array<i32>} : memref<32x200xi32, #tpu.memory_space<vmem>>, vector<1x16xi32>,
      %get3A_1571 = vector.shape_cast %get3A_1570 : vector<1x16xi32> to vector<16xi32>
      %sub3A_1572 = arith.subi %get3A_1571, %min3A_1537 : vector<16xi32>
      %abs3A_1573 = math.absi %sub3A_1572 : vector<16xi32>
      %swap3A_1574 = arith.constant 48 : index
      %swap3A_1575 = tpu.vector_load %arg7[%swap3A_1574] {strides = array<i32>} : memref<200xi32, #tpu.memory_space<vmem>>, vector<16xi32>,
      %swap3A_1576 = vector.shape_cast %swap3A_1575 : vector<16xi32> to vector<16xi32>
      %swap3A_1577 = vector.shape_cast %abs3A_1573 : vector<16xi32> to vector<16xi32>
      tpu.vector_store %arg7[%swap3A_1574], %swap3A_1577 {strides = array<i32>} : memref<200xi32, #tpu.memory_space<vmem>>, vector<16xi32>,
      %get3A_1578 = arith.index_cast %select_n3A_1432 : i32 to index
      %get3A_1579 = arith.constant 64 : index
      %get3A_1580 = tpu.vector_load %arg5[%get3A_1578, %get3A_1579] {strides = array<i32>} : memref<32x200xi32, #tpu.memory_space<vmem>>, vector<1x16xi32>,
      %get3A_1581 = vector.shape_cast %get3A_1580 : vector<1x16xi32> to vector<16xi32>
      %sub3A_1582 = arith.subi %get3A_1581, %min3A_1537 : vector<16xi32>
      %abs3A_1583 = math.absi %sub3A_1582 : vector<16xi32>
      %swap3A_1584 = arith.constant 64 : index
      %swap3A_1585 = tpu.vector_load %arg7[%swap3A_1584] {strides = array<i32>} : memref<200xi32, #tpu.memory_space<vmem>>, vector<16xi32>,
      %swap3A_1586 = vector.shape_cast %swap3A_1585 : vector<16xi32> to vector<16xi32>
      %swap3A_1587 = vector.shape_cast %abs3A_1583 : vector<16xi32> to vector<16xi32>
      tpu.vector_store %arg7[%swap3A_1584], %swap3A_1587 {strides = array<i32>} : memref<200xi32, #tpu.memory_space<vmem>>, vector<16xi32>,
      %get3A_1588 = arith.index_cast %select_n3A_1432 : i32 to index
      %get3A_1589 = arith.constant 80 : index
      %get3A_1590 = tpu.vector_load %arg5[%get3A_1588, %get3A_1589] {strides = array<i32>} : memref<32x200xi32, #tpu.memory_space<vmem>>, vector<1x16xi32>,
      %get3A_1591 = vector.shape_cast %get3A_1590 : vector<1x16xi32> to vector<16xi32>
      %sub3A_1592 = arith.subi %get3A_1591, %min3A_1537 : vector<16xi32>
      %abs3A_1593 = math.absi %sub3A_1592 : vector<16xi32>
      %swap3A_1594 = arith.constant 80 : index
      %swap3A_1595 = tpu.vector_load %arg7[%swap3A_1594] {strides = array<i32>} : memref<200xi32, #tpu.memory_space<vmem>>, vector<16xi32>,
      %swap3A_1596 = vector.shape_cast %swap3A_1595 : vector<16xi32> to vector<16xi32>
      %swap3A_1597 = vector.shape_cast %abs3A_1593 : vector<16xi32> to vector<16xi32>
      tpu.vector_store %arg7[%swap3A_1594], %swap3A_1597 {strides = array<i32>} : memref<200xi32, #tpu.memory_space<vmem>>, vector<16xi32>,
      %get3A_1598 = arith.index_cast %select_n3A_1432 : i32 to index
      %get3A_1599 = arith.constant 96 : index
      %get3A_1600 = tpu.vector_load %arg5[%get3A_1598, %get3A_1599] {strides = array<i32>} : memref<32x200xi32, #tpu.memory_space<vmem>>, vector<1x16xi32>,
      %get3A_1601 = vector.shape_cast %get3A_1600 : vector<1x16xi32> to vector<16xi32>
      %sub3A_1602 = arith.subi %get3A_1601, %min3A_1537 : vector<16xi32>
      %abs3A_1603 = math.absi %sub3A_1602 : vector<16xi32>
      %swap3A_1604 = arith.constant 96 : index
      %swap3A_1605 = tpu.vector_load %arg7[%swap3A_1604] {strides = array<i32>} : memref<200xi32, #tpu.memory_space<vmem>>, vector<16xi32>,
      %swap3A_1606 = vector.shape_cast %swap3A_1605 : vector<16xi32> to vector<16xi32>
      %swap3A_1607 = vector.shape_cast %abs3A_1603 : vector<16xi32> to vector<16xi32>
      tpu.vector_store %arg7[%swap3A_1604], %swap3A_1607 {strides = array<i32>} : memref<200xi32, #tpu.memory_space<vmem>>, vector<16xi32>,
      %get3A_1608 = arith.index_cast %select_n3A_1432 : i32 to index
      %get3A_1609 = arith.constant 112 : index
      %get3A_1610 = tpu.vector_load %arg5[%get3A_1608, %get3A_1609] {strides = array<i32>} : memref<32x200xi32, #tpu.memory_space<vmem>>, vector<1x16xi32>,
      %get3A_1611 = vector.shape_cast %get3A_1610 : vector<1x16xi32> to vector<16xi32>
      %sub3A_1612 = arith.subi %get3A_1611, %min3A_1537 : vector<16xi32>
      %abs3A_1613 = math.absi %sub3A_1612 : vector<16xi32>
      %swap3A_1614 = arith.constant 112 : index
      %swap3A_1615 = tpu.vector_load %arg7[%swap3A_1614] {strides = array<i32>} : memref<200xi32, #tpu.memory_space<vmem>>, vector<16xi32>,
      %swap3A_1616 = vector.shape_cast %swap3A_1615 : vector<16xi32> to vector<16xi32>
      %swap3A_1617 = vector.shape_cast %abs3A_1613 : vector<16xi32> to vector<16xi32>
      tpu.vector_store %arg7[%swap3A_1614], %swap3A_1617 {strides = array<i32>} : memref<200xi32, #tpu.memory_space<vmem>>, vector<16xi32>,
      %get3A_1618 = arith.index_cast %select_n3A_1432 : i32 to index
      %get3A_1619 = arith.constant 128 : index
      %get3A_1620 = tpu.vector_load %arg5[%get3A_1618, %get3A_1619] {strides = array<i32>} : memref<32x200xi32, #tpu.memory_space<vmem>>, vector<1x16xi32>,
      %get3A_1621 = vector.shape_cast %get3A_1620 : vector<1x16xi32> to vector<16xi32>
      %sub3A_1622 = arith.subi %get3A_1621, %min3A_1537 : vector<16xi32>
      %abs3A_1623 = math.absi %sub3A_1622 : vector<16xi32>
      %swap3A_1624 = arith.constant 128 : index
      %swap3A_1625 = tpu.vector_load %arg7[%swap3A_1624] {strides = array<i32>} : memref<200xi32, #tpu.memory_space<vmem>>, vector<16xi32>,
      %swap3A_1626 = vector.shape_cast %swap3A_1625 : vector<16xi32> to vector<16xi32>
      %swap3A_1627 = vector.shape_cast %abs3A_1623 : vector<16xi32> to vector<16xi32>
      tpu.vector_store %arg7[%swap3A_1624], %swap3A_1627 {strides = array<i32>} : memref<200xi32, #tpu.memory_space<vmem>>, vector<16xi32>,
      %get3A_1628 = arith.index_cast %select_n3A_1432 : i32 to index
      %get3A_1629 = arith.constant 144 : index
      %get3A_1630 = tpu.vector_load %arg5[%get3A_1628, %get3A_1629] {strides = array<i32>} : memref<32x200xi32, #tpu.memory_space<vmem>>, vector<1x16xi32>,
      %get3A_1631 = vector.shape_cast %get3A_1630 : vector<1x16xi32> to vector<16xi32>
      %sub3A_1632 = arith.subi %get3A_1631, %min3A_1537 : vector<16xi32>
      %abs3A_1633 = math.absi %sub3A_1632 : vector<16xi32>
      %swap3A_1634 = arith.constant 144 : index
      %swap3A_1635 = tpu.vector_load %arg7[%swap3A_1634] {strides = array<i32>} : memref<200xi32, #tpu.memory_space<vmem>>, vector<16xi32>,
      %swap3A_1636 = vector.shape_cast %swap3A_1635 : vector<16xi32> to vector<16xi32>
      %swap3A_1637 = vector.shape_cast %abs3A_1633 : vector<16xi32> to vector<16xi32>
      tpu.vector_store %arg7[%swap3A_1634], %swap3A_1637 {strides = array<i32>} : memref<200xi32, #tpu.memory_space<vmem>>, vector<16xi32>,
      %get3A_1638 = arith.index_cast %select_n3A_1432 : i32 to index
      %get3A_1639 = arith.constant 160 : index
      %get3A_1640 = tpu.vector_load %arg5[%get3A_1638, %get3A_1639] {strides = array<i32>} : memref<32x200xi32, #tpu.memory_space<vmem>>, vector<1x16xi32>,
      %get3A_1641 = vector.shape_cast %get3A_1640 : vector<1x16xi32> to vector<16xi32>
      %sub3A_1642 = arith.subi %get3A_1641, %min3A_1537 : vector<16xi32>
      %abs3A_1643 = math.absi %sub3A_1642 : vector<16xi32>
      %swap3A_1644 = arith.constant 160 : index
      %swap3A_1645 = tpu.vector_load %arg7[%swap3A_1644] {strides = array<i32>} : memref<200xi32, #tpu.memory_space<vmem>>, vector<16xi32>,
      %swap3A_1646 = vector.shape_cast %swap3A_1645 : vector<16xi32> to vector<16xi32>
      %swap3A_1647 = vector.shape_cast %abs3A_1643 : vector<16xi32> to vector<16xi32>
      tpu.vector_store %arg7[%swap3A_1644], %swap3A_1647 {strides = array<i32>} : memref<200xi32, #tpu.memory_space<vmem>>, vector<16xi32>,
      %get3A_1648 = arith.index_cast %select_n3A_1432 : i32 to index
      %get3A_1649 = arith.constant 176 : index
      %get3A_1650 = tpu.vector_load %arg5[%get3A_1648, %get3A_1649] {strides = array<i32>} : memref<32x200xi32, #tpu.memory_space<vmem>>, vector<1x16xi32>,
      %get3A_1651 = vector.shape_cast %get3A_1650 : vector<1x16xi32> to vector<16xi32>
      %sub3A_1652 = arith.subi %get3A_1651, %min3A_1537 : vector<16xi32>
      %abs3A_1653 = math.absi %sub3A_1652 : vector<16xi32>
      %swap3A_1654 = arith.constant 176 : index
      %swap3A_1655 = tpu.vector_load %arg7[%swap3A_1654] {strides = array<i32>} : memref<200xi32, #tpu.memory_space<vmem>>, vector<16xi32>,
      %swap3A_1656 = vector.shape_cast %swap3A_1655 : vector<16xi32> to vector<16xi32>
      %swap3A_1657 = vector.shape_cast %abs3A_1653 : vector<16xi32> to vector<16xi32>
      tpu.vector_store %arg7[%swap3A_1654], %swap3A_1657 {strides = array<i32>} : memref<200xi32, #tpu.memory_space<vmem>>, vector<16xi32>,
      %get3A_1658 = arith.index_cast %select_n3A_1432 : i32 to index
      %get3A_1659 = arith.constant 184 : index
      %get3A_1660 = tpu.vector_load %arg5[%get3A_1658, %get3A_1659] {strides = array<i32>} : memref<32x200xi32, #tpu.memory_space<vmem>>, vector<1x16xi32>,
      %get3A_1661 = vector.shape_cast %get3A_1660 : vector<1x16xi32> to vector<16xi32>
      %sub3A_1662 = arith.subi %get3A_1661, %min3A_1537 : vector<16xi32>
      %abs3A_1663 = math.absi %sub3A_1662 : vector<16xi32>
      %swap3A_1664 = arith.constant 184 : index
      %swap3A_1665 = tpu.vector_load %arg7[%swap3A_1664] {strides = array<i32>} : memref<200xi32, #tpu.memory_space<vmem>>, vector<16xi32>,
      %swap3A_1666 = vector.shape_cast %swap3A_1665 : vector<16xi32> to vector<16xi32>
      %swap3A_1667 = vector.shape_cast %abs3A_1663 : vector<16xi32> to vector<16xi32>
      tpu.vector_store %arg7[%swap3A_1664], %swap3A_1667 {strides = array<i32>} : memref<200xi32, #tpu.memory_space<vmem>>, vector<16xi32>,
      %add3A_1668 = arith.constant 2 : i32
      %add3A_1669 = arith.addi %add3A_1290, %add3A_1668 : i32
      %jit3A_1670 = arith.constant 2 : i32
      %div3A_1671 = arith.divsi %add3A_1669, %jit3A_1670 : i32
      %sign3A_1672 = arith.constant 0 : i32
      %sign3A_1673 = arith.cmpi sgt, %add3A_1669, %sign3A_1672 : i32
      %sign3A_1674 = arith.extui %sign3A_1673 : i1 to i32
      %sign3A_1675 = arith.constant 0 : i32
      %sign3A_1676 = arith.cmpi slt, %add3A_1669, %sign3A_1675 : i32
      %sign3A_1677 = arith.extui %sign3A_1676 : i1 to i32
      %sign3A_1678 = arith.subi %sign3A_1674, %sign3A_1677 : i32
      %sign3A_1679 = arith.constant 0 : i32
      %sign3A_1680 = arith.cmpi sgt, %jit3A_1670, %sign3A_1679 : i32
      %sign3A_1681 = arith.extui %sign3A_1680 : i1 to i32
      %sign3A_1682 = arith.constant 0 : i32
      %sign3A_1683 = arith.cmpi slt, %jit3A_1670, %sign3A_1682 : i32
      %sign3A_1684 = arith.extui %sign3A_1683 : i1 to i32
      %sign3A_1685 = arith.subi %sign3A_1681, %sign3A_1684 : i32
      %ne3A_1686 = arith.cmpi ne, %sign3A_1678, %sign3A_1685 : i32
      %rem3A_1687 = arith.remsi %add3A_1669, %jit3A_1670 : i32
      %ne3A_1688 = arith.constant 0 : i32
      %ne3A_1689 = arith.cmpi ne, %rem3A_1687, %ne3A_1688 : i32
      %and3A_1690 = arith.andi %ne3A_1686, %ne3A_1689 : i1
      %sub3A_1691 = arith.constant 1 : i32
      %sub3A_1692 = arith.subi %div3A_1671, %sub3A_1691 : i32
      %select_n3A_1693 = arith.select %and3A_1690, %sub3A_1692, %div3A_1671 : i32
      %dma_start3A_1694 = arith.constant 0 : i32
      %dma_start3A_1695 = arith.constant 0 : i32
      %dma_start3A_1696 = tpu.memref_slice %arg8[%dma_start3A_1694, %dma_start3A_1695] : memref<104x128xf32, #tpu.memory_space<vmem>> -> memref<104x128xf32, #tpu.memory_space<vmem>>
      %dma_start3A_1697 = arith.constant 0 : i32
      %dma_start3A_1698 = tpu.memref_slice %arg7[%dma_start3A_1697] : memref<200xi32, #tpu.memory_space<vmem>> -> memref<104xi32, #tpu.memory_space<vmem>>
      %dma_start3A_1699 = arith.constant 0 : i32
      %dma_start3A_1700 = arith.constant 0 : i32
      %dma_start3A_1701 = tpu.memref_slice %arg11[%dma_start3A_1699, %dma_start3A_1700] : memref<10000x128xf32, #tpu.memory_space<vmem_shared>> -> memref<10000x128xf32, #tpu.memory_space<vmem_shared>>
      tpu.enqueue_indirect_dma source(%dma_start3A_1701 : memref<10000x128xf32, #tpu.memory_space<vmem_shared>>) target(%dma_start3A_1696 : memref<104x128xf32, #tpu.memory_space<vmem>>) offsets(%dma_start3A_1698 : memref<104xi32, #tpu.memory_space<vmem>>) semaphore(%arg12 : memref<!tpu.dma_semaphore, #tpu.memory_space<semaphore_mem>>)
      %add3A_1702 = arith.constant 3 : i32
      %add3A_1703 = arith.addi %add3A_729, %add3A_1702 : i32
      %add3A_1704 = arith.constant 0 : i32
      %add3A_1705 = arith.addi %add3A_1703, %add3A_1704 : i32
      %jit3A_1706 = arith.constant 2 : i32
      %div3A_1707 = arith.divsi %add3A_1705, %jit3A_1706 : i32
      %sign3A_1708 = arith.constant 0 : i32
      %sign3A_1709 = arith.cmpi sgt, %add3A_1705, %sign3A_1708 : i32
      %sign3A_1710 = arith.extui %sign3A_1709 : i1 to i32
      %sign3A_1711 = arith.constant 0 : i32
      %sign3A_1712 = arith.cmpi slt, %add3A_1705, %sign3A_1711 : i32
      %sign3A_1713 = arith.extui %sign3A_1712 : i1 to i32
      %sign3A_1714 = arith.subi %sign3A_1710, %sign3A_1713 : i32
      %sign3A_1715 = arith.constant 0 : i32
      %sign3A_1716 = arith.cmpi sgt, %jit3A_1706, %sign3A_1715 : i32
      %sign3A_1717 = arith.extui %sign3A_1716 : i1 to i32
      %sign3A_1718 = arith.constant 0 : i32
      %sign3A_1719 = arith.cmpi slt, %jit3A_1706, %sign3A_1718 : i32
      %sign3A_1720 = arith.extui %sign3A_1719 : i1 to i32
      %sign3A_1721 = arith.subi %sign3A_1717, %sign3A_1720 : i32
      %ne3A_1722 = arith.cmpi ne, %sign3A_1714, %sign3A_1721 : i32
      %rem3A_1723 = arith.remsi %add3A_1705, %jit3A_1706 : i32
      %ne3A_1724 = arith.constant 0 : i32
      %ne3A_1725 = arith.cmpi ne, %rem3A_1723, %ne3A_1724 : i32
      %and3A_1726 = arith.andi %ne3A_1722, %ne3A_1725 : i1
      %sub3A_1727 = arith.constant 1 : i32
      %sub3A_1728 = arith.subi %div3A_1707, %sub3A_1727 : i32
      %select_n3A_1729 = arith.select %and3A_1726, %sub3A_1728, %div3A_1707 : i32
      %dma_wait3A_1730 = arith.constant 0 : i32
      %dma_wait3A_1731 = arith.constant 0 : i32
      %dma_wait3A_1732 = tpu.memref_slice %arg10[%dma_wait3A_1730, %dma_wait3A_1731] : memref<104x128xf32, #tpu.memory_space<vmem>> -> memref<96x128xf32, #tpu.memory_space<vmem>>
      %dma_wait3A_1733 = arith.constant 104 : i32
      %dma_wait3A_1734 = tpu.memref_slice %arg6[%dma_wait3A_1733] : memref<200xi32, #tpu.memory_space<vmem>> -> memref<96xi32, #tpu.memory_space<vmem>>
      %dma_wait3A_1735 = arith.constant 0 : i32
      %dma_wait3A_1736 = arith.constant 0 : i32
      %dma_wait3A_1737 = tpu.memref_slice %arg11[%dma_wait3A_1735, %dma_wait3A_1736] : memref<10000x128xf32, #tpu.memory_space<vmem_shared>> -> memref<10000x128xf32, #tpu.memory_space<vmem_shared>>
      tpu.wait_indirect_dma semaphore(%arg14 : memref<!tpu.dma_semaphore, #tpu.memory_space<semaphore_mem>>) src(%dma_wait3A_1737 : memref<10000x128xf32, #tpu.memory_space<vmem_shared>>) dst(%dma_wait3A_1732 : memref<96x128xf32, #tpu.memory_space<vmem>>)
      %add3A_1738 = arith.constant 0 : i32
      %add3A_1739 = arith.addi %add3A_1703, %add3A_1738 : i32
      %jit3A_1740 = arith.constant 2 : i32
      %div3A_1741 = arith.divsi %add3A_1739, %jit3A_1740 : i32
      %sign3A_1742 = arith.constant 0 : i32
      %sign3A_1743 = arith.cmpi sgt, %add3A_1739, %sign3A_1742 : i32
      %sign3A_1744 = arith.extui %sign3A_1743 : i1 to i32
      %sign3A_1745 = arith.constant 0 : i32
      %sign3A_1746 = arith.cmpi slt, %add3A_1739, %sign3A_1745 : i32
      %sign3A_1747 = arith.extui %sign3A_1746 : i1 to i32
      %sign3A_1748 = arith.subi %sign3A_1744, %sign3A_1747 : i32
      %sign3A_1749 = arith.constant 0 : i32
      %sign3A_1750 = arith.cmpi sgt, %jit3A_1740, %sign3A_1749 : i32
      %sign3A_1751 = arith.extui %sign3A_1750 : i1 to i32
      %sign3A_1752 = arith.constant 0 : i32
      %sign3A_1753 = arith.cmpi slt, %jit3A_1740, %sign3A_1752 : i32
      %sign3A_1754 = arith.extui %sign3A_1753 : i1 to i32
      %sign3A_1755 = arith.subi %sign3A_1751, %sign3A_1754 : i32
      %ne3A_1756 = arith.cmpi ne, %sign3A_1748, %sign3A_1755 : i32
      %rem3A_1757 = arith.remsi %add3A_1739, %jit3A_1740 : i32
      %ne3A_1758 = arith.constant 0 : i32
      %ne3A_1759 = arith.cmpi ne, %rem3A_1757, %ne3A_1758 : i32
      %and3A_1760 = arith.andi %ne3A_1756, %ne3A_1759 : i1
      %sub3A_1761 = arith.constant 1 : i32
      %sub3A_1762 = arith.subi %div3A_1741, %sub3A_1761 : i32
      %select_n3A_1763 = arith.select %and3A_1760, %sub3A_1762, %div3A_1741 : i32
      %add3A_1764 = arith.addi %mul3A_2, %select_n3A_1763 : i32
      %dma_start3A_1765 = arith.constant 0 : i32
      %dma_start3A_1766 = arith.constant 0 : i32
      %dma_start3A_1767 = tpu.memref_slice %arg10[%dma_start3A_1765, %dma_start3A_1766] : memref<104x128xf32, #tpu.memory_space<vmem>> -> memref<96x128xf32, #tpu.memory_space<vmem>>
      %dma_start3A_1768 = arith.constant 104 : i32
      %dma_start3A_1769 = arith.constant 0 : i32
      %dma_start3A_1770 = tpu.memref_slice %arg4[%add3A_1764, %dma_start3A_1768, %dma_start3A_1769] : memref<1024x200x128xf32, #tpu.memory_space<hbm>> -> memref<1x96x128xf32, #tpu.memory_space<hbm>>
      %dma_start3A_1771 = tpu.memref_squeeze %dma_start3A_1770 : memref<1x96x128xf32, #tpu.memory_space<hbm>> -> memref<96x128xf32, #tpu.memory_space<hbm>>
      %dma_start3A_1772 = arith.constant 104 : i32
      %dma_start3A_1773 = arith.constant 0 : i32
      %dma_start3A_1774 = tpu.memref_slice %arg4[%add3A_1764, %dma_start3A_1772, %dma_start3A_1773] : memref<1024x200x128xf32, #tpu.memory_space<hbm>> -> memref<1x96x128xf32, #tpu.memory_space<hbm>>
      %dma_start3A_1775 = tpu.memref_squeeze %dma_start3A_1774 : memref<1x96x128xf32, #tpu.memory_space<hbm>> -> memref<96x128xf32, #tpu.memory_space<hbm>>
      %dma_start3A_1776 = arith.constant 0 : i32
      %dma_start3A_1777 = arith.constant 0 : i32
      %dma_start3A_1778 = tpu.memref_slice %arg10[%dma_start3A_1776, %dma_start3A_1777] : memref<104x128xf32, #tpu.memory_space<vmem>> -> memref<96x128xf32, #tpu.memory_space<vmem>>
      tpu.enqueue_dma source(%dma_start3A_1778 : memref<96x128xf32, #tpu.memory_space<vmem>>) target(%dma_start3A_1775 : memref<96x128xf32, #tpu.memory_space<hbm>>) target_semaphore(%arg17 : memref<!tpu.dma_semaphore, #tpu.memory_space<semaphore_mem>>)
      %add3A_1779 = arith.constant -1 : i32
      %add3A_1780 = arith.addi %add3A_1703, %add3A_1779 : i32
      %jit3A_1781 = arith.constant 2 : i32
      %div3A_1782 = arith.divsi %add3A_1780, %jit3A_1781 : i32
      %sign3A_1783 = arith.constant 0 : i32
      %sign3A_1784 = arith.cmpi sgt, %add3A_1780, %sign3A_1783 : i32
      %sign3A_1785 = arith.extui %sign3A_1784 : i1 to i32
      %sign3A_1786 = arith.constant 0 : i32
      %sign3A_1787 = arith.cmpi slt, %add3A_1780, %sign3A_1786 : i32
      %sign3A_1788 = arith.extui %sign3A_1787 : i1 to i32
      %sign3A_1789 = arith.subi %sign3A_1785, %sign3A_1788 : i32
      %sign3A_1790 = arith.constant 0 : i32
      %sign3A_1791 = arith.cmpi sgt, %jit3A_1781, %sign3A_1790 : i32
      %sign3A_1792 = arith.extui %sign3A_1791 : i1 to i32
      %sign3A_1793 = arith.constant 0 : i32
      %sign3A_1794 = arith.cmpi slt, %jit3A_1781, %sign3A_1793 : i32
      %sign3A_1795 = arith.extui %sign3A_1794 : i1 to i32
      %sign3A_1796 = arith.subi %sign3A_1792, %sign3A_1795 : i32
      %ne3A_1797 = arith.cmpi ne, %sign3A_1789, %sign3A_1796 : i32
      %rem3A_1798 = arith.remsi %add3A_1780, %jit3A_1781 : i32
      %ne3A_1799 = arith.constant 0 : i32
      %ne3A_1800 = arith.cmpi ne, %rem3A_1798, %ne3A_1799 : i32
      %and3A_1801 = arith.andi %ne3A_1797, %ne3A_1800 : i1
      %sub3A_1802 = arith.constant 1 : i32
      %sub3A_1803 = arith.subi %div3A_1782, %sub3A_1802 : i32
      %select_n3A_1804 = arith.select %and3A_1801, %sub3A_1803, %div3A_1782 : i32
      %add3A_1805 = arith.addi %mul3A_2, %select_n3A_1804 : i32
      %dma_wait3A_1806 = arith.constant 0 : i32
      %dma_wait3A_1807 = arith.constant 0 : i32
      %dma_wait3A_1808 = tpu.memref_slice %arg9[%dma_wait3A_1806, %dma_wait3A_1807] : memref<104x128xf32, #tpu.memory_space<vmem>> -> memref<104x128xf32, #tpu.memory_space<vmem>>
      %dma_wait3A_1809 = arith.constant 0 : i32
      %dma_wait3A_1810 = arith.constant 0 : i32
      %dma_wait3A_1811 = tpu.memref_slice %arg4[%add3A_1805, %dma_wait3A_1809, %dma_wait3A_1810] : memref<1024x200x128xf32, #tpu.memory_space<hbm>> -> memref<1x104x128xf32, #tpu.memory_space<hbm>>
      %dma_wait3A_1812 = tpu.memref_squeeze %dma_wait3A_1811 : memref<1x104x128xf32, #tpu.memory_space<hbm>> -> memref<104x128xf32, #tpu.memory_space<hbm>>
      %dma_wait3A_1813 = arith.constant 0 : i32
      %dma_wait3A_1814 = arith.constant 0 : i32
      %dma_wait3A_1815 = tpu.memref_slice %arg4[%add3A_1805, %dma_wait3A_1813, %dma_wait3A_1814] : memref<1024x200x128xf32, #tpu.memory_space<hbm>> -> memref<1x104x128xf32, #tpu.memory_space<hbm>>
      %dma_wait3A_1816 = tpu.memref_squeeze %dma_wait3A_1815 : memref<1x104x128xf32, #tpu.memory_space<hbm>> -> memref<104x128xf32, #tpu.memory_space<hbm>>
      %dma_wait3A_1817 = arith.constant 0 : i32
      %dma_wait3A_1818 = arith.constant 0 : i32
      %dma_wait3A_1819 = tpu.memref_slice %arg9[%dma_wait3A_1817, %dma_wait3A_1818] : memref<104x128xf32, #tpu.memory_space<vmem>> -> memref<104x128xf32, #tpu.memory_space<vmem>>
      tpu.wait_dma2 semaphore(%arg16 : memref<!tpu.dma_semaphore, #tpu.memory_space<semaphore_mem>>) src(%dma_wait3A_1819 : memref<104x128xf32, #tpu.memory_space<vmem>>) dst(%dma_wait3A_1816 : memref<104x128xf32, #tpu.memory_space<hbm>>)
      %add3A_1820 = arith.constant 2 : i32
      %add3A_1821 = arith.addi %add3A_1703, %add3A_1820 : i32
      %jit3A_1822 = arith.constant 2 : i32
      %div3A_1823 = arith.divsi %add3A_1821, %jit3A_1822 : i32
      %sign3A_1824 = arith.constant 0 : i32
      %sign3A_1825 = arith.cmpi sgt, %add3A_1821, %sign3A_1824 : i32
      %sign3A_1826 = arith.extui %sign3A_1825 : i1 to i32
      %sign3A_1827 = arith.constant 0 : i32
      %sign3A_1828 = arith.cmpi slt, %add3A_1821, %sign3A_1827 : i32
      %sign3A_1829 = arith.extui %sign3A_1828 : i1 to i32
      %sign3A_1830 = arith.subi %sign3A_1826, %sign3A_1829 : i32
      %sign3A_1831 = arith.constant 0 : i32
      %sign3A_1832 = arith.cmpi sgt, %jit3A_1822, %sign3A_1831 : i32
      %sign3A_1833 = arith.extui %sign3A_1832 : i1 to i32
      %sign3A_1834 = arith.constant 0 : i32
      %sign3A_1835 = arith.cmpi slt, %jit3A_1822, %sign3A_1834 : i32
      %sign3A_1836 = arith.extui %sign3A_1835 : i1 to i32
      %sign3A_1837 = arith.subi %sign3A_1833, %sign3A_1836 : i32
      %ne3A_1838 = arith.cmpi ne, %sign3A_1830, %sign3A_1837 : i32
      %rem3A_1839 = arith.remsi %add3A_1821, %jit3A_1822 : i32
      %ne3A_1840 = arith.constant 0 : i32
      %ne3A_1841 = arith.cmpi ne, %rem3A_1839, %ne3A_1840 : i32
      %and3A_1842 = arith.andi %ne3A_1838, %ne3A_1841 : i1
      %sub3A_1843 = arith.constant 1 : i32
      %sub3A_1844 = arith.subi %div3A_1823, %sub3A_1843 : i32
      %select_n3A_1845 = arith.select %and3A_1842, %sub3A_1844, %div3A_1823 : i32
      %dma_start3A_1846 = arith.constant 0 : i32
      %dma_start3A_1847 = arith.constant 0 : i32
      %dma_start3A_1848 = tpu.memref_slice %arg9[%dma_start3A_1846, %dma_start3A_1847] : memref<104x128xf32, #tpu.memory_space<vmem>> -> memref<96x128xf32, #tpu.memory_space<vmem>>
      %dma_start3A_1849 = arith.constant 104 : i32
      %dma_start3A_1850 = tpu.memref_slice %arg7[%dma_start3A_1849] : memref<200xi32, #tpu.memory_space<vmem>> -> memref<96xi32, #tpu.memory_space<vmem>>
      %dma_start3A_1851 = arith.constant 0 : i32
      %dma_start3A_1852 = arith.constant 0 : i32
      %dma_start3A_1853 = tpu.memref_slice %arg11[%dma_start3A_1851, %dma_start3A_1852] : memref<10000x128xf32, #tpu.memory_space<vmem_shared>> -> memref<10000x128xf32, #tpu.memory_space<vmem_shared>>
      tpu.enqueue_indirect_dma source(%dma_start3A_1853 : memref<10000x128xf32, #tpu.memory_space<vmem_shared>>) target(%dma_start3A_1848 : memref<96x128xf32, #tpu.memory_space<vmem>>) offsets(%dma_start3A_1850 : memref<96xi32, #tpu.memory_space<vmem>>) semaphore(%arg13 : memref<!tpu.dma_semaphore, #tpu.memory_space<semaphore_mem>>)
      %add3A_1854 = arith.constant 4 : i32
      %add3A_1855 = arith.addi %add3A_729, %add3A_1854 : i32
      %add3A_1856 = arith.constant 0 : i32
      %add3A_1857 = arith.addi %add3A_1855, %add3A_1856 : i32
      %jit3A_1858 = arith.constant 2 : i32
      %div3A_1859 = arith.divsi %add3A_1857, %jit3A_1858 : i32
      %sign3A_1860 = arith.constant 0 : i32
      %sign3A_1861 = arith.cmpi sgt, %add3A_1857, %sign3A_1860 : i32
      %sign3A_1862 = arith.extui %sign3A_1861 : i1 to i32
      %sign3A_1863 = arith.constant 0 : i32
      %sign3A_1864 = arith.cmpi slt, %add3A_1857, %sign3A_1863 : i32
      %sign3A_1865 = arith.extui %sign3A_1864 : i1 to i32
      %sign3A_1866 = arith.subi %sign3A_1862, %sign3A_1865 : i32
      %sign3A_1867 = arith.constant 0 : i32
      %sign3A_1868 = arith.cmpi sgt, %jit3A_1858, %sign3A_1867 : i32
      %sign3A_1869 = arith.extui %sign3A_1868 : i1 to i32
      %sign3A_1870 = arith.constant 0 : i32
      %sign3A_1871 = arith.cmpi slt, %jit3A_1858, %sign3A_1870 : i32
      %sign3A_1872 = arith.extui %sign3A_1871 : i1 to i32
      %sign3A_1873 = arith.subi %sign3A_1869, %sign3A_1872 : i32
      %ne3A_1874 = arith.cmpi ne, %sign3A_1866, %sign3A_1873 : i32
      %rem3A_1875 = arith.remsi %add3A_1857, %jit3A_1858 : i32
      %ne3A_1876 = arith.constant 0 : i32
      %ne3A_1877 = arith.cmpi ne, %rem3A_1875, %ne3A_1876 : i32
      %and3A_1878 = arith.andi %ne3A_1874, %ne3A_1877 : i1
      %sub3A_1879 = arith.constant 1 : i32
      %sub3A_1880 = arith.subi %div3A_1859, %sub3A_1879 : i32
      %select_n3A_1881 = arith.select %and3A_1878, %sub3A_1880, %div3A_1859 : i32
      %dma_wait3A_1882 = arith.constant 0 : i32
      %dma_wait3A_1883 = arith.constant 0 : i32
      %dma_wait3A_1884 = tpu.memref_slice %arg8[%dma_wait3A_1882, %dma_wait3A_1883] : memref<104x128xf32, #tpu.memory_space<vmem>> -> memref<104x128xf32, #tpu.memory_space<vmem>>
      %dma_wait3A_1885 = arith.constant 0 : i32
      %dma_wait3A_1886 = tpu.memref_slice %arg7[%dma_wait3A_1885] : memref<200xi32, #tpu.memory_space<vmem>> -> memref<104xi32, #tpu.memory_space<vmem>>
      %dma_wait3A_1887 = arith.constant 0 : i32
      %dma_wait3A_1888 = arith.constant 0 : i32
      %dma_wait3A_1889 = tpu.memref_slice %arg11[%dma_wait3A_1887, %dma_wait3A_1888] : memref<10000x128xf32, #tpu.memory_space<vmem_shared>> -> memref<10000x128xf32, #tpu.memory_space<vmem_shared>>
      tpu.wait_indirect_dma semaphore(%arg12 : memref<!tpu.dma_semaphore, #tpu.memory_space<semaphore_mem>>) src(%dma_wait3A_1889 : memref<10000x128xf32, #tpu.memory_space<vmem_shared>>) dst(%dma_wait3A_1884 : memref<104x128xf32, #tpu.memory_space<vmem>>)
      %add3A_1890 = arith.constant 0 : i32
      %add3A_1891 = arith.addi %add3A_1855, %add3A_1890 : i32
      %jit3A_1892 = arith.constant 2 : i32
      %div3A_1893 = arith.divsi %add3A_1891, %jit3A_1892 : i32
      %sign3A_1894 = arith.constant 0 : i32
      %sign3A_1895 = arith.cmpi sgt, %add3A_1891, %sign3A_1894 : i32
      %sign3A_1896 = arith.extui %sign3A_1895 : i1 to i32
      %sign3A_1897 = arith.constant 0 : i32
      %sign3A_1898 = arith.cmpi slt, %add3A_1891, %sign3A_1897 : i32
      %sign3A_1899 = arith.extui %sign3A_1898 : i1 to i32
      %sign3A_1900 = arith.subi %sign3A_1896, %sign3A_1899 : i32
      %sign3A_1901 = arith.constant 0 : i32
      %sign3A_1902 = arith.cmpi sgt, %jit3A_1892, %sign3A_1901 : i32
      %sign3A_1903 = arith.extui %sign3A_1902 : i1 to i32
      %sign3A_1904 = arith.constant 0 : i32
      %sign3A_1905 = arith.cmpi slt, %jit3A_1892, %sign3A_1904 : i32
      %sign3A_1906 = arith.extui %sign3A_1905 : i1 to i32
      %sign3A_1907 = arith.subi %sign3A_1903, %sign3A_1906 : i32
      %ne3A_1908 = arith.cmpi ne, %sign3A_1900, %sign3A_1907 : i32
      %rem3A_1909 = arith.remsi %add3A_1891, %jit3A_1892 : i32
      %ne3A_1910 = arith.constant 0 : i32
      %ne3A_1911 = arith.cmpi ne, %rem3A_1909, %ne3A_1910 : i32
      %and3A_1912 = arith.andi %ne3A_1908, %ne3A_1911 : i1
      %sub3A_1913 = arith.constant 1 : i32
      %sub3A_1914 = arith.subi %div3A_1893, %sub3A_1913 : i32
      %select_n3A_1915 = arith.select %and3A_1912, %sub3A_1914, %div3A_1893 : i32
      %add3A_1916 = arith.addi %mul3A_2, %select_n3A_1915 : i32
      %dma_start3A_1917 = arith.constant 0 : i32
      %dma_start3A_1918 = arith.constant 0 : i32
      %dma_start3A_1919 = tpu.memref_slice %arg8[%dma_start3A_1917, %dma_start3A_1918] : memref<104x128xf32, #tpu.memory_space<vmem>> -> memref<104x128xf32, #tpu.memory_space<vmem>>
      %dma_start3A_1920 = arith.constant 0 : i32
      %dma_start3A_1921 = arith.constant 0 : i32
      %dma_start3A_1922 = tpu.memref_slice %arg4[%add3A_1916, %dma_start3A_1920, %dma_start3A_1921] : memref<1024x200x128xf32, #tpu.memory_space<hbm>> -> memref<1x104x128xf32, #tpu.memory_space<hbm>>
      %dma_start3A_1923 = tpu.memref_squeeze %dma_start3A_1922 : memref<1x104x128xf32, #tpu.memory_space<hbm>> -> memref<104x128xf32, #tpu.memory_space<hbm>>
      %dma_start3A_1924 = arith.constant 0 : i32
      %dma_start3A_1925 = arith.constant 0 : i32
      %dma_start3A_1926 = tpu.memref_slice %arg4[%add3A_1916, %dma_start3A_1924, %dma_start3A_1925] : memref<1024x200x128xf32, #tpu.memory_space<hbm>> -> memref<1x104x128xf32, #tpu.memory_space<hbm>>
      %dma_start3A_1927 = tpu.memref_squeeze %dma_start3A_1926 : memref<1x104x128xf32, #tpu.memory_space<hbm>> -> memref<104x128xf32, #tpu.memory_space<hbm>>
      %dma_start3A_1928 = arith.constant 0 : i32
      %dma_start3A_1929 = arith.constant 0 : i32
      %dma_start3A_1930 = tpu.memref_slice %arg8[%dma_start3A_1928, %dma_start3A_1929] : memref<104x128xf32, #tpu.memory_space<vmem>> -> memref<104x128xf32, #tpu.memory_space<vmem>>
      tpu.enqueue_dma source(%dma_start3A_1930 : memref<104x128xf32, #tpu.memory_space<vmem>>) target(%dma_start3A_1927 : memref<104x128xf32, #tpu.memory_space<hbm>>) target_semaphore(%arg15 : memref<!tpu.dma_semaphore, #tpu.memory_space<semaphore_mem>>)
      %add3A_1931 = arith.constant -1 : i32
      %add3A_1932 = arith.addi %add3A_1855, %add3A_1931 : i32
      %jit3A_1933 = arith.constant 2 : i32
      %div3A_1934 = arith.divsi %add3A_1932, %jit3A_1933 : i32
      %sign3A_1935 = arith.constant 0 : i32
      %sign3A_1936 = arith.cmpi sgt, %add3A_1932, %sign3A_1935 : i32
      %sign3A_1937 = arith.extui %sign3A_1936 : i1 to i32
      %sign3A_1938 = arith.constant 0 : i32
      %sign3A_1939 = arith.cmpi slt, %add3A_1932, %sign3A_1938 : i32
      %sign3A_1940 = arith.extui %sign3A_1939 : i1 to i32
      %sign3A_1941 = arith.subi %sign3A_1937, %sign3A_1940 : i32
      %sign3A_1942 = arith.constant 0 : i32
      %sign3A_1943 = arith.cmpi sgt, %jit3A_1933, %sign3A_1942 : i32
      %sign3A_1944 = arith.extui %sign3A_1943 : i1 to i32
      %sign3A_1945 = arith.constant 0 : i32
      %sign3A_1946 = arith.cmpi slt, %jit3A_1933, %sign3A_1945 : i32
      %sign3A_1947 = arith.extui %sign3A_1946 : i1 to i32
      %sign3A_1948 = arith.subi %sign3A_1944, %sign3A_1947 : i32
      %ne3A_1949 = arith.cmpi ne, %sign3A_1941, %sign3A_1948 : i32
      %rem3A_1950 = arith.remsi %add3A_1932, %jit3A_1933 : i32
      %ne3A_1951 = arith.constant 0 : i32
      %ne3A_1952 = arith.cmpi ne, %rem3A_1950, %ne3A_1951 : i32
      %and3A_1953 = arith.andi %ne3A_1949, %ne3A_1952 : i1
      %sub3A_1954 = arith.constant 1 : i32
      %sub3A_1955 = arith.subi %div3A_1934, %sub3A_1954 : i32
      %select_n3A_1956 = arith.select %and3A_1953, %sub3A_1955, %div3A_1934 : i32
      %add3A_1957 = arith.addi %mul3A_2, %select_n3A_1956 : i32
      %dma_wait3A_1958 = arith.constant 0 : i32
      %dma_wait3A_1959 = arith.constant 0 : i32
      %dma_wait3A_1960 = tpu.memref_slice %arg10[%dma_wait3A_1958, %dma_wait3A_1959] : memref<104x128xf32, #tpu.memory_space<vmem>> -> memref<96x128xf32, #tpu.memory_space<vmem>>
      %dma_wait3A_1961 = arith.constant 104 : i32
      %dma_wait3A_1962 = arith.constant 0 : i32
      %dma_wait3A_1963 = tpu.memref_slice %arg4[%add3A_1957, %dma_wait3A_1961, %dma_wait3A_1962] : memref<1024x200x128xf32, #tpu.memory_space<hbm>> -> memref<1x96x128xf32, #tpu.memory_space<hbm>>
      %dma_wait3A_1964 = tpu.memref_squeeze %dma_wait3A_1963 : memref<1x96x128xf32, #tpu.memory_space<hbm>> -> memref<96x128xf32, #tpu.memory_space<hbm>>
      %dma_wait3A_1965 = arith.constant 104 : i32
      %dma_wait3A_1966 = arith.constant 0 : i32
      %dma_wait3A_1967 = tpu.memref_slice %arg4[%add3A_1957, %dma_wait3A_1965, %dma_wait3A_1966] : memref<1024x200x128xf32, #tpu.memory_space<hbm>> -> memref<1x96x128xf32, #tpu.memory_space<hbm>>
      %dma_wait3A_1968 = tpu.memref_squeeze %dma_wait3A_1967 : memref<1x96x128xf32, #tpu.memory_space<hbm>> -> memref<96x128xf32, #tpu.memory_space<hbm>>
      %dma_wait3A_1969 = arith.constant 0 : i32
      %dma_wait3A_1970 = arith.constant 0 : i32
      %dma_wait3A_1971 = tpu.memref_slice %arg10[%dma_wait3A_1969, %dma_wait3A_1970] : memref<104x128xf32, #tpu.memory_space<vmem>> -> memref<96x128xf32, #tpu.memory_space<vmem>>
      tpu.wait_dma2 semaphore(%arg17 : memref<!tpu.dma_semaphore, #tpu.memory_space<semaphore_mem>>) src(%dma_wait3A_1971 : memref<96x128xf32, #tpu.memory_space<vmem>>) dst(%dma_wait3A_1968 : memref<96x128xf32, #tpu.memory_space<hbm>>)
      %add3A_1972 = arith.constant 2 : i32
      %add3A_1973 = arith.addi %add3A_1855, %add3A_1972 : i32
      %jit3A_1974 = arith.constant 2 : i32
      %div3A_1975 = arith.divsi %add3A_1973, %jit3A_1974 : i32
      %sign3A_1976 = arith.constant 0 : i32
      %sign3A_1977 = arith.cmpi sgt, %add3A_1973, %sign3A_1976 : i32
      %sign3A_1978 = arith.extui %sign3A_1977 : i1 to i32
      %sign3A_1979 = arith.constant 0 : i32
      %sign3A_1980 = arith.cmpi slt, %add3A_1973, %sign3A_1979 : i32
      %sign3A_1981 = arith.extui %sign3A_1980 : i1 to i32
      %sign3A_1982 = arith.subi %sign3A_1978, %sign3A_1981 : i32
      %sign3A_1983 = arith.constant 0 : i32
      %sign3A_1984 = arith.cmpi sgt, %jit3A_1974, %sign3A_1983 : i32
      %sign3A_1985 = arith.extui %sign3A_1984 : i1 to i32
      %sign3A_1986 = arith.constant 0 : i32
      %sign3A_1987 = arith.cmpi slt, %jit3A_1974, %sign3A_1986 : i32
      %sign3A_1988 = arith.extui %sign3A_1987 : i1 to i32
      %sign3A_1989 = arith.subi %sign3A_1985, %sign3A_1988 : i32
      %ne3A_1990 = arith.cmpi ne, %sign3A_1982, %sign3A_1989 : i32
      %rem3A_1991 = arith.remsi %add3A_1973, %jit3A_1974 : i32
      %ne3A_1992 = arith.constant 0 : i32
      %ne3A_1993 = arith.cmpi ne, %rem3A_1991, %ne3A_1992 : i32
      %and3A_1994 = arith.andi %ne3A_1990, %ne3A_1993 : i1
      %sub3A_1995 = arith.constant 1 : i32
      %sub3A_1996 = arith.subi %div3A_1975, %sub3A_1995 : i32
      %select_n3A_1997 = arith.select %and3A_1994, %sub3A_1996, %div3A_1975 : i32
      %get3A_1998 = arith.index_cast %select_n3A_1997 : i32 to index
      %get3A_1999 = arith.constant 0 : index
      %get3A_2000 = tpu.vector_load %arg5[%get3A_1998, %get3A_1999] {strides = array<i32>} : memref<32x200xi32, #tpu.memory_space<vmem>>, vector<1x16xi32>,
      %get3A_2001 = vector.shape_cast %get3A_2000 : vector<1x16xi32> to vector<16xi32>
      %get3A_2002 = arith.index_cast %select_n3A_1997 : i32 to index
      %get3A_2003 = arith.constant 16 : index
      %get3A_2004 = tpu.vector_load %arg5[%get3A_2002, %get3A_2003] {strides = array<i32>} : memref<32x200xi32, #tpu.memory_space<vmem>>, vector<1x16xi32>,
      %get3A_2005 = vector.shape_cast %get3A_2004 : vector<1x16xi32> to vector<16xi32>
      %min3A_2006 = arith.minsi %get3A_2001, %get3A_2005 : vector<16xi32>
      %get3A_2007 = arith.index_cast %select_n3A_1997 : i32 to index
      %get3A_2008 = arith.constant 32 : index
      %get3A_2009 = tpu.vector_load %arg5[%get3A_2007, %get3A_2008] {strides = array<i32>} : memref<32x200xi32, #tpu.memory_space<vmem>>, vector<1x16xi32>,
      %get3A_2010 = vector.shape_cast %get3A_2009 : vector<1x16xi32> to vector<16xi32>
      %min3A_2011 = arith.minsi %min3A_2006, %get3A_2010 : vector<16xi32>
      %get3A_2012 = arith.index_cast %select_n3A_1997 : i32 to index
      %get3A_2013 = arith.constant 48 : index
      %get3A_2014 = tpu.vector_load %arg5[%get3A_2012, %get3A_2013] {strides = array<i32>} : memref<32x200xi32, #tpu.memory_space<vmem>>, vector<1x16xi32>,
      %get3A_2015 = vector.shape_cast %get3A_2014 : vector<1x16xi32> to vector<16xi32>
      %min3A_2016 = arith.minsi %min3A_2011, %get3A_2015 : vector<16xi32>
      %get3A_2017 = arith.index_cast %select_n3A_1997 : i32 to index
      %get3A_2018 = arith.constant 64 : index
      %get3A_2019 = tpu.vector_load %arg5[%get3A_2017, %get3A_2018] {strides = array<i32>} : memref<32x200xi32, #tpu.memory_space<vmem>>, vector<1x16xi32>,
      %get3A_2020 = vector.shape_cast %get3A_2019 : vector<1x16xi32> to vector<16xi32>
      %min3A_2021 = arith.minsi %min3A_2016, %get3A_2020 : vector<16xi32>
      %get3A_2022 = arith.index_cast %select_n3A_1997 : i32 to index
      %get3A_2023 = arith.constant 80 : index
      %get3A_2024 = tpu.vector_load %arg5[%get3A_2022, %get3A_2023] {strides = array<i32>} : memref<32x200xi32, #tpu.memory_space<vmem>>, vector<1x16xi32>,
      %get3A_2025 = vector.shape_cast %get3A_2024 : vector<1x16xi32> to vector<16xi32>
      %min3A_2026 = arith.minsi %min3A_2021, %get3A_2025 : vector<16xi32>
      %get3A_2027 = arith.index_cast %select_n3A_1997 : i32 to index
      %get3A_2028 = arith.constant 96 : index
      %get3A_2029 = tpu.vector_load %arg5[%get3A_2027, %get3A_2028] {strides = array<i32>} : memref<32x200xi32, #tpu.memory_space<vmem>>, vector<1x16xi32>,
      %get3A_2030 = vector.shape_cast %get3A_2029 : vector<1x16xi32> to vector<16xi32>
      %min3A_2031 = arith.minsi %min3A_2026, %get3A_2030 : vector<16xi32>
      %get3A_2032 = arith.index_cast %select_n3A_1997 : i32 to index
      %get3A_2033 = arith.constant 112 : index
      %get3A_2034 = tpu.vector_load %arg5[%get3A_2032, %get3A_2033] {strides = array<i32>} : memref<32x200xi32, #tpu.memory_space<vmem>>, vector<1x16xi32>,
      %get3A_2035 = vector.shape_cast %get3A_2034 : vector<1x16xi32> to vector<16xi32>
      %min3A_2036 = arith.minsi %min3A_2031, %get3A_2035 : vector<16xi32>
      %get3A_2037 = arith.index_cast %select_n3A_1997 : i32 to index
      %get3A_2038 = arith.constant 128 : index
      %get3A_2039 = tpu.vector_load %arg5[%get3A_2037, %get3A_2038] {strides = array<i32>} : memref<32x200xi32, #tpu.memory_space<vmem>>, vector<1x16xi32>,
      %get3A_2040 = vector.shape_cast %get3A_2039 : vector<1x16xi32> to vector<16xi32>
      %min3A_2041 = arith.minsi %min3A_2036, %get3A_2040 : vector<16xi32>
      %get3A_2042 = arith.index_cast %select_n3A_1997 : i32 to index
      %get3A_2043 = arith.constant 144 : index
      %get3A_2044 = tpu.vector_load %arg5[%get3A_2042, %get3A_2043] {strides = array<i32>} : memref<32x200xi32, #tpu.memory_space<vmem>>, vector<1x16xi32>,
      %get3A_2045 = vector.shape_cast %get3A_2044 : vector<1x16xi32> to vector<16xi32>
      %min3A_2046 = arith.minsi %min3A_2041, %get3A_2045 : vector<16xi32>
      %get3A_2047 = arith.index_cast %select_n3A_1997 : i32 to index
      %get3A_2048 = arith.constant 160 : index
      %get3A_2049 = tpu.vector_load %arg5[%get3A_2047, %get3A_2048] {strides = array<i32>} : memref<32x200xi32, #tpu.memory_space<vmem>>, vector<1x16xi32>,
      %get3A_2050 = vector.shape_cast %get3A_2049 : vector<1x16xi32> to vector<16xi32>
      %min3A_2051 = arith.minsi %min3A_2046, %get3A_2050 : vector<16xi32>
      %get3A_2052 = arith.index_cast %select_n3A_1997 : i32 to index
      %get3A_2053 = arith.constant 176 : index
      %get3A_2054 = tpu.vector_load %arg5[%get3A_2052, %get3A_2053] {strides = array<i32>} : memref<32x200xi32, #tpu.memory_space<vmem>>, vector<1x16xi32>,
      %get3A_2055 = vector.shape_cast %get3A_2054 : vector<1x16xi32> to vector<16xi32>
      %min3A_2056 = arith.minsi %min3A_2051, %get3A_2055 : vector<16xi32>
      %get3A_2057 = arith.index_cast %select_n3A_1997 : i32 to index
      %get3A_2058 = arith.constant 184 : index
      %get3A_2059 = tpu.vector_load %arg5[%get3A_2057, %get3A_2058] {strides = array<i32>} : memref<32x200xi32, #tpu.memory_space<vmem>>, vector<1x16xi32>,
      %get3A_2060 = vector.shape_cast %get3A_2059 : vector<1x16xi32> to vector<16xi32>
      %min3A_2061 = arith.minsi %min3A_2056, %get3A_2060 : vector<16xi32>
      %iota3A_2062 = tpu.iota {dimensions = array<i32: 0>} : vector<16xi32>
      %add3A_2063 = arith.constant 8 : i32
      %add3A_2064 = vector.broadcast %add3A_2063 : i32 to vector<16xi32>
      %add3A_2065 = arith.addi %iota3A_2062, %add3A_2064 : vector<16xi32>
      %rem3A_2066 = arith.constant 16 : i32
      %rem3A_2067 = vector.broadcast %rem3A_2066 : i32 to vector<16xi32>
      %rem3A_2068 = arith.remsi %add3A_2065, %rem3A_2067 : vector<16xi32>
      %broadcast_in_dim3A_2069 = vector.shape_cast %rem3A_2068 : vector<16xi32> to vector<16x1xi32>
      %gather3A_2070 = vector.shape_cast %broadcast_in_dim3A_2069 : vector<16x1xi32> to vector<16xi32>
      %gather3A_2071 = tpu.dynamic_gather %min3A_2061[%gather3A_2070] in [0] : vector<16xi32>, vector<16xi32> -> vector<16xi32>
      %min3A_2072 = arith.minsi %min3A_2061, %gather3A_2071 : vector<16xi32>
      %add3A_2073 = arith.constant 4 : i32
      %add3A_2074 = vector.broadcast %add3A_2073 : i32 to vector<16xi32>
      %add3A_2075 = arith.addi %iota3A_2062, %add3A_2074 : vector<16xi32>
      %rem3A_2076 = arith.constant 16 : i32
      %rem3A_2077 = vector.broadcast %rem3A_2076 : i32 to vector<16xi32>
      %rem3A_2078 = arith.remsi %add3A_2075, %rem3A_2077 : vector<16xi32>
      %broadcast_in_dim3A_2079 = vector.shape_cast %rem3A_2078 : vector<16xi32> to vector<16x1xi32>
      %gather3A_2080 = vector.shape_cast %broadcast_in_dim3A_2079 : vector<16x1xi32> to vector<16xi32>
      %gather3A_2081 = tpu.dynamic_gather %min3A_2072[%gather3A_2080] in [0] : vector<16xi32>, vector<16xi32> -> vector<16xi32>
      %min3A_2082 = arith.minsi %min3A_2072, %gather3A_2081 : vector<16xi32>
      %add3A_2083 = arith.constant 2 : i32
      %add3A_2084 = vector.broadcast %add3A_2083 : i32 to vector<16xi32>
      %add3A_2085 = arith.addi %iota3A_2062, %add3A_2084 : vector<16xi32>
      %rem3A_2086 = arith.constant 16 : i32
      %rem3A_2087 = vector.broadcast %rem3A_2086 : i32 to vector<16xi32>
      %rem3A_2088 = arith.remsi %add3A_2085, %rem3A_2087 : vector<16xi32>
      %broadcast_in_dim3A_2089 = vector.shape_cast %rem3A_2088 : vector<16xi32> to vector<16x1xi32>
      %gather3A_2090 = vector.shape_cast %broadcast_in_dim3A_2089 : vector<16x1xi32> to vector<16xi32>
      %gather3A_2091 = tpu.dynamic_gather %min3A_2082[%gather3A_2090] in [0] : vector<16xi32>, vector<16xi32> -> vector<16xi32>
      %min3A_2092 = arith.minsi %min3A_2082, %gather3A_2091 : vector<16xi32>
      %add3A_2093 = arith.constant 1 : i32
      %add3A_2094 = vector.broadcast %add3A_2093 : i32 to vector<16xi32>
      %add3A_2095 = arith.addi %iota3A_2062, %add3A_2094 : vector<16xi32>
      %rem3A_2096 = arith.constant 16 : i32
      %rem3A_2097 = vector.broadcast %rem3A_2096 : i32 to vector<16xi32>
      %rem3A_2098 = arith.remsi %add3A_2095, %rem3A_2097 : vector<16xi32>
      %broadcast_in_dim3A_2099 = vector.shape_cast %rem3A_2098 : vector<16xi32> to vector<16x1xi32>
      %gather3A_2100 = vector.shape_cast %broadcast_in_dim3A_2099 : vector<16x1xi32> to vector<16xi32>
      %gather3A_2101 = tpu.dynamic_gather %min3A_2092[%gather3A_2100] in [0] : vector<16xi32>, vector<16xi32> -> vector<16xi32>
      %min3A_2102 = arith.minsi %min3A_2092, %gather3A_2101 : vector<16xi32>
      %get3A_2103 = arith.index_cast %select_n3A_1997 : i32 to index
      %get3A_2104 = arith.constant 0 : index
      %get3A_2105 = tpu.vector_load %arg5[%get3A_2103, %get3A_2104] {strides = array<i32>} : memref<32x200xi32, #tpu.memory_space<vmem>>, vector<1x16xi32>,
      %get3A_2106 = vector.shape_cast %get3A_2105 : vector<1x16xi32> to vector<16xi32>
      %sub3A_2107 = arith.subi %get3A_2106, %min3A_2102 : vector<16xi32>
      %abs3A_2108 = math.absi %sub3A_2107 : vector<16xi32>
      %swap3A_2109 = arith.constant 0 : index
      %swap3A_2110 = tpu.vector_load %arg6[%swap3A_2109] {strides = array<i32>} : memref<200xi32, #tpu.memory_space<vmem>>, vector<16xi32>,
      %swap3A_2111 = vector.shape_cast %swap3A_2110 : vector<16xi32> to vector<16xi32>
      %swap3A_2112 = vector.shape_cast %abs3A_2108 : vector<16xi32> to vector<16xi32>
      tpu.vector_store %arg6[%swap3A_2109], %swap3A_2112 {strides = array<i32>} : memref<200xi32, #tpu.memory_space<vmem>>, vector<16xi32>,
      %get3A_2113 = arith.index_cast %select_n3A_1997 : i32 to index
      %get3A_2114 = arith.constant 16 : index
      %get3A_2115 = tpu.vector_load %arg5[%get3A_2113, %get3A_2114] {strides = array<i32>} : memref<32x200xi32, #tpu.memory_space<vmem>>, vector<1x16xi32>,
      %get3A_2116 = vector.shape_cast %get3A_2115 : vector<1x16xi32> to vector<16xi32>
      %sub3A_2117 = arith.subi %get3A_2116, %min3A_2102 : vector<16xi32>
      %abs3A_2118 = math.absi %sub3A_2117 : vector<16xi32>
      %swap3A_2119 = arith.constant 16 : index
      %swap3A_2120 = tpu.vector_load %arg6[%swap3A_2119] {strides = array<i32>} : memref<200xi32, #tpu.memory_space<vmem>>, vector<16xi32>,
      %swap3A_2121 = vector.shape_cast %swap3A_2120 : vector<16xi32> to vector<16xi32>
      %swap3A_2122 = vector.shape_cast %abs3A_2118 : vector<16xi32> to vector<16xi32>
      tpu.vector_store %arg6[%swap3A_2119], %swap3A_2122 {strides = array<i32>} : memref<200xi32, #tpu.memory_space<vmem>>, vector<16xi32>,
      %get3A_2123 = arith.index_cast %select_n3A_1997 : i32 to index
      %get3A_2124 = arith.constant 32 : index
      %get3A_2125 = tpu.vector_load %arg5[%get3A_2123, %get3A_2124] {strides = array<i32>} : memref<32x200xi32, #tpu.memory_space<vmem>>, vector<1x16xi32>,
      %get3A_2126 = vector.shape_cast %get3A_2125 : vector<1x16xi32> to vector<16xi32>
      %sub3A_2127 = arith.subi %get3A_2126, %min3A_2102 : vector<16xi32>
      %abs3A_2128 = math.absi %sub3A_2127 : vector<16xi32>
      %swap3A_2129 = arith.constant 32 : index
      %swap3A_2130 = tpu.vector_load %arg6[%swap3A_2129] {strides = array<i32>} : memref<200xi32, #tpu.memory_space<vmem>>, vector<16xi32>,
      %swap3A_2131 = vector.shape_cast %swap3A_2130 : vector<16xi32> to vector<16xi32>
      %swap3A_2132 = vector.shape_cast %abs3A_2128 : vector<16xi32> to vector<16xi32>
      tpu.vector_store %arg6[%swap3A_2129], %swap3A_2132 {strides = array<i32>} : memref<200xi32, #tpu.memory_space<vmem>>, vector<16xi32>,
      %get3A_2133 = arith.index_cast %select_n3A_1997 : i32 to index
      %get3A_2134 = arith.constant 48 : index
      %get3A_2135 = tpu.vector_load %arg5[%get3A_2133, %get3A_2134] {strides = array<i32>} : memref<32x200xi32, #tpu.memory_space<vmem>>, vector<1x16xi32>,
      %get3A_2136 = vector.shape_cast %get3A_2135 : vector<1x16xi32> to vector<16xi32>
      %sub3A_2137 = arith.subi %get3A_2136, %min3A_2102 : vector<16xi32>
      %abs3A_2138 = math.absi %sub3A_2137 : vector<16xi32>
      %swap3A_2139 = arith.constant 48 : index
      %swap3A_2140 = tpu.vector_load %arg6[%swap3A_2139] {strides = array<i32>} : memref<200xi32, #tpu.memory_space<vmem>>, vector<16xi32>,
      %swap3A_2141 = vector.shape_cast %swap3A_2140 : vector<16xi32> to vector<16xi32>
      %swap3A_2142 = vector.shape_cast %abs3A_2138 : vector<16xi32> to vector<16xi32>
      tpu.vector_store %arg6[%swap3A_2139], %swap3A_2142 {strides = array<i32>} : memref<200xi32, #tpu.memory_space<vmem>>, vector<16xi32>,
      %get3A_2143 = arith.index_cast %select_n3A_1997 : i32 to index
      %get3A_2144 = arith.constant 64 : index
      %get3A_2145 = tpu.vector_load %arg5[%get3A_2143, %get3A_2144] {strides = array<i32>} : memref<32x200xi32, #tpu.memory_space<vmem>>, vector<1x16xi32>,
      %get3A_2146 = vector.shape_cast %get3A_2145 : vector<1x16xi32> to vector<16xi32>
      %sub3A_2147 = arith.subi %get3A_2146, %min3A_2102 : vector<16xi32>
      %abs3A_2148 = math.absi %sub3A_2147 : vector<16xi32>
      %swap3A_2149 = arith.constant 64 : index
      %swap3A_2150 = tpu.vector_load %arg6[%swap3A_2149] {strides = array<i32>} : memref<200xi32, #tpu.memory_space<vmem>>, vector<16xi32>,
      %swap3A_2151 = vector.shape_cast %swap3A_2150 : vector<16xi32> to vector<16xi32>
      %swap3A_2152 = vector.shape_cast %abs3A_2148 : vector<16xi32> to vector<16xi32>
      tpu.vector_store %arg6[%swap3A_2149], %swap3A_2152 {strides = array<i32>} : memref<200xi32, #tpu.memory_space<vmem>>, vector<16xi32>,
      %get3A_2153 = arith.index_cast %select_n3A_1997 : i32 to index
      %get3A_2154 = arith.constant 80 : index
      %get3A_2155 = tpu.vector_load %arg5[%get3A_2153, %get3A_2154] {strides = array<i32>} : memref<32x200xi32, #tpu.memory_space<vmem>>, vector<1x16xi32>,
      %get3A_2156 = vector.shape_cast %get3A_2155 : vector<1x16xi32> to vector<16xi32>
      %sub3A_2157 = arith.subi %get3A_2156, %min3A_2102 : vector<16xi32>
      %abs3A_2158 = math.absi %sub3A_2157 : vector<16xi32>
      %swap3A_2159 = arith.constant 80 : index
      %swap3A_2160 = tpu.vector_load %arg6[%swap3A_2159] {strides = array<i32>} : memref<200xi32, #tpu.memory_space<vmem>>, vector<16xi32>,
      %swap3A_2161 = vector.shape_cast %swap3A_2160 : vector<16xi32> to vector<16xi32>
      %swap3A_2162 = vector.shape_cast %abs3A_2158 : vector<16xi32> to vector<16xi32>
      tpu.vector_store %arg6[%swap3A_2159], %swap3A_2162 {strides = array<i32>} : memref<200xi32, #tpu.memory_space<vmem>>, vector<16xi32>,
      %get3A_2163 = arith.index_cast %select_n3A_1997 : i32 to index
      %get3A_2164 = arith.constant 96 : index
      %get3A_2165 = tpu.vector_load %arg5[%get3A_2163, %get3A_2164] {strides = array<i32>} : memref<32x200xi32, #tpu.memory_space<vmem>>, vector<1x16xi32>,
      %get3A_2166 = vector.shape_cast %get3A_2165 : vector<1x16xi32> to vector<16xi32>
      %sub3A_2167 = arith.subi %get3A_2166, %min3A_2102 : vector<16xi32>
      %abs3A_2168 = math.absi %sub3A_2167 : vector<16xi32>
      %swap3A_2169 = arith.constant 96 : index
      %swap3A_2170 = tpu.vector_load %arg6[%swap3A_2169] {strides = array<i32>} : memref<200xi32, #tpu.memory_space<vmem>>, vector<16xi32>,
      %swap3A_2171 = vector.shape_cast %swap3A_2170 : vector<16xi32> to vector<16xi32>
      %swap3A_2172 = vector.shape_cast %abs3A_2168 : vector<16xi32> to vector<16xi32>
      tpu.vector_store %arg6[%swap3A_2169], %swap3A_2172 {strides = array<i32>} : memref<200xi32, #tpu.memory_space<vmem>>, vector<16xi32>,
      %get3A_2173 = arith.index_cast %select_n3A_1997 : i32 to index
      %get3A_2174 = arith.constant 112 : index
      %get3A_2175 = tpu.vector_load %arg5[%get3A_2173, %get3A_2174] {strides = array<i32>} : memref<32x200xi32, #tpu.memory_space<vmem>>, vector<1x16xi32>,
      %get3A_2176 = vector.shape_cast %get3A_2175 : vector<1x16xi32> to vector<16xi32>
      %sub3A_2177 = arith.subi %get3A_2176, %min3A_2102 : vector<16xi32>
      %abs3A_2178 = math.absi %sub3A_2177 : vector<16xi32>
      %swap3A_2179 = arith.constant 112 : index
      %swap3A_2180 = tpu.vector_load %arg6[%swap3A_2179] {strides = array<i32>} : memref<200xi32, #tpu.memory_space<vmem>>, vector<16xi32>,
      %swap3A_2181 = vector.shape_cast %swap3A_2180 : vector<16xi32> to vector<16xi32>
      %swap3A_2182 = vector.shape_cast %abs3A_2178 : vector<16xi32> to vector<16xi32>
      tpu.vector_store %arg6[%swap3A_2179], %swap3A_2182 {strides = array<i32>} : memref<200xi32, #tpu.memory_space<vmem>>, vector<16xi32>,
      %get3A_2183 = arith.index_cast %select_n3A_1997 : i32 to index
      %get3A_2184 = arith.constant 128 : index
      %get3A_2185 = tpu.vector_load %arg5[%get3A_2183, %get3A_2184] {strides = array<i32>} : memref<32x200xi32, #tpu.memory_space<vmem>>, vector<1x16xi32>,
      %get3A_2186 = vector.shape_cast %get3A_2185 : vector<1x16xi32> to vector<16xi32>
      %sub3A_2187 = arith.subi %get3A_2186, %min3A_2102 : vector<16xi32>
      %abs3A_2188 = math.absi %sub3A_2187 : vector<16xi32>
      %swap3A_2189 = arith.constant 128 : index
      %swap3A_2190 = tpu.vector_load %arg6[%swap3A_2189] {strides = array<i32>} : memref<200xi32, #tpu.memory_space<vmem>>, vector<16xi32>,
      %swap3A_2191 = vector.shape_cast %swap3A_2190 : vector<16xi32> to vector<16xi32>
      %swap3A_2192 = vector.shape_cast %abs3A_2188 : vector<16xi32> to vector<16xi32>
      tpu.vector_store %arg6[%swap3A_2189], %swap3A_2192 {strides = array<i32>} : memref<200xi32, #tpu.memory_space<vmem>>, vector<16xi32>,
      %get3A_2193 = arith.index_cast %select_n3A_1997 : i32 to index
      %get3A_2194 = arith.constant 144 : index
      %get3A_2195 = tpu.vector_load %arg5[%get3A_2193, %get3A_2194] {strides = array<i32>} : memref<32x200xi32, #tpu.memory_space<vmem>>, vector<1x16xi32>,
      %get3A_2196 = vector.shape_cast %get3A_2195 : vector<1x16xi32> to vector<16xi32>
      %sub3A_2197 = arith.subi %get3A_2196, %min3A_2102 : vector<16xi32>
      %abs3A_2198 = math.absi %sub3A_2197 : vector<16xi32>
      %swap3A_2199 = arith.constant 144 : index
      %swap3A_2200 = tpu.vector_load %arg6[%swap3A_2199] {strides = array<i32>} : memref<200xi32, #tpu.memory_space<vmem>>, vector<16xi32>,
      %swap3A_2201 = vector.shape_cast %swap3A_2200 : vector<16xi32> to vector<16xi32>
      %swap3A_2202 = vector.shape_cast %abs3A_2198 : vector<16xi32> to vector<16xi32>
      tpu.vector_store %arg6[%swap3A_2199], %swap3A_2202 {strides = array<i32>} : memref<200xi32, #tpu.memory_space<vmem>>, vector<16xi32>,
      %get3A_2203 = arith.index_cast %select_n3A_1997 : i32 to index
      %get3A_2204 = arith.constant 160 : index
      %get3A_2205 = tpu.vector_load %arg5[%get3A_2203, %get3A_2204] {strides = array<i32>} : memref<32x200xi32, #tpu.memory_space<vmem>>, vector<1x16xi32>,
      %get3A_2206 = vector.shape_cast %get3A_2205 : vector<1x16xi32> to vector<16xi32>
      %sub3A_2207 = arith.subi %get3A_2206, %min3A_2102 : vector<16xi32>
      %abs3A_2208 = math.absi %sub3A_2207 : vector<16xi32>
      %swap3A_2209 = arith.constant 160 : index
      %swap3A_2210 = tpu.vector_load %arg6[%swap3A_2209] {strides = array<i32>} : memref<200xi32, #tpu.memory_space<vmem>>, vector<16xi32>,
      %swap3A_2211 = vector.shape_cast %swap3A_2210 : vector<16xi32> to vector<16xi32>
      %swap3A_2212 = vector.shape_cast %abs3A_2208 : vector<16xi32> to vector<16xi32>
      tpu.vector_store %arg6[%swap3A_2209], %swap3A_2212 {strides = array<i32>} : memref<200xi32, #tpu.memory_space<vmem>>, vector<16xi32>,
      %get3A_2213 = arith.index_cast %select_n3A_1997 : i32 to index
      %get3A_2214 = arith.constant 176 : index
      %get3A_2215 = tpu.vector_load %arg5[%get3A_2213, %get3A_2214] {strides = array<i32>} : memref<32x200xi32, #tpu.memory_space<vmem>>, vector<1x16xi32>,
      %get3A_2216 = vector.shape_cast %get3A_2215 : vector<1x16xi32> to vector<16xi32>
      %sub3A_2217 = arith.subi %get3A_2216, %min3A_2102 : vector<16xi32>
      %abs3A_2218 = math.absi %sub3A_2217 : vector<16xi32>
      %swap3A_2219 = arith.constant 176 : index
      %swap3A_2220 = tpu.vector_load %arg6[%swap3A_2219] {strides = array<i32>} : memref<200xi32, #tpu.memory_space<vmem>>, vector<16xi32>,
      %swap3A_2221 = vector.shape_cast %swap3A_2220 : vector<16xi32> to vector<16xi32>
      %swap3A_2222 = vector.shape_cast %abs3A_2218 : vector<16xi32> to vector<16xi32>
      tpu.vector_store %arg6[%swap3A_2219], %swap3A_2222 {strides = array<i32>} : memref<200xi32, #tpu.memory_space<vmem>>, vector<16xi32>,
      %get3A_2223 = arith.index_cast %select_n3A_1997 : i32 to index
      %get3A_2224 = arith.constant 184 : index
      %get3A_2225 = tpu.vector_load %arg5[%get3A_2223, %get3A_2224] {strides = array<i32>} : memref<32x200xi32, #tpu.memory_space<vmem>>, vector<1x16xi32>,
      %get3A_2226 = vector.shape_cast %get3A_2225 : vector<1x16xi32> to vector<16xi32>
      %sub3A_2227 = arith.subi %get3A_2226, %min3A_2102 : vector<16xi32>
      %abs3A_2228 = math.absi %sub3A_2227 : vector<16xi32>
      %swap3A_2229 = arith.constant 184 : index
      %swap3A_2230 = tpu.vector_load %arg6[%swap3A_2229] {strides = array<i32>} : memref<200xi32, #tpu.memory_space<vmem>>, vector<16xi32>,
      %swap3A_2231 = vector.shape_cast %swap3A_2230 : vector<16xi32> to vector<16xi32>
      %swap3A_2232 = vector.shape_cast %abs3A_2228 : vector<16xi32> to vector<16xi32>
      tpu.vector_store %arg6[%swap3A_2229], %swap3A_2232 {strides = array<i32>} : memref<200xi32, #tpu.memory_space<vmem>>, vector<16xi32>,
      %add3A_2233 = arith.constant 2 : i32
      %add3A_2234 = arith.addi %add3A_1855, %add3A_2233 : i32
      %jit3A_2235 = arith.constant 2 : i32
      %div3A_2236 = arith.divsi %add3A_2234, %jit3A_2235 : i32
      %sign3A_2237 = arith.constant 0 : i32
      %sign3A_2238 = arith.cmpi sgt, %add3A_2234, %sign3A_2237 : i32
      %sign3A_2239 = arith.extui %sign3A_2238 : i1 to i32
      %sign3A_2240 = arith.constant 0 : i32
      %sign3A_2241 = arith.cmpi slt, %add3A_2234, %sign3A_2240 : i32
      %sign3A_2242 = arith.extui %sign3A_2241 : i1 to i32
      %sign3A_2243 = arith.subi %sign3A_2239, %sign3A_2242 : i32
      %sign3A_2244 = arith.constant 0 : i32
      %sign3A_2245 = arith.cmpi sgt, %jit3A_2235, %sign3A_2244 : i32
      %sign3A_2246 = arith.extui %sign3A_2245 : i1 to i32
      %sign3A_2247 = arith.constant 0 : i32
      %sign3A_2248 = arith.cmpi slt, %jit3A_2235, %sign3A_2247 : i32
      %sign3A_2249 = arith.extui %sign3A_2248 : i1 to i32
      %sign3A_2250 = arith.subi %sign3A_2246, %sign3A_2249 : i32
      %ne3A_2251 = arith.cmpi ne, %sign3A_2243, %sign3A_2250 : i32
      %rem3A_2252 = arith.remsi %add3A_2234, %jit3A_2235 : i32
      %ne3A_2253 = arith.constant 0 : i32
      %ne3A_2254 = arith.cmpi ne, %rem3A_2252, %ne3A_2253 : i32
      %and3A_2255 = arith.andi %ne3A_2251, %ne3A_2254 : i1
      %sub3A_2256 = arith.constant 1 : i32
      %sub3A_2257 = arith.subi %div3A_2236, %sub3A_2256 : i32
      %select_n3A_2258 = arith.select %and3A_2255, %sub3A_2257, %div3A_2236 : i32
      %dma_start3A_2259 = arith.constant 0 : i32
      %dma_start3A_2260 = arith.constant 0 : i32
      %dma_start3A_2261 = tpu.memref_slice %arg10[%dma_start3A_2259, %dma_start3A_2260] : memref<104x128xf32, #tpu.memory_space<vmem>> -> memref<104x128xf32, #tpu.memory_space<vmem>>
      %dma_start3A_2262 = arith.constant 0 : i32
      %dma_start3A_2263 = tpu.memref_slice %arg6[%dma_start3A_2262] : memref<200xi32, #tpu.memory_space<vmem>> -> memref<104xi32, #tpu.memory_space<vmem>>
      %dma_start3A_2264 = arith.constant 0 : i32
      %dma_start3A_2265 = arith.constant 0 : i32
      %dma_start3A_2266 = tpu.memref_slice %arg11[%dma_start3A_2264, %dma_start3A_2265] : memref<10000x128xf32, #tpu.memory_space<vmem_shared>> -> memref<10000x128xf32, #tpu.memory_space<vmem_shared>>
      tpu.enqueue_indirect_dma source(%dma_start3A_2266 : memref<10000x128xf32, #tpu.memory_space<vmem_shared>>) target(%dma_start3A_2261 : memref<104x128xf32, #tpu.memory_space<vmem>>) offsets(%dma_start3A_2263 : memref<104xi32, #tpu.memory_space<vmem>>) semaphore(%arg14 : memref<!tpu.dma_semaphore, #tpu.memory_space<semaphore_mem>>)
      %add3A_2267 = arith.constant 5 : i32
      %add3A_2268 = arith.addi %add3A_729, %add3A_2267 : i32
      %add3A_2269 = arith.constant 0 : i32
      %add3A_2270 = arith.addi %add3A_2268, %add3A_2269 : i32
      %jit3A_2271 = arith.constant 2 : i32
      %div3A_2272 = arith.divsi %add3A_2270, %jit3A_2271 : i32
      %sign3A_2273 = arith.constant 0 : i32
      %sign3A_2274 = arith.cmpi sgt, %add3A_2270, %sign3A_2273 : i32
      %sign3A_2275 = arith.extui %sign3A_2274 : i1 to i32
      %sign3A_2276 = arith.constant 0 : i32
      %sign3A_2277 = arith.cmpi slt, %add3A_2270, %sign3A_2276 : i32
      %sign3A_2278 = arith.extui %sign3A_2277 : i1 to i32
      %sign3A_2279 = arith.subi %sign3A_2275, %sign3A_2278 : i32
      %sign3A_2280 = arith.constant 0 : i32
      %sign3A_2281 = arith.cmpi sgt, %jit3A_2271, %sign3A_2280 : i32
      %sign3A_2282 = arith.extui %sign3A_2281 : i1 to i32
      %sign3A_2283 = arith.constant 0 : i32
      %sign3A_2284 = arith.cmpi slt, %jit3A_2271, %sign3A_2283 : i32
      %sign3A_2285 = arith.extui %sign3A_2284 : i1 to i32
      %sign3A_2286 = arith.subi %sign3A_2282, %sign3A_2285 : i32
      %ne3A_2287 = arith.cmpi ne, %sign3A_2279, %sign3A_2286 : i32
      %rem3A_2288 = arith.remsi %add3A_2270, %jit3A_2271 : i32
      %ne3A_2289 = arith.constant 0 : i32
      %ne3A_2290 = arith.cmpi ne, %rem3A_2288, %ne3A_2289 : i32
      %and3A_2291 = arith.andi %ne3A_2287, %ne3A_2290 : i1
      %sub3A_2292 = arith.constant 1 : i32
      %sub3A_2293 = arith.subi %div3A_2272, %sub3A_2292 : i32
      %select_n3A_2294 = arith.select %and3A_2291, %sub3A_2293, %div3A_2272 : i32
      %dma_wait3A_2295 = arith.constant 0 : i32
      %dma_wait3A_2296 = arith.constant 0 : i32
      %dma_wait3A_2297 = tpu.memref_slice %arg9[%dma_wait3A_2295, %dma_wait3A_2296] : memref<104x128xf32, #tpu.memory_space<vmem>> -> memref<96x128xf32, #tpu.memory_space<vmem>>
      %dma_wait3A_2298 = arith.constant 104 : i32
      %dma_wait3A_2299 = tpu.memref_slice %arg7[%dma_wait3A_2298] : memref<200xi32, #tpu.memory_space<vmem>> -> memref<96xi32, #tpu.memory_space<vmem>>
      %dma_wait3A_2300 = arith.constant 0 : i32
      %dma_wait3A_2301 = arith.constant 0 : i32
      %dma_wait3A_2302 = tpu.memref_slice %arg11[%dma_wait3A_2300, %dma_wait3A_2301] : memref<10000x128xf32, #tpu.memory_space<vmem_shared>> -> memref<10000x128xf32, #tpu.memory_space<vmem_shared>>
      tpu.wait_indirect_dma semaphore(%arg13 : memref<!tpu.dma_semaphore, #tpu.memory_space<semaphore_mem>>) src(%dma_wait3A_2302 : memref<10000x128xf32, #tpu.memory_space<vmem_shared>>) dst(%dma_wait3A_2297 : memref<96x128xf32, #tpu.memory_space<vmem>>)
      %add3A_2303 = arith.constant 0 : i32
      %add3A_2304 = arith.addi %add3A_2268, %add3A_2303 : i32
      %jit3A_2305 = arith.constant 2 : i32
      %div3A_2306 = arith.divsi %add3A_2304, %jit3A_2305 : i32
      %sign3A_2307 = arith.constant 0 : i32
      %sign3A_2308 = arith.cmpi sgt, %add3A_2304, %sign3A_2307 : i32
      %sign3A_2309 = arith.extui %sign3A_2308 : i1 to i32
      %sign3A_2310 = arith.constant 0 : i32
      %sign3A_2311 = arith.cmpi slt, %add3A_2304, %sign3A_2310 : i32
      %sign3A_2312 = arith.extui %sign3A_2311 : i1 to i32
      %sign3A_2313 = arith.subi %sign3A_2309, %sign3A_2312 : i32
      %sign3A_2314 = arith.constant 0 : i32
      %sign3A_2315 = arith.cmpi sgt, %jit3A_2305, %sign3A_2314 : i32
      %sign3A_2316 = arith.extui %sign3A_2315 : i1 to i32
      %sign3A_2317 = arith.constant 0 : i32
      %sign3A_2318 = arith.cmpi slt, %jit3A_2305, %sign3A_2317 : i32
      %sign3A_2319 = arith.extui %sign3A_2318 : i1 to i32
      %sign3A_2320 = arith.subi %sign3A_2316, %sign3A_2319 : i32
      %ne3A_2321 = arith.cmpi ne, %sign3A_2313, %sign3A_2320 : i32
      %rem3A_2322 = arith.remsi %add3A_2304, %jit3A_2305 : i32
      %ne3A_2323 = arith.constant 0 : i32
      %ne3A_2324 = arith.cmpi ne, %rem3A_2322, %ne3A_2323 : i32
      %and3A_2325 = arith.andi %ne3A_2321, %ne3A_2324 : i1
      %sub3A_2326 = arith.constant 1 : i32
      %sub3A_2327 = arith.subi %div3A_2306, %sub3A_2326 : i32
      %select_n3A_2328 = arith.select %and3A_2325, %sub3A_2327, %div3A_2306 : i32
      %add3A_2329 = arith.addi %mul3A_2, %select_n3A_2328 : i32
      %dma_start3A_2330 = arith.constant 0 : i32
      %dma_start3A_2331 = arith.constant 0 : i32
      %dma_start3A_2332 = tpu.memref_slice %arg9[%dma_start3A_2330, %dma_start3A_2331] : memref<104x128xf32, #tpu.memory_space<vmem>> -> memref<96x128xf32, #tpu.memory_space<vmem>>
      %dma_start3A_2333 = arith.constant 104 : i32
      %dma_start3A_2334 = arith.constant 0 : i32
      %dma_start3A_2335 = tpu.memref_slice %arg4[%add3A_2329, %dma_start3A_2333, %dma_start3A_2334] : memref<1024x200x128xf32, #tpu.memory_space<hbm>> -> memref<1x96x128xf32, #tpu.memory_space<hbm>>
      %dma_start3A_2336 = tpu.memref_squeeze %dma_start3A_2335 : memref<1x96x128xf32, #tpu.memory_space<hbm>> -> memref<96x128xf32, #tpu.memory_space<hbm>>
      %dma_start3A_2337 = arith.constant 104 : i32
      %dma_start3A_2338 = arith.constant 0 : i32
      %dma_start3A_2339 = tpu.memref_slice %arg4[%add3A_2329, %dma_start3A_2337, %dma_start3A_2338] : memref<1024x200x128xf32, #tpu.memory_space<hbm>> -> memref<1x96x128xf32, #tpu.memory_space<hbm>>
      %dma_start3A_2340 = tpu.memref_squeeze %dma_start3A_2339 : memref<1x96x128xf32, #tpu.memory_space<hbm>> -> memref<96x128xf32, #tpu.memory_space<hbm>>
      %dma_start3A_2341 = arith.constant 0 : i32
      %dma_start3A_2342 = arith.constant 0 : i32
      %dma_start3A_2343 = tpu.memref_slice %arg9[%dma_start3A_2341, %dma_start3A_2342] : memref<104x128xf32, #tpu.memory_space<vmem>> -> memref<96x128xf32, #tpu.memory_space<vmem>>
      tpu.enqueue_dma source(%dma_start3A_2343 : memref<96x128xf32, #tpu.memory_space<vmem>>) target(%dma_start3A_2340 : memref<96x128xf32, #tpu.memory_space<hbm>>) target_semaphore(%arg16 : memref<!tpu.dma_semaphore, #tpu.memory_space<semaphore_mem>>)
      %add3A_2344 = arith.constant -1 : i32
      %add3A_2345 = arith.addi %add3A_2268, %add3A_2344 : i32
      %jit3A_2346 = arith.constant 2 : i32
      %div3A_2347 = arith.divsi %add3A_2345, %jit3A_2346 : i32
      %sign3A_2348 = arith.constant 0 : i32
      %sign3A_2349 = arith.cmpi sgt, %add3A_2345, %sign3A_2348 : i32
      %sign3A_2350 = arith.extui %sign3A_2349 : i1 to i32
      %sign3A_2351 = arith.constant 0 : i32
      %sign3A_2352 = arith.cmpi slt, %add3A_2345, %sign3A_2351 : i32
      %sign3A_2353 = arith.extui %sign3A_2352 : i1 to i32
      %sign3A_2354 = arith.subi %sign3A_2350, %sign3A_2353 : i32
      %sign3A_2355 = arith.constant 0 : i32
      %sign3A_2356 = arith.cmpi sgt, %jit3A_2346, %sign3A_2355 : i32
      %sign3A_2357 = arith.extui %sign3A_2356 : i1 to i32
      %sign3A_2358 = arith.constant 0 : i32
      %sign3A_2359 = arith.cmpi slt, %jit3A_2346, %sign3A_2358 : i32
      %sign3A_2360 = arith.extui %sign3A_2359 : i1 to i32
      %sign3A_2361 = arith.subi %sign3A_2357, %sign3A_2360 : i32
      %ne3A_2362 = arith.cmpi ne, %sign3A_2354, %sign3A_2361 : i32
      %rem3A_2363 = arith.remsi %add3A_2345, %jit3A_2346 : i32
      %ne3A_2364 = arith.constant 0 : i32
      %ne3A_2365 = arith.cmpi ne, %rem3A_2363, %ne3A_2364 : i32
      %and3A_2366 = arith.andi %ne3A_2362, %ne3A_2365 : i1
      %sub3A_2367 = arith.constant 1 : i32
      %sub3A_2368 = arith.subi %div3A_2347, %sub3A_2367 : i32
      %select_n3A_2369 = arith.select %and3A_2366, %sub3A_2368, %div3A_2347 : i32
      %add3A_2370 = arith.addi %mul3A_2, %select_n3A_2369 : i32
      %dma_wait3A_2371 = arith.constant 0 : i32
      %dma_wait3A_2372 = arith.constant 0 : i32
      %dma_wait3A_2373 = tpu.memref_slice %arg8[%dma_wait3A_2371, %dma_wait3A_2372] : memref<104x128xf32, #tpu.memory_space<vmem>> -> memref<104x128xf32, #tpu.memory_space<vmem>>
      %dma_wait3A_2374 = arith.constant 0 : i32
      %dma_wait3A_2375 = arith.constant 0 : i32
      %dma_wait3A_2376 = tpu.memref_slice %arg4[%add3A_2370, %dma_wait3A_2374, %dma_wait3A_2375] : memref<1024x200x128xf32, #tpu.memory_space<hbm>> -> memref<1x104x128xf32, #tpu.memory_space<hbm>>
      %dma_wait3A_2377 = tpu.memref_squeeze %dma_wait3A_2376 : memref<1x104x128xf32, #tpu.memory_space<hbm>> -> memref<104x128xf32, #tpu.memory_space<hbm>>
      %dma_wait3A_2378 = arith.constant 0 : i32
      %dma_wait3A_2379 = arith.constant 0 : i32
      %dma_wait3A_2380 = tpu.memref_slice %arg4[%add3A_2370, %dma_wait3A_2378, %dma_wait3A_2379] : memref<1024x200x128xf32, #tpu.memory_space<hbm>> -> memref<1x104x128xf32, #tpu.memory_space<hbm>>
      %dma_wait3A_2381 = tpu.memref_squeeze %dma_wait3A_2380 : memref<1x104x128xf32, #tpu.memory_space<hbm>> -> memref<104x128xf32, #tpu.memory_space<hbm>>
      %dma_wait3A_2382 = arith.constant 0 : i32
      %dma_wait3A_2383 = arith.constant 0 : i32
      %dma_wait3A_2384 = tpu.memref_slice %arg8[%dma_wait3A_2382, %dma_wait3A_2383] : memref<104x128xf32, #tpu.memory_space<vmem>> -> memref<104x128xf32, #tpu.memory_space<vmem>>
      tpu.wait_dma2 semaphore(%arg15 : memref<!tpu.dma_semaphore, #tpu.memory_space<semaphore_mem>>) src(%dma_wait3A_2384 : memref<104x128xf32, #tpu.memory_space<vmem>>) dst(%dma_wait3A_2381 : memref<104x128xf32, #tpu.memory_space<hbm>>)
      %add3A_2385 = arith.constant 2 : i32
      %add3A_2386 = arith.addi %add3A_2268, %add3A_2385 : i32
      %jit3A_2387 = arith.constant 2 : i32
      %div3A_2388 = arith.divsi %add3A_2386, %jit3A_2387 : i32
      %sign3A_2389 = arith.constant 0 : i32
      %sign3A_2390 = arith.cmpi sgt, %add3A_2386, %sign3A_2389 : i32
      %sign3A_2391 = arith.extui %sign3A_2390 : i1 to i32
      %sign3A_2392 = arith.constant 0 : i32
      %sign3A_2393 = arith.cmpi slt, %add3A_2386, %sign3A_2392 : i32
      %sign3A_2394 = arith.extui %sign3A_2393 : i1 to i32
      %sign3A_2395 = arith.subi %sign3A_2391, %sign3A_2394 : i32
      %sign3A_2396 = arith.constant 0 : i32
      %sign3A_2397 = arith.cmpi sgt, %jit3A_2387, %sign3A_2396 : i32
      %sign3A_2398 = arith.extui %sign3A_2397 : i1 to i32
      %sign3A_2399 = arith.constant 0 : i32
      %sign3A_2400 = arith.cmpi slt, %jit3A_2387, %sign3A_2399 : i32
      %sign3A_2401 = arith.extui %sign3A_2400 : i1 to i32
      %sign3A_2402 = arith.subi %sign3A_2398, %sign3A_2401 : i32
      %ne3A_2403 = arith.cmpi ne, %sign3A_2395, %sign3A_2402 : i32
      %rem3A_2404 = arith.remsi %add3A_2386, %jit3A_2387 : i32
      %ne3A_2405 = arith.constant 0 : i32
      %ne3A_2406 = arith.cmpi ne, %rem3A_2404, %ne3A_2405 : i32
      %and3A_2407 = arith.andi %ne3A_2403, %ne3A_2406 : i1
      %sub3A_2408 = arith.constant 1 : i32
      %sub3A_2409 = arith.subi %div3A_2388, %sub3A_2408 : i32
      %select_n3A_2410 = arith.select %and3A_2407, %sub3A_2409, %div3A_2388 : i32
      %dma_start3A_2411 = arith.constant 0 : i32
      %dma_start3A_2412 = arith.constant 0 : i32
      %dma_start3A_2413 = tpu.memref_slice %arg8[%dma_start3A_2411, %dma_start3A_2412] : memref<104x128xf32, #tpu.memory_space<vmem>> -> memref<96x128xf32, #tpu.memory_space<vmem>>
      %dma_start3A_2414 = arith.constant 104 : i32
      %dma_start3A_2415 = tpu.memref_slice %arg6[%dma_start3A_2414] : memref<200xi32, #tpu.memory_space<vmem>> -> memref<96xi32, #tpu.memory_space<vmem>>
      %dma_start3A_2416 = arith.constant 0 : i32
      %dma_start3A_2417 = arith.constant 0 : i32
      %dma_start3A_2418 = tpu.memref_slice %arg11[%dma_start3A_2416, %dma_start3A_2417] : memref<10000x128xf32, #tpu.memory_space<vmem_shared>> -> memref<10000x128xf32, #tpu.memory_space<vmem_shared>>
      tpu.enqueue_indirect_dma source(%dma_start3A_2418 : memref<10000x128xf32, #tpu.memory_space<vmem_shared>>) target(%dma_start3A_2413 : memref<96x128xf32, #tpu.memory_space<vmem>>) offsets(%dma_start3A_2415 : memref<96xi32, #tpu.memory_space<vmem>>) semaphore(%arg12 : memref<!tpu.dma_semaphore, #tpu.memory_space<semaphore_mem>>)
      %add3A_2419 = arith.constant 6 : i32
      %add3A_2420 = arith.addi %add3A_729, %add3A_2419 : i32
      %add3A_2421 = arith.constant 0 : i32
      %add3A_2422 = arith.addi %add3A_2420, %add3A_2421 : i32
      %jit3A_2423 = arith.constant 2 : i32
      %div3A_2424 = arith.divsi %add3A_2422, %jit3A_2423 : i32
      %sign3A_2425 = arith.constant 0 : i32
      %sign3A_2426 = arith.cmpi sgt, %add3A_2422, %sign3A_2425 : i32
      %sign3A_2427 = arith.extui %sign3A_2426 : i1 to i32
      %sign3A_2428 = arith.constant 0 : i32
      %sign3A_2429 = arith.cmpi slt, %add3A_2422, %sign3A_2428 : i32
      %sign3A_2430 = arith.extui %sign3A_2429 : i1 to i32
      %sign3A_2431 = arith.subi %sign3A_2427, %sign3A_2430 : i32
      %sign3A_2432 = arith.constant 0 : i32
      %sign3A_2433 = arith.cmpi sgt, %jit3A_2423, %sign3A_2432 : i32
      %sign3A_2434 = arith.extui %sign3A_2433 : i1 to i32
      %sign3A_2435 = arith.constant 0 : i32
      %sign3A_2436 = arith.cmpi slt, %jit3A_2423, %sign3A_2435 : i32
      %sign3A_2437 = arith.extui %sign3A_2436 : i1 to i32
      %sign3A_2438 = arith.subi %sign3A_2434, %sign3A_2437 : i32
      %ne3A_2439 = arith.cmpi ne, %sign3A_2431, %sign3A_2438 : i32
      %rem3A_2440 = arith.remsi %add3A_2422, %jit3A_2423 : i32
      %ne3A_2441 = arith.constant 0 : i32
      %ne3A_2442 = arith.cmpi ne, %rem3A_2440, %ne3A_2441 : i32
      %and3A_2443 = arith.andi %ne3A_2439, %ne3A_2442 : i1
      %sub3A_2444 = arith.constant 1 : i32
      %sub3A_2445 = arith.subi %div3A_2424, %sub3A_2444 : i32
      %select_n3A_2446 = arith.select %and3A_2443, %sub3A_2445, %div3A_2424 : i32
      %dma_wait3A_2447 = arith.constant 0 : i32
      %dma_wait3A_2448 = arith.constant 0 : i32
      %dma_wait3A_2449 = tpu.memref_slice %arg10[%dma_wait3A_2447, %dma_wait3A_2448] : memref<104x128xf32, #tpu.memory_space<vmem>> -> memref<104x128xf32, #tpu.memory_space<vmem>>
      %dma_wait3A_2450 = arith.constant 0 : i32
      %dma_wait3A_2451 = tpu.memref_slice %arg6[%dma_wait3A_2450] : memref<200xi32, #tpu.memory_space<vmem>> -> memref<104xi32, #tpu.memory_space<vmem>>
      %dma_wait3A_2452 = arith.constant 0 : i32
      %dma_wait3A_2453 = arith.constant 0 : i32
      %dma_wait3A_2454 = tpu.memref_slice %arg11[%dma_wait3A_2452, %dma_wait3A_2453] : memref<10000x128xf32, #tpu.memory_space<vmem_shared>> -> memref<10000x128xf32, #tpu.memory_space<vmem_shared>>
      tpu.wait_indirect_dma semaphore(%arg14 : memref<!tpu.dma_semaphore, #tpu.memory_space<semaphore_mem>>) src(%dma_wait3A_2454 : memref<10000x128xf32, #tpu.memory_space<vmem_shared>>) dst(%dma_wait3A_2449 : memref<104x128xf32, #tpu.memory_space<vmem>>)
      %add3A_2455 = arith.constant 0 : i32
      %add3A_2456 = arith.addi %add3A_2420, %add3A_2455 : i32
      %jit3A_2457 = arith.constant 2 : i32
      %div3A_2458 = arith.divsi %add3A_2456, %jit3A_2457 : i32
      %sign3A_2459 = arith.constant 0 : i32
      %sign3A_2460 = arith.cmpi sgt, %add3A_2456, %sign3A_2459 : i32
      %sign3A_2461 = arith.extui %sign3A_2460 : i1 to i32
      %sign3A_2462 = arith.constant 0 : i32
      %sign3A_2463 = arith.cmpi slt, %add3A_2456, %sign3A_2462 : i32
      %sign3A_2464 = arith.extui %sign3A_2463 : i1 to i32
      %sign3A_2465 = arith.subi %sign3A_2461, %sign3A_2464 : i32
      %sign3A_2466 = arith.constant 0 : i32
      %sign3A_2467 = arith.cmpi sgt, %jit3A_2457, %sign3A_2466 : i32
      %sign3A_2468 = arith.extui %sign3A_2467 : i1 to i32
      %sign3A_2469 = arith.constant 0 : i32
      %sign3A_2470 = arith.cmpi slt, %jit3A_2457, %sign3A_2469 : i32
      %sign3A_2471 = arith.extui %sign3A_2470 : i1 to i32
      %sign3A_2472 = arith.subi %sign3A_2468, %sign3A_2471 : i32
      %ne3A_2473 = arith.cmpi ne, %sign3A_2465, %sign3A_2472 : i32
      %rem3A_2474 = arith.remsi %add3A_2456, %jit3A_2457 : i32
      %ne3A_2475 = arith.constant 0 : i32
      %ne3A_2476 = arith.cmpi ne, %rem3A_2474, %ne3A_2475 : i32
      %and3A_2477 = arith.andi %ne3A_2473, %ne3A_2476 : i1
      %sub3A_2478 = arith.constant 1 : i32
      %sub3A_2479 = arith.subi %div3A_2458, %sub3A_2478 : i32
      %select_n3A_2480 = arith.select %and3A_2477, %sub3A_2479, %div3A_2458 : i32
      %add3A_2481 = arith.addi %mul3A_2, %select_n3A_2480 : i32
      %dma_start3A_2482 = arith.constant 0 : i32
      %dma_start3A_2483 = arith.constant 0 : i32
      %dma_start3A_2484 = tpu.memref_slice %arg10[%dma_start3A_2482, %dma_start3A_2483] : memref<104x128xf32, #tpu.memory_space<vmem>> -> memref<104x128xf32, #tpu.memory_space<vmem>>
      %dma_start3A_2485 = arith.constant 0 : i32
      %dma_start3A_2486 = arith.constant 0 : i32
      %dma_start3A_2487 = tpu.memref_slice %arg4[%add3A_2481, %dma_start3A_2485, %dma_start3A_2486] : memref<1024x200x128xf32, #tpu.memory_space<hbm>> -> memref<1x104x128xf32, #tpu.memory_space<hbm>>
      %dma_start3A_2488 = tpu.memref_squeeze %dma_start3A_2487 : memref<1x104x128xf32, #tpu.memory_space<hbm>> -> memref<104x128xf32, #tpu.memory_space<hbm>>
      %dma_start3A_2489 = arith.constant 0 : i32
      %dma_start3A_2490 = arith.constant 0 : i32
      %dma_start3A_2491 = tpu.memref_slice %arg4[%add3A_2481, %dma_start3A_2489, %dma_start3A_2490] : memref<1024x200x128xf32, #tpu.memory_space<hbm>> -> memref<1x104x128xf32, #tpu.memory_space<hbm>>
      %dma_start3A_2492 = tpu.memref_squeeze %dma_start3A_2491 : memref<1x104x128xf32, #tpu.memory_space<hbm>> -> memref<104x128xf32, #tpu.memory_space<hbm>>
      %dma_start3A_2493 = arith.constant 0 : i32
      %dma_start3A_2494 = arith.constant 0 : i32
      %dma_start3A_2495 = tpu.memref_slice %arg10[%dma_start3A_2493, %dma_start3A_2494] : memref<104x128xf32, #tpu.memory_space<vmem>> -> memref<104x128xf32, #tpu.memory_space<vmem>>
      tpu.enqueue_dma source(%dma_start3A_2495 : memref<104x128xf32, #tpu.memory_space<vmem>>) target(%dma_start3A_2492 : memref<104x128xf32, #tpu.memory_space<hbm>>) target_semaphore(%arg17 : memref<!tpu.dma_semaphore, #tpu.memory_space<semaphore_mem>>)
      %add3A_2496 = arith.constant -1 : i32
      %add3A_2497 = arith.addi %add3A_2420, %add3A_2496 : i32
      %jit3A_2498 = arith.constant 2 : i32
      %div3A_2499 = arith.divsi %add3A_2497, %jit3A_2498 : i32
      %sign3A_2500 = arith.constant 0 : i32
      %sign3A_2501 = arith.cmpi sgt, %add3A_2497, %sign3A_2500 : i32
      %sign3A_2502 = arith.extui %sign3A_2501 : i1 to i32
      %sign3A_2503 = arith.constant 0 : i32
      %sign3A_2504 = arith.cmpi slt, %add3A_2497, %sign3A_2503 : i32
      %sign3A_2505 = arith.extui %sign3A_2504 : i1 to i32
      %sign3A_2506 = arith.subi %sign3A_2502, %sign3A_2505 : i32
      %sign3A_2507 = arith.constant 0 : i32
      %sign3A_2508 = arith.cmpi sgt, %jit3A_2498, %sign3A_2507 : i32
      %sign3A_2509 = arith.extui %sign3A_2508 : i1 to i32
      %sign3A_2510 = arith.constant 0 : i32
      %sign3A_2511 = arith.cmpi slt, %jit3A_2498, %sign3A_2510 : i32
      %sign3A_2512 = arith.extui %sign3A_2511 : i1 to i32
      %sign3A_2513 = arith.subi %sign3A_2509, %sign3A_2512 : i32
      %ne3A_2514 = arith.cmpi ne, %sign3A_2506, %sign3A_2513 : i32
      %rem3A_2515 = arith.remsi %add3A_2497, %jit3A_2498 : i32
      %ne3A_2516 = arith.constant 0 : i32
      %ne3A_2517 = arith.cmpi ne, %rem3A_2515, %ne3A_2516 : i32
      %and3A_2518 = arith.andi %ne3A_2514, %ne3A_2517 : i1
      %sub3A_2519 = arith.constant 1 : i32
      %sub3A_2520 = arith.subi %div3A_2499, %sub3A_2519 : i32
      %select_n3A_2521 = arith.select %and3A_2518, %sub3A_2520, %div3A_2499 : i32
      %add3A_2522 = arith.addi %mul3A_2, %select_n3A_2521 : i32
      %dma_wait3A_2523 = arith.constant 0 : i32
      %dma_wait3A_2524 = arith.constant 0 : i32
      %dma_wait3A_2525 = tpu.memref_slice %arg9[%dma_wait3A_2523, %dma_wait3A_2524] : memref<104x128xf32, #tpu.memory_space<vmem>> -> memref<96x128xf32, #tpu.memory_space<vmem>>
      %dma_wait3A_2526 = arith.constant 104 : i32
      %dma_wait3A_2527 = arith.constant 0 : i32
      %dma_wait3A_2528 = tpu.memref_slice %arg4[%add3A_2522, %dma_wait3A_2526, %dma_wait3A_2527] : memref<1024x200x128xf32, #tpu.memory_space<hbm>> -> memref<1x96x128xf32, #tpu.memory_space<hbm>>
      %dma_wait3A_2529 = tpu.memref_squeeze %dma_wait3A_2528 : memref<1x96x128xf32, #tpu.memory_space<hbm>> -> memref<96x128xf32, #tpu.memory_space<hbm>>
      %dma_wait3A_2530 = arith.constant 104 : i32
      %dma_wait3A_2531 = arith.constant 0 : i32
      %dma_wait3A_2532 = tpu.memref_slice %arg4[%add3A_2522, %dma_wait3A_2530, %dma_wait3A_2531] : memref<1024x200x128xf32, #tpu.memory_space<hbm>> -> memref<1x96x128xf32, #tpu.memory_space<hbm>>
      %dma_wait3A_2533 = tpu.memref_squeeze %dma_wait3A_2532 : memref<1x96x128xf32, #tpu.memory_space<hbm>> -> memref<96x128xf32, #tpu.memory_space<hbm>>
      %dma_wait3A_2534 = arith.constant 0 : i32
      %dma_wait3A_2535 = arith.constant 0 : i32
      %dma_wait3A_2536 = tpu.memref_slice %arg9[%dma_wait3A_2534, %dma_wait3A_2535] : memref<104x128xf32, #tpu.memory_space<vmem>> -> memref<96x128xf32, #tpu.memory_space<vmem>>
      tpu.wait_dma2 semaphore(%arg16 : memref<!tpu.dma_semaphore, #tpu.memory_space<semaphore_mem>>) src(%dma_wait3A_2536 : memref<96x128xf32, #tpu.memory_space<vmem>>) dst(%dma_wait3A_2533 : memref<96x128xf32, #tpu.memory_space<hbm>>)
      %add3A_2537 = arith.constant 2 : i32
      %add3A_2538 = arith.addi %add3A_2420, %add3A_2537 : i32
      %jit3A_2539 = arith.constant 2 : i32
      %div3A_2540 = arith.divsi %add3A_2538, %jit3A_2539 : i32
      %sign3A_2541 = arith.constant 0 : i32
      %sign3A_2542 = arith.cmpi sgt, %add3A_2538, %sign3A_2541 : i32
      %sign3A_2543 = arith.extui %sign3A_2542 : i1 to i32
      %sign3A_2544 = arith.constant 0 : i32
      %sign3A_2545 = arith.cmpi slt, %add3A_2538, %sign3A_2544 : i32
      %sign3A_2546 = arith.extui %sign3A_2545 : i1 to i32
      %sign3A_2547 = arith.subi %sign3A_2543, %sign3A_2546 : i32
      %sign3A_2548 = arith.constant 0 : i32
      %sign3A_2549 = arith.cmpi sgt, %jit3A_2539, %sign3A_2548 : i32
      %sign3A_2550 = arith.extui %sign3A_2549 : i1 to i32
      %sign3A_2551 = arith.constant 0 : i32
      %sign3A_2552 = arith.cmpi slt, %jit3A_2539, %sign3A_2551 : i32
      %sign3A_2553 = arith.extui %sign3A_2552 : i1 to i32
      %sign3A_2554 = arith.subi %sign3A_2550, %sign3A_2553 : i32
      %ne3A_2555 = arith.cmpi ne, %sign3A_2547, %sign3A_2554 : i32
      %rem3A_2556 = arith.remsi %add3A_2538, %jit3A_2539 : i32
      %ne3A_2557 = arith.constant 0 : i32
      %ne3A_2558 = arith.cmpi ne, %rem3A_2556, %ne3A_2557 : i32
      %and3A_2559 = arith.andi %ne3A_2555, %ne3A_2558 : i1
      %sub3A_2560 = arith.constant 1 : i32
      %sub3A_2561 = arith.subi %div3A_2540, %sub3A_2560 : i32
      %select_n3A_2562 = arith.select %and3A_2559, %sub3A_2561, %div3A_2540 : i32
      %get3A_2563 = arith.index_cast %select_n3A_2562 : i32 to index
      %get3A_2564 = arith.constant 0 : index
      %get3A_2565 = tpu.vector_load %arg5[%get3A_2563, %get3A_2564] {strides = array<i32>} : memref<32x200xi32, #tpu.memory_space<vmem>>, vector<1x16xi32>,
      %get3A_2566 = vector.shape_cast %get3A_2565 : vector<1x16xi32> to vector<16xi32>
      %get3A_2567 = arith.index_cast %select_n3A_2562 : i32 to index
      %get3A_2568 = arith.constant 16 : index
      %get3A_2569 = tpu.vector_load %arg5[%get3A_2567, %get3A_2568] {strides = array<i32>} : memref<32x200xi32, #tpu.memory_space<vmem>>, vector<1x16xi32>,
      %get3A_2570 = vector.shape_cast %get3A_2569 : vector<1x16xi32> to vector<16xi32>
      %min3A_2571 = arith.minsi %get3A_2566, %get3A_2570 : vector<16xi32>
      %get3A_2572 = arith.index_cast %select_n3A_2562 : i32 to index
      %get3A_2573 = arith.constant 32 : index
      %get3A_2574 = tpu.vector_load %arg5[%get3A_2572, %get3A_2573] {strides = array<i32>} : memref<32x200xi32, #tpu.memory_space<vmem>>, vector<1x16xi32>,
      %get3A_2575 = vector.shape_cast %get3A_2574 : vector<1x16xi32> to vector<16xi32>
      %min3A_2576 = arith.minsi %min3A_2571, %get3A_2575 : vector<16xi32>
      %get3A_2577 = arith.index_cast %select_n3A_2562 : i32 to index
      %get3A_2578 = arith.constant 48 : index
      %get3A_2579 = tpu.vector_load %arg5[%get3A_2577, %get3A_2578] {strides = array<i32>} : memref<32x200xi32, #tpu.memory_space<vmem>>, vector<1x16xi32>,
      %get3A_2580 = vector.shape_cast %get3A_2579 : vector<1x16xi32> to vector<16xi32>
      %min3A_2581 = arith.minsi %min3A_2576, %get3A_2580 : vector<16xi32>
      %get3A_2582 = arith.index_cast %select_n3A_2562 : i32 to index
      %get3A_2583 = arith.constant 64 : index
      %get3A_2584 = tpu.vector_load %arg5[%get3A_2582, %get3A_2583] {strides = array<i32>} : memref<32x200xi32, #tpu.memory_space<vmem>>, vector<1x16xi32>,
      %get3A_2585 = vector.shape_cast %get3A_2584 : vector<1x16xi32> to vector<16xi32>
      %min3A_2586 = arith.minsi %min3A_2581, %get3A_2585 : vector<16xi32>
      %get3A_2587 = arith.index_cast %select_n3A_2562 : i32 to index
      %get3A_2588 = arith.constant 80 : index
      %get3A_2589 = tpu.vector_load %arg5[%get3A_2587, %get3A_2588] {strides = array<i32>} : memref<32x200xi32, #tpu.memory_space<vmem>>, vector<1x16xi32>,
      %get3A_2590 = vector.shape_cast %get3A_2589 : vector<1x16xi32> to vector<16xi32>
      %min3A_2591 = arith.minsi %min3A_2586, %get3A_2590 : vector<16xi32>
      %get3A_2592 = arith.index_cast %select_n3A_2562 : i32 to index
      %get3A_2593 = arith.constant 96 : index
      %get3A_2594 = tpu.vector_load %arg5[%get3A_2592, %get3A_2593] {strides = array<i32>} : memref<32x200xi32, #tpu.memory_space<vmem>>, vector<1x16xi32>,
      %get3A_2595 = vector.shape_cast %get3A_2594 : vector<1x16xi32> to vector<16xi32>
      %min3A_2596 = arith.minsi %min3A_2591, %get3A_2595 : vector<16xi32>
      %get3A_2597 = arith.index_cast %select_n3A_2562 : i32 to index
      %get3A_2598 = arith.constant 112 : index
      %get3A_2599 = tpu.vector_load %arg5[%get3A_2597, %get3A_2598] {strides = array<i32>} : memref<32x200xi32, #tpu.memory_space<vmem>>, vector<1x16xi32>,
      %get3A_2600 = vector.shape_cast %get3A_2599 : vector<1x16xi32> to vector<16xi32>
      %min3A_2601 = arith.minsi %min3A_2596, %get3A_2600 : vector<16xi32>
      %get3A_2602 = arith.index_cast %select_n3A_2562 : i32 to index
      %get3A_2603 = arith.constant 128 : index
      %get3A_2604 = tpu.vector_load %arg5[%get3A_2602, %get3A_2603] {strides = array<i32>} : memref<32x200xi32, #tpu.memory_space<vmem>>, vector<1x16xi32>,
      %get3A_2605 = vector.shape_cast %get3A_2604 : vector<1x16xi32> to vector<16xi32>
      %min3A_2606 = arith.minsi %min3A_2601, %get3A_2605 : vector<16xi32>
      %get3A_2607 = arith.index_cast %select_n3A_2562 : i32 to index
      %get3A_2608 = arith.constant 144 : index
      %get3A_2609 = tpu.vector_load %arg5[%get3A_2607, %get3A_2608] {strides = array<i32>} : memref<32x200xi32, #tpu.memory_space<vmem>>, vector<1x16xi32>,
      %get3A_2610 = vector.shape_cast %get3A_2609 : vector<1x16xi32> to vector<16xi32>
      %min3A_2611 = arith.minsi %min3A_2606, %get3A_2610 : vector<16xi32>
      %get3A_2612 = arith.index_cast %select_n3A_2562 : i32 to index
      %get3A_2613 = arith.constant 160 : index
      %get3A_2614 = tpu.vector_load %arg5[%get3A_2612, %get3A_2613] {strides = array<i32>} : memref<32x200xi32, #tpu.memory_space<vmem>>, vector<1x16xi32>,
      %get3A_2615 = vector.shape_cast %get3A_2614 : vector<1x16xi32> to vector<16xi32>
      %min3A_2616 = arith.minsi %min3A_2611, %get3A_2615 : vector<16xi32>
      %get3A_2617 = arith.index_cast %select_n3A_2562 : i32 to index
      %get3A_2618 = arith.constant 176 : index
      %get3A_2619 = tpu.vector_load %arg5[%get3A_2617, %get3A_2618] {strides = array<i32>} : memref<32x200xi32, #tpu.memory_space<vmem>>, vector<1x16xi32>,
      %get3A_2620 = vector.shape_cast %get3A_2619 : vector<1x16xi32> to vector<16xi32>
      %min3A_2621 = arith.minsi %min3A_2616, %get3A_2620 : vector<16xi32>
      %get3A_2622 = arith.index_cast %select_n3A_2562 : i32 to index
      %get3A_2623 = arith.constant 184 : index
      %get3A_2624 = tpu.vector_load %arg5[%get3A_2622, %get3A_2623] {strides = array<i32>} : memref<32x200xi32, #tpu.memory_space<vmem>>, vector<1x16xi32>,
      %get3A_2625 = vector.shape_cast %get3A_2624 : vector<1x16xi32> to vector<16xi32>
      %min3A_2626 = arith.minsi %min3A_2621, %get3A_2625 : vector<16xi32>
      %iota3A_2627 = tpu.iota {dimensions = array<i32: 0>} : vector<16xi32>
      %add3A_2628 = arith.constant 8 : i32
      %add3A_2629 = vector.broadcast %add3A_2628 : i32 to vector<16xi32>
      %add3A_2630 = arith.addi %iota3A_2627, %add3A_2629 : vector<16xi32>
      %rem3A_2631 = arith.constant 16 : i32
      %rem3A_2632 = vector.broadcast %rem3A_2631 : i32 to vector<16xi32>
      %rem3A_2633 = arith.remsi %add3A_2630, %rem3A_2632 : vector<16xi32>
      %broadcast_in_dim3A_2634 = vector.shape_cast %rem3A_2633 : vector<16xi32> to vector<16x1xi32>
      %gather3A_2635 = vector.shape_cast %broadcast_in_dim3A_2634 : vector<16x1xi32> to vector<16xi32>
      %gather3A_2636 = tpu.dynamic_gather %min3A_2626[%gather3A_2635] in [0] : vector<16xi32>, vector<16xi32> -> vector<16xi32>
      %min3A_2637 = arith.minsi %min3A_2626, %gather3A_2636 : vector<16xi32>
      %add3A_2638 = arith.constant 4 : i32
      %add3A_2639 = vector.broadcast %add3A_2638 : i32 to vector<16xi32>
      %add3A_2640 = arith.addi %iota3A_2627, %add3A_2639 : vector<16xi32>
      %rem3A_2641 = arith.constant 16 : i32
      %rem3A_2642 = vector.broadcast %rem3A_2641 : i32 to vector<16xi32>
      %rem3A_2643 = arith.remsi %add3A_2640, %rem3A_2642 : vector<16xi32>
      %broadcast_in_dim3A_2644 = vector.shape_cast %rem3A_2643 : vector<16xi32> to vector<16x1xi32>
      %gather3A_2645 = vector.shape_cast %broadcast_in_dim3A_2644 : vector<16x1xi32> to vector<16xi32>
      %gather3A_2646 = tpu.dynamic_gather %min3A_2637[%gather3A_2645] in [0] : vector<16xi32>, vector<16xi32> -> vector<16xi32>
      %min3A_2647 = arith.minsi %min3A_2637, %gather3A_2646 : vector<16xi32>
      %add3A_2648 = arith.constant 2 : i32
      %add3A_2649 = vector.broadcast %add3A_2648 : i32 to vector<16xi32>
      %add3A_2650 = arith.addi %iota3A_2627, %add3A_2649 : vector<16xi32>
      %rem3A_2651 = arith.constant 16 : i32
      %rem3A_2652 = vector.broadcast %rem3A_2651 : i32 to vector<16xi32>
      %rem3A_2653 = arith.remsi %add3A_2650, %rem3A_2652 : vector<16xi32>
      %broadcast_in_dim3A_2654 = vector.shape_cast %rem3A_2653 : vector<16xi32> to vector<16x1xi32>
      %gather3A_2655 = vector.shape_cast %broadcast_in_dim3A_2654 : vector<16x1xi32> to vector<16xi32>
      %gather3A_2656 = tpu.dynamic_gather %min3A_2647[%gather3A_2655] in [0] : vector<16xi32>, vector<16xi32> -> vector<16xi32>
      %min3A_2657 = arith.minsi %min3A_2647, %gather3A_2656 : vector<16xi32>
      %add3A_2658 = arith.constant 1 : i32
      %add3A_2659 = vector.broadcast %add3A_2658 : i32 to vector<16xi32>
      %add3A_2660 = arith.addi %iota3A_2627, %add3A_2659 : vector<16xi32>
      %rem3A_2661 = arith.constant 16 : i32
      %rem3A_2662 = vector.broadcast %rem3A_2661 : i32 to vector<16xi32>
      %rem3A_2663 = arith.remsi %add3A_2660, %rem3A_2662 : vector<16xi32>
      %broadcast_in_dim3A_2664 = vector.shape_cast %rem3A_2663 : vector<16xi32> to vector<16x1xi32>
      %gather3A_2665 = vector.shape_cast %broadcast_in_dim3A_2664 : vector<16x1xi32> to vector<16xi32>
      %gather3A_2666 = tpu.dynamic_gather %min3A_2657[%gather3A_2665] in [0] : vector<16xi32>, vector<16xi32> -> vector<16xi32>
      %min3A_2667 = arith.minsi %min3A_2657, %gather3A_2666 : vector<16xi32>
      %get3A_2668 = arith.index_cast %select_n3A_2562 : i32 to index
      %get3A_2669 = arith.constant 0 : index
      %get3A_2670 = tpu.vector_load %arg5[%get3A_2668, %get3A_2669] {strides = array<i32>} : memref<32x200xi32, #tpu.memory_space<vmem>>, vector<1x16xi32>,
      %get3A_2671 = vector.shape_cast %get3A_2670 : vector<1x16xi32> to vector<16xi32>
      %sub3A_2672 = arith.subi %get3A_2671, %min3A_2667 : vector<16xi32>
      %abs3A_2673 = math.absi %sub3A_2672 : vector<16xi32>
      %swap3A_2674 = arith.constant 0 : index
      %swap3A_2675 = tpu.vector_load %arg7[%swap3A_2674] {strides = array<i32>} : memref<200xi32, #tpu.memory_space<vmem>>, vector<16xi32>,
      %swap3A_2676 = vector.shape_cast %swap3A_2675 : vector<16xi32> to vector<16xi32>
      %swap3A_2677 = vector.shape_cast %abs3A_2673 : vector<16xi32> to vector<16xi32>
      tpu.vector_store %arg7[%swap3A_2674], %swap3A_2677 {strides = array<i32>} : memref<200xi32, #tpu.memory_space<vmem>>, vector<16xi32>,
      %get3A_2678 = arith.index_cast %select_n3A_2562 : i32 to index
      %get3A_2679 = arith.constant 16 : index
      %get3A_2680 = tpu.vector_load %arg5[%get3A_2678, %get3A_2679] {strides = array<i32>} : memref<32x200xi32, #tpu.memory_space<vmem>>, vector<1x16xi32>,
      %get3A_2681 = vector.shape_cast %get3A_2680 : vector<1x16xi32> to vector<16xi32>
      %sub3A_2682 = arith.subi %get3A_2681, %min3A_2667 : vector<16xi32>
      %abs3A_2683 = math.absi %sub3A_2682 : vector<16xi32>
      %swap3A_2684 = arith.constant 16 : index
      %swap3A_2685 = tpu.vector_load %arg7[%swap3A_2684] {strides = array<i32>} : memref<200xi32, #tpu.memory_space<vmem>>, vector<16xi32>,
      %swap3A_2686 = vector.shape_cast %swap3A_2685 : vector<16xi32> to vector<16xi32>
      %swap3A_2687 = vector.shape_cast %abs3A_2683 : vector<16xi32> to vector<16xi32>
      tpu.vector_store %arg7[%swap3A_2684], %swap3A_2687 {strides = array<i32>} : memref<200xi32, #tpu.memory_space<vmem>>, vector<16xi32>,
      %get3A_2688 = arith.index_cast %select_n3A_2562 : i32 to index
      %get3A_2689 = arith.constant 32 : index
      %get3A_2690 = tpu.vector_load %arg5[%get3A_2688, %get3A_2689] {strides = array<i32>} : memref<32x200xi32, #tpu.memory_space<vmem>>, vector<1x16xi32>,
      %get3A_2691 = vector.shape_cast %get3A_2690 : vector<1x16xi32> to vector<16xi32>
      %sub3A_2692 = arith.subi %get3A_2691, %min3A_2667 : vector<16xi32>
      %abs3A_2693 = math.absi %sub3A_2692 : vector<16xi32>
      %swap3A_2694 = arith.constant 32 : index
      %swap3A_2695 = tpu.vector_load %arg7[%swap3A_2694] {strides = array<i32>} : memref<200xi32, #tpu.memory_space<vmem>>, vector<16xi32>,
      %swap3A_2696 = vector.shape_cast %swap3A_2695 : vector<16xi32> to vector<16xi32>
      %swap3A_2697 = vector.shape_cast %abs3A_2693 : vector<16xi32> to vector<16xi32>
      tpu.vector_store %arg7[%swap3A_2694], %swap3A_2697 {strides = array<i32>} : memref<200xi32, #tpu.memory_space<vmem>>, vector<16xi32>,
      %get3A_2698 = arith.index_cast %select_n3A_2562 : i32 to index
      %get3A_2699 = arith.constant 48 : index
      %get3A_2700 = tpu.vector_load %arg5[%get3A_2698, %get3A_2699] {strides = array<i32>} : memref<32x200xi32, #tpu.memory_space<vmem>>, vector<1x16xi32>,
      %get3A_2701 = vector.shape_cast %get3A_2700 : vector<1x16xi32> to vector<16xi32>
      %sub3A_2702 = arith.subi %get3A_2701, %min3A_2667 : vector<16xi32>
      %abs3A_2703 = math.absi %sub3A_2702 : vector<16xi32>
      %swap3A_2704 = arith.constant 48 : index
      %swap3A_2705 = tpu.vector_load %arg7[%swap3A_2704] {strides = array<i32>} : memref<200xi32, #tpu.memory_space<vmem>>, vector<16xi32>,
      %swap3A_2706 = vector.shape_cast %swap3A_2705 : vector<16xi32> to vector<16xi32>
      %swap3A_2707 = vector.shape_cast %abs3A_2703 : vector<16xi32> to vector<16xi32>
      tpu.vector_store %arg7[%swap3A_2704], %swap3A_2707 {strides = array<i32>} : memref<200xi32, #tpu.memory_space<vmem>>, vector<16xi32>,
      %get3A_2708 = arith.index_cast %select_n3A_2562 : i32 to index
      %get3A_2709 = arith.constant 64 : index
      %get3A_2710 = tpu.vector_load %arg5[%get3A_2708, %get3A_2709] {strides = array<i32>} : memref<32x200xi32, #tpu.memory_space<vmem>>, vector<1x16xi32>,
      %get3A_2711 = vector.shape_cast %get3A_2710 : vector<1x16xi32> to vector<16xi32>
      %sub3A_2712 = arith.subi %get3A_2711, %min3A_2667 : vector<16xi32>
      %abs3A_2713 = math.absi %sub3A_2712 : vector<16xi32>
      %swap3A_2714 = arith.constant 64 : index
      %swap3A_2715 = tpu.vector_load %arg7[%swap3A_2714] {strides = array<i32>} : memref<200xi32, #tpu.memory_space<vmem>>, vector<16xi32>,
      %swap3A_2716 = vector.shape_cast %swap3A_2715 : vector<16xi32> to vector<16xi32>
      %swap3A_2717 = vector.shape_cast %abs3A_2713 : vector<16xi32> to vector<16xi32>
      tpu.vector_store %arg7[%swap3A_2714], %swap3A_2717 {strides = array<i32>} : memref<200xi32, #tpu.memory_space<vmem>>, vector<16xi32>,
      %get3A_2718 = arith.index_cast %select_n3A_2562 : i32 to index
      %get3A_2719 = arith.constant 80 : index
      %get3A_2720 = tpu.vector_load %arg5[%get3A_2718, %get3A_2719] {strides = array<i32>} : memref<32x200xi32, #tpu.memory_space<vmem>>, vector<1x16xi32>,
      %get3A_2721 = vector.shape_cast %get3A_2720 : vector<1x16xi32> to vector<16xi32>
      %sub3A_2722 = arith.subi %get3A_2721, %min3A_2667 : vector<16xi32>
      %abs3A_2723 = math.absi %sub3A_2722 : vector<16xi32>
      %swap3A_2724 = arith.constant 80 : index
      %swap3A_2725 = tpu.vector_load %arg7[%swap3A_2724] {strides = array<i32>} : memref<200xi32, #tpu.memory_space<vmem>>, vector<16xi32>,
      %swap3A_2726 = vector.shape_cast %swap3A_2725 : vector<16xi32> to vector<16xi32>
      %swap3A_2727 = vector.shape_cast %abs3A_2723 : vector<16xi32> to vector<16xi32>
      tpu.vector_store %arg7[%swap3A_2724], %swap3A_2727 {strides = array<i32>} : memref<200xi32, #tpu.memory_space<vmem>>, vector<16xi32>,
      %get3A_2728 = arith.index_cast %select_n3A_2562 : i32 to index
      %get3A_2729 = arith.constant 96 : index
      %get3A_2730 = tpu.vector_load %arg5[%get3A_2728, %get3A_2729] {strides = array<i32>} : memref<32x200xi32, #tpu.memory_space<vmem>>, vector<1x16xi32>,
      %get3A_2731 = vector.shape_cast %get3A_2730 : vector<1x16xi32> to vector<16xi32>
      %sub3A_2732 = arith.subi %get3A_2731, %min3A_2667 : vector<16xi32>
      %abs3A_2733 = math.absi %sub3A_2732 : vector<16xi32>
      %swap3A_2734 = arith.constant 96 : index
      %swap3A_2735 = tpu.vector_load %arg7[%swap3A_2734] {strides = array<i32>} : memref<200xi32, #tpu.memory_space<vmem>>, vector<16xi32>,
      %swap3A_2736 = vector.shape_cast %swap3A_2735 : vector<16xi32> to vector<16xi32>
      %swap3A_2737 = vector.shape_cast %abs3A_2733 : vector<16xi32> to vector<16xi32>
      tpu.vector_store %arg7[%swap3A_2734], %swap3A_2737 {strides = array<i32>} : memref<200xi32, #tpu.memory_space<vmem>>, vector<16xi32>,
      %get3A_2738 = arith.index_cast %select_n3A_2562 : i32 to index
      %get3A_2739 = arith.constant 112 : index
      %get3A_2740 = tpu.vector_load %arg5[%get3A_2738, %get3A_2739] {strides = array<i32>} : memref<32x200xi32, #tpu.memory_space<vmem>>, vector<1x16xi32>,
      %get3A_2741 = vector.shape_cast %get3A_2740 : vector<1x16xi32> to vector<16xi32>
      %sub3A_2742 = arith.subi %get3A_2741, %min3A_2667 : vector<16xi32>
      %abs3A_2743 = math.absi %sub3A_2742 : vector<16xi32>
      %swap3A_2744 = arith.constant 112 : index
      %swap3A_2745 = tpu.vector_load %arg7[%swap3A_2744] {strides = array<i32>} : memref<200xi32, #tpu.memory_space<vmem>>, vector<16xi32>,
      %swap3A_2746 = vector.shape_cast %swap3A_2745 : vector<16xi32> to vector<16xi32>
      %swap3A_2747 = vector.shape_cast %abs3A_2743 : vector<16xi32> to vector<16xi32>
      tpu.vector_store %arg7[%swap3A_2744], %swap3A_2747 {strides = array<i32>} : memref<200xi32, #tpu.memory_space<vmem>>, vector<16xi32>,
      %get3A_2748 = arith.index_cast %select_n3A_2562 : i32 to index
      %get3A_2749 = arith.constant 128 : index
      %get3A_2750 = tpu.vector_load %arg5[%get3A_2748, %get3A_2749] {strides = array<i32>} : memref<32x200xi32, #tpu.memory_space<vmem>>, vector<1x16xi32>,
      %get3A_2751 = vector.shape_cast %get3A_2750 : vector<1x16xi32> to vector<16xi32>
      %sub3A_2752 = arith.subi %get3A_2751, %min3A_2667 : vector<16xi32>
      %abs3A_2753 = math.absi %sub3A_2752 : vector<16xi32>
      %swap3A_2754 = arith.constant 128 : index
      %swap3A_2755 = tpu.vector_load %arg7[%swap3A_2754] {strides = array<i32>} : memref<200xi32, #tpu.memory_space<vmem>>, vector<16xi32>,
      %swap3A_2756 = vector.shape_cast %swap3A_2755 : vector<16xi32> to vector<16xi32>
      %swap3A_2757 = vector.shape_cast %abs3A_2753 : vector<16xi32> to vector<16xi32>
      tpu.vector_store %arg7[%swap3A_2754], %swap3A_2757 {strides = array<i32>} : memref<200xi32, #tpu.memory_space<vmem>>, vector<16xi32>,
      %get3A_2758 = arith.index_cast %select_n3A_2562 : i32 to index
      %get3A_2759 = arith.constant 144 : index
      %get3A_2760 = tpu.vector_load %arg5[%get3A_2758, %get3A_2759] {strides = array<i32>} : memref<32x200xi32, #tpu.memory_space<vmem>>, vector<1x16xi32>,
      %get3A_2761 = vector.shape_cast %get3A_2760 : vector<1x16xi32> to vector<16xi32>
      %sub3A_2762 = arith.subi %get3A_2761, %min3A_2667 : vector<16xi32>
      %abs3A_2763 = math.absi %sub3A_2762 : vector<16xi32>
      %swap3A_2764 = arith.constant 144 : index
      %swap3A_2765 = tpu.vector_load %arg7[%swap3A_2764] {strides = array<i32>} : memref<200xi32, #tpu.memory_space<vmem>>, vector<16xi32>,
      %swap3A_2766 = vector.shape_cast %swap3A_2765 : vector<16xi32> to vector<16xi32>
      %swap3A_2767 = vector.shape_cast %abs3A_2763 : vector<16xi32> to vector<16xi32>
      tpu.vector_store %arg7[%swap3A_2764], %swap3A_2767 {strides = array<i32>} : memref<200xi32, #tpu.memory_space<vmem>>, vector<16xi32>,
      %get3A_2768 = arith.index_cast %select_n3A_2562 : i32 to index
      %get3A_2769 = arith.constant 160 : index
      %get3A_2770 = tpu.vector_load %arg5[%get3A_2768, %get3A_2769] {strides = array<i32>} : memref<32x200xi32, #tpu.memory_space<vmem>>, vector<1x16xi32>,
      %get3A_2771 = vector.shape_cast %get3A_2770 : vector<1x16xi32> to vector<16xi32>
      %sub3A_2772 = arith.subi %get3A_2771, %min3A_2667 : vector<16xi32>
      %abs3A_2773 = math.absi %sub3A_2772 : vector<16xi32>
      %swap3A_2774 = arith.constant 160 : index
      %swap3A_2775 = tpu.vector_load %arg7[%swap3A_2774] {strides = array<i32>} : memref<200xi32, #tpu.memory_space<vmem>>, vector<16xi32>,
      %swap3A_2776 = vector.shape_cast %swap3A_2775 : vector<16xi32> to vector<16xi32>
      %swap3A_2777 = vector.shape_cast %abs3A_2773 : vector<16xi32> to vector<16xi32>
      tpu.vector_store %arg7[%swap3A_2774], %swap3A_2777 {strides = array<i32>} : memref<200xi32, #tpu.memory_space<vmem>>, vector<16xi32>,
      %get3A_2778 = arith.index_cast %select_n3A_2562 : i32 to index
      %get3A_2779 = arith.constant 176 : index
      %get3A_2780 = tpu.vector_load %arg5[%get3A_2778, %get3A_2779] {strides = array<i32>} : memref<32x200xi32, #tpu.memory_space<vmem>>, vector<1x16xi32>,
      %get3A_2781 = vector.shape_cast %get3A_2780 : vector<1x16xi32> to vector<16xi32>
      %sub3A_2782 = arith.subi %get3A_2781, %min3A_2667 : vector<16xi32>
      %abs3A_2783 = math.absi %sub3A_2782 : vector<16xi32>
      %swap3A_2784 = arith.constant 176 : index
      %swap3A_2785 = tpu.vector_load %arg7[%swap3A_2784] {strides = array<i32>} : memref<200xi32, #tpu.memory_space<vmem>>, vector<16xi32>,
      %swap3A_2786 = vector.shape_cast %swap3A_2785 : vector<16xi32> to vector<16xi32>
      %swap3A_2787 = vector.shape_cast %abs3A_2783 : vector<16xi32> to vector<16xi32>
      tpu.vector_store %arg7[%swap3A_2784], %swap3A_2787 {strides = array<i32>} : memref<200xi32, #tpu.memory_space<vmem>>, vector<16xi32>,
      %get3A_2788 = arith.index_cast %select_n3A_2562 : i32 to index
      %get3A_2789 = arith.constant 184 : index
      %get3A_2790 = tpu.vector_load %arg5[%get3A_2788, %get3A_2789] {strides = array<i32>} : memref<32x200xi32, #tpu.memory_space<vmem>>, vector<1x16xi32>,
      %get3A_2791 = vector.shape_cast %get3A_2790 : vector<1x16xi32> to vector<16xi32>
      %sub3A_2792 = arith.subi %get3A_2791, %min3A_2667 : vector<16xi32>
      %abs3A_2793 = math.absi %sub3A_2792 : vector<16xi32>
      %swap3A_2794 = arith.constant 184 : index
      %swap3A_2795 = tpu.vector_load %arg7[%swap3A_2794] {strides = array<i32>} : memref<200xi32, #tpu.memory_space<vmem>>, vector<16xi32>,
      %swap3A_2796 = vector.shape_cast %swap3A_2795 : vector<16xi32> to vector<16xi32>
      %swap3A_2797 = vector.shape_cast %abs3A_2793 : vector<16xi32> to vector<16xi32>
      tpu.vector_store %arg7[%swap3A_2794], %swap3A_2797 {strides = array<i32>} : memref<200xi32, #tpu.memory_space<vmem>>, vector<16xi32>,
      %add3A_2798 = arith.constant 2 : i32
      %add3A_2799 = arith.addi %add3A_2420, %add3A_2798 : i32
      %jit3A_2800 = arith.constant 2 : i32
      %div3A_2801 = arith.divsi %add3A_2799, %jit3A_2800 : i32
      %sign3A_2802 = arith.constant 0 : i32
      %sign3A_2803 = arith.cmpi sgt, %add3A_2799, %sign3A_2802 : i32
      %sign3A_2804 = arith.extui %sign3A_2803 : i1 to i32
      %sign3A_2805 = arith.constant 0 : i32
      %sign3A_2806 = arith.cmpi slt, %add3A_2799, %sign3A_2805 : i32
      %sign3A_2807 = arith.extui %sign3A_2806 : i1 to i32
      %sign3A_2808 = arith.subi %sign3A_2804, %sign3A_2807 : i32
      %sign3A_2809 = arith.constant 0 : i32
      %sign3A_2810 = arith.cmpi sgt, %jit3A_2800, %sign3A_2809 : i32
      %sign3A_2811 = arith.extui %sign3A_2810 : i1 to i32
      %sign3A_2812 = arith.constant 0 : i32
      %sign3A_2813 = arith.cmpi slt, %jit3A_2800, %sign3A_2812 : i32
      %sign3A_2814 = arith.extui %sign3A_2813 : i1 to i32
      %sign3A_2815 = arith.subi %sign3A_2811, %sign3A_2814 : i32
      %ne3A_2816 = arith.cmpi ne, %sign3A_2808, %sign3A_2815 : i32
      %rem3A_2817 = arith.remsi %add3A_2799, %jit3A_2800 : i32
      %ne3A_2818 = arith.constant 0 : i32
      %ne3A_2819 = arith.cmpi ne, %rem3A_2817, %ne3A_2818 : i32
      %and3A_2820 = arith.andi %ne3A_2816, %ne3A_2819 : i1
      %sub3A_2821 = arith.constant 1 : i32
      %sub3A_2822 = arith.subi %div3A_2801, %sub3A_2821 : i32
      %select_n3A_2823 = arith.select %and3A_2820, %sub3A_2822, %div3A_2801 : i32
      %dma_start3A_2824 = arith.constant 0 : i32
      %dma_start3A_2825 = arith.constant 0 : i32
      %dma_start3A_2826 = tpu.memref_slice %arg9[%dma_start3A_2824, %dma_start3A_2825] : memref<104x128xf32, #tpu.memory_space<vmem>> -> memref<104x128xf32, #tpu.memory_space<vmem>>
      %dma_start3A_2827 = arith.constant 0 : i32
      %dma_start3A_2828 = tpu.memref_slice %arg7[%dma_start3A_2827] : memref<200xi32, #tpu.memory_space<vmem>> -> memref<104xi32, #tpu.memory_space<vmem>>
      %dma_start3A_2829 = arith.constant 0 : i32
      %dma_start3A_2830 = arith.constant 0 : i32
      %dma_start3A_2831 = tpu.memref_slice %arg11[%dma_start3A_2829, %dma_start3A_2830] : memref<10000x128xf32, #tpu.memory_space<vmem_shared>> -> memref<10000x128xf32, #tpu.memory_space<vmem_shared>>
      tpu.enqueue_indirect_dma source(%dma_start3A_2831 : memref<10000x128xf32, #tpu.memory_space<vmem_shared>>) target(%dma_start3A_2826 : memref<104x128xf32, #tpu.memory_space<vmem>>) offsets(%dma_start3A_2828 : memref<104xi32, #tpu.memory_space<vmem>>) semaphore(%arg13 : memref<!tpu.dma_semaphore, #tpu.memory_space<semaphore_mem>>)
      %add3A_2832 = arith.constant 7 : i32
      %add3A_2833 = arith.addi %add3A_729, %add3A_2832 : i32
      %add3A_2834 = arith.constant 0 : i32
      %add3A_2835 = arith.addi %add3A_2833, %add3A_2834 : i32
      %jit3A_2836 = arith.constant 2 : i32
      %div3A_2837 = arith.divsi %add3A_2835, %jit3A_2836 : i32
      %sign3A_2838 = arith.constant 0 : i32
      %sign3A_2839 = arith.cmpi sgt, %add3A_2835, %sign3A_2838 : i32
      %sign3A_2840 = arith.extui %sign3A_2839 : i1 to i32
      %sign3A_2841 = arith.constant 0 : i32
      %sign3A_2842 = arith.cmpi slt, %add3A_2835, %sign3A_2841 : i32
      %sign3A_2843 = arith.extui %sign3A_2842 : i1 to i32
      %sign3A_2844 = arith.subi %sign3A_2840, %sign3A_2843 : i32
      %sign3A_2845 = arith.constant 0 : i32
      %sign3A_2846 = arith.cmpi sgt, %jit3A_2836, %sign3A_2845 : i32
      %sign3A_2847 = arith.extui %sign3A_2846 : i1 to i32
      %sign3A_2848 = arith.constant 0 : i32
      %sign3A_2849 = arith.cmpi slt, %jit3A_2836, %sign3A_2848 : i32
      %sign3A_2850 = arith.extui %sign3A_2849 : i1 to i32
      %sign3A_2851 = arith.subi %sign3A_2847, %sign3A_2850 : i32
      %ne3A_2852 = arith.cmpi ne, %sign3A_2844, %sign3A_2851 : i32
      %rem3A_2853 = arith.remsi %add3A_2835, %jit3A_2836 : i32
      %ne3A_2854 = arith.constant 0 : i32
      %ne3A_2855 = arith.cmpi ne, %rem3A_2853, %ne3A_2854 : i32
      %and3A_2856 = arith.andi %ne3A_2852, %ne3A_2855 : i1
      %sub3A_2857 = arith.constant 1 : i32
      %sub3A_2858 = arith.subi %div3A_2837, %sub3A_2857 : i32
      %select_n3A_2859 = arith.select %and3A_2856, %sub3A_2858, %div3A_2837 : i32
      %dma_wait3A_2860 = arith.constant 0 : i32
      %dma_wait3A_2861 = arith.constant 0 : i32
      %dma_wait3A_2862 = tpu.memref_slice %arg8[%dma_wait3A_2860, %dma_wait3A_2861] : memref<104x128xf32, #tpu.memory_space<vmem>> -> memref<96x128xf32, #tpu.memory_space<vmem>>
      %dma_wait3A_2863 = arith.constant 104 : i32
      %dma_wait3A_2864 = tpu.memref_slice %arg6[%dma_wait3A_2863] : memref<200xi32, #tpu.memory_space<vmem>> -> memref<96xi32, #tpu.memory_space<vmem>>
      %dma_wait3A_2865 = arith.constant 0 : i32
      %dma_wait3A_2866 = arith.constant 0 : i32
      %dma_wait3A_2867 = tpu.memref_slice %arg11[%dma_wait3A_2865, %dma_wait3A_2866] : memref<10000x128xf32, #tpu.memory_space<vmem_shared>> -> memref<10000x128xf32, #tpu.memory_space<vmem_shared>>
      tpu.wait_indirect_dma semaphore(%arg12 : memref<!tpu.dma_semaphore, #tpu.memory_space<semaphore_mem>>) src(%dma_wait3A_2867 : memref<10000x128xf32, #tpu.memory_space<vmem_shared>>) dst(%dma_wait3A_2862 : memref<96x128xf32, #tpu.memory_space<vmem>>)
      %add3A_2868 = arith.constant 0 : i32
      %add3A_2869 = arith.addi %add3A_2833, %add3A_2868 : i32
      %jit3A_2870 = arith.constant 2 : i32
      %div3A_2871 = arith.divsi %add3A_2869, %jit3A_2870 : i32
      %sign3A_2872 = arith.constant 0 : i32
      %sign3A_2873 = arith.cmpi sgt, %add3A_2869, %sign3A_2872 : i32
      %sign3A_2874 = arith.extui %sign3A_2873 : i1 to i32
      %sign3A_2875 = arith.constant 0 : i32
      %sign3A_2876 = arith.cmpi slt, %add3A_2869, %sign3A_2875 : i32
      %sign3A_2877 = arith.extui %sign3A_2876 : i1 to i32
      %sign3A_2878 = arith.subi %sign3A_2874, %sign3A_2877 : i32
      %sign3A_2879 = arith.constant 0 : i32
      %sign3A_2880 = arith.cmpi sgt, %jit3A_2870, %sign3A_2879 : i32
      %sign3A_2881 = arith.extui %sign3A_2880 : i1 to i32
      %sign3A_2882 = arith.constant 0 : i32
      %sign3A_2883 = arith.cmpi slt, %jit3A_2870, %sign3A_2882 : i32
      %sign3A_2884 = arith.extui %sign3A_2883 : i1 to i32
      %sign3A_2885 = arith.subi %sign3A_2881, %sign3A_2884 : i32
      %ne3A_2886 = arith.cmpi ne, %sign3A_2878, %sign3A_2885 : i32
      %rem3A_2887 = arith.remsi %add3A_2869, %jit3A_2870 : i32
      %ne3A_2888 = arith.constant 0 : i32
      %ne3A_2889 = arith.cmpi ne, %rem3A_2887, %ne3A_2888 : i32
      %and3A_2890 = arith.andi %ne3A_2886, %ne3A_2889 : i1
      %sub3A_2891 = arith.constant 1 : i32
      %sub3A_2892 = arith.subi %div3A_2871, %sub3A_2891 : i32
      %select_n3A_2893 = arith.select %and3A_2890, %sub3A_2892, %div3A_2871 : i32
      %add3A_2894 = arith.addi %mul3A_2, %select_n3A_2893 : i32
      %dma_start3A_2895 = arith.constant 0 : i32
      %dma_start3A_2896 = arith.constant 0 : i32
      %dma_start3A_2897 = tpu.memref_slice %arg8[%dma_start3A_2895, %dma_start3A_2896] : memref<104x128xf32, #tpu.memory_space<vmem>> -> memref<96x128xf32, #tpu.memory_space<vmem>>
      %dma_start3A_2898 = arith.constant 104 : i32
      %dma_start3A_2899 = arith.constant 0 : i32
      %dma_start3A_2900 = tpu.memref_slice %arg4[%add3A_2894, %dma_start3A_2898, %dma_start3A_2899] : memref<1024x200x128xf32, #tpu.memory_space<hbm>> -> memref<1x96x128xf32, #tpu.memory_space<hbm>>
      %dma_start3A_2901 = tpu.memref_squeeze %dma_start3A_2900 : memref<1x96x128xf32, #tpu.memory_space<hbm>> -> memref<96x128xf32, #tpu.memory_space<hbm>>
      %dma_start3A_2902 = arith.constant 104 : i32
      %dma_start3A_2903 = arith.constant 0 : i32
      %dma_start3A_2904 = tpu.memref_slice %arg4[%add3A_2894, %dma_start3A_2902, %dma_start3A_2903] : memref<1024x200x128xf32, #tpu.memory_space<hbm>> -> memref<1x96x128xf32, #tpu.memory_space<hbm>>
      %dma_start3A_2905 = tpu.memref_squeeze %dma_start3A_2904 : memref<1x96x128xf32, #tpu.memory_space<hbm>> -> memref<96x128xf32, #tpu.memory_space<hbm>>
      %dma_start3A_2906 = arith.constant 0 : i32
      %dma_start3A_2907 = arith.constant 0 : i32
      %dma_start3A_2908 = tpu.memref_slice %arg8[%dma_start3A_2906, %dma_start3A_2907] : memref<104x128xf32, #tpu.memory_space<vmem>> -> memref<96x128xf32, #tpu.memory_space<vmem>>
      tpu.enqueue_dma source(%dma_start3A_2908 : memref<96x128xf32, #tpu.memory_space<vmem>>) target(%dma_start3A_2905 : memref<96x128xf32, #tpu.memory_space<hbm>>) target_semaphore(%arg15 : memref<!tpu.dma_semaphore, #tpu.memory_space<semaphore_mem>>)
      %add3A_2909 = arith.constant -1 : i32
      %add3A_2910 = arith.addi %add3A_2833, %add3A_2909 : i32
      %jit3A_2911 = arith.constant 2 : i32
      %div3A_2912 = arith.divsi %add3A_2910, %jit3A_2911 : i32
      %sign3A_2913 = arith.constant 0 : i32
      %sign3A_2914 = arith.cmpi sgt, %add3A_2910, %sign3A_2913 : i32
      %sign3A_2915 = arith.extui %sign3A_2914 : i1 to i32
      %sign3A_2916 = arith.constant 0 : i32
      %sign3A_2917 = arith.cmpi slt, %add3A_2910, %sign3A_2916 : i32
      %sign3A_2918 = arith.extui %sign3A_2917 : i1 to i32
      %sign3A_2919 = arith.subi %sign3A_2915, %sign3A_2918 : i32
      %sign3A_2920 = arith.constant 0 : i32
      %sign3A_2921 = arith.cmpi sgt, %jit3A_2911, %sign3A_2920 : i32
      %sign3A_2922 = arith.extui %sign3A_2921 : i1 to i32
      %sign3A_2923 = arith.constant 0 : i32
      %sign3A_2924 = arith.cmpi slt, %jit3A_2911, %sign3A_2923 : i32
      %sign3A_2925 = arith.extui %sign3A_2924 : i1 to i32
      %sign3A_2926 = arith.subi %sign3A_2922, %sign3A_2925 : i32
      %ne3A_2927 = arith.cmpi ne, %sign3A_2919, %sign3A_2926 : i32
      %rem3A_2928 = arith.remsi %add3A_2910, %jit3A_2911 : i32
      %ne3A_2929 = arith.constant 0 : i32
      %ne3A_2930 = arith.cmpi ne, %rem3A_2928, %ne3A_2929 : i32
      %and3A_2931 = arith.andi %ne3A_2927, %ne3A_2930 : i1
      %sub3A_2932 = arith.constant 1 : i32
      %sub3A_2933 = arith.subi %div3A_2912, %sub3A_2932 : i32
      %select_n3A_2934 = arith.select %and3A_2931, %sub3A_2933, %div3A_2912 : i32
      %add3A_2935 = arith.addi %mul3A_2, %select_n3A_2934 : i32
      %dma_wait3A_2936 = arith.constant 0 : i32
      %dma_wait3A_2937 = arith.constant 0 : i32
      %dma_wait3A_2938 = tpu.memref_slice %arg10[%dma_wait3A_2936, %dma_wait3A_2937] : memref<104x128xf32, #tpu.memory_space<vmem>> -> memref<104x128xf32, #tpu.memory_space<vmem>>
      %dma_wait3A_2939 = arith.constant 0 : i32
      %dma_wait3A_2940 = arith.constant 0 : i32
      %dma_wait3A_2941 = tpu.memref_slice %arg4[%add3A_2935, %dma_wait3A_2939, %dma_wait3A_2940] : memref<1024x200x128xf32, #tpu.memory_space<hbm>> -> memref<1x104x128xf32, #tpu.memory_space<hbm>>
      %dma_wait3A_2942 = tpu.memref_squeeze %dma_wait3A_2941 : memref<1x104x128xf32, #tpu.memory_space<hbm>> -> memref<104x128xf32, #tpu.memory_space<hbm>>
      %dma_wait3A_2943 = arith.constant 0 : i32
      %dma_wait3A_2944 = arith.constant 0 : i32
      %dma_wait3A_2945 = tpu.memref_slice %arg4[%add3A_2935, %dma_wait3A_2943, %dma_wait3A_2944] : memref<1024x200x128xf32, #tpu.memory_space<hbm>> -> memref<1x104x128xf32, #tpu.memory_space<hbm>>
      %dma_wait3A_2946 = tpu.memref_squeeze %dma_wait3A_2945 : memref<1x104x128xf32, #tpu.memory_space<hbm>> -> memref<104x128xf32, #tpu.memory_space<hbm>>
      %dma_wait3A_2947 = arith.constant 0 : i32
      %dma_wait3A_2948 = arith.constant 0 : i32
      %dma_wait3A_2949 = tpu.memref_slice %arg10[%dma_wait3A_2947, %dma_wait3A_2948] : memref<104x128xf32, #tpu.memory_space<vmem>> -> memref<104x128xf32, #tpu.memory_space<vmem>>
      tpu.wait_dma2 semaphore(%arg17 : memref<!tpu.dma_semaphore, #tpu.memory_space<semaphore_mem>>) src(%dma_wait3A_2949 : memref<104x128xf32, #tpu.memory_space<vmem>>) dst(%dma_wait3A_2946 : memref<104x128xf32, #tpu.memory_space<hbm>>)
      %add3A_2950 = arith.constant 2 : i32
      %add3A_2951 = arith.addi %add3A_2833, %add3A_2950 : i32
      %jit3A_2952 = arith.constant 2 : i32
      %div3A_2953 = arith.divsi %add3A_2951, %jit3A_2952 : i32
      %sign3A_2954 = arith.constant 0 : i32
      %sign3A_2955 = arith.cmpi sgt, %add3A_2951, %sign3A_2954 : i32
      %sign3A_2956 = arith.extui %sign3A_2955 : i1 to i32
      %sign3A_2957 = arith.constant 0 : i32
      %sign3A_2958 = arith.cmpi slt, %add3A_2951, %sign3A_2957 : i32
      %sign3A_2959 = arith.extui %sign3A_2958 : i1 to i32
      %sign3A_2960 = arith.subi %sign3A_2956, %sign3A_2959 : i32
      %sign3A_2961 = arith.constant 0 : i32
      %sign3A_2962 = arith.cmpi sgt, %jit3A_2952, %sign3A_2961 : i32
      %sign3A_2963 = arith.extui %sign3A_2962 : i1 to i32
      %sign3A_2964 = arith.constant 0 : i32
      %sign3A_2965 = arith.cmpi slt, %jit3A_2952, %sign3A_2964 : i32
      %sign3A_2966 = arith.extui %sign3A_2965 : i1 to i32
      %sign3A_2967 = arith.subi %sign3A_2963, %sign3A_2966 : i32
      %ne3A_2968 = arith.cmpi ne, %sign3A_2960, %sign3A_2967 : i32
      %rem3A_2969 = arith.remsi %add3A_2951, %jit3A_2952 : i32
      %ne3A_2970 = arith.constant 0 : i32
      %ne3A_2971 = arith.cmpi ne, %rem3A_2969, %ne3A_2970 : i32
      %and3A_2972 = arith.andi %ne3A_2968, %ne3A_2971 : i1
      %sub3A_2973 = arith.constant 1 : i32
      %sub3A_2974 = arith.subi %div3A_2953, %sub3A_2973 : i32
      %select_n3A_2975 = arith.select %and3A_2972, %sub3A_2974, %div3A_2953 : i32
      %dma_start3A_2976 = arith.constant 0 : i32
      %dma_start3A_2977 = arith.constant 0 : i32
      %dma_start3A_2978 = tpu.memref_slice %arg10[%dma_start3A_2976, %dma_start3A_2977] : memref<104x128xf32, #tpu.memory_space<vmem>> -> memref<96x128xf32, #tpu.memory_space<vmem>>
      %dma_start3A_2979 = arith.constant 104 : i32
      %dma_start3A_2980 = tpu.memref_slice %arg7[%dma_start3A_2979] : memref<200xi32, #tpu.memory_space<vmem>> -> memref<96xi32, #tpu.memory_space<vmem>>
      %dma_start3A_2981 = arith.constant 0 : i32
      %dma_start3A_2982 = arith.constant 0 : i32
      %dma_start3A_2983 = tpu.memref_slice %arg11[%dma_start3A_2981, %dma_start3A_2982] : memref<10000x128xf32, #tpu.memory_space<vmem_shared>> -> memref<10000x128xf32, #tpu.memory_space<vmem_shared>>
      tpu.enqueue_indirect_dma source(%dma_start3A_2983 : memref<10000x128xf32, #tpu.memory_space<vmem_shared>>) target(%dma_start3A_2978 : memref<96x128xf32, #tpu.memory_space<vmem>>) offsets(%dma_start3A_2980 : memref<96xi32, #tpu.memory_space<vmem>>) semaphore(%arg14 : memref<!tpu.dma_semaphore, #tpu.memory_space<semaphore_mem>>)
      %add3A_2984 = arith.constant 8 : i32
      %add3A_2985 = arith.addi %add3A_729, %add3A_2984 : i32
      %add3A_2986 = arith.constant 0 : i32
      %add3A_2987 = arith.addi %add3A_2985, %add3A_2986 : i32
      %jit3A_2988 = arith.constant 2 : i32
      %div3A_2989 = arith.divsi %add3A_2987, %jit3A_2988 : i32
      %sign3A_2990 = arith.constant 0 : i32
      %sign3A_2991 = arith.cmpi sgt, %add3A_2987, %sign3A_2990 : i32
      %sign3A_2992 = arith.extui %sign3A_2991 : i1 to i32
      %sign3A_2993 = arith.constant 0 : i32
      %sign3A_2994 = arith.cmpi slt, %add3A_2987, %sign3A_2993 : i32
      %sign3A_2995 = arith.extui %sign3A_2994 : i1 to i32
      %sign3A_2996 = arith.subi %sign3A_2992, %sign3A_2995 : i32
      %sign3A_2997 = arith.constant 0 : i32
      %sign3A_2998 = arith.cmpi sgt, %jit3A_2988, %sign3A_2997 : i32
      %sign3A_2999 = arith.extui %sign3A_2998 : i1 to i32
      %sign3A_3000 = arith.constant 0 : i32
      %sign3A_3001 = arith.cmpi slt, %jit3A_2988, %sign3A_3000 : i32
      %sign3A_3002 = arith.extui %sign3A_3001 : i1 to i32
      %sign3A_3003 = arith.subi %sign3A_2999, %sign3A_3002 : i32
      %ne3A_3004 = arith.cmpi ne, %sign3A_2996, %sign3A_3003 : i32
      %rem3A_3005 = arith.remsi %add3A_2987, %jit3A_2988 : i32
      %ne3A_3006 = arith.constant 0 : i32
      %ne3A_3007 = arith.cmpi ne, %rem3A_3005, %ne3A_3006 : i32
      %and3A_3008 = arith.andi %ne3A_3004, %ne3A_3007 : i1
      %sub3A_3009 = arith.constant 1 : i32
      %sub3A_3010 = arith.subi %div3A_2989, %sub3A_3009 : i32
      %select_n3A_3011 = arith.select %and3A_3008, %sub3A_3010, %div3A_2989 : i32
      %dma_wait3A_3012 = arith.constant 0 : i32
      %dma_wait3A_3013 = arith.constant 0 : i32
      %dma_wait3A_3014 = tpu.memref_slice %arg9[%dma_wait3A_3012, %dma_wait3A_3013] : memref<104x128xf32, #tpu.memory_space<vmem>> -> memref<104x128xf32, #tpu.memory_space<vmem>>
      %dma_wait3A_3015 = arith.constant 0 : i32
      %dma_wait3A_3016 = tpu.memref_slice %arg7[%dma_wait3A_3015] : memref<200xi32, #tpu.memory_space<vmem>> -> memref<104xi32, #tpu.memory_space<vmem>>
      %dma_wait3A_3017 = arith.constant 0 : i32
      %dma_wait3A_3018 = arith.constant 0 : i32
      %dma_wait3A_3019 = tpu.memref_slice %arg11[%dma_wait3A_3017, %dma_wait3A_3018] : memref<10000x128xf32, #tpu.memory_space<vmem_shared>> -> memref<10000x128xf32, #tpu.memory_space<vmem_shared>>
      tpu.wait_indirect_dma semaphore(%arg13 : memref<!tpu.dma_semaphore, #tpu.memory_space<semaphore_mem>>) src(%dma_wait3A_3019 : memref<10000x128xf32, #tpu.memory_space<vmem_shared>>) dst(%dma_wait3A_3014 : memref<104x128xf32, #tpu.memory_space<vmem>>)
      %add3A_3020 = arith.constant 0 : i32
      %add3A_3021 = arith.addi %add3A_2985, %add3A_3020 : i32
      %jit3A_3022 = arith.constant 2 : i32
      %div3A_3023 = arith.divsi %add3A_3021, %jit3A_3022 : i32
      %sign3A_3024 = arith.constant 0 : i32
      %sign3A_3025 = arith.cmpi sgt, %add3A_3021, %sign3A_3024 : i32
      %sign3A_3026 = arith.extui %sign3A_3025 : i1 to i32
      %sign3A_3027 = arith.constant 0 : i32
      %sign3A_3028 = arith.cmpi slt, %add3A_3021, %sign3A_3027 : i32
      %sign3A_3029 = arith.extui %sign3A_3028 : i1 to i32
      %sign3A_3030 = arith.subi %sign3A_3026, %sign3A_3029 : i32
      %sign3A_3031 = arith.constant 0 : i32
      %sign3A_3032 = arith.cmpi sgt, %jit3A_3022, %sign3A_3031 : i32
      %sign3A_3033 = arith.extui %sign3A_3032 : i1 to i32
      %sign3A_3034 = arith.constant 0 : i32
      %sign3A_3035 = arith.cmpi slt, %jit3A_3022, %sign3A_3034 : i32
      %sign3A_3036 = arith.extui %sign3A_3035 : i1 to i32
      %sign3A_3037 = arith.subi %sign3A_3033, %sign3A_3036 : i32
      %ne3A_3038 = arith.cmpi ne, %sign3A_3030, %sign3A_3037 : i32
      %rem3A_3039 = arith.remsi %add3A_3021, %jit3A_3022 : i32
      %ne3A_3040 = arith.constant 0 : i32
      %ne3A_3041 = arith.cmpi ne, %rem3A_3039, %ne3A_3040 : i32
      %and3A_3042 = arith.andi %ne3A_3038, %ne3A_3041 : i1
      %sub3A_3043 = arith.constant 1 : i32
      %sub3A_3044 = arith.subi %div3A_3023, %sub3A_3043 : i32
      %select_n3A_3045 = arith.select %and3A_3042, %sub3A_3044, %div3A_3023 : i32
      %add3A_3046 = arith.addi %mul3A_2, %select_n3A_3045 : i32
      %dma_start3A_3047 = arith.constant 0 : i32
      %dma_start3A_3048 = arith.constant 0 : i32
      %dma_start3A_3049 = tpu.memref_slice %arg9[%dma_start3A_3047, %dma_start3A_3048] : memref<104x128xf32, #tpu.memory_space<vmem>> -> memref<104x128xf32, #tpu.memory_space<vmem>>
      %dma_start3A_3050 = arith.constant 0 : i32
      %dma_start3A_3051 = arith.constant 0 : i32
      %dma_start3A_3052 = tpu.memref_slice %arg4[%add3A_3046, %dma_start3A_3050, %dma_start3A_3051] : memref<1024x200x128xf32, #tpu.memory_space<hbm>> -> memref<1x104x128xf32, #tpu.memory_space<hbm>>
      %dma_start3A_3053 = tpu.memref_squeeze %dma_start3A_3052 : memref<1x104x128xf32, #tpu.memory_space<hbm>> -> memref<104x128xf32, #tpu.memory_space<hbm>>
      %dma_start3A_3054 = arith.constant 0 : i32
      %dma_start3A_3055 = arith.constant 0 : i32
      %dma_start3A_3056 = tpu.memref_slice %arg4[%add3A_3046, %dma_start3A_3054, %dma_start3A_3055] : memref<1024x200x128xf32, #tpu.memory_space<hbm>> -> memref<1x104x128xf32, #tpu.memory_space<hbm>>
      %dma_start3A_3057 = tpu.memref_squeeze %dma_start3A_3056 : memref<1x104x128xf32, #tpu.memory_space<hbm>> -> memref<104x128xf32, #tpu.memory_space<hbm>>
      %dma_start3A_3058 = arith.constant 0 : i32
      %dma_start3A_3059 = arith.constant 0 : i32
      %dma_start3A_3060 = tpu.memref_slice %arg9[%dma_start3A_3058, %dma_start3A_3059] : memref<104x128xf32, #tpu.memory_space<vmem>> -> memref<104x128xf32, #tpu.memory_space<vmem>>
      tpu.enqueue_dma source(%dma_start3A_3060 : memref<104x128xf32, #tpu.memory_space<vmem>>) target(%dma_start3A_3057 : memref<104x128xf32, #tpu.memory_space<hbm>>) target_semaphore(%arg16 : memref<!tpu.dma_semaphore, #tpu.memory_space<semaphore_mem>>)
      %add3A_3061 = arith.constant -1 : i32
      %add3A_3062 = arith.addi %add3A_2985, %add3A_3061 : i32
      %jit3A_3063 = arith.constant 2 : i32
      %div3A_3064 = arith.divsi %add3A_3062, %jit3A_3063 : i32
      %sign3A_3065 = arith.constant 0 : i32
      %sign3A_3066 = arith.cmpi sgt, %add3A_3062, %sign3A_3065 : i32
      %sign3A_3067 = arith.extui %sign3A_3066 : i1 to i32
      %sign3A_3068 = arith.constant 0 : i32
      %sign3A_3069 = arith.cmpi slt, %add3A_3062, %sign3A_3068 : i32
      %sign3A_3070 = arith.extui %sign3A_3069 : i1 to i32
      %sign3A_3071 = arith.subi %sign3A_3067, %sign3A_3070 : i32
      %sign3A_3072 = arith.constant 0 : i32
      %sign3A_3073 = arith.cmpi sgt, %jit3A_3063, %sign3A_3072 : i32
      %sign3A_3074 = arith.extui %sign3A_3073 : i1 to i32
      %sign3A_3075 = arith.constant 0 : i32
      %sign3A_3076 = arith.cmpi slt, %jit3A_3063, %sign3A_3075 : i32
      %sign3A_3077 = arith.extui %sign3A_3076 : i1 to i32
      %sign3A_3078 = arith.subi %sign3A_3074, %sign3A_3077 : i32
      %ne3A_3079 = arith.cmpi ne, %sign3A_3071, %sign3A_3078 : i32
      %rem3A_3080 = arith.remsi %add3A_3062, %jit3A_3063 : i32
      %ne3A_3081 = arith.constant 0 : i32
      %ne3A_3082 = arith.cmpi ne, %rem3A_3080, %ne3A_3081 : i32
      %and3A_3083 = arith.andi %ne3A_3079, %ne3A_3082 : i1
      %sub3A_3084 = arith.constant 1 : i32
      %sub3A_3085 = arith.subi %div3A_3064, %sub3A_3084 : i32
      %select_n3A_3086 = arith.select %and3A_3083, %sub3A_3085, %div3A_3064 : i32
      %add3A_3087 = arith.addi %mul3A_2, %select_n3A_3086 : i32
      %dma_wait3A_3088 = arith.constant 0 : i32
      %dma_wait3A_3089 = arith.constant 0 : i32
      %dma_wait3A_3090 = tpu.memref_slice %arg8[%dma_wait3A_3088, %dma_wait3A_3089] : memref<104x128xf32, #tpu.memory_space<vmem>> -> memref<96x128xf32, #tpu.memory_space<vmem>>
      %dma_wait3A_3091 = arith.constant 104 : i32
      %dma_wait3A_3092 = arith.constant 0 : i32
      %dma_wait3A_3093 = tpu.memref_slice %arg4[%add3A_3087, %dma_wait3A_3091, %dma_wait3A_3092] : memref<1024x200x128xf32, #tpu.memory_space<hbm>> -> memref<1x96x128xf32, #tpu.memory_space<hbm>>
      %dma_wait3A_3094 = tpu.memref_squeeze %dma_wait3A_3093 : memref<1x96x128xf32, #tpu.memory_space<hbm>> -> memref<96x128xf32, #tpu.memory_space<hbm>>
      %dma_wait3A_3095 = arith.constant 104 : i32
      %dma_wait3A_3096 = arith.constant 0 : i32
      %dma_wait3A_3097 = tpu.memref_slice %arg4[%add3A_3087, %dma_wait3A_3095, %dma_wait3A_3096] : memref<1024x200x128xf32, #tpu.memory_space<hbm>> -> memref<1x96x128xf32, #tpu.memory_space<hbm>>
      %dma_wait3A_3098 = tpu.memref_squeeze %dma_wait3A_3097 : memref<1x96x128xf32, #tpu.memory_space<hbm>> -> memref<96x128xf32, #tpu.memory_space<hbm>>
      %dma_wait3A_3099 = arith.constant 0 : i32
      %dma_wait3A_3100 = arith.constant 0 : i32
      %dma_wait3A_3101 = tpu.memref_slice %arg8[%dma_wait3A_3099, %dma_wait3A_3100] : memref<104x128xf32, #tpu.memory_space<vmem>> -> memref<96x128xf32, #tpu.memory_space<vmem>>
      tpu.wait_dma2 semaphore(%arg15 : memref<!tpu.dma_semaphore, #tpu.memory_space<semaphore_mem>>) src(%dma_wait3A_3101 : memref<96x128xf32, #tpu.memory_space<vmem>>) dst(%dma_wait3A_3098 : memref<96x128xf32, #tpu.memory_space<hbm>>)
      %add3A_3102 = arith.constant 2 : i32
      %add3A_3103 = arith.addi %add3A_2985, %add3A_3102 : i32
      %jit3A_3104 = arith.constant 2 : i32
      %div3A_3105 = arith.divsi %add3A_3103, %jit3A_3104 : i32
      %sign3A_3106 = arith.constant 0 : i32
      %sign3A_3107 = arith.cmpi sgt, %add3A_3103, %sign3A_3106 : i32
      %sign3A_3108 = arith.extui %sign3A_3107 : i1 to i32
      %sign3A_3109 = arith.constant 0 : i32
      %sign3A_3110 = arith.cmpi slt, %add3A_3103, %sign3A_3109 : i32
      %sign3A_3111 = arith.extui %sign3A_3110 : i1 to i32
      %sign3A_3112 = arith.subi %sign3A_3108, %sign3A_3111 : i32
      %sign3A_3113 = arith.constant 0 : i32
      %sign3A_3114 = arith.cmpi sgt, %jit3A_3104, %sign3A_3113 : i32
      %sign3A_3115 = arith.extui %sign3A_3114 : i1 to i32
      %sign3A_3116 = arith.constant 0 : i32
      %sign3A_3117 = arith.cmpi slt, %jit3A_3104, %sign3A_3116 : i32
      %sign3A_3118 = arith.extui %sign3A_3117 : i1 to i32
      %sign3A_3119 = arith.subi %sign3A_3115, %sign3A_3118 : i32
      %ne3A_3120 = arith.cmpi ne, %sign3A_3112, %sign3A_3119 : i32
      %rem3A_3121 = arith.remsi %add3A_3103, %jit3A_3104 : i32
      %ne3A_3122 = arith.constant 0 : i32
      %ne3A_3123 = arith.cmpi ne, %rem3A_3121, %ne3A_3122 : i32
      %and3A_3124 = arith.andi %ne3A_3120, %ne3A_3123 : i1
      %sub3A_3125 = arith.constant 1 : i32
      %sub3A_3126 = arith.subi %div3A_3105, %sub3A_3125 : i32
      %select_n3A_3127 = arith.select %and3A_3124, %sub3A_3126, %div3A_3105 : i32
      %get3A_3128 = arith.index_cast %select_n3A_3127 : i32 to index
      %get3A_3129 = arith.constant 0 : index
      %get3A_3130 = tpu.vector_load %arg5[%get3A_3128, %get3A_3129] {strides = array<i32>} : memref<32x200xi32, #tpu.memory_space<vmem>>, vector<1x16xi32>,
      %get3A_3131 = vector.shape_cast %get3A_3130 : vector<1x16xi32> to vector<16xi32>
      %get3A_3132 = arith.index_cast %select_n3A_3127 : i32 to index
      %get3A_3133 = arith.constant 16 : index
      %get3A_3134 = tpu.vector_load %arg5[%get3A_3132, %get3A_3133] {strides = array<i32>} : memref<32x200xi32, #tpu.memory_space<vmem>>, vector<1x16xi32>,
      %get3A_3135 = vector.shape_cast %get3A_3134 : vector<1x16xi32> to vector<16xi32>
      %min3A_3136 = arith.minsi %get3A_3131, %get3A_3135 : vector<16xi32>
      %get3A_3137 = arith.index_cast %select_n3A_3127 : i32 to index
      %get3A_3138 = arith.constant 32 : index
      %get3A_3139 = tpu.vector_load %arg5[%get3A_3137, %get3A_3138] {strides = array<i32>} : memref<32x200xi32, #tpu.memory_space<vmem>>, vector<1x16xi32>,
      %get3A_3140 = vector.shape_cast %get3A_3139 : vector<1x16xi32> to vector<16xi32>
      %min3A_3141 = arith.minsi %min3A_3136, %get3A_3140 : vector<16xi32>
      %get3A_3142 = arith.index_cast %select_n3A_3127 : i32 to index
      %get3A_3143 = arith.constant 48 : index
      %get3A_3144 = tpu.vector_load %arg5[%get3A_3142, %get3A_3143] {strides = array<i32>} : memref<32x200xi32, #tpu.memory_space<vmem>>, vector<1x16xi32>,
      %get3A_3145 = vector.shape_cast %get3A_3144 : vector<1x16xi32> to vector<16xi32>
      %min3A_3146 = arith.minsi %min3A_3141, %get3A_3145 : vector<16xi32>
      %get3A_3147 = arith.index_cast %select_n3A_3127 : i32 to index
      %get3A_3148 = arith.constant 64 : index
      %get3A_3149 = tpu.vector_load %arg5[%get3A_3147, %get3A_3148] {strides = array<i32>} : memref<32x200xi32, #tpu.memory_space<vmem>>, vector<1x16xi32>,
      %get3A_3150 = vector.shape_cast %get3A_3149 : vector<1x16xi32> to vector<16xi32>
      %min3A_3151 = arith.minsi %min3A_3146, %get3A_3150 : vector<16xi32>
      %get3A_3152 = arith.index_cast %select_n3A_3127 : i32 to index
      %get3A_3153 = arith.constant 80 : index
      %get3A_3154 = tpu.vector_load %arg5[%get3A_3152, %get3A_3153] {strides = array<i32>} : memref<32x200xi32, #tpu.memory_space<vmem>>, vector<1x16xi32>,
      %get3A_3155 = vector.shape_cast %get3A_3154 : vector<1x16xi32> to vector<16xi32>
      %min3A_3156 = arith.minsi %min3A_3151, %get3A_3155 : vector<16xi32>
      %get3A_3157 = arith.index_cast %select_n3A_3127 : i32 to index
      %get3A_3158 = arith.constant 96 : index
      %get3A_3159 = tpu.vector_load %arg5[%get3A_3157, %get3A_3158] {strides = array<i32>} : memref<32x200xi32, #tpu.memory_space<vmem>>, vector<1x16xi32>,
      %get3A_3160 = vector.shape_cast %get3A_3159 : vector<1x16xi32> to vector<16xi32>
      %min3A_3161 = arith.minsi %min3A_3156, %get3A_3160 : vector<16xi32>
      %get3A_3162 = arith.index_cast %select_n3A_3127 : i32 to index
      %get3A_3163 = arith.constant 112 : index
      %get3A_3164 = tpu.vector_load %arg5[%get3A_3162, %get3A_3163] {strides = array<i32>} : memref<32x200xi32, #tpu.memory_space<vmem>>, vector<1x16xi32>,
      %get3A_3165 = vector.shape_cast %get3A_3164 : vector<1x16xi32> to vector<16xi32>
      %min3A_3166 = arith.minsi %min3A_3161, %get3A_3165 : vector<16xi32>
      %get3A_3167 = arith.index_cast %select_n3A_3127 : i32 to index
      %get3A_3168 = arith.constant 128 : index
      %get3A_3169 = tpu.vector_load %arg5[%get3A_3167, %get3A_3168] {strides = array<i32>} : memref<32x200xi32, #tpu.memory_space<vmem>>, vector<1x16xi32>,
      %get3A_3170 = vector.shape_cast %get3A_3169 : vector<1x16xi32> to vector<16xi32>
      %min3A_3171 = arith.minsi %min3A_3166, %get3A_3170 : vector<16xi32>
      %get3A_3172 = arith.index_cast %select_n3A_3127 : i32 to index
      %get3A_3173 = arith.constant 144 : index
      %get3A_3174 = tpu.vector_load %arg5[%get3A_3172, %get3A_3173] {strides = array<i32>} : memref<32x200xi32, #tpu.memory_space<vmem>>, vector<1x16xi32>,
      %get3A_3175 = vector.shape_cast %get3A_3174 : vector<1x16xi32> to vector<16xi32>
      %min3A_3176 = arith.minsi %min3A_3171, %get3A_3175 : vector<16xi32>
      %get3A_3177 = arith.index_cast %select_n3A_3127 : i32 to index
      %get3A_3178 = arith.constant 160 : index
      %get3A_3179 = tpu.vector_load %arg5[%get3A_3177, %get3A_3178] {strides = array<i32>} : memref<32x200xi32, #tpu.memory_space<vmem>>, vector<1x16xi32>,
      %get3A_3180 = vector.shape_cast %get3A_3179 : vector<1x16xi32> to vector<16xi32>
      %min3A_3181 = arith.minsi %min3A_3176, %get3A_3180 : vector<16xi32>
      %get3A_3182 = arith.index_cast %select_n3A_3127 : i32 to index
      %get3A_3183 = arith.constant 176 : index
      %get3A_3184 = tpu.vector_load %arg5[%get3A_3182, %get3A_3183] {strides = array<i32>} : memref<32x200xi32, #tpu.memory_space<vmem>>, vector<1x16xi32>,
      %get3A_3185 = vector.shape_cast %get3A_3184 : vector<1x16xi32> to vector<16xi32>
      %min3A_3186 = arith.minsi %min3A_3181, %get3A_3185 : vector<16xi32>
      %get3A_3187 = arith.index_cast %select_n3A_3127 : i32 to index
      %get3A_3188 = arith.constant 184 : index
      %get3A_3189 = tpu.vector_load %arg5[%get3A_3187, %get3A_3188] {strides = array<i32>} : memref<32x200xi32, #tpu.memory_space<vmem>>, vector<1x16xi32>,
      %get3A_3190 = vector.shape_cast %get3A_3189 : vector<1x16xi32> to vector<16xi32>
      %min3A_3191 = arith.minsi %min3A_3186, %get3A_3190 : vector<16xi32>
      %iota3A_3192 = tpu.iota {dimensions = array<i32: 0>} : vector<16xi32>
      %add3A_3193 = arith.constant 8 : i32
      %add3A_3194 = vector.broadcast %add3A_3193 : i32 to vector<16xi32>
      %add3A_3195 = arith.addi %iota3A_3192, %add3A_3194 : vector<16xi32>
      %rem3A_3196 = arith.constant 16 : i32
      %rem3A_3197 = vector.broadcast %rem3A_3196 : i32 to vector<16xi32>
      %rem3A_3198 = arith.remsi %add3A_3195, %rem3A_3197 : vector<16xi32>
      %broadcast_in_dim3A_3199 = vector.shape_cast %rem3A_3198 : vector<16xi32> to vector<16x1xi32>
      %gather3A_3200 = vector.shape_cast %broadcast_in_dim3A_3199 : vector<16x1xi32> to vector<16xi32>
      %gather3A_3201 = tpu.dynamic_gather %min3A_3191[%gather3A_3200] in [0] : vector<16xi32>, vector<16xi32> -> vector<16xi32>
      %min3A_3202 = arith.minsi %min3A_3191, %gather3A_3201 : vector<16xi32>
      %add3A_3203 = arith.constant 4 : i32
      %add3A_3204 = vector.broadcast %add3A_3203 : i32 to vector<16xi32>
      %add3A_3205 = arith.addi %iota3A_3192, %add3A_3204 : vector<16xi32>
      %rem3A_3206 = arith.constant 16 : i32
      %rem3A_3207 = vector.broadcast %rem3A_3206 : i32 to vector<16xi32>
      %rem3A_3208 = arith.remsi %add3A_3205, %rem3A_3207 : vector<16xi32>
      %broadcast_in_dim3A_3209 = vector.shape_cast %rem3A_3208 : vector<16xi32> to vector<16x1xi32>
      %gather3A_3210 = vector.shape_cast %broadcast_in_dim3A_3209 : vector<16x1xi32> to vector<16xi32>
      %gather3A_3211 = tpu.dynamic_gather %min3A_3202[%gather3A_3210] in [0] : vector<16xi32>, vector<16xi32> -> vector<16xi32>
      %min3A_3212 = arith.minsi %min3A_3202, %gather3A_3211 : vector<16xi32>
      %add3A_3213 = arith.constant 2 : i32
      %add3A_3214 = vector.broadcast %add3A_3213 : i32 to vector<16xi32>
      %add3A_3215 = arith.addi %iota3A_3192, %add3A_3214 : vector<16xi32>
      %rem3A_3216 = arith.constant 16 : i32
      %rem3A_3217 = vector.broadcast %rem3A_3216 : i32 to vector<16xi32>
      %rem3A_3218 = arith.remsi %add3A_3215, %rem3A_3217 : vector<16xi32>
      %broadcast_in_dim3A_3219 = vector.shape_cast %rem3A_3218 : vector<16xi32> to vector<16x1xi32>
      %gather3A_3220 = vector.shape_cast %broadcast_in_dim3A_3219 : vector<16x1xi32> to vector<16xi32>
      %gather3A_3221 = tpu.dynamic_gather %min3A_3212[%gather3A_3220] in [0] : vector<16xi32>, vector<16xi32> -> vector<16xi32>
      %min3A_3222 = arith.minsi %min3A_3212, %gather3A_3221 : vector<16xi32>
      %add3A_3223 = arith.constant 1 : i32
      %add3A_3224 = vector.broadcast %add3A_3223 : i32 to vector<16xi32>
      %add3A_3225 = arith.addi %iota3A_3192, %add3A_3224 : vector<16xi32>
      %rem3A_3226 = arith.constant 16 : i32
      %rem3A_3227 = vector.broadcast %rem3A_3226 : i32 to vector<16xi32>
      %rem3A_3228 = arith.remsi %add3A_3225, %rem3A_3227 : vector<16xi32>
      %broadcast_in_dim3A_3229 = vector.shape_cast %rem3A_3228 : vector<16xi32> to vector<16x1xi32>
      %gather3A_3230 = vector.shape_cast %broadcast_in_dim3A_3229 : vector<16x1xi32> to vector<16xi32>
      %gather3A_3231 = tpu.dynamic_gather %min3A_3222[%gather3A_3230] in [0] : vector<16xi32>, vector<16xi32> -> vector<16xi32>
      %min3A_3232 = arith.minsi %min3A_3222, %gather3A_3231 : vector<16xi32>
      %get3A_3233 = arith.index_cast %select_n3A_3127 : i32 to index
      %get3A_3234 = arith.constant 0 : index
      %get3A_3235 = tpu.vector_load %arg5[%get3A_3233, %get3A_3234] {strides = array<i32>} : memref<32x200xi32, #tpu.memory_space<vmem>>, vector<1x16xi32>,
      %get3A_3236 = vector.shape_cast %get3A_3235 : vector<1x16xi32> to vector<16xi32>
      %sub3A_3237 = arith.subi %get3A_3236, %min3A_3232 : vector<16xi32>
      %abs3A_3238 = math.absi %sub3A_3237 : vector<16xi32>
      %swap3A_3239 = arith.constant 0 : index
      %swap3A_3240 = tpu.vector_load %arg6[%swap3A_3239] {strides = array<i32>} : memref<200xi32, #tpu.memory_space<vmem>>, vector<16xi32>,
      %swap3A_3241 = vector.shape_cast %swap3A_3240 : vector<16xi32> to vector<16xi32>
      %swap3A_3242 = vector.shape_cast %abs3A_3238 : vector<16xi32> to vector<16xi32>
      tpu.vector_store %arg6[%swap3A_3239], %swap3A_3242 {strides = array<i32>} : memref<200xi32, #tpu.memory_space<vmem>>, vector<16xi32>,
      %get3A_3243 = arith.index_cast %select_n3A_3127 : i32 to index
      %get3A_3244 = arith.constant 16 : index
      %get3A_3245 = tpu.vector_load %arg5[%get3A_3243, %get3A_3244] {strides = array<i32>} : memref<32x200xi32, #tpu.memory_space<vmem>>, vector<1x16xi32>,
      %get3A_3246 = vector.shape_cast %get3A_3245 : vector<1x16xi32> to vector<16xi32>
      %sub3A_3247 = arith.subi %get3A_3246, %min3A_3232 : vector<16xi32>
      %abs3A_3248 = math.absi %sub3A_3247 : vector<16xi32>
      %swap3A_3249 = arith.constant 16 : index
      %swap3A_3250 = tpu.vector_load %arg6[%swap3A_3249] {strides = array<i32>} : memref<200xi32, #tpu.memory_space<vmem>>, vector<16xi32>,
      %swap3A_3251 = vector.shape_cast %swap3A_3250 : vector<16xi32> to vector<16xi32>
      %swap3A_3252 = vector.shape_cast %abs3A_3248 : vector<16xi32> to vector<16xi32>
      tpu.vector_store %arg6[%swap3A_3249], %swap3A_3252 {strides = array<i32>} : memref<200xi32, #tpu.memory_space<vmem>>, vector<16xi32>,
      %get3A_3253 = arith.index_cast %select_n3A_3127 : i32 to index
      %get3A_3254 = arith.constant 32 : index
      %get3A_3255 = tpu.vector_load %arg5[%get3A_3253, %get3A_3254] {strides = array<i32>} : memref<32x200xi32, #tpu.memory_space<vmem>>, vector<1x16xi32>,
      %get3A_3256 = vector.shape_cast %get3A_3255 : vector<1x16xi32> to vector<16xi32>
      %sub3A_3257 = arith.subi %get3A_3256, %min3A_3232 : vector<16xi32>
      %abs3A_3258 = math.absi %sub3A_3257 : vector<16xi32>
      %swap3A_3259 = arith.constant 32 : index
      %swap3A_3260 = tpu.vector_load %arg6[%swap3A_3259] {strides = array<i32>} : memref<200xi32, #tpu.memory_space<vmem>>, vector<16xi32>,
      %swap3A_3261 = vector.shape_cast %swap3A_3260 : vector<16xi32> to vector<16xi32>
      %swap3A_3262 = vector.shape_cast %abs3A_3258 : vector<16xi32> to vector<16xi32>
      tpu.vector_store %arg6[%swap3A_3259], %swap3A_3262 {strides = array<i32>} : memref<200xi32, #tpu.memory_space<vmem>>, vector<16xi32>,
      %get3A_3263 = arith.index_cast %select_n3A_3127 : i32 to index
      %get3A_3264 = arith.constant 48 : index
      %get3A_3265 = tpu.vector_load %arg5[%get3A_3263, %get3A_3264] {strides = array<i32>} : memref<32x200xi32, #tpu.memory_space<vmem>>, vector<1x16xi32>,
      %get3A_3266 = vector.shape_cast %get3A_3265 : vector<1x16xi32> to vector<16xi32>
      %sub3A_3267 = arith.subi %get3A_3266, %min3A_3232 : vector<16xi32>
      %abs3A_3268 = math.absi %sub3A_3267 : vector<16xi32>
      %swap3A_3269 = arith.constant 48 : index
      %swap3A_3270 = tpu.vector_load %arg6[%swap3A_3269] {strides = array<i32>} : memref<200xi32, #tpu.memory_space<vmem>>, vector<16xi32>,
      %swap3A_3271 = vector.shape_cast %swap3A_3270 : vector<16xi32> to vector<16xi32>
      %swap3A_3272 = vector.shape_cast %abs3A_3268 : vector<16xi32> to vector<16xi32>
      tpu.vector_store %arg6[%swap3A_3269], %swap3A_3272 {strides = array<i32>} : memref<200xi32, #tpu.memory_space<vmem>>, vector<16xi32>,
      %get3A_3273 = arith.index_cast %select_n3A_3127 : i32 to index
      %get3A_3274 = arith.constant 64 : index
      %get3A_3275 = tpu.vector_load %arg5[%get3A_3273, %get3A_3274] {strides = array<i32>} : memref<32x200xi32, #tpu.memory_space<vmem>>, vector<1x16xi32>,
      %get3A_3276 = vector.shape_cast %get3A_3275 : vector<1x16xi32> to vector<16xi32>
      %sub3A_3277 = arith.subi %get3A_3276, %min3A_3232 : vector<16xi32>
      %abs3A_3278 = math.absi %sub3A_3277 : vector<16xi32>
      %swap3A_3279 = arith.constant 64 : index
      %swap3A_3280 = tpu.vector_load %arg6[%swap3A_3279] {strides = array<i32>} : memref<200xi32, #tpu.memory_space<vmem>>, vector<16xi32>,
      %swap3A_3281 = vector.shape_cast %swap3A_3280 : vector<16xi32> to vector<16xi32>
      %swap3A_3282 = vector.shape_cast %abs3A_3278 : vector<16xi32> to vector<16xi32>
      tpu.vector_store %arg6[%swap3A_3279], %swap3A_3282 {strides = array<i32>} : memref<200xi32, #tpu.memory_space<vmem>>, vector<16xi32>,
      %get3A_3283 = arith.index_cast %select_n3A_3127 : i32 to index
      %get3A_3284 = arith.constant 80 : index
      %get3A_3285 = tpu.vector_load %arg5[%get3A_3283, %get3A_3284] {strides = array<i32>} : memref<32x200xi32, #tpu.memory_space<vmem>>, vector<1x16xi32>,
      %get3A_3286 = vector.shape_cast %get3A_3285 : vector<1x16xi32> to vector<16xi32>
      %sub3A_3287 = arith.subi %get3A_3286, %min3A_3232 : vector<16xi32>
      %abs3A_3288 = math.absi %sub3A_3287 : vector<16xi32>
      %swap3A_3289 = arith.constant 80 : index
      %swap3A_3290 = tpu.vector_load %arg6[%swap3A_3289] {strides = array<i32>} : memref<200xi32, #tpu.memory_space<vmem>>, vector<16xi32>,
      %swap3A_3291 = vector.shape_cast %swap3A_3290 : vector<16xi32> to vector<16xi32>
      %swap3A_3292 = vector.shape_cast %abs3A_3288 : vector<16xi32> to vector<16xi32>
      tpu.vector_store %arg6[%swap3A_3289], %swap3A_3292 {strides = array<i32>} : memref<200xi32, #tpu.memory_space<vmem>>, vector<16xi32>,
      %get3A_3293 = arith.index_cast %select_n3A_3127 : i32 to index
      %get3A_3294 = arith.constant 96 : index
      %get3A_3295 = tpu.vector_load %arg5[%get3A_3293, %get3A_3294] {strides = array<i32>} : memref<32x200xi32, #tpu.memory_space<vmem>>, vector<1x16xi32>,
      %get3A_3296 = vector.shape_cast %get3A_3295 : vector<1x16xi32> to vector<16xi32>
      %sub3A_3297 = arith.subi %get3A_3296, %min3A_3232 : vector<16xi32>
      %abs3A_3298 = math.absi %sub3A_3297 : vector<16xi32>
      %swap3A_3299 = arith.constant 96 : index
      %swap3A_3300 = tpu.vector_load %arg6[%swap3A_3299] {strides = array<i32>} : memref<200xi32, #tpu.memory_space<vmem>>, vector<16xi32>,
      %swap3A_3301 = vector.shape_cast %swap3A_3300 : vector<16xi32> to vector<16xi32>
      %swap3A_3302 = vector.shape_cast %abs3A_3298 : vector<16xi32> to vector<16xi32>
      tpu.vector_store %arg6[%swap3A_3299], %swap3A_3302 {strides = array<i32>} : memref<200xi32, #tpu.memory_space<vmem>>, vector<16xi32>,
      %get3A_3303 = arith.index_cast %select_n3A_3127 : i32 to index
      %get3A_3304 = arith.constant 112 : index
      %get3A_3305 = tpu.vector_load %arg5[%get3A_3303, %get3A_3304] {strides = array<i32>} : memref<32x200xi32, #tpu.memory_space<vmem>>, vector<1x16xi32>,
      %get3A_3306 = vector.shape_cast %get3A_3305 : vector<1x16xi32> to vector<16xi32>
      %sub3A_3307 = arith.subi %get3A_3306, %min3A_3232 : vector<16xi32>
      %abs3A_3308 = math.absi %sub3A_3307 : vector<16xi32>
      %swap3A_3309 = arith.constant 112 : index
      %swap3A_3310 = tpu.vector_load %arg6[%swap3A_3309] {strides = array<i32>} : memref<200xi32, #tpu.memory_space<vmem>>, vector<16xi32>,
      %swap3A_3311 = vector.shape_cast %swap3A_3310 : vector<16xi32> to vector<16xi32>
      %swap3A_3312 = vector.shape_cast %abs3A_3308 : vector<16xi32> to vector<16xi32>
      tpu.vector_store %arg6[%swap3A_3309], %swap3A_3312 {strides = array<i32>} : memref<200xi32, #tpu.memory_space<vmem>>, vector<16xi32>,
      %get3A_3313 = arith.index_cast %select_n3A_3127 : i32 to index
      %get3A_3314 = arith.constant 128 : index
      %get3A_3315 = tpu.vector_load %arg5[%get3A_3313, %get3A_3314] {strides = array<i32>} : memref<32x200xi32, #tpu.memory_space<vmem>>, vector<1x16xi32>,
      %get3A_3316 = vector.shape_cast %get3A_3315 : vector<1x16xi32> to vector<16xi32>
      %sub3A_3317 = arith.subi %get3A_3316, %min3A_3232 : vector<16xi32>
      %abs3A_3318 = math.absi %sub3A_3317 : vector<16xi32>
      %swap3A_3319 = arith.constant 128 : index
      %swap3A_3320 = tpu.vector_load %arg6[%swap3A_3319] {strides = array<i32>} : memref<200xi32, #tpu.memory_space<vmem>>, vector<16xi32>,
      %swap3A_3321 = vector.shape_cast %swap3A_3320 : vector<16xi32> to vector<16xi32>
      %swap3A_3322 = vector.shape_cast %abs3A_3318 : vector<16xi32> to vector<16xi32>
      tpu.vector_store %arg6[%swap3A_3319], %swap3A_3322 {strides = array<i32>} : memref<200xi32, #tpu.memory_space<vmem>>, vector<16xi32>,
      %get3A_3323 = arith.index_cast %select_n3A_3127 : i32 to index
      %get3A_3324 = arith.constant 144 : index
      %get3A_3325 = tpu.vector_load %arg5[%get3A_3323, %get3A_3324] {strides = array<i32>} : memref<32x200xi32, #tpu.memory_space<vmem>>, vector<1x16xi32>,
      %get3A_3326 = vector.shape_cast %get3A_3325 : vector<1x16xi32> to vector<16xi32>
      %sub3A_3327 = arith.subi %get3A_3326, %min3A_3232 : vector<16xi32>
      %abs3A_3328 = math.absi %sub3A_3327 : vector<16xi32>
      %swap3A_3329 = arith.constant 144 : index
      %swap3A_3330 = tpu.vector_load %arg6[%swap3A_3329] {strides = array<i32>} : memref<200xi32, #tpu.memory_space<vmem>>, vector<16xi32>,
      %swap3A_3331 = vector.shape_cast %swap3A_3330 : vector<16xi32> to vector<16xi32>
      %swap3A_3332 = vector.shape_cast %abs3A_3328 : vector<16xi32> to vector<16xi32>
      tpu.vector_store %arg6[%swap3A_3329], %swap3A_3332 {strides = array<i32>} : memref<200xi32, #tpu.memory_space<vmem>>, vector<16xi32>,
      %get3A_3333 = arith.index_cast %select_n3A_3127 : i32 to index
      %get3A_3334 = arith.constant 160 : index
      %get3A_3335 = tpu.vector_load %arg5[%get3A_3333, %get3A_3334] {strides = array<i32>} : memref<32x200xi32, #tpu.memory_space<vmem>>, vector<1x16xi32>,
      %get3A_3336 = vector.shape_cast %get3A_3335 : vector<1x16xi32> to vector<16xi32>
      %sub3A_3337 = arith.subi %get3A_3336, %min3A_3232 : vector<16xi32>
      %abs3A_3338 = math.absi %sub3A_3337 : vector<16xi32>
      %swap3A_3339 = arith.constant 160 : index
      %swap3A_3340 = tpu.vector_load %arg6[%swap3A_3339] {strides = array<i32>} : memref<200xi32, #tpu.memory_space<vmem>>, vector<16xi32>,
      %swap3A_3341 = vector.shape_cast %swap3A_3340 : vector<16xi32> to vector<16xi32>
      %swap3A_3342 = vector.shape_cast %abs3A_3338 : vector<16xi32> to vector<16xi32>
      tpu.vector_store %arg6[%swap3A_3339], %swap3A_3342 {strides = array<i32>} : memref<200xi32, #tpu.memory_space<vmem>>, vector<16xi32>,
      %get3A_3343 = arith.index_cast %select_n3A_3127 : i32 to index
      %get3A_3344 = arith.constant 176 : index
      %get3A_3345 = tpu.vector_load %arg5[%get3A_3343, %get3A_3344] {strides = array<i32>} : memref<32x200xi32, #tpu.memory_space<vmem>>, vector<1x16xi32>,
      %get3A_3346 = vector.shape_cast %get3A_3345 : vector<1x16xi32> to vector<16xi32>
      %sub3A_3347 = arith.subi %get3A_3346, %min3A_3232 : vector<16xi32>
      %abs3A_3348 = math.absi %sub3A_3347 : vector<16xi32>
      %swap3A_3349 = arith.constant 176 : index
      %swap3A_3350 = tpu.vector_load %arg6[%swap3A_3349] {strides = array<i32>} : memref<200xi32, #tpu.memory_space<vmem>>, vector<16xi32>,
      %swap3A_3351 = vector.shape_cast %swap3A_3350 : vector<16xi32> to vector<16xi32>
      %swap3A_3352 = vector.shape_cast %abs3A_3348 : vector<16xi32> to vector<16xi32>
      tpu.vector_store %arg6[%swap3A_3349], %swap3A_3352 {strides = array<i32>} : memref<200xi32, #tpu.memory_space<vmem>>, vector<16xi32>,
      %get3A_3353 = arith.index_cast %select_n3A_3127 : i32 to index
      %get3A_3354 = arith.constant 184 : index
      %get3A_3355 = tpu.vector_load %arg5[%get3A_3353, %get3A_3354] {strides = array<i32>} : memref<32x200xi32, #tpu.memory_space<vmem>>, vector<1x16xi32>,
      %get3A_3356 = vector.shape_cast %get3A_3355 : vector<1x16xi32> to vector<16xi32>
      %sub3A_3357 = arith.subi %get3A_3356, %min3A_3232 : vector<16xi32>
      %abs3A_3358 = math.absi %sub3A_3357 : vector<16xi32>
      %swap3A_3359 = arith.constant 184 : index
      %swap3A_3360 = tpu.vector_load %arg6[%swap3A_3359] {strides = array<i32>} : memref<200xi32, #tpu.memory_space<vmem>>, vector<16xi32>,
      %swap3A_3361 = vector.shape_cast %swap3A_3360 : vector<16xi32> to vector<16xi32>
      %swap3A_3362 = vector.shape_cast %abs3A_3358 : vector<16xi32> to vector<16xi32>
      tpu.vector_store %arg6[%swap3A_3359], %swap3A_3362 {strides = array<i32>} : memref<200xi32, #tpu.memory_space<vmem>>, vector<16xi32>,
      %add3A_3363 = arith.constant 2 : i32
      %add3A_3364 = arith.addi %add3A_2985, %add3A_3363 : i32
      %jit3A_3365 = arith.constant 2 : i32
      %div3A_3366 = arith.divsi %add3A_3364, %jit3A_3365 : i32
      %sign3A_3367 = arith.constant 0 : i32
      %sign3A_3368 = arith.cmpi sgt, %add3A_3364, %sign3A_3367 : i32
      %sign3A_3369 = arith.extui %sign3A_3368 : i1 to i32
      %sign3A_3370 = arith.constant 0 : i32
      %sign3A_3371 = arith.cmpi slt, %add3A_3364, %sign3A_3370 : i32
      %sign3A_3372 = arith.extui %sign3A_3371 : i1 to i32
      %sign3A_3373 = arith.subi %sign3A_3369, %sign3A_3372 : i32
      %sign3A_3374 = arith.constant 0 : i32
      %sign3A_3375 = arith.cmpi sgt, %jit3A_3365, %sign3A_3374 : i32
      %sign3A_3376 = arith.extui %sign3A_3375 : i1 to i32
      %sign3A_3377 = arith.constant 0 : i32
      %sign3A_3378 = arith.cmpi slt, %jit3A_3365, %sign3A_3377 : i32
      %sign3A_3379 = arith.extui %sign3A_3378 : i1 to i32
      %sign3A_3380 = arith.subi %sign3A_3376, %sign3A_3379 : i32
      %ne3A_3381 = arith.cmpi ne, %sign3A_3373, %sign3A_3380 : i32
      %rem3A_3382 = arith.remsi %add3A_3364, %jit3A_3365 : i32
      %ne3A_3383 = arith.constant 0 : i32
      %ne3A_3384 = arith.cmpi ne, %rem3A_3382, %ne3A_3383 : i32
      %and3A_3385 = arith.andi %ne3A_3381, %ne3A_3384 : i1
      %sub3A_3386 = arith.constant 1 : i32
      %sub3A_3387 = arith.subi %div3A_3366, %sub3A_3386 : i32
      %select_n3A_3388 = arith.select %and3A_3385, %sub3A_3387, %div3A_3366 : i32
      %dma_start3A_3389 = arith.constant 0 : i32
      %dma_start3A_3390 = arith.constant 0 : i32
      %dma_start3A_3391 = tpu.memref_slice %arg8[%dma_start3A_3389, %dma_start3A_3390] : memref<104x128xf32, #tpu.memory_space<vmem>> -> memref<104x128xf32, #tpu.memory_space<vmem>>
      %dma_start3A_3392 = arith.constant 0 : i32
      %dma_start3A_3393 = tpu.memref_slice %arg6[%dma_start3A_3392] : memref<200xi32, #tpu.memory_space<vmem>> -> memref<104xi32, #tpu.memory_space<vmem>>
      %dma_start3A_3394 = arith.constant 0 : i32
      %dma_start3A_3395 = arith.constant 0 : i32
      %dma_start3A_3396 = tpu.memref_slice %arg11[%dma_start3A_3394, %dma_start3A_3395] : memref<10000x128xf32, #tpu.memory_space<vmem_shared>> -> memref<10000x128xf32, #tpu.memory_space<vmem_shared>>
      tpu.enqueue_indirect_dma source(%dma_start3A_3396 : memref<10000x128xf32, #tpu.memory_space<vmem_shared>>) target(%dma_start3A_3391 : memref<104x128xf32, #tpu.memory_space<vmem>>) offsets(%dma_start3A_3393 : memref<104xi32, #tpu.memory_space<vmem>>) semaphore(%arg12 : memref<!tpu.dma_semaphore, #tpu.memory_space<semaphore_mem>>)
      %add3A_3397 = arith.constant 9 : i32
      %add3A_3398 = arith.addi %add3A_729, %add3A_3397 : i32
      %add3A_3399 = arith.constant 0 : i32
      %add3A_3400 = arith.addi %add3A_3398, %add3A_3399 : i32
      %jit3A_3401 = arith.constant 2 : i32
      %div3A_3402 = arith.divsi %add3A_3400, %jit3A_3401 : i32
      %sign3A_3403 = arith.constant 0 : i32
      %sign3A_3404 = arith.cmpi sgt, %add3A_3400, %sign3A_3403 : i32
      %sign3A_3405 = arith.extui %sign3A_3404 : i1 to i32
      %sign3A_3406 = arith.constant 0 : i32
      %sign3A_3407 = arith.cmpi slt, %add3A_3400, %sign3A_3406 : i32
      %sign3A_3408 = arith.extui %sign3A_3407 : i1 to i32
      %sign3A_3409 = arith.subi %sign3A_3405, %sign3A_3408 : i32
      %sign3A_3410 = arith.constant 0 : i32
      %sign3A_3411 = arith.cmpi sgt, %jit3A_3401, %sign3A_3410 : i32
      %sign3A_3412 = arith.extui %sign3A_3411 : i1 to i32
      %sign3A_3413 = arith.constant 0 : i32
      %sign3A_3414 = arith.cmpi slt, %jit3A_3401, %sign3A_3413 : i32
      %sign3A_3415 = arith.extui %sign3A_3414 : i1 to i32
      %sign3A_3416 = arith.subi %sign3A_3412, %sign3A_3415 : i32
      %ne3A_3417 = arith.cmpi ne, %sign3A_3409, %sign3A_3416 : i32
      %rem3A_3418 = arith.remsi %add3A_3400, %jit3A_3401 : i32
      %ne3A_3419 = arith.constant 0 : i32
      %ne3A_3420 = arith.cmpi ne, %rem3A_3418, %ne3A_3419 : i32
      %and3A_3421 = arith.andi %ne3A_3417, %ne3A_3420 : i1
      %sub3A_3422 = arith.constant 1 : i32
      %sub3A_3423 = arith.subi %div3A_3402, %sub3A_3422 : i32
      %select_n3A_3424 = arith.select %and3A_3421, %sub3A_3423, %div3A_3402 : i32
      %dma_wait3A_3425 = arith.constant 0 : i32
      %dma_wait3A_3426 = arith.constant 0 : i32
      %dma_wait3A_3427 = tpu.memref_slice %arg10[%dma_wait3A_3425, %dma_wait3A_3426] : memref<104x128xf32, #tpu.memory_space<vmem>> -> memref<96x128xf32, #tpu.memory_space<vmem>>
      %dma_wait3A_3428 = arith.constant 104 : i32
      %dma_wait3A_3429 = tpu.memref_slice %arg7[%dma_wait3A_3428] : memref<200xi32, #tpu.memory_space<vmem>> -> memref<96xi32, #tpu.memory_space<vmem>>
      %dma_wait3A_3430 = arith.constant 0 : i32
      %dma_wait3A_3431 = arith.constant 0 : i32
      %dma_wait3A_3432 = tpu.memref_slice %arg11[%dma_wait3A_3430, %dma_wait3A_3431] : memref<10000x128xf32, #tpu.memory_space<vmem_shared>> -> memref<10000x128xf32, #tpu.memory_space<vmem_shared>>
      tpu.wait_indirect_dma semaphore(%arg14 : memref<!tpu.dma_semaphore, #tpu.memory_space<semaphore_mem>>) src(%dma_wait3A_3432 : memref<10000x128xf32, #tpu.memory_space<vmem_shared>>) dst(%dma_wait3A_3427 : memref<96x128xf32, #tpu.memory_space<vmem>>)
      %add3A_3433 = arith.constant 0 : i32
      %add3A_3434 = arith.addi %add3A_3398, %add3A_3433 : i32
      %jit3A_3435 = arith.constant 2 : i32
      %div3A_3436 = arith.divsi %add3A_3434, %jit3A_3435 : i32
      %sign3A_3437 = arith.constant 0 : i32
      %sign3A_3438 = arith.cmpi sgt, %add3A_3434, %sign3A_3437 : i32
      %sign3A_3439 = arith.extui %sign3A_3438 : i1 to i32
      %sign3A_3440 = arith.constant 0 : i32
      %sign3A_3441 = arith.cmpi slt, %add3A_3434, %sign3A_3440 : i32
      %sign3A_3442 = arith.extui %sign3A_3441 : i1 to i32
      %sign3A_3443 = arith.subi %sign3A_3439, %sign3A_3442 : i32
      %sign3A_3444 = arith.constant 0 : i32
      %sign3A_3445 = arith.cmpi sgt, %jit3A_3435, %sign3A_3444 : i32
      %sign3A_3446 = arith.extui %sign3A_3445 : i1 to i32
      %sign3A_3447 = arith.constant 0 : i32
      %sign3A_3448 = arith.cmpi slt, %jit3A_3435, %sign3A_3447 : i32
      %sign3A_3449 = arith.extui %sign3A_3448 : i1 to i32
      %sign3A_3450 = arith.subi %sign3A_3446, %sign3A_3449 : i32
      %ne3A_3451 = arith.cmpi ne, %sign3A_3443, %sign3A_3450 : i32
      %rem3A_3452 = arith.remsi %add3A_3434, %jit3A_3435 : i32
      %ne3A_3453 = arith.constant 0 : i32
      %ne3A_3454 = arith.cmpi ne, %rem3A_3452, %ne3A_3453 : i32
      %and3A_3455 = arith.andi %ne3A_3451, %ne3A_3454 : i1
      %sub3A_3456 = arith.constant 1 : i32
      %sub3A_3457 = arith.subi %div3A_3436, %sub3A_3456 : i32
      %select_n3A_3458 = arith.select %and3A_3455, %sub3A_3457, %div3A_3436 : i32
      %add3A_3459 = arith.addi %mul3A_2, %select_n3A_3458 : i32
      %dma_start3A_3460 = arith.constant 0 : i32
      %dma_start3A_3461 = arith.constant 0 : i32
      %dma_start3A_3462 = tpu.memref_slice %arg10[%dma_start3A_3460, %dma_start3A_3461] : memref<104x128xf32, #tpu.memory_space<vmem>> -> memref<96x128xf32, #tpu.memory_space<vmem>>
      %dma_start3A_3463 = arith.constant 104 : i32
      %dma_start3A_3464 = arith.constant 0 : i32
      %dma_start3A_3465 = tpu.memref_slice %arg4[%add3A_3459, %dma_start3A_3463, %dma_start3A_3464] : memref<1024x200x128xf32, #tpu.memory_space<hbm>> -> memref<1x96x128xf32, #tpu.memory_space<hbm>>
      %dma_start3A_3466 = tpu.memref_squeeze %dma_start3A_3465 : memref<1x96x128xf32, #tpu.memory_space<hbm>> -> memref<96x128xf32, #tpu.memory_space<hbm>>
      %dma_start3A_3467 = arith.constant 104 : i32
      %dma_start3A_3468 = arith.constant 0 : i32
      %dma_start3A_3469 = tpu.memref_slice %arg4[%add3A_3459, %dma_start3A_3467, %dma_start3A_3468] : memref<1024x200x128xf32, #tpu.memory_space<hbm>> -> memref<1x96x128xf32, #tpu.memory_space<hbm>>
      %dma_start3A_3470 = tpu.memref_squeeze %dma_start3A_3469 : memref<1x96x128xf32, #tpu.memory_space<hbm>> -> memref<96x128xf32, #tpu.memory_space<hbm>>
      %dma_start3A_3471 = arith.constant 0 : i32
      %dma_start3A_3472 = arith.constant 0 : i32
      %dma_start3A_3473 = tpu.memref_slice %arg10[%dma_start3A_3471, %dma_start3A_3472] : memref<104x128xf32, #tpu.memory_space<vmem>> -> memref<96x128xf32, #tpu.memory_space<vmem>>
      tpu.enqueue_dma source(%dma_start3A_3473 : memref<96x128xf32, #tpu.memory_space<vmem>>) target(%dma_start3A_3470 : memref<96x128xf32, #tpu.memory_space<hbm>>) target_semaphore(%arg17 : memref<!tpu.dma_semaphore, #tpu.memory_space<semaphore_mem>>)
      %add3A_3474 = arith.constant -1 : i32
      %add3A_3475 = arith.addi %add3A_3398, %add3A_3474 : i32
      %jit3A_3476 = arith.constant 2 : i32
      %div3A_3477 = arith.divsi %add3A_3475, %jit3A_3476 : i32
      %sign3A_3478 = arith.constant 0 : i32
      %sign3A_3479 = arith.cmpi sgt, %add3A_3475, %sign3A_3478 : i32
      %sign3A_3480 = arith.extui %sign3A_3479 : i1 to i32
      %sign3A_3481 = arith.constant 0 : i32
      %sign3A_3482 = arith.cmpi slt, %add3A_3475, %sign3A_3481 : i32
      %sign3A_3483 = arith.extui %sign3A_3482 : i1 to i32
      %sign3A_3484 = arith.subi %sign3A_3480, %sign3A_3483 : i32
      %sign3A_3485 = arith.constant 0 : i32
      %sign3A_3486 = arith.cmpi sgt, %jit3A_3476, %sign3A_3485 : i32
      %sign3A_3487 = arith.extui %sign3A_3486 : i1 to i32
      %sign3A_3488 = arith.constant 0 : i32
      %sign3A_3489 = arith.cmpi slt, %jit3A_3476, %sign3A_3488 : i32
      %sign3A_3490 = arith.extui %sign3A_3489 : i1 to i32
      %sign3A_3491 = arith.subi %sign3A_3487, %sign3A_3490 : i32
      %ne3A_3492 = arith.cmpi ne, %sign3A_3484, %sign3A_3491 : i32
      %rem3A_3493 = arith.remsi %add3A_3475, %jit3A_3476 : i32
      %ne3A_3494 = arith.constant 0 : i32
      %ne3A_3495 = arith.cmpi ne, %rem3A_3493, %ne3A_3494 : i32
      %and3A_3496 = arith.andi %ne3A_3492, %ne3A_3495 : i1
      %sub3A_3497 = arith.constant 1 : i32
      %sub3A_3498 = arith.subi %div3A_3477, %sub3A_3497 : i32
      %select_n3A_3499 = arith.select %and3A_3496, %sub3A_3498, %div3A_3477 : i32
      %add3A_3500 = arith.addi %mul3A_2, %select_n3A_3499 : i32
      %dma_wait3A_3501 = arith.constant 0 : i32
      %dma_wait3A_3502 = arith.constant 0 : i32
      %dma_wait3A_3503 = tpu.memref_slice %arg9[%dma_wait3A_3501, %dma_wait3A_3502] : memref<104x128xf32, #tpu.memory_space<vmem>> -> memref<104x128xf32, #tpu.memory_space<vmem>>
      %dma_wait3A_3504 = arith.constant 0 : i32
      %dma_wait3A_3505 = arith.constant 0 : i32
      %dma_wait3A_3506 = tpu.memref_slice %arg4[%add3A_3500, %dma_wait3A_3504, %dma_wait3A_3505] : memref<1024x200x128xf32, #tpu.memory_space<hbm>> -> memref<1x104x128xf32, #tpu.memory_space<hbm>>
      %dma_wait3A_3507 = tpu.memref_squeeze %dma_wait3A_3506 : memref<1x104x128xf32, #tpu.memory_space<hbm>> -> memref<104x128xf32, #tpu.memory_space<hbm>>
      %dma_wait3A_3508 = arith.constant 0 : i32
      %dma_wait3A_3509 = arith.constant 0 : i32
      %dma_wait3A_3510 = tpu.memref_slice %arg4[%add3A_3500, %dma_wait3A_3508, %dma_wait3A_3509] : memref<1024x200x128xf32, #tpu.memory_space<hbm>> -> memref<1x104x128xf32, #tpu.memory_space<hbm>>
      %dma_wait3A_3511 = tpu.memref_squeeze %dma_wait3A_3510 : memref<1x104x128xf32, #tpu.memory_space<hbm>> -> memref<104x128xf32, #tpu.memory_space<hbm>>
      %dma_wait3A_3512 = arith.constant 0 : i32
      %dma_wait3A_3513 = arith.constant 0 : i32
      %dma_wait3A_3514 = tpu.memref_slice %arg9[%dma_wait3A_3512, %dma_wait3A_3513] : memref<104x128xf32, #tpu.memory_space<vmem>> -> memref<104x128xf32, #tpu.memory_space<vmem>>
      tpu.wait_dma2 semaphore(%arg16 : memref<!tpu.dma_semaphore, #tpu.memory_space<semaphore_mem>>) src(%dma_wait3A_3514 : memref<104x128xf32, #tpu.memory_space<vmem>>) dst(%dma_wait3A_3511 : memref<104x128xf32, #tpu.memory_space<hbm>>)
      %add3A_3515 = arith.constant 2 : i32
      %add3A_3516 = arith.addi %add3A_3398, %add3A_3515 : i32
      %jit3A_3517 = arith.constant 2 : i32
      %div3A_3518 = arith.divsi %add3A_3516, %jit3A_3517 : i32
      %sign3A_3519 = arith.constant 0 : i32
      %sign3A_3520 = arith.cmpi sgt, %add3A_3516, %sign3A_3519 : i32
      %sign3A_3521 = arith.extui %sign3A_3520 : i1 to i32
      %sign3A_3522 = arith.constant 0 : i32
      %sign3A_3523 = arith.cmpi slt, %add3A_3516, %sign3A_3522 : i32
      %sign3A_3524 = arith.extui %sign3A_3523 : i1 to i32
      %sign3A_3525 = arith.subi %sign3A_3521, %sign3A_3524 : i32
      %sign3A_3526 = arith.constant 0 : i32
      %sign3A_3527 = arith.cmpi sgt, %jit3A_3517, %sign3A_3526 : i32
      %sign3A_3528 = arith.extui %sign3A_3527 : i1 to i32
      %sign3A_3529 = arith.constant 0 : i32
      %sign3A_3530 = arith.cmpi slt, %jit3A_3517, %sign3A_3529 : i32
      %sign3A_3531 = arith.extui %sign3A_3530 : i1 to i32
      %sign3A_3532 = arith.subi %sign3A_3528, %sign3A_3531 : i32
      %ne3A_3533 = arith.cmpi ne, %sign3A_3525, %sign3A_3532 : i32
      %rem3A_3534 = arith.remsi %add3A_3516, %jit3A_3517 : i32
      %ne3A_3535 = arith.constant 0 : i32
      %ne3A_3536 = arith.cmpi ne, %rem3A_3534, %ne3A_3535 : i32
      %and3A_3537 = arith.andi %ne3A_3533, %ne3A_3536 : i1
      %sub3A_3538 = arith.constant 1 : i32
      %sub3A_3539 = arith.subi %div3A_3518, %sub3A_3538 : i32
      %select_n3A_3540 = arith.select %and3A_3537, %sub3A_3539, %div3A_3518 : i32
      %dma_start3A_3541 = arith.constant 0 : i32
      %dma_start3A_3542 = arith.constant 0 : i32
      %dma_start3A_3543 = tpu.memref_slice %arg9[%dma_start3A_3541, %dma_start3A_3542] : memref<104x128xf32, #tpu.memory_space<vmem>> -> memref<96x128xf32, #tpu.memory_space<vmem>>
      %dma_start3A_3544 = arith.constant 104 : i32
      %dma_start3A_3545 = tpu.memref_slice %arg6[%dma_start3A_3544] : memref<200xi32, #tpu.memory_space<vmem>> -> memref<96xi32, #tpu.memory_space<vmem>>
      %dma_start3A_3546 = arith.constant 0 : i32
      %dma_start3A_3547 = arith.constant 0 : i32
      %dma_start3A_3548 = tpu.memref_slice %arg11[%dma_start3A_3546, %dma_start3A_3547] : memref<10000x128xf32, #tpu.memory_space<vmem_shared>> -> memref<10000x128xf32, #tpu.memory_space<vmem_shared>>
      tpu.enqueue_indirect_dma source(%dma_start3A_3548 : memref<10000x128xf32, #tpu.memory_space<vmem_shared>>) target(%dma_start3A_3543 : memref<96x128xf32, #tpu.memory_space<vmem>>) offsets(%dma_start3A_3545 : memref<96xi32, #tpu.memory_space<vmem>>) semaphore(%arg13 : memref<!tpu.dma_semaphore, #tpu.memory_space<semaphore_mem>>)
      %add3A_3549 = arith.constant 10 : i32
      %add3A_3550 = arith.addi %add3A_729, %add3A_3549 : i32
      %add3A_3551 = arith.constant 0 : i32
      %add3A_3552 = arith.addi %add3A_3550, %add3A_3551 : i32
      %jit3A_3553 = arith.constant 2 : i32
      %div3A_3554 = arith.divsi %add3A_3552, %jit3A_3553 : i32
      %sign3A_3555 = arith.constant 0 : i32
      %sign3A_3556 = arith.cmpi sgt, %add3A_3552, %sign3A_3555 : i32
      %sign3A_3557 = arith.extui %sign3A_3556 : i1 to i32
      %sign3A_3558 = arith.constant 0 : i32
      %sign3A_3559 = arith.cmpi slt, %add3A_3552, %sign3A_3558 : i32
      %sign3A_3560 = arith.extui %sign3A_3559 : i1 to i32
      %sign3A_3561 = arith.subi %sign3A_3557, %sign3A_3560 : i32
      %sign3A_3562 = arith.constant 0 : i32
      %sign3A_3563 = arith.cmpi sgt, %jit3A_3553, %sign3A_3562 : i32
      %sign3A_3564 = arith.extui %sign3A_3563 : i1 to i32
      %sign3A_3565 = arith.constant 0 : i32
      %sign3A_3566 = arith.cmpi slt, %jit3A_3553, %sign3A_3565 : i32
      %sign3A_3567 = arith.extui %sign3A_3566 : i1 to i32
      %sign3A_3568 = arith.subi %sign3A_3564, %sign3A_3567 : i32
      %ne3A_3569 = arith.cmpi ne, %sign3A_3561, %sign3A_3568 : i32
      %rem3A_3570 = arith.remsi %add3A_3552, %jit3A_3553 : i32
      %ne3A_3571 = arith.constant 0 : i32
      %ne3A_3572 = arith.cmpi ne, %rem3A_3570, %ne3A_3571 : i32
      %and3A_3573 = arith.andi %ne3A_3569, %ne3A_3572 : i1
      %sub3A_3574 = arith.constant 1 : i32
      %sub3A_3575 = arith.subi %div3A_3554, %sub3A_3574 : i32
      %select_n3A_3576 = arith.select %and3A_3573, %sub3A_3575, %div3A_3554 : i32
      %dma_wait3A_3577 = arith.constant 0 : i32
      %dma_wait3A_3578 = arith.constant 0 : i32
      %dma_wait3A_3579 = tpu.memref_slice %arg8[%dma_wait3A_3577, %dma_wait3A_3578] : memref<104x128xf32, #tpu.memory_space<vmem>> -> memref<104x128xf32, #tpu.memory_space<vmem>>
      %dma_wait3A_3580 = arith.constant 0 : i32
      %dma_wait3A_3581 = tpu.memref_slice %arg6[%dma_wait3A_3580] : memref<200xi32, #tpu.memory_space<vmem>> -> memref<104xi32, #tpu.memory_space<vmem>>
      %dma_wait3A_3582 = arith.constant 0 : i32
      %dma_wait3A_3583 = arith.constant 0 : i32
      %dma_wait3A_3584 = tpu.memref_slice %arg11[%dma_wait3A_3582, %dma_wait3A_3583] : memref<10000x128xf32, #tpu.memory_space<vmem_shared>> -> memref<10000x128xf32, #tpu.memory_space<vmem_shared>>
      tpu.wait_indirect_dma semaphore(%arg12 : memref<!tpu.dma_semaphore, #tpu.memory_space<semaphore_mem>>) src(%dma_wait3A_3584 : memref<10000x128xf32, #tpu.memory_space<vmem_shared>>) dst(%dma_wait3A_3579 : memref<104x128xf32, #tpu.memory_space<vmem>>)
      %add3A_3585 = arith.constant 0 : i32
      %add3A_3586 = arith.addi %add3A_3550, %add3A_3585 : i32
      %jit3A_3587 = arith.constant 2 : i32
      %div3A_3588 = arith.divsi %add3A_3586, %jit3A_3587 : i32
      %sign3A_3589 = arith.constant 0 : i32
      %sign3A_3590 = arith.cmpi sgt, %add3A_3586, %sign3A_3589 : i32
      %sign3A_3591 = arith.extui %sign3A_3590 : i1 to i32
      %sign3A_3592 = arith.constant 0 : i32
      %sign3A_3593 = arith.cmpi slt, %add3A_3586, %sign3A_3592 : i32
      %sign3A_3594 = arith.extui %sign3A_3593 : i1 to i32
      %sign3A_3595 = arith.subi %sign3A_3591, %sign3A_3594 : i32
      %sign3A_3596 = arith.constant 0 : i32
      %sign3A_3597 = arith.cmpi sgt, %jit3A_3587, %sign3A_3596 : i32
      %sign3A_3598 = arith.extui %sign3A_3597 : i1 to i32
      %sign3A_3599 = arith.constant 0 : i32
      %sign3A_3600 = arith.cmpi slt, %jit3A_3587, %sign3A_3599 : i32
      %sign3A_3601 = arith.extui %sign3A_3600 : i1 to i32
      %sign3A_3602 = arith.subi %sign3A_3598, %sign3A_3601 : i32
      %ne3A_3603 = arith.cmpi ne, %sign3A_3595, %sign3A_3602 : i32
      %rem3A_3604 = arith.remsi %add3A_3586, %jit3A_3587 : i32
      %ne3A_3605 = arith.constant 0 : i32
      %ne3A_3606 = arith.cmpi ne, %rem3A_3604, %ne3A_3605 : i32
      %and3A_3607 = arith.andi %ne3A_3603, %ne3A_3606 : i1
      %sub3A_3608 = arith.constant 1 : i32
      %sub3A_3609 = arith.subi %div3A_3588, %sub3A_3608 : i32
      %select_n3A_3610 = arith.select %and3A_3607, %sub3A_3609, %div3A_3588 : i32
      %add3A_3611 = arith.addi %mul3A_2, %select_n3A_3610 : i32
      %dma_start3A_3612 = arith.constant 0 : i32
      %dma_start3A_3613 = arith.constant 0 : i32
      %dma_start3A_3614 = tpu.memref_slice %arg8[%dma_start3A_3612, %dma_start3A_3613] : memref<104x128xf32, #tpu.memory_space<vmem>> -> memref<104x128xf32, #tpu.memory_space<vmem>>
      %dma_start3A_3615 = arith.constant 0 : i32
      %dma_start3A_3616 = arith.constant 0 : i32
      %dma_start3A_3617 = tpu.memref_slice %arg4[%add3A_3611, %dma_start3A_3615, %dma_start3A_3616] : memref<1024x200x128xf32, #tpu.memory_space<hbm>> -> memref<1x104x128xf32, #tpu.memory_space<hbm>>
      %dma_start3A_3618 = tpu.memref_squeeze %dma_start3A_3617 : memref<1x104x128xf32, #tpu.memory_space<hbm>> -> memref<104x128xf32, #tpu.memory_space<hbm>>
      %dma_start3A_3619 = arith.constant 0 : i32
      %dma_start3A_3620 = arith.constant 0 : i32
      %dma_start3A_3621 = tpu.memref_slice %arg4[%add3A_3611, %dma_start3A_3619, %dma_start3A_3620] : memref<1024x200x128xf32, #tpu.memory_space<hbm>> -> memref<1x104x128xf32, #tpu.memory_space<hbm>>
      %dma_start3A_3622 = tpu.memref_squeeze %dma_start3A_3621 : memref<1x104x128xf32, #tpu.memory_space<hbm>> -> memref<104x128xf32, #tpu.memory_space<hbm>>
      %dma_start3A_3623 = arith.constant 0 : i32
      %dma_start3A_3624 = arith.constant 0 : i32
      %dma_start3A_3625 = tpu.memref_slice %arg8[%dma_start3A_3623, %dma_start3A_3624] : memref<104x128xf32, #tpu.memory_space<vmem>> -> memref<104x128xf32, #tpu.memory_space<vmem>>
      tpu.enqueue_dma source(%dma_start3A_3625 : memref<104x128xf32, #tpu.memory_space<vmem>>) target(%dma_start3A_3622 : memref<104x128xf32, #tpu.memory_space<hbm>>) target_semaphore(%arg15 : memref<!tpu.dma_semaphore, #tpu.memory_space<semaphore_mem>>)
      %add3A_3626 = arith.constant -1 : i32
      %add3A_3627 = arith.addi %add3A_3550, %add3A_3626 : i32
      %jit3A_3628 = arith.constant 2 : i32
      %div3A_3629 = arith.divsi %add3A_3627, %jit3A_3628 : i32
      %sign3A_3630 = arith.constant 0 : i32
      %sign3A_3631 = arith.cmpi sgt, %add3A_3627, %sign3A_3630 : i32
      %sign3A_3632 = arith.extui %sign3A_3631 : i1 to i32
      %sign3A_3633 = arith.constant 0 : i32
      %sign3A_3634 = arith.cmpi slt, %add3A_3627, %sign3A_3633 : i32
      %sign3A_3635 = arith.extui %sign3A_3634 : i1 to i32
      %sign3A_3636 = arith.subi %sign3A_3632, %sign3A_3635 : i32
      %sign3A_3637 = arith.constant 0 : i32
      %sign3A_3638 = arith.cmpi sgt, %jit3A_3628, %sign3A_3637 : i32
      %sign3A_3639 = arith.extui %sign3A_3638 : i1 to i32
      %sign3A_3640 = arith.constant 0 : i32
      %sign3A_3641 = arith.cmpi slt, %jit3A_3628, %sign3A_3640 : i32
      %sign3A_3642 = arith.extui %sign3A_3641 : i1 to i32
      %sign3A_3643 = arith.subi %sign3A_3639, %sign3A_3642 : i32
      %ne3A_3644 = arith.cmpi ne, %sign3A_3636, %sign3A_3643 : i32
      %rem3A_3645 = arith.remsi %add3A_3627, %jit3A_3628 : i32
      %ne3A_3646 = arith.constant 0 : i32
      %ne3A_3647 = arith.cmpi ne, %rem3A_3645, %ne3A_3646 : i32
      %and3A_3648 = arith.andi %ne3A_3644, %ne3A_3647 : i1
      %sub3A_3649 = arith.constant 1 : i32
      %sub3A_3650 = arith.subi %div3A_3629, %sub3A_3649 : i32
      %select_n3A_3651 = arith.select %and3A_3648, %sub3A_3650, %div3A_3629 : i32
      %add3A_3652 = arith.addi %mul3A_2, %select_n3A_3651 : i32
      %dma_wait3A_3653 = arith.constant 0 : i32
      %dma_wait3A_3654 = arith.constant 0 : i32
      %dma_wait3A_3655 = tpu.memref_slice %arg10[%dma_wait3A_3653, %dma_wait3A_3654] : memref<104x128xf32, #tpu.memory_space<vmem>> -> memref<96x128xf32, #tpu.memory_space<vmem>>
      %dma_wait3A_3656 = arith.constant 104 : i32
      %dma_wait3A_3657 = arith.constant 0 : i32
      %dma_wait3A_3658 = tpu.memref_slice %arg4[%add3A_3652, %dma_wait3A_3656, %dma_wait3A_3657] : memref<1024x200x128xf32, #tpu.memory_space<hbm>> -> memref<1x96x128xf32, #tpu.memory_space<hbm>>
      %dma_wait3A_3659 = tpu.memref_squeeze %dma_wait3A_3658 : memref<1x96x128xf32, #tpu.memory_space<hbm>> -> memref<96x128xf32, #tpu.memory_space<hbm>>
      %dma_wait3A_3660 = arith.constant 104 : i32
      %dma_wait3A_3661 = arith.constant 0 : i32
      %dma_wait3A_3662 = tpu.memref_slice %arg4[%add3A_3652, %dma_wait3A_3660, %dma_wait3A_3661] : memref<1024x200x128xf32, #tpu.memory_space<hbm>> -> memref<1x96x128xf32, #tpu.memory_space<hbm>>
      %dma_wait3A_3663 = tpu.memref_squeeze %dma_wait3A_3662 : memref<1x96x128xf32, #tpu.memory_space<hbm>> -> memref<96x128xf32, #tpu.memory_space<hbm>>
      %dma_wait3A_3664 = arith.constant 0 : i32
      %dma_wait3A_3665 = arith.constant 0 : i32
      %dma_wait3A_3666 = tpu.memref_slice %arg10[%dma_wait3A_3664, %dma_wait3A_3665] : memref<104x128xf32, #tpu.memory_space<vmem>> -> memref<96x128xf32, #tpu.memory_space<vmem>>
      tpu.wait_dma2 semaphore(%arg17 : memref<!tpu.dma_semaphore, #tpu.memory_space<semaphore_mem>>) src(%dma_wait3A_3666 : memref<96x128xf32, #tpu.memory_space<vmem>>) dst(%dma_wait3A_3663 : memref<96x128xf32, #tpu.memory_space<hbm>>)
      %add3A_3667 = arith.constant 2 : i32
      %add3A_3668 = arith.addi %add3A_3550, %add3A_3667 : i32
      %jit3A_3669 = arith.constant 2 : i32
      %div3A_3670 = arith.divsi %add3A_3668, %jit3A_3669 : i32
      %sign3A_3671 = arith.constant 0 : i32
      %sign3A_3672 = arith.cmpi sgt, %add3A_3668, %sign3A_3671 : i32
      %sign3A_3673 = arith.extui %sign3A_3672 : i1 to i32
      %sign3A_3674 = arith.constant 0 : i32
      %sign3A_3675 = arith.cmpi slt, %add3A_3668, %sign3A_3674 : i32
      %sign3A_3676 = arith.extui %sign3A_3675 : i1 to i32
      %sign3A_3677 = arith.subi %sign3A_3673, %sign3A_3676 : i32
      %sign3A_3678 = arith.constant 0 : i32
      %sign3A_3679 = arith.cmpi sgt, %jit3A_3669, %sign3A_3678 : i32
      %sign3A_3680 = arith.extui %sign3A_3679 : i1 to i32
      %sign3A_3681 = arith.constant 0 : i32
      %sign3A_3682 = arith.cmpi slt, %jit3A_3669, %sign3A_3681 : i32
      %sign3A_3683 = arith.extui %sign3A_3682 : i1 to i32
      %sign3A_3684 = arith.subi %sign3A_3680, %sign3A_3683 : i32
      %ne3A_3685 = arith.cmpi ne, %sign3A_3677, %sign3A_3684 : i32
      %rem3A_3686 = arith.remsi %add3A_3668, %jit3A_3669 : i32
      %ne3A_3687 = arith.constant 0 : i32
      %ne3A_3688 = arith.cmpi ne, %rem3A_3686, %ne3A_3687 : i32
      %and3A_3689 = arith.andi %ne3A_3685, %ne3A_3688 : i1
      %sub3A_3690 = arith.constant 1 : i32
      %sub3A_3691 = arith.subi %div3A_3670, %sub3A_3690 : i32
      %select_n3A_3692 = arith.select %and3A_3689, %sub3A_3691, %div3A_3670 : i32
      %get3A_3693 = arith.index_cast %select_n3A_3692 : i32 to index
      %get3A_3694 = arith.constant 0 : index
      %get3A_3695 = tpu.vector_load %arg5[%get3A_3693, %get3A_3694] {strides = array<i32>} : memref<32x200xi32, #tpu.memory_space<vmem>>, vector<1x16xi32>,
      %get3A_3696 = vector.shape_cast %get3A_3695 : vector<1x16xi32> to vector<16xi32>
      %get3A_3697 = arith.index_cast %select_n3A_3692 : i32 to index
      %get3A_3698 = arith.constant 16 : index
      %get3A_3699 = tpu.vector_load %arg5[%get3A_3697, %get3A_3698] {strides = array<i32>} : memref<32x200xi32, #tpu.memory_space<vmem>>, vector<1x16xi32>,
      %get3A_3700 = vector.shape_cast %get3A_3699 : vector<1x16xi32> to vector<16xi32>
      %min3A_3701 = arith.minsi %get3A_3696, %get3A_3700 : vector<16xi32>
      %get3A_3702 = arith.index_cast %select_n3A_3692 : i32 to index
      %get3A_3703 = arith.constant 32 : index
      %get3A_3704 = tpu.vector_load %arg5[%get3A_3702, %get3A_3703] {strides = array<i32>} : memref<32x200xi32, #tpu.memory_space<vmem>>, vector<1x16xi32>,
      %get3A_3705 = vector.shape_cast %get3A_3704 : vector<1x16xi32> to vector<16xi32>
      %min3A_3706 = arith.minsi %min3A_3701, %get3A_3705 : vector<16xi32>
      %get3A_3707 = arith.index_cast %select_n3A_3692 : i32 to index
      %get3A_3708 = arith.constant 48 : index
      %get3A_3709 = tpu.vector_load %arg5[%get3A_3707, %get3A_3708] {strides = array<i32>} : memref<32x200xi32, #tpu.memory_space<vmem>>, vector<1x16xi32>,
      %get3A_3710 = vector.shape_cast %get3A_3709 : vector<1x16xi32> to vector<16xi32>
      %min3A_3711 = arith.minsi %min3A_3706, %get3A_3710 : vector<16xi32>
      %get3A_3712 = arith.index_cast %select_n3A_3692 : i32 to index
      %get3A_3713 = arith.constant 64 : index
      %get3A_3714 = tpu.vector_load %arg5[%get3A_3712, %get3A_3713] {strides = array<i32>} : memref<32x200xi32, #tpu.memory_space<vmem>>, vector<1x16xi32>,
      %get3A_3715 = vector.shape_cast %get3A_3714 : vector<1x16xi32> to vector<16xi32>
      %min3A_3716 = arith.minsi %min3A_3711, %get3A_3715 : vector<16xi32>
      %get3A_3717 = arith.index_cast %select_n3A_3692 : i32 to index
      %get3A_3718 = arith.constant 80 : index
      %get3A_3719 = tpu.vector_load %arg5[%get3A_3717, %get3A_3718] {strides = array<i32>} : memref<32x200xi32, #tpu.memory_space<vmem>>, vector<1x16xi32>,
      %get3A_3720 = vector.shape_cast %get3A_3719 : vector<1x16xi32> to vector<16xi32>
      %min3A_3721 = arith.minsi %min3A_3716, %get3A_3720 : vector<16xi32>
      %get3A_3722 = arith.index_cast %select_n3A_3692 : i32 to index
      %get3A_3723 = arith.constant 96 : index
      %get3A_3724 = tpu.vector_load %arg5[%get3A_3722, %get3A_3723] {strides = array<i32>} : memref<32x200xi32, #tpu.memory_space<vmem>>, vector<1x16xi32>,
      %get3A_3725 = vector.shape_cast %get3A_3724 : vector<1x16xi32> to vector<16xi32>
      %min3A_3726 = arith.minsi %min3A_3721, %get3A_3725 : vector<16xi32>
      %get3A_3727 = arith.index_cast %select_n3A_3692 : i32 to index
      %get3A_3728 = arith.constant 112 : index
      %get3A_3729 = tpu.vector_load %arg5[%get3A_3727, %get3A_3728] {strides = array<i32>} : memref<32x200xi32, #tpu.memory_space<vmem>>, vector<1x16xi32>,
      %get3A_3730 = vector.shape_cast %get3A_3729 : vector<1x16xi32> to vector<16xi32>
      %min3A_3731 = arith.minsi %min3A_3726, %get3A_3730 : vector<16xi32>
      %get3A_3732 = arith.index_cast %select_n3A_3692 : i32 to index
      %get3A_3733 = arith.constant 128 : index
      %get3A_3734 = tpu.vector_load %arg5[%get3A_3732, %get3A_3733] {strides = array<i32>} : memref<32x200xi32, #tpu.memory_space<vmem>>, vector<1x16xi32>,
      %get3A_3735 = vector.shape_cast %get3A_3734 : vector<1x16xi32> to vector<16xi32>
      %min3A_3736 = arith.minsi %min3A_3731, %get3A_3735 : vector<16xi32>
      %get3A_3737 = arith.index_cast %select_n3A_3692 : i32 to index
      %get3A_3738 = arith.constant 144 : index
      %get3A_3739 = tpu.vector_load %arg5[%get3A_3737, %get3A_3738] {strides = array<i32>} : memref<32x200xi32, #tpu.memory_space<vmem>>, vector<1x16xi32>,
      %get3A_3740 = vector.shape_cast %get3A_3739 : vector<1x16xi32> to vector<16xi32>
      %min3A_3741 = arith.minsi %min3A_3736, %get3A_3740 : vector<16xi32>
      %get3A_3742 = arith.index_cast %select_n3A_3692 : i32 to index
      %get3A_3743 = arith.constant 160 : index
      %get3A_3744 = tpu.vector_load %arg5[%get3A_3742, %get3A_3743] {strides = array<i32>} : memref<32x200xi32, #tpu.memory_space<vmem>>, vector<1x16xi32>,
      %get3A_3745 = vector.shape_cast %get3A_3744 : vector<1x16xi32> to vector<16xi32>
      %min3A_3746 = arith.minsi %min3A_3741, %get3A_3745 : vector<16xi32>
      %get3A_3747 = arith.index_cast %select_n3A_3692 : i32 to index
      %get3A_3748 = arith.constant 176 : index
      %get3A_3749 = tpu.vector_load %arg5[%get3A_3747, %get3A_3748] {strides = array<i32>} : memref<32x200xi32, #tpu.memory_space<vmem>>, vector<1x16xi32>,
      %get3A_3750 = vector.shape_cast %get3A_3749 : vector<1x16xi32> to vector<16xi32>
      %min3A_3751 = arith.minsi %min3A_3746, %get3A_3750 : vector<16xi32>
      %get3A_3752 = arith.index_cast %select_n3A_3692 : i32 to index
      %get3A_3753 = arith.constant 184 : index
      %get3A_3754 = tpu.vector_load %arg5[%get3A_3752, %get3A_3753] {strides = array<i32>} : memref<32x200xi32, #tpu.memory_space<vmem>>, vector<1x16xi32>,
      %get3A_3755 = vector.shape_cast %get3A_3754 : vector<1x16xi32> to vector<16xi32>
      %min3A_3756 = arith.minsi %min3A_3751, %get3A_3755 : vector<16xi32>
      %iota3A_3757 = tpu.iota {dimensions = array<i32: 0>} : vector<16xi32>
      %add3A_3758 = arith.constant 8 : i32
      %add3A_3759 = vector.broadcast %add3A_3758 : i32 to vector<16xi32>
      %add3A_3760 = arith.addi %iota3A_3757, %add3A_3759 : vector<16xi32>
      %rem3A_3761 = arith.constant 16 : i32
      %rem3A_3762 = vector.broadcast %rem3A_3761 : i32 to vector<16xi32>
      %rem3A_3763 = arith.remsi %add3A_3760, %rem3A_3762 : vector<16xi32>
      %broadcast_in_dim3A_3764 = vector.shape_cast %rem3A_3763 : vector<16xi32> to vector<16x1xi32>
      %gather3A_3765 = vector.shape_cast %broadcast_in_dim3A_3764 : vector<16x1xi32> to vector<16xi32>
      %gather3A_3766 = tpu.dynamic_gather %min3A_3756[%gather3A_3765] in [0] : vector<16xi32>, vector<16xi32> -> vector<16xi32>
      %min3A_3767 = arith.minsi %min3A_3756, %gather3A_3766 : vector<16xi32>
      %add3A_3768 = arith.constant 4 : i32
      %add3A_3769 = vector.broadcast %add3A_3768 : i32 to vector<16xi32>
      %add3A_3770 = arith.addi %iota3A_3757, %add3A_3769 : vector<16xi32>
      %rem3A_3771 = arith.constant 16 : i32
      %rem3A_3772 = vector.broadcast %rem3A_3771 : i32 to vector<16xi32>
      %rem3A_3773 = arith.remsi %add3A_3770, %rem3A_3772 : vector<16xi32>
      %broadcast_in_dim3A_3774 = vector.shape_cast %rem3A_3773 : vector<16xi32> to vector<16x1xi32>
      %gather3A_3775 = vector.shape_cast %broadcast_in_dim3A_3774 : vector<16x1xi32> to vector<16xi32>
      %gather3A_3776 = tpu.dynamic_gather %min3A_3767[%gather3A_3775] in [0] : vector<16xi32>, vector<16xi32> -> vector<16xi32>
      %min3A_3777 = arith.minsi %min3A_3767, %gather3A_3776 : vector<16xi32>
      %add3A_3778 = arith.constant 2 : i32
      %add3A_3779 = vector.broadcast %add3A_3778 : i32 to vector<16xi32>
      %add3A_3780 = arith.addi %iota3A_3757, %add3A_3779 : vector<16xi32>
      %rem3A_3781 = arith.constant 16 : i32
      %rem3A_3782 = vector.broadcast %rem3A_3781 : i32 to vector<16xi32>
      %rem3A_3783 = arith.remsi %add3A_3780, %rem3A_3782 : vector<16xi32>
      %broadcast_in_dim3A_3784 = vector.shape_cast %rem3A_3783 : vector<16xi32> to vector<16x1xi32>
      %gather3A_3785 = vector.shape_cast %broadcast_in_dim3A_3784 : vector<16x1xi32> to vector<16xi32>
      %gather3A_3786 = tpu.dynamic_gather %min3A_3777[%gather3A_3785] in [0] : vector<16xi32>, vector<16xi32> -> vector<16xi32>
      %min3A_3787 = arith.minsi %min3A_3777, %gather3A_3786 : vector<16xi32>
      %add3A_3788 = arith.constant 1 : i32
      %add3A_3789 = vector.broadcast %add3A_3788 : i32 to vector<16xi32>
      %add3A_3790 = arith.addi %iota3A_3757, %add3A_3789 : vector<16xi32>
      %rem3A_3791 = arith.constant 16 : i32
      %rem3A_3792 = vector.broadcast %rem3A_3791 : i32 to vector<16xi32>
      %rem3A_3793 = arith.remsi %add3A_3790, %rem3A_3792 : vector<16xi32>
      %broadcast_in_dim3A_3794 = vector.shape_cast %rem3A_3793 : vector<16xi32> to vector<16x1xi32>
      %gather3A_3795 = vector.shape_cast %broadcast_in_dim3A_3794 : vector<16x1xi32> to vector<16xi32>
      %gather3A_3796 = tpu.dynamic_gather %min3A_3787[%gather3A_3795] in [0] : vector<16xi32>, vector<16xi32> -> vector<16xi32>
      %min3A_3797 = arith.minsi %min3A_3787, %gather3A_3796 : vector<16xi32>
      %get3A_3798 = arith.index_cast %select_n3A_3692 : i32 to index
      %get3A_3799 = arith.constant 0 : index
      %get3A_3800 = tpu.vector_load %arg5[%get3A_3798, %get3A_3799] {strides = array<i32>} : memref<32x200xi32, #tpu.memory_space<vmem>>, vector<1x16xi32>,
      %get3A_3801 = vector.shape_cast %get3A_3800 : vector<1x16xi32> to vector<16xi32>
      %sub3A_3802 = arith.subi %get3A_3801, %min3A_3797 : vector<16xi32>
      %abs3A_3803 = math.absi %sub3A_3802 : vector<16xi32>
      %swap3A_3804 = arith.constant 0 : index
      %swap3A_3805 = tpu.vector_load %arg7[%swap3A_3804] {strides = array<i32>} : memref<200xi32, #tpu.memory_space<vmem>>, vector<16xi32>,
      %swap3A_3806 = vector.shape_cast %swap3A_3805 : vector<16xi32> to vector<16xi32>
      %swap3A_3807 = vector.shape_cast %abs3A_3803 : vector<16xi32> to vector<16xi32>
      tpu.vector_store %arg7[%swap3A_3804], %swap3A_3807 {strides = array<i32>} : memref<200xi32, #tpu.memory_space<vmem>>, vector<16xi32>,
      %get3A_3808 = arith.index_cast %select_n3A_3692 : i32 to index
      %get3A_3809 = arith.constant 16 : index
      %get3A_3810 = tpu.vector_load %arg5[%get3A_3808, %get3A_3809] {strides = array<i32>} : memref<32x200xi32, #tpu.memory_space<vmem>>, vector<1x16xi32>,
      %get3A_3811 = vector.shape_cast %get3A_3810 : vector<1x16xi32> to vector<16xi32>
      %sub3A_3812 = arith.subi %get3A_3811, %min3A_3797 : vector<16xi32>
      %abs3A_3813 = math.absi %sub3A_3812 : vector<16xi32>
      %swap3A_3814 = arith.constant 16 : index
      %swap3A_3815 = tpu.vector_load %arg7[%swap3A_3814] {strides = array<i32>} : memref<200xi32, #tpu.memory_space<vmem>>, vector<16xi32>,
      %swap3A_3816 = vector.shape_cast %swap3A_3815 : vector<16xi32> to vector<16xi32>
      %swap3A_3817 = vector.shape_cast %abs3A_3813 : vector<16xi32> to vector<16xi32>
      tpu.vector_store %arg7[%swap3A_3814], %swap3A_3817 {strides = array<i32>} : memref<200xi32, #tpu.memory_space<vmem>>, vector<16xi32>,
      %get3A_3818 = arith.index_cast %select_n3A_3692 : i32 to index
      %get3A_3819 = arith.constant 32 : index
      %get3A_3820 = tpu.vector_load %arg5[%get3A_3818, %get3A_3819] {strides = array<i32>} : memref<32x200xi32, #tpu.memory_space<vmem>>, vector<1x16xi32>,
      %get3A_3821 = vector.shape_cast %get3A_3820 : vector<1x16xi32> to vector<16xi32>
      %sub3A_3822 = arith.subi %get3A_3821, %min3A_3797 : vector<16xi32>
      %abs3A_3823 = math.absi %sub3A_3822 : vector<16xi32>
      %swap3A_3824 = arith.constant 32 : index
      %swap3A_3825 = tpu.vector_load %arg7[%swap3A_3824] {strides = array<i32>} : memref<200xi32, #tpu.memory_space<vmem>>, vector<16xi32>,
      %swap3A_3826 = vector.shape_cast %swap3A_3825 : vector<16xi32> to vector<16xi32>
      %swap3A_3827 = vector.shape_cast %abs3A_3823 : vector<16xi32> to vector<16xi32>
      tpu.vector_store %arg7[%swap3A_3824], %swap3A_3827 {strides = array<i32>} : memref<200xi32, #tpu.memory_space<vmem>>, vector<16xi32>,
      %get3A_3828 = arith.index_cast %select_n3A_3692 : i32 to index
      %get3A_3829 = arith.constant 48 : index
      %get3A_3830 = tpu.vector_load %arg5[%get3A_3828, %get3A_3829] {strides = array<i32>} : memref<32x200xi32, #tpu.memory_space<vmem>>, vector<1x16xi32>,
      %get3A_3831 = vector.shape_cast %get3A_3830 : vector<1x16xi32> to vector<16xi32>
      %sub3A_3832 = arith.subi %get3A_3831, %min3A_3797 : vector<16xi32>
      %abs3A_3833 = math.absi %sub3A_3832 : vector<16xi32>
      %swap3A_3834 = arith.constant 48 : index
      %swap3A_3835 = tpu.vector_load %arg7[%swap3A_3834] {strides = array<i32>} : memref<200xi32, #tpu.memory_space<vmem>>, vector<16xi32>,
      %swap3A_3836 = vector.shape_cast %swap3A_3835 : vector<16xi32> to vector<16xi32>
      %swap3A_3837 = vector.shape_cast %abs3A_3833 : vector<16xi32> to vector<16xi32>
      tpu.vector_store %arg7[%swap3A_3834], %swap3A_3837 {strides = array<i32>} : memref<200xi32, #tpu.memory_space<vmem>>, vector<16xi32>,
      %get3A_3838 = arith.index_cast %select_n3A_3692 : i32 to index
      %get3A_3839 = arith.constant 64 : index
      %get3A_3840 = tpu.vector_load %arg5[%get3A_3838, %get3A_3839] {strides = array<i32>} : memref<32x200xi32, #tpu.memory_space<vmem>>, vector<1x16xi32>,
      %get3A_3841 = vector.shape_cast %get3A_3840 : vector<1x16xi32> to vector<16xi32>
      %sub3A_3842 = arith.subi %get3A_3841, %min3A_3797 : vector<16xi32>
      %abs3A_3843 = math.absi %sub3A_3842 : vector<16xi32>
      %swap3A_3844 = arith.constant 64 : index
      %swap3A_3845 = tpu.vector_load %arg7[%swap3A_3844] {strides = array<i32>} : memref<200xi32, #tpu.memory_space<vmem>>, vector<16xi32>,
      %swap3A_3846 = vector.shape_cast %swap3A_3845 : vector<16xi32> to vector<16xi32>
      %swap3A_3847 = vector.shape_cast %abs3A_3843 : vector<16xi32> to vector<16xi32>
      tpu.vector_store %arg7[%swap3A_3844], %swap3A_3847 {strides = array<i32>} : memref<200xi32, #tpu.memory_space<vmem>>, vector<16xi32>,
      %get3A_3848 = arith.index_cast %select_n3A_3692 : i32 to index
      %get3A_3849 = arith.constant 80 : index
      %get3A_3850 = tpu.vector_load %arg5[%get3A_3848, %get3A_3849] {strides = array<i32>} : memref<32x200xi32, #tpu.memory_space<vmem>>, vector<1x16xi32>,
      %get3A_3851 = vector.shape_cast %get3A_3850 : vector<1x16xi32> to vector<16xi32>
      %sub3A_3852 = arith.subi %get3A_3851, %min3A_3797 : vector<16xi32>
      %abs3A_3853 = math.absi %sub3A_3852 : vector<16xi32>
      %swap3A_3854 = arith.constant 80 : index
      %swap3A_3855 = tpu.vector_load %arg7[%swap3A_3854] {strides = array<i32>} : memref<200xi32, #tpu.memory_space<vmem>>, vector<16xi32>,
      %swap3A_3856 = vector.shape_cast %swap3A_3855 : vector<16xi32> to vector<16xi32>
      %swap3A_3857 = vector.shape_cast %abs3A_3853 : vector<16xi32> to vector<16xi32>
      tpu.vector_store %arg7[%swap3A_3854], %swap3A_3857 {strides = array<i32>} : memref<200xi32, #tpu.memory_space<vmem>>, vector<16xi32>,
      %get3A_3858 = arith.index_cast %select_n3A_3692 : i32 to index
      %get3A_3859 = arith.constant 96 : index
      %get3A_3860 = tpu.vector_load %arg5[%get3A_3858, %get3A_3859] {strides = array<i32>} : memref<32x200xi32, #tpu.memory_space<vmem>>, vector<1x16xi32>,
      %get3A_3861 = vector.shape_cast %get3A_3860 : vector<1x16xi32> to vector<16xi32>
      %sub3A_3862 = arith.subi %get3A_3861, %min3A_3797 : vector<16xi32>
      %abs3A_3863 = math.absi %sub3A_3862 : vector<16xi32>
      %swap3A_3864 = arith.constant 96 : index
      %swap3A_3865 = tpu.vector_load %arg7[%swap3A_3864] {strides = array<i32>} : memref<200xi32, #tpu.memory_space<vmem>>, vector<16xi32>,
      %swap3A_3866 = vector.shape_cast %swap3A_3865 : vector<16xi32> to vector<16xi32>
      %swap3A_3867 = vector.shape_cast %abs3A_3863 : vector<16xi32> to vector<16xi32>
      tpu.vector_store %arg7[%swap3A_3864], %swap3A_3867 {strides = array<i32>} : memref<200xi32, #tpu.memory_space<vmem>>, vector<16xi32>,
      %get3A_3868 = arith.index_cast %select_n3A_3692 : i32 to index
      %get3A_3869 = arith.constant 112 : index
      %get3A_3870 = tpu.vector_load %arg5[%get3A_3868, %get3A_3869] {strides = array<i32>} : memref<32x200xi32, #tpu.memory_space<vmem>>, vector<1x16xi32>,
      %get3A_3871 = vector.shape_cast %get3A_3870 : vector<1x16xi32> to vector<16xi32>
      %sub3A_3872 = arith.subi %get3A_3871, %min3A_3797 : vector<16xi32>
      %abs3A_3873 = math.absi %sub3A_3872 : vector<16xi32>
      %swap3A_3874 = arith.constant 112 : index
      %swap3A_3875 = tpu.vector_load %arg7[%swap3A_3874] {strides = array<i32>} : memref<200xi32, #tpu.memory_space<vmem>>, vector<16xi32>,
      %swap3A_3876 = vector.shape_cast %swap3A_3875 : vector<16xi32> to vector<16xi32>
      %swap3A_3877 = vector.shape_cast %abs3A_3873 : vector<16xi32> to vector<16xi32>
      tpu.vector_store %arg7[%swap3A_3874], %swap3A_3877 {strides = array<i32>} : memref<200xi32, #tpu.memory_space<vmem>>, vector<16xi32>,
      %get3A_3878 = arith.index_cast %select_n3A_3692 : i32 to index
      %get3A_3879 = arith.constant 128 : index
      %get3A_3880 = tpu.vector_load %arg5[%get3A_3878, %get3A_3879] {strides = array<i32>} : memref<32x200xi32, #tpu.memory_space<vmem>>, vector<1x16xi32>,
      %get3A_3881 = vector.shape_cast %get3A_3880 : vector<1x16xi32> to vector<16xi32>
      %sub3A_3882 = arith.subi %get3A_3881, %min3A_3797 : vector<16xi32>
      %abs3A_3883 = math.absi %sub3A_3882 : vector<16xi32>
      %swap3A_3884 = arith.constant 128 : index
      %swap3A_3885 = tpu.vector_load %arg7[%swap3A_3884] {strides = array<i32>} : memref<200xi32, #tpu.memory_space<vmem>>, vector<16xi32>,
      %swap3A_3886 = vector.shape_cast %swap3A_3885 : vector<16xi32> to vector<16xi32>
      %swap3A_3887 = vector.shape_cast %abs3A_3883 : vector<16xi32> to vector<16xi32>
      tpu.vector_store %arg7[%swap3A_3884], %swap3A_3887 {strides = array<i32>} : memref<200xi32, #tpu.memory_space<vmem>>, vector<16xi32>,
      %get3A_3888 = arith.index_cast %select_n3A_3692 : i32 to index
      %get3A_3889 = arith.constant 144 : index
      %get3A_3890 = tpu.vector_load %arg5[%get3A_3888, %get3A_3889] {strides = array<i32>} : memref<32x200xi32, #tpu.memory_space<vmem>>, vector<1x16xi32>,
      %get3A_3891 = vector.shape_cast %get3A_3890 : vector<1x16xi32> to vector<16xi32>
      %sub3A_3892 = arith.subi %get3A_3891, %min3A_3797 : vector<16xi32>
      %abs3A_3893 = math.absi %sub3A_3892 : vector<16xi32>
      %swap3A_3894 = arith.constant 144 : index
      %swap3A_3895 = tpu.vector_load %arg7[%swap3A_3894] {strides = array<i32>} : memref<200xi32, #tpu.memory_space<vmem>>, vector<16xi32>,
      %swap3A_3896 = vector.shape_cast %swap3A_3895 : vector<16xi32> to vector<16xi32>
      %swap3A_3897 = vector.shape_cast %abs3A_3893 : vector<16xi32> to vector<16xi32>
      tpu.vector_store %arg7[%swap3A_3894], %swap3A_3897 {strides = array<i32>} : memref<200xi32, #tpu.memory_space<vmem>>, vector<16xi32>,
      %get3A_3898 = arith.index_cast %select_n3A_3692 : i32 to index
      %get3A_3899 = arith.constant 160 : index
      %get3A_3900 = tpu.vector_load %arg5[%get3A_3898, %get3A_3899] {strides = array<i32>} : memref<32x200xi32, #tpu.memory_space<vmem>>, vector<1x16xi32>,
      %get3A_3901 = vector.shape_cast %get3A_3900 : vector<1x16xi32> to vector<16xi32>
      %sub3A_3902 = arith.subi %get3A_3901, %min3A_3797 : vector<16xi32>
      %abs3A_3903 = math.absi %sub3A_3902 : vector<16xi32>
      %swap3A_3904 = arith.constant 160 : index
      %swap3A_3905 = tpu.vector_load %arg7[%swap3A_3904] {strides = array<i32>} : memref<200xi32, #tpu.memory_space<vmem>>, vector<16xi32>,
      %swap3A_3906 = vector.shape_cast %swap3A_3905 : vector<16xi32> to vector<16xi32>
      %swap3A_3907 = vector.shape_cast %abs3A_3903 : vector<16xi32> to vector<16xi32>
      tpu.vector_store %arg7[%swap3A_3904], %swap3A_3907 {strides = array<i32>} : memref<200xi32, #tpu.memory_space<vmem>>, vector<16xi32>,
      %get3A_3908 = arith.index_cast %select_n3A_3692 : i32 to index
      %get3A_3909 = arith.constant 176 : index
      %get3A_3910 = tpu.vector_load %arg5[%get3A_3908, %get3A_3909] {strides = array<i32>} : memref<32x200xi32, #tpu.memory_space<vmem>>, vector<1x16xi32>,
      %get3A_3911 = vector.shape_cast %get3A_3910 : vector<1x16xi32> to vector<16xi32>
      %sub3A_3912 = arith.subi %get3A_3911, %min3A_3797 : vector<16xi32>
      %abs3A_3913 = math.absi %sub3A_3912 : vector<16xi32>
      %swap3A_3914 = arith.constant 176 : index
      %swap3A_3915 = tpu.vector_load %arg7[%swap3A_3914] {strides = array<i32>} : memref<200xi32, #tpu.memory_space<vmem>>, vector<16xi32>,
      %swap3A_3916 = vector.shape_cast %swap3A_3915 : vector<16xi32> to vector<16xi32>
      %swap3A_3917 = vector.shape_cast %abs3A_3913 : vector<16xi32> to vector<16xi32>
      tpu.vector_store %arg7[%swap3A_3914], %swap3A_3917 {strides = array<i32>} : memref<200xi32, #tpu.memory_space<vmem>>, vector<16xi32>,
      %get3A_3918 = arith.index_cast %select_n3A_3692 : i32 to index
      %get3A_3919 = arith.constant 184 : index
      %get3A_3920 = tpu.vector_load %arg5[%get3A_3918, %get3A_3919] {strides = array<i32>} : memref<32x200xi32, #tpu.memory_space<vmem>>, vector<1x16xi32>,
      %get3A_3921 = vector.shape_cast %get3A_3920 : vector<1x16xi32> to vector<16xi32>
      %sub3A_3922 = arith.subi %get3A_3921, %min3A_3797 : vector<16xi32>
      %abs3A_3923 = math.absi %sub3A_3922 : vector<16xi32>
      %swap3A_3924 = arith.constant 184 : index
      %swap3A_3925 = tpu.vector_load %arg7[%swap3A_3924] {strides = array<i32>} : memref<200xi32, #tpu.memory_space<vmem>>, vector<16xi32>,
      %swap3A_3926 = vector.shape_cast %swap3A_3925 : vector<16xi32> to vector<16xi32>
      %swap3A_3927 = vector.shape_cast %abs3A_3923 : vector<16xi32> to vector<16xi32>
      tpu.vector_store %arg7[%swap3A_3924], %swap3A_3927 {strides = array<i32>} : memref<200xi32, #tpu.memory_space<vmem>>, vector<16xi32>,
      %add3A_3928 = arith.constant 2 : i32
      %add3A_3929 = arith.addi %add3A_3550, %add3A_3928 : i32
      %jit3A_3930 = arith.constant 2 : i32
      %div3A_3931 = arith.divsi %add3A_3929, %jit3A_3930 : i32
      %sign3A_3932 = arith.constant 0 : i32
      %sign3A_3933 = arith.cmpi sgt, %add3A_3929, %sign3A_3932 : i32
      %sign3A_3934 = arith.extui %sign3A_3933 : i1 to i32
      %sign3A_3935 = arith.constant 0 : i32
      %sign3A_3936 = arith.cmpi slt, %add3A_3929, %sign3A_3935 : i32
      %sign3A_3937 = arith.extui %sign3A_3936 : i1 to i32
      %sign3A_3938 = arith.subi %sign3A_3934, %sign3A_3937 : i32
      %sign3A_3939 = arith.constant 0 : i32
      %sign3A_3940 = arith.cmpi sgt, %jit3A_3930, %sign3A_3939 : i32
      %sign3A_3941 = arith.extui %sign3A_3940 : i1 to i32
      %sign3A_3942 = arith.constant 0 : i32
      %sign3A_3943 = arith.cmpi slt, %jit3A_3930, %sign3A_3942 : i32
      %sign3A_3944 = arith.extui %sign3A_3943 : i1 to i32
      %sign3A_3945 = arith.subi %sign3A_3941, %sign3A_3944 : i32
      %ne3A_3946 = arith.cmpi ne, %sign3A_3938, %sign3A_3945 : i32
      %rem3A_3947 = arith.remsi %add3A_3929, %jit3A_3930 : i32
      %ne3A_3948 = arith.constant 0 : i32
      %ne3A_3949 = arith.cmpi ne, %rem3A_3947, %ne3A_3948 : i32
      %and3A_3950 = arith.andi %ne3A_3946, %ne3A_3949 : i1
      %sub3A_3951 = arith.constant 1 : i32
      %sub3A_3952 = arith.subi %div3A_3931, %sub3A_3951 : i32
      %select_n3A_3953 = arith.select %and3A_3950, %sub3A_3952, %div3A_3931 : i32
      %dma_start3A_3954 = arith.constant 0 : i32
      %dma_start3A_3955 = arith.constant 0 : i32
      %dma_start3A_3956 = tpu.memref_slice %arg10[%dma_start3A_3954, %dma_start3A_3955] : memref<104x128xf32, #tpu.memory_space<vmem>> -> memref<104x128xf32, #tpu.memory_space<vmem>>
      %dma_start3A_3957 = arith.constant 0 : i32
      %dma_start3A_3958 = tpu.memref_slice %arg7[%dma_start3A_3957] : memref<200xi32, #tpu.memory_space<vmem>> -> memref<104xi32, #tpu.memory_space<vmem>>
      %dma_start3A_3959 = arith.constant 0 : i32
      %dma_start3A_3960 = arith.constant 0 : i32
      %dma_start3A_3961 = tpu.memref_slice %arg11[%dma_start3A_3959, %dma_start3A_3960] : memref<10000x128xf32, #tpu.memory_space<vmem_shared>> -> memref<10000x128xf32, #tpu.memory_space<vmem_shared>>
      tpu.enqueue_indirect_dma source(%dma_start3A_3961 : memref<10000x128xf32, #tpu.memory_space<vmem_shared>>) target(%dma_start3A_3956 : memref<104x128xf32, #tpu.memory_space<vmem>>) offsets(%dma_start3A_3958 : memref<104xi32, #tpu.memory_space<vmem>>) semaphore(%arg14 : memref<!tpu.dma_semaphore, #tpu.memory_space<semaphore_mem>>)
      %add3A_3962 = arith.constant 11 : i32
      %add3A_3963 = arith.addi %add3A_729, %add3A_3962 : i32
      %add3A_3964 = arith.constant 0 : i32
      %add3A_3965 = arith.addi %add3A_3963, %add3A_3964 : i32
      %jit3A_3966 = arith.constant 2 : i32
      %div3A_3967 = arith.divsi %add3A_3965, %jit3A_3966 : i32
      %sign3A_3968 = arith.constant 0 : i32
      %sign3A_3969 = arith.cmpi sgt, %add3A_3965, %sign3A_3968 : i32
      %sign3A_3970 = arith.extui %sign3A_3969 : i1 to i32
      %sign3A_3971 = arith.constant 0 : i32
      %sign3A_3972 = arith.cmpi slt, %add3A_3965, %sign3A_3971 : i32
      %sign3A_3973 = arith.extui %sign3A_3972 : i1 to i32
      %sign3A_3974 = arith.subi %sign3A_3970, %sign3A_3973 : i32
      %sign3A_3975 = arith.constant 0 : i32
      %sign3A_3976 = arith.cmpi sgt, %jit3A_3966, %sign3A_3975 : i32
      %sign3A_3977 = arith.extui %sign3A_3976 : i1 to i32
      %sign3A_3978 = arith.constant 0 : i32
      %sign3A_3979 = arith.cmpi slt, %jit3A_3966, %sign3A_3978 : i32
      %sign3A_3980 = arith.extui %sign3A_3979 : i1 to i32
      %sign3A_3981 = arith.subi %sign3A_3977, %sign3A_3980 : i32
      %ne3A_3982 = arith.cmpi ne, %sign3A_3974, %sign3A_3981 : i32
      %rem3A_3983 = arith.remsi %add3A_3965, %jit3A_3966 : i32
      %ne3A_3984 = arith.constant 0 : i32
      %ne3A_3985 = arith.cmpi ne, %rem3A_3983, %ne3A_3984 : i32
      %and3A_3986 = arith.andi %ne3A_3982, %ne3A_3985 : i1
      %sub3A_3987 = arith.constant 1 : i32
      %sub3A_3988 = arith.subi %div3A_3967, %sub3A_3987 : i32
      %select_n3A_3989 = arith.select %and3A_3986, %sub3A_3988, %div3A_3967 : i32
      %dma_wait3A_3990 = arith.constant 0 : i32
      %dma_wait3A_3991 = arith.constant 0 : i32
      %dma_wait3A_3992 = tpu.memref_slice %arg9[%dma_wait3A_3990, %dma_wait3A_3991] : memref<104x128xf32, #tpu.memory_space<vmem>> -> memref<96x128xf32, #tpu.memory_space<vmem>>
      %dma_wait3A_3993 = arith.constant 104 : i32
      %dma_wait3A_3994 = tpu.memref_slice %arg6[%dma_wait3A_3993] : memref<200xi32, #tpu.memory_space<vmem>> -> memref<96xi32, #tpu.memory_space<vmem>>
      %dma_wait3A_3995 = arith.constant 0 : i32
      %dma_wait3A_3996 = arith.constant 0 : i32
      %dma_wait3A_3997 = tpu.memref_slice %arg11[%dma_wait3A_3995, %dma_wait3A_3996] : memref<10000x128xf32, #tpu.memory_space<vmem_shared>> -> memref<10000x128xf32, #tpu.memory_space<vmem_shared>>
      tpu.wait_indirect_dma semaphore(%arg13 : memref<!tpu.dma_semaphore, #tpu.memory_space<semaphore_mem>>) src(%dma_wait3A_3997 : memref<10000x128xf32, #tpu.memory_space<vmem_shared>>) dst(%dma_wait3A_3992 : memref<96x128xf32, #tpu.memory_space<vmem>>)
      %add3A_3998 = arith.constant 0 : i32
      %add3A_3999 = arith.addi %add3A_3963, %add3A_3998 : i32
      %jit3A_4000 = arith.constant 2 : i32
      %div3A_4001 = arith.divsi %add3A_3999, %jit3A_4000 : i32
      %sign3A_4002 = arith.constant 0 : i32
      %sign3A_4003 = arith.cmpi sgt, %add3A_3999, %sign3A_4002 : i32
      %sign3A_4004 = arith.extui %sign3A_4003 : i1 to i32
      %sign3A_4005 = arith.constant 0 : i32
      %sign3A_4006 = arith.cmpi slt, %add3A_3999, %sign3A_4005 : i32
      %sign3A_4007 = arith.extui %sign3A_4006 : i1 to i32
      %sign3A_4008 = arith.subi %sign3A_4004, %sign3A_4007 : i32
      %sign3A_4009 = arith.constant 0 : i32
      %sign3A_4010 = arith.cmpi sgt, %jit3A_4000, %sign3A_4009 : i32
      %sign3A_4011 = arith.extui %sign3A_4010 : i1 to i32
      %sign3A_4012 = arith.constant 0 : i32
      %sign3A_4013 = arith.cmpi slt, %jit3A_4000, %sign3A_4012 : i32
      %sign3A_4014 = arith.extui %sign3A_4013 : i1 to i32
      %sign3A_4015 = arith.subi %sign3A_4011, %sign3A_4014 : i32
      %ne3A_4016 = arith.cmpi ne, %sign3A_4008, %sign3A_4015 : i32
      %rem3A_4017 = arith.remsi %add3A_3999, %jit3A_4000 : i32
      %ne3A_4018 = arith.constant 0 : i32
      %ne3A_4019 = arith.cmpi ne, %rem3A_4017, %ne3A_4018 : i32
      %and3A_4020 = arith.andi %ne3A_4016, %ne3A_4019 : i1
      %sub3A_4021 = arith.constant 1 : i32
      %sub3A_4022 = arith.subi %div3A_4001, %sub3A_4021 : i32
      %select_n3A_4023 = arith.select %and3A_4020, %sub3A_4022, %div3A_4001 : i32
      %add3A_4024 = arith.addi %mul3A_2, %select_n3A_4023 : i32
      %dma_start3A_4025 = arith.constant 0 : i32
      %dma_start3A_4026 = arith.constant 0 : i32
      %dma_start3A_4027 = tpu.memref_slice %arg9[%dma_start3A_4025, %dma_start3A_4026] : memref<104x128xf32, #tpu.memory_space<vmem>> -> memref<96x128xf32, #tpu.memory_space<vmem>>
      %dma_start3A_4028 = arith.constant 104 : i32
      %dma_start3A_4029 = arith.constant 0 : i32
      %dma_start3A_4030 = tpu.memref_slice %arg4[%add3A_4024, %dma_start3A_4028, %dma_start3A_4029] : memref<1024x200x128xf32, #tpu.memory_space<hbm>> -> memref<1x96x128xf32, #tpu.memory_space<hbm>>
      %dma_start3A_4031 = tpu.memref_squeeze %dma_start3A_4030 : memref<1x96x128xf32, #tpu.memory_space<hbm>> -> memref<96x128xf32, #tpu.memory_space<hbm>>
      %dma_start3A_4032 = arith.constant 104 : i32
      %dma_start3A_4033 = arith.constant 0 : i32
      %dma_start3A_4034 = tpu.memref_slice %arg4[%add3A_4024, %dma_start3A_4032, %dma_start3A_4033] : memref<1024x200x128xf32, #tpu.memory_space<hbm>> -> memref<1x96x128xf32, #tpu.memory_space<hbm>>
      %dma_start3A_4035 = tpu.memref_squeeze %dma_start3A_4034 : memref<1x96x128xf32, #tpu.memory_space<hbm>> -> memref<96x128xf32, #tpu.memory_space<hbm>>
      %dma_start3A_4036 = arith.constant 0 : i32
      %dma_start3A_4037 = arith.constant 0 : i32
      %dma_start3A_4038 = tpu.memref_slice %arg9[%dma_start3A_4036, %dma_start3A_4037] : memref<104x128xf32, #tpu.memory_space<vmem>> -> memref<96x128xf32, #tpu.memory_space<vmem>>
      tpu.enqueue_dma source(%dma_start3A_4038 : memref<96x128xf32, #tpu.memory_space<vmem>>) target(%dma_start3A_4035 : memref<96x128xf32, #tpu.memory_space<hbm>>) target_semaphore(%arg16 : memref<!tpu.dma_semaphore, #tpu.memory_space<semaphore_mem>>)
      %add3A_4039 = arith.constant -1 : i32
      %add3A_4040 = arith.addi %add3A_3963, %add3A_4039 : i32
      %jit3A_4041 = arith.constant 2 : i32
      %div3A_4042 = arith.divsi %add3A_4040, %jit3A_4041 : i32
      %sign3A_4043 = arith.constant 0 : i32
      %sign3A_4044 = arith.cmpi sgt, %add3A_4040, %sign3A_4043 : i32
      %sign3A_4045 = arith.extui %sign3A_4044 : i1 to i32
      %sign3A_4046 = arith.constant 0 : i32
      %sign3A_4047 = arith.cmpi slt, %add3A_4040, %sign3A_4046 : i32
      %sign3A_4048 = arith.extui %sign3A_4047 : i1 to i32
      %sign3A_4049 = arith.subi %sign3A_4045, %sign3A_4048 : i32
      %sign3A_4050 = arith.constant 0 : i32
      %sign3A_4051 = arith.cmpi sgt, %jit3A_4041, %sign3A_4050 : i32
      %sign3A_4052 = arith.extui %sign3A_4051 : i1 to i32
      %sign3A_4053 = arith.constant 0 : i32
      %sign3A_4054 = arith.cmpi slt, %jit3A_4041, %sign3A_4053 : i32
      %sign3A_4055 = arith.extui %sign3A_4054 : i1 to i32
      %sign3A_4056 = arith.subi %sign3A_4052, %sign3A_4055 : i32
      %ne3A_4057 = arith.cmpi ne, %sign3A_4049, %sign3A_4056 : i32
      %rem3A_4058 = arith.remsi %add3A_4040, %jit3A_4041 : i32
      %ne3A_4059 = arith.constant 0 : i32
      %ne3A_4060 = arith.cmpi ne, %rem3A_4058, %ne3A_4059 : i32
      %and3A_4061 = arith.andi %ne3A_4057, %ne3A_4060 : i1
      %sub3A_4062 = arith.constant 1 : i32
      %sub3A_4063 = arith.subi %div3A_4042, %sub3A_4062 : i32
      %select_n3A_4064 = arith.select %and3A_4061, %sub3A_4063, %div3A_4042 : i32
      %add3A_4065 = arith.addi %mul3A_2, %select_n3A_4064 : i32
      %dma_wait3A_4066 = arith.constant 0 : i32
      %dma_wait3A_4067 = arith.constant 0 : i32
      %dma_wait3A_4068 = tpu.memref_slice %arg8[%dma_wait3A_4066, %dma_wait3A_4067] : memref<104x128xf32, #tpu.memory_space<vmem>> -> memref<104x128xf32, #tpu.memory_space<vmem>>
      %dma_wait3A_4069 = arith.constant 0 : i32
      %dma_wait3A_4070 = arith.constant 0 : i32
      %dma_wait3A_4071 = tpu.memref_slice %arg4[%add3A_4065, %dma_wait3A_4069, %dma_wait3A_4070] : memref<1024x200x128xf32, #tpu.memory_space<hbm>> -> memref<1x104x128xf32, #tpu.memory_space<hbm>>
      %dma_wait3A_4072 = tpu.memref_squeeze %dma_wait3A_4071 : memref<1x104x128xf32, #tpu.memory_space<hbm>> -> memref<104x128xf32, #tpu.memory_space<hbm>>
      %dma_wait3A_4073 = arith.constant 0 : i32
      %dma_wait3A_4074 = arith.constant 0 : i32
      %dma_wait3A_4075 = tpu.memref_slice %arg4[%add3A_4065, %dma_wait3A_4073, %dma_wait3A_4074] : memref<1024x200x128xf32, #tpu.memory_space<hbm>> -> memref<1x104x128xf32, #tpu.memory_space<hbm>>
      %dma_wait3A_4076 = tpu.memref_squeeze %dma_wait3A_4075 : memref<1x104x128xf32, #tpu.memory_space<hbm>> -> memref<104x128xf32, #tpu.memory_space<hbm>>
      %dma_wait3A_4077 = arith.constant 0 : i32
      %dma_wait3A_4078 = arith.constant 0 : i32
      %dma_wait3A_4079 = tpu.memref_slice %arg8[%dma_wait3A_4077, %dma_wait3A_4078] : memref<104x128xf32, #tpu.memory_space<vmem>> -> memref<104x128xf32, #tpu.memory_space<vmem>>
      tpu.wait_dma2 semaphore(%arg15 : memref<!tpu.dma_semaphore, #tpu.memory_space<semaphore_mem>>) src(%dma_wait3A_4079 : memref<104x128xf32, #tpu.memory_space<vmem>>) dst(%dma_wait3A_4076 : memref<104x128xf32, #tpu.memory_space<hbm>>)
      %add3A_4080 = arith.constant 2 : i32
      %add3A_4081 = arith.addi %add3A_3963, %add3A_4080 : i32
      %jit3A_4082 = arith.constant 2 : i32
      %div3A_4083 = arith.divsi %add3A_4081, %jit3A_4082 : i32
      %sign3A_4084 = arith.constant 0 : i32
      %sign3A_4085 = arith.cmpi sgt, %add3A_4081, %sign3A_4084 : i32
      %sign3A_4086 = arith.extui %sign3A_4085 : i1 to i32
      %sign3A_4087 = arith.constant 0 : i32
      %sign3A_4088 = arith.cmpi slt, %add3A_4081, %sign3A_4087 : i32
      %sign3A_4089 = arith.extui %sign3A_4088 : i1 to i32
      %sign3A_4090 = arith.subi %sign3A_4086, %sign3A_4089 : i32
      %sign3A_4091 = arith.constant 0 : i32
      %sign3A_4092 = arith.cmpi sgt, %jit3A_4082, %sign3A_4091 : i32
      %sign3A_4093 = arith.extui %sign3A_4092 : i1 to i32
      %sign3A_4094 = arith.constant 0 : i32
      %sign3A_4095 = arith.cmpi slt, %jit3A_4082, %sign3A_4094 : i32
      %sign3A_4096 = arith.extui %sign3A_4095 : i1 to i32
      %sign3A_4097 = arith.subi %sign3A_4093, %sign3A_4096 : i32
      %ne3A_4098 = arith.cmpi ne, %sign3A_4090, %sign3A_4097 : i32
      %rem3A_4099 = arith.remsi %add3A_4081, %jit3A_4082 : i32
      %ne3A_4100 = arith.constant 0 : i32
      %ne3A_4101 = arith.cmpi ne, %rem3A_4099, %ne3A_4100 : i32
      %and3A_4102 = arith.andi %ne3A_4098, %ne3A_4101 : i1
      %sub3A_4103 = arith.constant 1 : i32
      %sub3A_4104 = arith.subi %div3A_4083, %sub3A_4103 : i32
      %select_n3A_4105 = arith.select %and3A_4102, %sub3A_4104, %div3A_4083 : i32
      %dma_start3A_4106 = arith.constant 0 : i32
      %dma_start3A_4107 = arith.constant 0 : i32
      %dma_start3A_4108 = tpu.memref_slice %arg8[%dma_start3A_4106, %dma_start3A_4107] : memref<104x128xf32, #tpu.memory_space<vmem>> -> memref<96x128xf32, #tpu.memory_space<vmem>>
      %dma_start3A_4109 = arith.constant 104 : i32
      %dma_start3A_4110 = tpu.memref_slice %arg7[%dma_start3A_4109] : memref<200xi32, #tpu.memory_space<vmem>> -> memref<96xi32, #tpu.memory_space<vmem>>
      %dma_start3A_4111 = arith.constant 0 : i32
      %dma_start3A_4112 = arith.constant 0 : i32
      %dma_start3A_4113 = tpu.memref_slice %arg11[%dma_start3A_4111, %dma_start3A_4112] : memref<10000x128xf32, #tpu.memory_space<vmem_shared>> -> memref<10000x128xf32, #tpu.memory_space<vmem_shared>>
      tpu.enqueue_indirect_dma source(%dma_start3A_4113 : memref<10000x128xf32, #tpu.memory_space<vmem_shared>>) target(%dma_start3A_4108 : memref<96x128xf32, #tpu.memory_space<vmem>>) offsets(%dma_start3A_4110 : memref<96xi32, #tpu.memory_space<vmem>>) semaphore(%arg12 : memref<!tpu.dma_semaphore, #tpu.memory_space<semaphore_mem>>)
    }
    %scan3A_628 = arith.constant 5 : i32
    %dma_wait3A_629 = arith.constant 0 : i32
    %dma_wait3A_630 = arith.constant 0 : i32
    %dma_wait3A_631 = tpu.memref_slice %arg10[%dma_wait3A_629, %dma_wait3A_630] : memref<104x128xf32, #tpu.memory_space<vmem>> -> memref<104x128xf32, #tpu.memory_space<vmem>>
    %dma_wait3A_632 = arith.constant 0 : i32
    %dma_wait3A_633 = tpu.memref_slice %arg7[%dma_wait3A_632] : memref<200xi32, #tpu.memory_space<vmem>> -> memref<104xi32, #tpu.memory_space<vmem>>
    %dma_wait3A_634 = arith.constant 0 : i32
    %dma_wait3A_635 = arith.constant 0 : i32
    %dma_wait3A_636 = tpu.memref_slice %arg11[%dma_wait3A_634, %dma_wait3A_635] : memref<10000x128xf32, #tpu.memory_space<vmem_shared>> -> memref<10000x128xf32, #tpu.memory_space<vmem_shared>>
    tpu.wait_indirect_dma semaphore(%arg14 : memref<!tpu.dma_semaphore, #tpu.memory_space<semaphore_mem>>) src(%dma_wait3A_636 : memref<10000x128xf32, #tpu.memory_space<vmem_shared>>) dst(%dma_wait3A_631 : memref<104x128xf32, #tpu.memory_space<vmem>>)
    %add3A_637 = arith.constant 31 : i32
    %add3A_638 = arith.addi %mul3A_2, %add3A_637 : i32
    %dma_start3A_639 = arith.constant 0 : i32
    %dma_start3A_640 = arith.constant 0 : i32
    %dma_start3A_641 = tpu.memref_slice %arg10[%dma_start3A_639, %dma_start3A_640] : memref<104x128xf32, #tpu.memory_space<vmem>> -> memref<104x128xf32, #tpu.memory_space<vmem>>
    %dma_start3A_642 = arith.constant 0 : i32
    %dma_start3A_643 = arith.constant 0 : i32
    %dma_start3A_644 = tpu.memref_slice %arg4[%add3A_638, %dma_start3A_642, %dma_start3A_643] : memref<1024x200x128xf32, #tpu.memory_space<hbm>> -> memref<1x104x128xf32, #tpu.memory_space<hbm>>
    %dma_start3A_645 = tpu.memref_squeeze %dma_start3A_644 : memref<1x104x128xf32, #tpu.memory_space<hbm>> -> memref<104x128xf32, #tpu.memory_space<hbm>>
    %dma_start3A_646 = arith.constant 0 : i32
    %dma_start3A_647 = arith.constant 0 : i32
    %dma_start3A_648 = tpu.memref_slice %arg4[%add3A_638, %dma_start3A_646, %dma_start3A_647] : memref<1024x200x128xf32, #tpu.memory_space<hbm>> -> memref<1x104x128xf32, #tpu.memory_space<hbm>>
    %dma_start3A_649 = tpu.memref_squeeze %dma_start3A_648 : memref<1x104x128xf32, #tpu.memory_space<hbm>> -> memref<104x128xf32, #tpu.memory_space<hbm>>
    %dma_start3A_650 = arith.constant 0 : i32
    %dma_start3A_651 = arith.constant 0 : i32
    %dma_start3A_652 = tpu.memref_slice %arg10[%dma_start3A_650, %dma_start3A_651] : memref<104x128xf32, #tpu.memory_space<vmem>> -> memref<104x128xf32, #tpu.memory_space<vmem>>
    tpu.enqueue_dma source(%dma_start3A_652 : memref<104x128xf32, #tpu.memory_space<vmem>>) target(%dma_start3A_649 : memref<104x128xf32, #tpu.memory_space<hbm>>) target_semaphore(%arg17 : memref<!tpu.dma_semaphore, #tpu.memory_space<semaphore_mem>>)
    %add3A_653 = arith.constant 30 : i32
    %add3A_654 = arith.addi %mul3A_2, %add3A_653 : i32
    %dma_wait3A_655 = arith.constant 0 : i32
    %dma_wait3A_656 = arith.constant 0 : i32
    %dma_wait3A_657 = tpu.memref_slice %arg9[%dma_wait3A_655, %dma_wait3A_656] : memref<104x128xf32, #tpu.memory_space<vmem>> -> memref<96x128xf32, #tpu.memory_space<vmem>>
    %dma_wait3A_658 = arith.constant 104 : i32
    %dma_wait3A_659 = arith.constant 0 : i32
    %dma_wait3A_660 = tpu.memref_slice %arg4[%add3A_654, %dma_wait3A_658, %dma_wait3A_659] : memref<1024x200x128xf32, #tpu.memory_space<hbm>> -> memref<1x96x128xf32, #tpu.memory_space<hbm>>
    %dma_wait3A_661 = tpu.memref_squeeze %dma_wait3A_660 : memref<1x96x128xf32, #tpu.memory_space<hbm>> -> memref<96x128xf32, #tpu.memory_space<hbm>>
    %dma_wait3A_662 = arith.constant 104 : i32
    %dma_wait3A_663 = arith.constant 0 : i32
    %dma_wait3A_664 = tpu.memref_slice %arg4[%add3A_654, %dma_wait3A_662, %dma_wait3A_663] : memref<1024x200x128xf32, #tpu.memory_space<hbm>> -> memref<1x96x128xf32, #tpu.memory_space<hbm>>
    %dma_wait3A_665 = tpu.memref_squeeze %dma_wait3A_664 : memref<1x96x128xf32, #tpu.memory_space<hbm>> -> memref<96x128xf32, #tpu.memory_space<hbm>>
    %dma_wait3A_666 = arith.constant 0 : i32
    %dma_wait3A_667 = arith.constant 0 : i32
    %dma_wait3A_668 = tpu.memref_slice %arg9[%dma_wait3A_666, %dma_wait3A_667] : memref<104x128xf32, #tpu.memory_space<vmem>> -> memref<96x128xf32, #tpu.memory_space<vmem>>
    tpu.wait_dma2 semaphore(%arg16 : memref<!tpu.dma_semaphore, #tpu.memory_space<semaphore_mem>>) src(%dma_wait3A_668 : memref<96x128xf32, #tpu.memory_space<vmem>>) dst(%dma_wait3A_665 : memref<96x128xf32, #tpu.memory_space<hbm>>)
    %dma_wait3A_669 = arith.constant 0 : i32
    %dma_wait3A_670 = arith.constant 0 : i32
    %dma_wait3A_671 = tpu.memref_slice %arg8[%dma_wait3A_669, %dma_wait3A_670] : memref<104x128xf32, #tpu.memory_space<vmem>> -> memref<96x128xf32, #tpu.memory_space<vmem>>
    %dma_wait3A_672 = arith.constant 104 : i32
    %dma_wait3A_673 = tpu.memref_slice %arg7[%dma_wait3A_672] : memref<200xi32, #tpu.memory_space<vmem>> -> memref<96xi32, #tpu.memory_space<vmem>>
    %dma_wait3A_674 = arith.constant 0 : i32
    %dma_wait3A_675 = arith.constant 0 : i32
    %dma_wait3A_676 = tpu.memref_slice %arg11[%dma_wait3A_674, %dma_wait3A_675] : memref<10000x128xf32, #tpu.memory_space<vmem_shared>> -> memref<10000x128xf32, #tpu.memory_space<vmem_shared>>
    tpu.wait_indirect_dma semaphore(%arg12 : memref<!tpu.dma_semaphore, #tpu.memory_space<semaphore_mem>>) src(%dma_wait3A_676 : memref<10000x128xf32, #tpu.memory_space<vmem_shared>>) dst(%dma_wait3A_671 : memref<96x128xf32, #tpu.memory_space<vmem>>)
    %add3A_677 = arith.constant 31 : i32
    %add3A_678 = arith.addi %mul3A_2, %add3A_677 : i32
    %dma_start3A_679 = arith.constant 0 : i32
    %dma_start3A_680 = arith.constant 0 : i32
    %dma_start3A_681 = tpu.memref_slice %arg8[%dma_start3A_679, %dma_start3A_680] : memref<104x128xf32, #tpu.memory_space<vmem>> -> memref<96x128xf32, #tpu.memory_space<vmem>>
    %dma_start3A_682 = arith.constant 104 : i32
    %dma_start3A_683 = arith.constant 0 : i32
    %dma_start3A_684 = tpu.memref_slice %arg4[%add3A_678, %dma_start3A_682, %dma_start3A_683] : memref<1024x200x128xf32, #tpu.memory_space<hbm>> -> memref<1x96x128xf32, #tpu.memory_space<hbm>>
    %dma_start3A_685 = tpu.memref_squeeze %dma_start3A_684 : memref<1x96x128xf32, #tpu.memory_space<hbm>> -> memref<96x128xf32, #tpu.memory_space<hbm>>
    %dma_start3A_686 = arith.constant 104 : i32
    %dma_start3A_687 = arith.constant 0 : i32
    %dma_start3A_688 = tpu.memref_slice %arg4[%add3A_678, %dma_start3A_686, %dma_start3A_687] : memref<1024x200x128xf32, #tpu.memory_space<hbm>> -> memref<1x96x128xf32, #tpu.memory_space<hbm>>
    %dma_start3A_689 = tpu.memref_squeeze %dma_start3A_688 : memref<1x96x128xf32, #tpu.memory_space<hbm>> -> memref<96x128xf32, #tpu.memory_space<hbm>>
    %dma_start3A_690 = arith.constant 0 : i32
    %dma_start3A_691 = arith.constant 0 : i32
    %dma_start3A_692 = tpu.memref_slice %arg8[%dma_start3A_690, %dma_start3A_691] : memref<104x128xf32, #tpu.memory_space<vmem>> -> memref<96x128xf32, #tpu.memory_space<vmem>>
    tpu.enqueue_dma source(%dma_start3A_692 : memref<96x128xf32, #tpu.memory_space<vmem>>) target(%dma_start3A_689 : memref<96x128xf32, #tpu.memory_space<hbm>>) target_semaphore(%arg15 : memref<!tpu.dma_semaphore, #tpu.memory_space<semaphore_mem>>)
    %add3A_693 = arith.constant 31 : i32
    %add3A_694 = arith.addi %mul3A_2, %add3A_693 : i32
    %dma_wait3A_695 = arith.constant 0 : i32
    %dma_wait3A_696 = arith.constant 0 : i32
    %dma_wait3A_697 = tpu.memref_slice %arg10[%dma_wait3A_695, %dma_wait3A_696] : memref<104x128xf32, #tpu.memory_space<vmem>> -> memref<104x128xf32, #tpu.memory_space<vmem>>
    %dma_wait3A_698 = arith.constant 0 : i32
    %dma_wait3A_699 = arith.constant 0 : i32
    %dma_wait3A_700 = tpu.memref_slice %arg4[%add3A_694, %dma_wait3A_698, %dma_wait3A_699] : memref<1024x200x128xf32, #tpu.memory_space<hbm>> -> memref<1x104x128xf32, #tpu.memory_space<hbm>>
    %dma_wait3A_701 = tpu.memref_squeeze %dma_wait3A_700 : memref<1x104x128xf32, #tpu.memory_space<hbm>> -> memref<104x128xf32, #tpu.memory_space<hbm>>
    %dma_wait3A_702 = arith.constant 0 : i32
    %dma_wait3A_703 = arith.constant 0 : i32
    %dma_wait3A_704 = tpu.memref_slice %arg4[%add3A_694, %dma_wait3A_702, %dma_wait3A_703] : memref<1024x200x128xf32, #tpu.memory_space<hbm>> -> memref<1x104x128xf32, #tpu.memory_space<hbm>>
    %dma_wait3A_705 = tpu.memref_squeeze %dma_wait3A_704 : memref<1x104x128xf32, #tpu.memory_space<hbm>> -> memref<104x128xf32, #tpu.memory_space<hbm>>
    %dma_wait3A_706 = arith.constant 0 : i32
    %dma_wait3A_707 = arith.constant 0 : i32
    %dma_wait3A_708 = tpu.memref_slice %arg10[%dma_wait3A_706, %dma_wait3A_707] : memref<104x128xf32, #tpu.memory_space<vmem>> -> memref<104x128xf32, #tpu.memory_space<vmem>>
    tpu.wait_dma2 semaphore(%arg17 : memref<!tpu.dma_semaphore, #tpu.memory_space<semaphore_mem>>) src(%dma_wait3A_708 : memref<104x128xf32, #tpu.memory_space<vmem>>) dst(%dma_wait3A_705 : memref<104x128xf32, #tpu.memory_space<hbm>>)
    %add3A_709 = arith.constant 31 : i32
    %add3A_710 = arith.addi %mul3A_2, %add3A_709 : i32
    %dma_wait3A_711 = arith.constant 0 : i32
    %dma_wait3A_712 = arith.constant 0 : i32
    %dma_wait3A_713 = tpu.memref_slice %arg8[%dma_wait3A_711, %dma_wait3A_712] : memref<104x128xf32, #tpu.memory_space<vmem>> -> memref<96x128xf32, #tpu.memory_space<vmem>>
    %dma_wait3A_714 = arith.constant 104 : i32
    %dma_wait3A_715 = arith.constant 0 : i32
    %dma_wait3A_716 = tpu.memref_slice %arg4[%add3A_710, %dma_wait3A_714, %dma_wait3A_715] : memref<1024x200x128xf32, #tpu.memory_space<hbm>> -> memref<1x96x128xf32, #tpu.memory_space<hbm>>
    %dma_wait3A_717 = tpu.memref_squeeze %dma_wait3A_716 : memref<1x96x128xf32, #tpu.memory_space<hbm>> -> memref<96x128xf32, #tpu.memory_space<hbm>>
    %dma_wait3A_718 = arith.constant 104 : i32
    %dma_wait3A_719 = arith.constant 0 : i32
    %dma_wait3A_720 = tpu.memref_slice %arg4[%add3A_710, %dma_wait3A_718, %dma_wait3A_719] : memref<1024x200x128xf32, #tpu.memory_space<hbm>> -> memref<1x96x128xf32, #tpu.memory_space<hbm>>
    %dma_wait3A_721 = tpu.memref_squeeze %dma_wait3A_720 : memref<1x96x128xf32, #tpu.memory_space<hbm>> -> memref<96x128xf32, #tpu.memory_space<hbm>>
    %dma_wait3A_722 = arith.constant 0 : i32
    %dma_wait3A_723 = arith.constant 0 : i32
    %dma_wait3A_724 = tpu.memref_slice %arg8[%dma_wait3A_722, %dma_wait3A_723] : memref<104x128xf32, #tpu.memory_space<vmem>> -> memref<96x128xf32, #tpu.memory_space<vmem>>
    tpu.wait_dma2 semaphore(%arg15 : memref<!tpu.dma_semaphore, #tpu.memory_space<semaphore_mem>>) src(%dma_wait3A_724 : memref<96x128xf32, #tpu.memory_space<vmem>>) dst(%dma_wait3A_721 : memref<96x128xf32, #tpu.memory_space<hbm>>)
    return
  }
}

</mosaic_0001>

<sc_bundles>
// kernel: kernel.3.cloned.1.call-start
scs
__scs_entry_jumppad:
0x0: {  	(pc) =	sbr.rel $0x88, $3  }
0x1: {  	(tag) =	ssettag $0x0;
	lr =	simm.s32 $0x1  }
0x2: {  	[smem:$0x3F9F] =	sst lr;
	_ =	strace $0xD0000000  }
0x3: {  	_ = 	snop  }
0x4: {  	_ = 	snop  }
0x5: {  	_ = 	snop  }
0x6: {  	_ = 	snop  }
0x7: {  	_ = 	snop  }
__scs_overlays_trampoline_lowered:
0x8: {  	[smem:$0x3FAE] =	sst s0  }
0x9: {  	[smem:$0x3FAF] =	sst s1  }
0xa: {  	[smem:$0x3FB0] =	sst s2  }
0xb: {  	[smem:$0x3FB1] =	sst s3  }
0xc: {  	[smem:$0x3FB2] =	sst s4  }
0xd: {  	[smem:$0x3FB3] =	sst s5  }
0xe: {  	[smem:$0x3FB4] =	sst s6  }
0xf: {  	[smem:$0x3FB5] =	sst s7  }
0x10: {  	[smem:$0x3FB6] =	sst s8  }
0x11: {  	[smem:$0x3FB7] =	sst s9;
	s0 =	simm.s32 @!p0 $0x0  }
0x12: {  	s1 =	sld [smem:$0x3F9D];
	s0 =	simm.s32 @p0 $0x1  }
0x13: {  	[smem:$0x3FB8] =	sst s0;
	s0 =	simm.s32 @!p1 $0x0  }
0x14: {  	s2 =	sld [smem:$0x3F9C];
	s0 =	simm.s32 @p1 $0x1  }
0x15: {  	[smem:$0x3FB9] =	sst s0;
	s0 =	simm.s32 @!p2 $0x0  }
0x16: {  	s3 =	sld [smem:$0x3FDB];
	s0 =	simm.s32 @p2 $0x1  }
0x17: {  	s4 =	simm.s32 $0x1BF5;
	[smem:$0x3FBB] =	sst s0  }
0x18: {  	s0 =	sld [smem:$0x3F9E];
	_ =	swait.ge [sflag:s4], $0x0  }
0x19: {  	s7 =	sld [smem:$0x3F9F]  }
0x1a: {  	s8 =	sadd.s32 $0xFFFFE003, lr  }
0x1b: {  	s9 =	sadd.s32 $0xFFFFFEF7, lr;
	s5 =	simm.s32 $0xFFFFFFFF;
	p2 =	slt.u32 s8, $0xFFFFF086  }
0x1c: {  	p1 =	slt.u32 s9, $0xF7A;
	s5 =	simm.s32 @!p2 $0x0  }
0x1d: {  	s5 =	simm.s32 @p1 $0x1;
	p0 =	seq.s32 s7, s2  }
0x1e: {  	s7 =	smul.u32 @!p0 $0xF7A, s2;
	p2 =	seq.s32 @!p0 s5, $0x0  }
0x1f: {  	s9 =	smul.u32 $0xF7A, s1;
	s8 =	simm.s32 @!p0 $0x1BF5;
	p2 =	por !p2, p0  }
0x20: {  	[sflag:s8] =	ssyncset.s32 @!p0 $0xFFFFF086;
	s6 =	sadd.s32 @!p0 s3, s7;
	s7 =	simm.s32 @!p0 $0x108  }
0x21: {  	s3 =	sadd.s32 s3, s9;
	s6 =	sadd.s32 @!p0 $0x88, s6;
	s7 =	simm.s32 @p2 $0x1082  }
0x22: {  	[simem:s7], [sflag:s8] =	dma.local @!p0 [hbm:s6], $0xF7A  }
0x23: {  	s9 =	sor.u32 $0xD0000000, s2;
	s6 =	simm.s32 $0x108;
	_ =	swait.ge @!p0 [sflag:s8], $0x0  }
0x24: {  	s3 =	sadd.s32 $0x88, s3;
	s6 =	simm.s32 @!p1 $0x1082;
	[sflag:s4] =	ssyncset.s32 $0xFFFFF086  }
0x25: {  	[simem:s6], [sflag:s4] =	dma.local [hbm:s3], $0xF7A  }
0x26: {  	[smem:$0x3F9F] =	sst s1;
	(tag) =	ssettag s2;
	_ =	strace s9  }
0x27: {  	s1 =	sld [smem:$0x3FAF]  }
0x28: {  	s2 =	sld [smem:$0x3FB0]  }
0x29: {  	s4 =	sld [smem:$0x3FB2]  }
0x2a: {  	p0 =	seq.s32 s5, $0x0;
	s5 =	sld [smem:$0x3FB3]  }
0x2b: {  	s6 =	sld [smem:$0x3FB4]  }
0x2c: {  	s7 =	sld [smem:$0x3FB5]  }
0x2d: {  	s3 =	simm.s32 $0x108;
	s8 =	sld [smem:$0x3FB6]  }
0x2e: {  	s3 =	simm.s32 @!p0 $0x1082;
	s9 =	sld [smem:$0x3FB7]  }
0x2f: {  	lr =	sadd.s32 s0, s3;
	s0 =	sld [smem:$0x3FAE]  }
0x30: {  	s3 =	sld [smem:$0x3FB1]  }
0x31: {  	[smem:$0x3FBA] =	sst s10  }
0x32: {  	s10 =	sld [smem:$0x3FB8];
	_ =	sdelay $0x3  }
0x33: {  	p0 =	seq.s32 s10, $0x1;
	s10 =	sld [smem:$0x3FBA];
	_ =	sdelay $0x3  }
0x34: {  	[smem:$0x3FBA] =	sst s10  }
0x35: {  	s10 =	sld [smem:$0x3FB9];
	_ =	sdelay $0x3  }
0x36: {  	p1 =	seq.s32 s10, $0x1;
	s10 =	sld [smem:$0x3FBA];
	_ =	sdelay $0x3  }
0x37: {  	[smem:$0x3FBA] =	sst s10  }
0x38: {  	s10 =	sld [smem:$0x3FBB]  }
0x39: {  	_ = 	snop;
	(pc) =	sbr.ind lr, $3  }
0x3a: {  	_ = 	snop  }
0x3b: {  	_ = 	snop  }
0x3c: {  	p2 =	seq.s32 s10, $0x1;
	s10 =	sld [smem:$0x3FBA]  }
0x3d: {  	_ =	shalt  }
0x3e: {  	_ =	shalt  }
0x3f: {  	_ =	shalt  }
0x40: {  	_ =	shalt  }
0x41: {  	_ =	shalt  }
0x42: {  	_ =	shalt  }
0x43: {  	_ =	shalt  }
0x44: {  	_ =	shalt  }
0x45: {  	_ =	shalt  }
0x46: {  	_ =	shalt  }
0x47: {  	_ =	shalt  }
0x48: {  	_ =	shalt  }
0x49: {  	_ =	shalt  }
0x4a: {  	_ =	shalt  }
0x4b: {  	_ =	shalt  }
0x4c: {  	_ =	shalt  }
0x4d: {  	_ =	shalt  }
0x4e: {  	_ =	shalt  }
0x4f: {  	_ =	shalt  }
0x50: {  	_ =	shalt  }
0x51: {  	_ =	shalt  }
0x52: {  	_ =	shalt  }
0x53: {  	_ =	shalt  }
0x54: {  	_ =	shalt  }
0x55: {  	_ =	shalt  }
0x56: {  	_ =	shalt  }
0x57: {  	_ =	shalt  }
0x58: {  	_ =	shalt  }
0x59: {  	_ =	shalt  }
0x5a: {  	_ =	shalt  }
0x5b: {  	_ =	shalt  }
0x5c: {  	_ =	shalt  }
0x5d: {  	_ =	shalt  }
0x5e: {  	_ =	shalt  }
0x5f: {  	_ =	shalt  }
0x60: {  	_ =	shalt  }
0x61: {  	_ =	shalt  }
0x62: {  	_ =	shalt  }
0x63: {  	_ =	shalt  }
0x64: {  	_ =	shalt  }
0x65: {  	_ =	shalt  }
0x66: {  	_ =	shalt  }
0x67: {  	_ =	shalt  }
0x68: {  	_ =	shalt  }
0x69: {  	_ =	shalt  }
0x6a: {  	_ =	shalt  }
0x6b: {  	_ =	shalt  }
0x6c: {  	_ =	shalt  }
0x6d: {  	_ =	shalt  }
0x6e: {  	_ =	shalt  }
0x6f: {  	_ =	shalt  }
0x70: {  	_ =	shalt  }
0x71: {  	_ =	shalt  }
0x72: {  	_ =	shalt  }
0x73: {  	_ =	shalt  }
0x74: {  	_ =	shalt  }
0x75: {  	_ =	shalt  }
0x76: {  	_ =	shalt  }
0x77: {  	_ =	shalt  }
0x78: {  	_ =	shalt  }
0x79: {  	_ =	shalt  }
0x7a: {  	_ =	shalt  }
0x7b: {  	_ =	shalt  }
0x7c: {  	_ =	shalt  }
0x7d: {  	_ =	shalt  }
0x7e: {  	_ =	shalt  }
0x7f: {  	_ =	shalt  }
0x80: {  	_ =	shalt  }
0x81: {  	_ =	shalt  }
0x82: {  	_ =	shalt  }
0x83: {  	_ =	shalt  }
0x84: {  	_ =	shalt  }
0x85: {  	_ =	shalt  }
0x86: {  	_ =	shalt  }
0x87: {  	_ =	shalt  }
.Lfunc_end0:
.L_simem_size_0:
called_computation_lowered:
.L_overlay_start_0:
0x88: {  	s2 =	sld [smem:$0x3FD9]  }
0x89: {  	s3 =	sld [smem:$0x3FFE];
	_ =	sdelay $0x1  }
0x8a: {  	s1 =	srdreg.scid  }
0x8b: {  	s0 =	sand.u32 $0x1, s1  }
0x8c: {  	s17 =	sshll.u32 s0, $0xA;
	s2 =	sadd.s32 s3, s2  }
0x8d: {  	s2 =	sadd.s32 s2, s17  }
0x8e: {  	[smem:$0x3FC6] =	sst s2  }
0x8f: {  	_ = 	snop  }
0x90: {  	s2 =	sld [smem:$0x3FC8]  }
0x91: {  	s18 =	sld [smem:$0x3FD0];
	(tm) =	ssettm $0x1  }
0x92: {  	s4 =	sld [smem:$0x3FFB];
	_ =	sdelay $0x3  }
0x93: {  	_ =	strace s4  }
0x94: {  	s4 =	sld [smem:$0x3FFC];
	_ =	sdelay $0x3  }
0x95: {  	_ =	strace s4  }
0x96: {  	s4 =	sld [smem:$0x3FFD];
	_ =	sdelay $0x3  }
0x97: {  	_ =	strace s4  }
0x98: {  	_ =	strace $0x8FFFFFFF  }
0x99: {  	s19 =	sld [smem:$0x3FDB];
	_ =	sdelay $0x1  }
0x9a: {  	s5 =	simm.s32 $_scs_section_size  }
0x9b: {  	s6 =	simm.s32 $_size__tile_overlayer_lowered;
	s7 =	simm.s32 $_tile_overlayer_lowered  }
0x9c: {  	s22 =	simm.s32 $0x1BFF;
	s21 =	sshll.u32 s7, $0x1;
	s4 =	sadd.s32 s5, s19  }
0x9d: {  	s8 =	simm.s32 $0x0;
	s20 =	sshll.u32 s6, $0x1;
	s6 =	sadd.s32 s21, s4  }
0x9e: {  	[timem:s8], [sflag:s22] =	dma.local [hbm:s6], s20  }
0x9f: {  	_ =	swait.ge [sflag:s22], s20  }
0xa0: {  	s5 =	ssub.s32 $0x0, s20;
	[sflag:s22] =	ssyncset.done $0x0  }
0xa1: {  	[sflag:s22] =	ssyncadd.s32 s5;
	_ =	sdelay $0x1  }
0xa2: {  	s23 =	simm.s32 $0x1B8B  }
0xa3: {  	_ =	swait.ge [sflag:s23], $0x1  }
0xa4: {  	[sflag:s23] =	ssyncset.done $0x0  }
0xa5: {  	s25 =	simm.s32 $0x1B8E;
	s24 =	sld [smem:$0x3FFE];
	[sflag:s23] =	ssyncadd.s32 $0xFFFFFFFF  }
0xa6: {  	s26 =	simm.s32 $execute0_lowered;
	[smem:$0x3FD2] =	sst s25  }
0xa7: {  	s6 =	sshll.u32 s26, $0x1;
	_ =	strace $0x80000046;
	[dreg:$0x1] =	wrdreg $0xFFFFFFFF  }
0xa8: {  	s28 =	simm.s32 $_size_execute0_lowered;
	s4 =	sadd.s32 s4, s6;
	[dreg:$0x0] =	wrdreg $0x0  }
0xa9: {  	s6 =	sshll.u32 s28, $0x1;
	[dreg:$0x2] =	wrdreg s4  }
0xaa: {  	[dreg:$0x3] =	wrdreg s6  }
0xab: {  	[dreg:$0x4] =	wrdreg $0xC0  }
0xac: {  	_ =	task [dreg:s8], $0x5FFFF  }
0xad: {  	[dreg:$0x1] =	wrdreg $0xFFFFFFFF  }
0xae: {  	[dreg:$0x0] =	wrdreg $0x60  }
0xaf: {  	[dreg:$0x2] =	wrdreg s24  }
0xb0: {  	[dreg:$0x3] =	wrdreg s2  }
0xb1: {  	[dreg:$0x4] =	wrdreg s18  }
0xb2: {  	[dreg:$0x5] =	wrdreg $0xBE000  }
0xb3: {  	[dreg:$0x6] =	wrdreg $0x9  }
0xb4: {  	_ =	task.clear_ibuf [dreg:s8], $0x7FFFF;
	_ =	strace $0x90000046  }
0xb5: {  	s29 =	simm.s32 $0x9;
	_ =	strace $0x80000048  }
0xb6: {  	_ =	swait.ge [sflag:s29], $0x1  }
0xb7: {  	[sflag:s29] =	ssyncadd.s32 $0xFFFFFFFF  }
0xb8: {  	_ =	strace $0x90000048  }
0xb9: {  	_ =	sfence  }
0xba: {  	s30 =	sld [smem:$0x0];
	_ =	sdelay $0x2  }
0xbb: {  	s31 =	sshll.u32 s1, $0xD;
	s1 =	sshrl.u32 s1, $0x2  }
0xbc: {  	s3 =	sand.u32 $0x4000, s31;
	s1 =	sadd.s32 s1, s30  }
0xbd: {  	s0 =	sor.u32 s3, s0;
	s1 =	sshll.u32 s1, $0x11  }
0xbe: {  	s0 =	sor.u32 s1, s0  }
0xbf: {  	s0 =	sadd.s32 $0x8F2B, s0  }
0xc0: {  	[sflag:s0] =	ssyncadd.remote.s32 $0x1  }
0xc1: {  	_ =	sfence.sel $0xFFFF  }
0xc2: {  	[dreg:$0x0] =	wrdreg $0xFFFFFFFF;
	(pc) =	sbr.abs _section_cstart, $3  }
0xc3: {  	[dreg:$0x1] =	wrdreg $0xFFFFFFFF  }
0xc4: {  	_ =	task.clear_ibuf [dreg:s8], $0x2FFFF;
	_ =	strace $0x9FFFFFFF  }
0xc5: {  	(tm) =	ssettm $0x7FFFFFFF  }
tec
execute0_lowered:
.L_overlay_start_1:
0x0: {  	(tag) =	ssettag $0x1  }
0x1: {  	s4 =	rddreg [dreg:$0x0]  }
0x2: {  	s5 =	rddreg [dreg:$0x1]  }
0x3: {  	s0 =	rddreg [dreg:$0x2]  }
0x4: {  	s1 =	rddreg [dreg:$0x3]  }
0x5: {  	s2 =	srdreg.scid;
	s3 =	stileid.u32  }
0x6: {  	s28 =	simm.s32 $0x2168;
	s29 =	simm.s32 $0x3;
	s10 =	smul.u32 $0x4E000, s3  }
0x7: {  	s30 =	simm.s32 $0x5;
	s31 =	simm.s32 $0x6;
	s11 =	smul.u32 $0x2700, s3  }
0x8: {  	s6 =	sand.u32 $0x1, s2;
	s2 =	simm.s32 $0x0;
	s23 =	smul.u32 $0x190000, s3  }
0x9: {  	s7 =	sshll.u32 s3, $0x6;
	s13 =	sadd.s32 $0x138000, s1;
	s14 =	smul.u32 $0x32000, s3  }
0xa: {  	p0 =	sne.s32 s3, $0x0;
	s8 =	sshll.u32 s6, $0x5;
	s24 =	smul.u32 $0xC8000, s6  }
0xb: {  	[smem:$0x7FF] =	sst s2;
	s22 =	ssub.s32 $0x2, s6;
	s6 =	smul.u32 $0x19000, s6  }
0xc: {  	s13 =	sshrl.u32 @!p0 s13, $0x3;
	s8 =	sor.u32 s8, s7;
	_ =	strace $0x80000047  }
0xd: {  	s12 =	sshrl.u32 s22, $0x1;
	s10 =	sshrl.u32 s10, $0x2;
	s11 =	sadd.s32 s5, s11  }
0xe: {  	s7 =	sor.u32 $0x1C07, s7;
	s5 =	sadd.s32 $0x27000, s5;
	[dreg:$0xc] =	wrdreg s11  }
0xf: {  	s15 =	sadd.s32 s14, s0;
	s14 =	simm.s32 $0x8;
	[dreg:$0xd] =	wrdreg s7  }
0x10: {  	s9 =	sshll.u32 s8, $0x5;
	s8 =	smul.u32 $0x6400, s8;
	[dreg:$0xe] =	wrdreg s5  }
0x11: {  	s26 =	sadd.s32 s24, s23;
	s4 =	sadd.s32 s9, s4;
	s9 =	ssub.s32 s22, s12  }
0x12: {  	s12 =	sadd.s32 s10, s1;
	s11 =	sadd.s32 $0x9800, s26;
	s16 =	sadd.s32 $0x28C00, s26  }
0x13: {  	s18 =	sadd.s32 $0x22800, s26;
	s22 =	sadd.s32 $0x1C400, s26;
	s23 =	sadd.s32 $0x16000, s26  }
0x14: {  	s25 =	sshrl.u32 s8, $0x3;
	s4 =	sadd.s32 $0x400, s4;
	s17 =	sshrl.u32 s16, $0x3  }
0x15: {  	s20 =	sshrl.u32 s18, $0x3;
	s12 =	sshrl.u32 s12, $0x3;
	s16 =	simm.s32 $0x68  }
0x16: {  	v0 =	vimm.s32 $0xFEDCBA98;
	v1 =	vimm.s32 $0x76543210;
	s18 =	simm.s32 $0x2200;
	[dreg:$0xf] =	wrdreg s4;
	s7 =	sadd.s32 s0, s25  }
0x17: {  	v2 =	vimm.s32 $0x3210FEDC;
	v3 =	vimm.s32 $0xBA987654;
	s19 =	sadd.s32 s17, s0;
	s21 =	sadd.s32 s20, s0;
	s4 =	sadd.s32 $0xFC00, s26  }
0x18: {  	v4 =	vimm.s32 $0x10FEDCBA;
	v5 =	vimm.s32 $0x98765432;
	s25 =	sshrl.u32 s23, $0x3;
	s17 =	simm.s32 $0x2000;
	s20 =	simm.s32 $0x2068  }
0x19: {  	v6 =	vimm.s32 $0xFEDCBA9;
	v7 =	vimm.s32 $0x87654321;
	s23 =	simm.s32 $0x2100;
	s5 =	sadd.s32 $0x680, s7;
	[dreg:$0x7] =	wrdreg s19  }
0x1a: {  	v0 =	vunpack.c.l.s4.s8 v0;
	v1 =	vunpack.c.l.s4.s8 v1;
	v2 =	vunpack.c.l.s4.s8 v2;
	s10 =	sadd.s32 $0x18380, s7;
	[dreg:$0x8] =	wrdreg s21;
	s26 =	sadd.s32 s25, s0  }
0x1b: {  	v3 =	vunpack.c.l.s4.s8 v3;
	v4 =	vunpack.c.l.s4.s8 v4;
	v5 =	vunpack.c.l.s4.s8 v5;
	s4 =	sshrl.u32 s4, $0x3;
	s19 =	simm.s32 $0x60;
	[dreg:$0x10] =	wrdreg s5  }
0x1c: {  	v6 =	vunpack.c.l.s4.s8 v6;
	v7 =	vunpack.c.l.s4.s8 v7;
	v0 =	vunpack.c.0.s8.s32 v0;
	s21 =	simm.s32 $0x5600;
	s25 =	simm.s32 $0x2;
	[dreg:$0x11] =	wrdreg s10  }
0x1d: {  	v2 =	vunpack.c.0.s8.s32 v2;
	v3 =	vunpack.c.0.s8.s32 v3;
	v4 =	vunpack.c.0.s8.s32 v4;
	s10 =	sadd.s32 $0x18A00, s7;
	s5 =	sshrl.u32 s11, $0x3;
	s11 =	smax.u32 s9, $0x1  }
0x1e: {  	v5 =	vunpack.c.0.s8.s32 v5;
	v6 =	vunpack.c.0.s8.s32 v6;
	v7 =	vunpack.c.0.s8.s32 v7;
	[dreg:$0xa] =	wrdreg s26;
	s26 =	simm.s32 $0x4;
	s5 =	sadd.s32 s5, s0  }
0x1f: {  	v1 =	vunpack.c.0.s8.s32 v1;
	v2 =	vcombine.low v3, v2;
	[dreg:$0x5] =	wrdreg s5;
	s5 =	sadd.s32 s6, s15;
	s6 =	sshrl.u32 s22, $0x3  }
0x20: {  	v3 =	vcombine.low v5, v4;
	v4 =	vcombine.low v7, v6;
	v0 =	vand.u32 $0xF, v0;
	s15 =	simm.s32 $0x7;
	[dreg:$0x6] =	wrdreg s5;
	s24 =	sadd.s32 s6, s0  }
0x21: {  	vm0 =	vmmov $0xff;
	v0 =	vcombine.low v0, v1;
	s22 =	simm.s32 $0x1;
	s0 =	sadd.s32 s4, s0;
	[dreg:$0x9] =	wrdreg s24  }
0x22: {  	v1 =	vand.u32 $0xF, v2;
	v2 =	vand.u32 $0xF, v3;
	v3 =	vand.u32 $0xF, v4;
	[dreg:$0xb] =	wrdreg s0;
	s24 =	simm.s32 $0x8A00;
	s0 =	simm.s32 $0x0  }
.LBB2_1:
0x23: {  	s3 =	rddreg [dreg:$0xc]  }
0x24: {  	s4 =	rddreg [dreg:$0xd]  }
0x25: {  	[spmem:s12], [sflag:s4] =	dma.local [hbm:s3], $0x2700  }
0x26: {  	s3 =	simm.s32 @!p0 $0x1C08;
	s4 =	rddreg [dreg:$0xe]  }
0x27: {  	[spmem:s13], [sflag:s3] =	dma.local @!p0 [hbm:s4], $0x100  }
0x28: {  	s3 =	simm.s32 @!p0 $0x8  }
0x29: {  	_ =	swait.ge @!p0 [sflag:s3], $0x100  }
0x2a: {  	[sflag:s3] =	ssyncset.done @!p0 $0x0  }
0x2b: {  	s8 =	rddreg [dreg:$0xf];
	[sflag:s3] =	ssyncadd.s32 @!p0 $0xFFFFFF00  }
0x2c: {  	[tilespmem:s2], [sflag:$0x8] =	stream.linear.gather [hbm4b:s8+s2], $0x2000, $0x38;
	[tilespmem:$0x1F680] =	vst v63  }
0x2d: {  	_ =	swait.ge [sflag:s14], $0x2000  }
0x2e: {  	[sflag:s14] =	ssyncset.done $0x0  }
0x2f: {  	[sflag:s14] =	ssyncadd.s32 $0xFFFFE000  }
0x30: {  	v4 =	vld [tilespmem:$0x0]  }
0x31: {  	v5 =	vld [tilespmem:$0x10];
	_ =	sdelay $0x1  }
0x32: {  	v6 =	vld [tilespmem:$0x20];
	_ =	sdelay $0x1  }
0x33: {  	v7 =	vld [tilespmem:$0x30]  }
0x34: {  	vm1 =	vlt.s32 v4, v5  }
0x35: {  	v8 =	vld [tilespmem:$0x40];
	v5 =	vsel vm1, v4, v5  }
0x36: {  	vm1 =	vlt.s32 v5, v6  }
0x37: {  	v30 =	vld [tilespmem:$0x50];
	v5 =	vsel vm1, v5, v6  }
0x38: {  	vm1 =	vlt.s32 v5, v7  }
0x39: {  	v31 =	vld [tilespmem:$0x60];
	v5 =	vsel vm1, v5, v7  }
0x3a: {  	vm1 =	vlt.s32 v5, v8  }
0x3b: {  	v32 =	vld [tilespmem:$0x70];
	v5 =	vsel vm1, v5, v8  }
0x3c: {  	vm1 =	vlt.s32 v5, v30  }
0x3d: {  	v33 =	vld [tilespmem:$0x400];
	v5 =	vsel vm1, v5, v30  }
0x3e: {  	vm1 =	vlt.s32 v5, v31  }
0x3f: {  	v34 =	vld [tilespmem:$0x410];
	v5 =	vsel vm1, v5, v31  }
0x40: {  	v9 =	vld [tilespmem:$0x420];
	vm1 =	vlt.s32 v5, v32  }
0x41: {  	v35 =	vld [tilespmem:$0x430];
	v5 =	vsel vm1, v5, v32  }
0x42: {  	v10 =	vld.msk [tilespmem:$0x440], $0xff;
	vm1 =	vlt.s32 v5, v33  }
0x43: {  	v5 =	vsel vm1, v5, v33  }
0x44: {  	vm1 =	vlt.s32 v5, v34  }
0x45: {  	v5 =	vsel vm1, v5, v34  }
0x46: {  	vm1 =	vlt.s32 v5, v9  }
0x47: {  	v36 =	vperm.xlane v35, v0;
	v37 =	vperm.xlane v10, v0;
	v5 =	vsel vm1, v5, v9  }
0x48: {  	vm1 =	vlt.s32 v5, v35  }
0x49: {  	v6 =	vsel vm0, v36, v37;
	v5 =	vsel vm1, v5, v35  }
0x4a: {  	vm1 =	vlt.s32 v5, v6  }
0x4b: {  	v5 =	vsel vm1, v5, v6  }
0x4c: {  	v6 =	vperm.xlane v5, v0;
	_ =	sdelay $0x1  }
0x4d: {  	vm1 =	vlt.s32 v5, v6  }
0x4e: {  	v5 =	vsel vm1, v5, v6  }
0x4f: {  	v6 =	vperm.xlane v5, v1;
	_ =	sdelay $0x1  }
0x50: {  	vm1 =	vlt.s32 v5, v6  }
0x51: {  	v38 =	vld [tilespmem:$0x10];
	v5 =	vsel vm1, v5, v6  }
0x52: {  	v39 =	vld [tilespmem:$0x20];
	v6 =	vperm.xlane v5, v2  }
0x53: {  	v40 =	vld [tilespmem:$0x30]  }
0x54: {  	v41 =	vld [tilespmem:$0x40];
	vm1 =	vlt.s32 v5, v6  }
0x55: {  	v42 =	vld [tilespmem:$0x50];
	v5 =	vsel vm1, v5, v6  }
0x56: {  	v12 =	vld [tilespmem:$0x60];
	v6 =	vperm.xlane v5, v3  }
0x57: {  	v43 =	vld [tilespmem:$0x70]  }
0x58: {  	v15 =	vld [tilespmem:$0x400];
	vm1 =	vlt.s32 v5, v6  }
0x59: {  	v17 =	vld [tilespmem:$0x410];
	v5 =	vsel vm1, v5, v6  }
0x5a: {  	v45 =	vld [tilespmem:$0x420];
	v4 =	vsub.s32 v4, v5;
	v13 =	vperm.xlane v5, v0  }
0x5b: {  	v53 =	vld [tilespmem:$0x430];
	v7 =	vsub.s32 v38, v5;
	v8 =	vsub.s32 v39, v5;
	v9 =	vsub.s32 v40, v5  }
0x5c: {  	v6 =	vsub.s32 v41, v5;
	v10 =	vsub.s32 v42, v5;
	v12 =	vsub.s32 v12, v5  }
0x5d: {  	v49 =	vsub.s32 v43, v5;
	v51 =	vsub.s32 v15, v5;
	v11 =	vsub.s32 $0x0, v4  }
0x5e: {  	v52 =	vsub.s32 v17, v5;
	v14 =	vsub.s32 $0x0, v7;
	v4 =	vmin.u32 v4, v11  }
0x5f: {  	v46 =	vld [tilespmem:$0x430];
	v58 =	vsub.s32 v45, v5;
	v44 =	vsub.s32 $0x0, v8;
	v7 =	vmin.u32 v7, v14;
	[tilespmem:$0x2000] =	vst v4  }
0x60: {  	v18 =	vld.msk [tilespmem:$0x440], $0xff;
	v5 =	vsub.s32 v53, v5;
	v16 =	vsub.s32 $0x0, v9;
	v8 =	vmin.u32 v8, v44;
	[tilespmem:$0x2010] =	vst v7  }
0x61: {  	v47 =	vsub.s32 $0x0, v10;
	v54 =	vsub.s32 $0x0, v51;
	v9 =	vmin.u32 v9, v16;
	[tilespmem:$0x2020] =	vst v8  }
0x62: {  	v48 =	vsub.s32 $0x0, v12;
	v55 =	vsub.s32 $0x0, v52;
	v56 =	vmin.u32 v51, v54;
	[tilespmem:$0x2030] =	vst v9  }
0x63: {  	v50 =	vsub.s32 $0x0, v49;
	v59 =	vsub.s32 $0x0, v58;
	v57 =	vmin.u32 v52, v55;
	[tilespmem:$0x2080] =	vst v56  }
0x64: {  	v15 =	vsub.s32 $0x0, v5;
	v4 =	vsub.s32 $0x0, v6;
	v7 =	vmin.u32 v12, v48;
	[tilespmem:$0x2090] =	vst v57  }
0x65: {  	v60 =	vsub.s32 v46, v13;
	v61 =	vsub.s32 v18, v13;
	v4 =	vmin.u32 v6, v4;
	[tilespmem:$0x2060] =	vst v7  }
0x66: {  	v62 =	vsub.s32 $0x0, v60;
	v63 =	vsub.s32 $0x0, v61;
	v6 =	vmin.u32 v10, v47;
	[tilespmem:$0x2040] =	vst v4  }
0x67: {  	v13 =	vmin.u32 v60, v62;
	v14 =	vmin.u32 v61, v63;
	v4 =	vmin.u32 v49, v50;
	[tilespmem:$0x2050] =	vst v6  }
0x68: {  	v6 =	vperm.xlane v13, v0;
	v7 =	vperm.xlane v14, v0;
	[tilespmem:$0x2070] =	vst v4;
	v4 =	vmin.u32 v58, v59  }
0x69: {  	[tilespmem:$0x20A0] =	vst v4;
	v4 =	vmin.u32 v5, v15  }
0x6a: {  	[tilespmem:$0x20B0] =	vst v4;
	v4 =	vsel vm0, v6, v7  }
0x6b: {  	[tilespmem:$0x20B8] =	vst v4  }
0x6c: {  	_ =	swait.ge [sflag:s15], $0x2700  }
0x6d: {  	[sflag:s15] =	ssyncset.done $0x0  }
0x6e: {  	[sflag:s15] =	ssyncadd.s32 $0xFFFFD900  }
0x6f: {  	[bflag:$0x0] =	sbarrier.arrive $0xFFFF  }
0x70: {  	[tilespmem:s18], [sflag:$0x1] =	stream.indirect.gather [spmem:s1], $0x80, s17, s16, $0xb8;
	[tilespmem:$0x1F680] =	vst v63  }
0x71: {  	_ = 	snop  }
0x72: {  	[tilespmem:s21], [sflag:$0x2] =	stream.indirect.gather [spmem:s1], $0x80, s20, s19, $0xb8;
	[tilespmem:$0x1F680] =	vst v63  }
0x73: {  	_ =	swait.ge [sflag:s22], $0x3400  }
0x74: {  	[sflag:s22] =	ssyncset.done $0x0  }
0x75: {  	[sflag:s22] =	ssyncadd.s32 $0xFFFFCC00  }
0x76: {  	[hbm4b:s7+s2] =	stream.linear.scatter [tilespmem:s18], [sflag:$0x4], $0x3400, $0x38;
	[tilespmem:$0x1F680] =	vst v63  }
0x77: {  	v4 =	vld [tilespmem:$0x80]  }
0x78: {  	v5 =	vld [tilespmem:$0x90];
	_ =	sdelay $0x1  }
0x79: {  	v16 =	vld [tilespmem:$0xA0];
	_ =	sdelay $0x1  }
0x7a: {  	v17 =	vld [tilespmem:$0xB0]  }
0x7b: {  	vm1 =	vlt.s32 v4, v5  }
0x7c: {  	v18 =	vld [tilespmem:$0xC0];
	v5 =	vsel vm1, v4, v5  }
0x7d: {  	vm1 =	vlt.s32 v5, v16  }
0x7e: {  	v19 =	vld [tilespmem:$0xD0];
	v5 =	vsel vm1, v5, v16  }
0x7f: {  	vm1 =	vlt.s32 v5, v17  }
0x80: {  	v20 =	vld [tilespmem:$0xE0];
	v5 =	vsel vm1, v5, v17  }
0x81: {  	vm1 =	vlt.s32 v5, v18  }
0x82: {  	v21 =	vld [tilespmem:$0xF0];
	v5 =	vsel vm1, v5, v18  }
0x83: {  	vm1 =	vlt.s32 v5, v19  }
0x84: {  	v22 =	vld [tilespmem:$0x480];
	v5 =	vsel vm1, v5, v19  }
0x85: {  	vm1 =	vlt.s32 v5, v20  }
0x86: {  	v23 =	vld [tilespmem:$0x490];
	v5 =	vsel vm1, v5, v20  }
0x87: {  	v24 =	vld [tilespmem:$0x4A0];
	vm1 =	vlt.s32 v5, v21  }
0x88: {  	v25 =	vld [tilespmem:$0x4B0];
	v5 =	vsel vm1, v5, v21  }
0x89: {  	v26 =	vld.msk [tilespmem:$0x4C0], $0xff;
	vm1 =	vlt.s32 v5, v22  }
0x8a: {  	v5 =	vsel vm1, v5, v22  }
0x8b: {  	vm1 =	vlt.s32 v5, v23  }
0x8c: {  	v5 =	vsel vm1, v5, v23  }
0x8d: {  	vm1 =	vlt.s32 v5, v24  }
0x8e: {  	v27 =	vperm.xlane v25, v0;
	v28 =	vperm.xlane v26, v0;
	v5 =	vsel vm1, v5, v24  }
0x8f: {  	vm1 =	vlt.s32 v5, v25  }
0x90: {  	v6 =	vsel vm0, v27, v28;
	v5 =	vsel vm1, v5, v25  }
0x91: {  	vm1 =	vlt.s32 v5, v6  }
0x92: {  	v5 =	vsel vm1, v5, v6  }
0x93: {  	v6 =	vperm.xlane v5, v0;
	_ =	sdelay $0x1  }
0x94: {  	vm1 =	vlt.s32 v5, v6  }
0x95: {  	v5 =	vsel vm1, v5, v6  }
0x96: {  	v6 =	vperm.xlane v5, v1;
	_ =	sdelay $0x1  }
0x97: {  	vm1 =	vlt.s32 v5, v6  }
0x98: {  	v29 =	vld [tilespmem:$0x90];
	v5 =	vsel vm1, v5, v6  }
0x99: {  	v30 =	vld [tilespmem:$0xA0];
	v6 =	vperm.xlane v5, v2  }
0x9a: {  	v31 =	vld [tilespmem:$0xB0]  }
0x9b: {  	v32 =	vld [tilespmem:$0xC0];
	vm1 =	vlt.s32 v5, v6  }
0x9c: {  	v33 =	vld [tilespmem:$0xD0];
	v5 =	vsel vm1, v5, v6  }
0x9d: {  	v35 =	vld [tilespmem:$0xE0];
	v6 =	vperm.xlane v5, v3  }
0x9e: {  	v36 =	vld [tilespmem:$0xF0]  }
0x9f: {  	v39 =	vld [tilespmem:$0x480];
	vm1 =	vlt.s32 v5, v6  }
0xa0: {  	v41 =	vld [tilespmem:$0x490];
	v5 =	vsel vm1, v5, v6  }
0xa1: {  	v42 =	vld [tilespmem:$0x4A0];
	v4 =	vsub.s32 v4, v5;
	v7 =	vsub.s32 v29, v5  }
0xa2: {  	v51 =	vld [tilespmem:$0x4B0];
	v8 =	vsub.s32 v30, v5;
	v9 =	vsub.s32 v31, v5;
	v6 =	vsub.s32 v32, v5  }
0xa3: {  	v10 =	vsub.s32 v33, v5;
	v12 =	vsub.s32 v35, v5;
	v48 =	vperm.xlane v5, v0  }
0xa4: {  	v11 =	vsub.s32 v36, v5;
	v50 =	vsub.s32 v39, v5;
	v34 =	vsub.s32 $0x0, v4  }
0xa5: {  	v14 =	vsub.s32 v41, v5;
	v37 =	vsub.s32 $0x0, v7;
	v4 =	vmin.u32 v4, v34  }
0xa6: {  	v44 =	vld [tilespmem:$0x4B0];
	v56 =	vsub.s32 v42, v5;
	v38 =	vsub.s32 $0x0, v8;
	v7 =	vmin.u32 v7, v37;
	[tilespmem:$0x2100] =	vst v4  }
0xa7: {  	v47 =	vld.msk [tilespmem:$0x4C0], $0xff;
	v5 =	vsub.s32 v51, v5;
	v40 =	vsub.s32 $0x0, v9;
	v8 =	vmin.u32 v8, v38;
	[tilespmem:$0x2110] =	vst v7  }
0xa8: {  	v43 =	vsub.s32 $0x0, v10;
	v46 =	vsub.s32 $0x0, v12;
	v9 =	vmin.u32 v9, v40;
	[tilespmem:$0x2120] =	vst v8  }
0xa9: {  	v49 =	vsub.s32 $0x0, v11;
	v52 =	vsub.s32 $0x0, v50;
	v45 =	vmin.u32 v10, v43;
	[tilespmem:$0x2130] =	vst v9  }
0xaa: {  	v53 =	vsub.s32 $0x0, v14;
	v58 =	vsub.s32 $0x0, v56;
	v54 =	vmin.u32 v50, v52;
	[tilespmem:$0x2150] =	vst v45  }
0xab: {  	v63 =	vsub.s32 $0x0, v5;
	v55 =	vmin.u32 v14, v53;
	v57 =	vsub.s32 v44, v48;
	[tilespmem:$0x2180] =	vst v54  }
0xac: {  	v4 =	vsub.s32 $0x0, v6;
	v7 =	vmin.u32 v12, v46;
	v8 =	vsub.s32 v47, v48;
	[tilespmem:$0x2190] =	vst v55  }
0xad: {  	v59 =	vsub.s32 $0x0, v57;
	v4 =	vmin.u32 v6, v4;
	[tilespmem:$0x2160] =	vst v7;
	v60 =	vsub.s32 $0x0, v8  }
0xae: {  	v61 =	vmin.u32 v57, v59;
	[tilespmem:$0x2140] =	vst v4;
	v4 =	vmin.u32 v11, v49;
	v62 =	vmin.u32 v8, v60  }
0xaf: {  	v6 =	vperm.xlane v61, v0;
	[tilespmem:$0x2170] =	vst v4;
	v4 =	vmin.u32 v56, v58;
	v7 =	vperm.xlane v62, v0  }
0xb0: {  	[tilespmem:$0x21A0] =	vst v4;
	v4 =	vmin.u32 v5, v63  }
0xb1: {  	[tilespmem:$0x21B0] =	vst v4;
	v4 =	vsel vm0, v6, v7  }
0xb2: {  	[tilespmem:$0x21B8] =	vst v4  }
0xb3: {  	[tilespmem:s24], [sflag:$0x3] =	stream.indirect.gather [spmem:s1], $0x80, s23, s16, $0xb8;
	[tilespmem:$0x1F680] =	vst v63  }
0xb4: {  	_ =	swait.ge [sflag:s25], $0x3000  }
0xb5: {  	[sflag:s25] =	ssyncset.done $0x0  }
0xb6: {  	s9 =	rddreg [dreg:$0x10];
	[sflag:s25] =	ssyncadd.s32 $0xFFFFD000  }
0xb7: {  	[hbm4b:s9+s2] =	stream.linear.scatter [tilespmem:s21], [sflag:$0x5], $0x3000, $0x38;
	[tilespmem:$0x1F680] =	vst v63  }
0xb8: {  	_ =	swait.ge [sflag:s26], $0x3400  }
0xb9: {  	s5 =	simm.s32 $0x0;
	[sflag:s26] =	ssyncset.done $0x0  }
0xba: {  	s4 =	simm.s32 $0x700;
	s3 =	simm.s32 $0x380;
	[sflag:s26] =	ssyncadd.s32 $0xFFFFCC00  }
0xbb: {  	[tilespmem:s18], [sflag:$0x1] =	stream.indirect.gather [spmem:s1], $0x80, s28, s19, $0xb8;
	[tilespmem:$0x1F680] =	vst v63  }
.LBB2_2:
0xbc: {  	_ =	swait.ge [sflag:s29], $0x3400  }
0xbd: {  	s6 =	rddreg [dreg:$0x6]  }
0xbe: {  	[sflag:s29] =	ssyncset.done $0x0;
	s6 =	sadd.s32 s5, s6  }
0xbf: {  	[sflag:s29] =	ssyncadd.s32 $0xFFFFCC00;
	s8 =	sadd.s32 $0xC80, s6  }
0xc0: {  	[hbm4b:s8+s2] =	stream.linear.scatter [tilespmem:s24], [sflag:$0x6], $0x3400, $0x38;
	[tilespmem:$0x1F680] =	vst v63  }
0xc1: {  	s9 =	sadd.s32 $0xFFFFFD80, s3;
	s8 =	sadd.s32 $0xFFFFFB00, s4;
	_ =	swait.ge [sflag:s30], $0x3000  }
0xc2: {  	s9 =	sand.u32 $0x300, s9;
	s8 =	sand.u32 $0x7800, s8;
	[sflag:s30] =	ssyncset.done $0x0  }
0xc3: {  	s8 =	sor.u32 s9, s8;
	[sflag:s30] =	ssyncadd.s32 $0xFFFFD000  }
0xc4: {  	v4 =	vld [tilespmem:s8+$0x0]  }
0xc5: {  	v5 =	vld [tilespmem:s8+$0x10];
	_ =	sdelay $0x1  }
0xc6: {  	v6 =	vld [tilespmem:s8+$0x20];
	_ =	sdelay $0x1  }
0xc7: {  	v7 =	vld [tilespmem:s8+$0x30]  }
0xc8: {  	vm1 =	vlt.s32 v4, v5  }
0xc9: {  	v8 =	vld [tilespmem:s8+$0x40];
	v5 =	vsel vm1, v4, v5  }
0xca: {  	vm1 =	vlt.s32 v5, v6  }
0xcb: {  	v58 =	vld [tilespmem:s8+$0x50];
	v5 =	vsel vm1, v5, v6  }
0xcc: {  	vm1 =	vlt.s32 v5, v7  }
0xcd: {  	v59 =	vld [tilespmem:s8+$0x60];
	v5 =	vsel vm1, v5, v7  }
0xce: {  	vm1 =	vlt.s32 v5, v8  }
0xcf: {  	v60 =	vld [tilespmem:s8+$0x70];
	v5 =	vsel vm1, v5, v8  }
0xd0: {  	vm1 =	vlt.s32 v5, v58  }
0xd1: {  	v61 =	vld [tilespmem:s8+$0x400];
	v5 =	vsel vm1, v5, v58  }
0xd2: {  	vm1 =	vlt.s32 v5, v59  }
0xd3: {  	v62 =	vld [tilespmem:s8+$0x410];
	v5 =	vsel vm1, v5, v59  }
0xd4: {  	v9 =	vld [tilespmem:s8+$0x420];
	vm1 =	vlt.s32 v5, v60  }
0xd5: {  	s9 =	sor.u32 $0x440, s8;
	v63 =	vld [tilespmem:s8+$0x430];
	v5 =	vsel vm1, v5, v60  }
0xd6: {  	v10 =	vld.msk [tilespmem:s9+$0x0], $0xff;
	vm1 =	vlt.s32 v5, v61  }
0xd7: {  	v5 =	vsel vm1, v5, v61  }
0xd8: {  	vm1 =	vlt.s32 v5, v62  }
0xd9: {  	v5 =	vsel vm1, v5, v62  }
0xda: {  	vm1 =	vlt.s32 v5, v9  }
0xdb: {  	v11 =	vperm.xlane v63, v0;
	v12 =	vperm.xlane v10, v0;
	v5 =	vsel vm1, v5, v9  }
0xdc: {  	vm1 =	vlt.s32 v5, v63  }
0xdd: {  	v6 =	vsel vm0, v11, v12;
	v5 =	vsel vm1, v5, v63  }
0xde: {  	vm1 =	vlt.s32 v5, v6  }
0xdf: {  	v5 =	vsel vm1, v5, v6  }
0xe0: {  	v6 =	vperm.xlane v5, v0;
	_ =	sdelay $0x1  }
0xe1: {  	vm1 =	vlt.s32 v5, v6  }
0xe2: {  	v5 =	vsel vm1, v5, v6  }
0xe3: {  	v6 =	vperm.xlane v5, v1;
	_ =	sdelay $0x1  }
0xe4: {  	vm1 =	vlt.s32 v5, v6  }
0xe5: {  	v5 =	vsel vm1, v5, v6  }
0xe6: {  	v6 =	vperm.xlane v5, v2;
	_ =	sdelay $0x1  }
0xe7: {  	vm1 =	vlt.s32 v5, v6  }
0xe8: {  	v5 =	vsel vm1, v5, v6  }
0xe9: {  	v6 =	vperm.xlane v5, v3;
	_ =	sdelay $0x1  }
0xea: {  	vm1 =	vlt.s32 v5, v6  }
0xeb: {  	v5 =	vsel vm1, v5, v6  }
0xec: {  	v4 =	vsub.s32 v4, v5  }
0xed: {  	v13 =	vsub.s32 $0x0, v4  }
0xee: {  	v4 =	vmin.u32 v4, v13  }
0xef: {  	[tilespmem:$0x2000] =	vst v4  }
0xf0: {  	v4 =	vld [tilespmem:s8+$0x10];
	_ =	sdelay $0x4  }
0xf1: {  	v4 =	vsub.s32 v4, v5  }
0xf2: {  	v14 =	vsub.s32 $0x0, v4  }
0xf3: {  	v4 =	vmin.u32 v4, v14  }
0xf4: {  	[tilespmem:$0x2010] =	vst v4  }
0xf5: {  	v4 =	vld [tilespmem:s8+$0x20];
	_ =	sdelay $0x4  }
0xf6: {  	v4 =	vsub.s32 v4, v5  }
0xf7: {  	v15 =	vsub.s32 $0x0, v4  }
0xf8: {  	v4 =	vmin.u32 v4, v15  }
0xf9: {  	[tilespmem:$0x2020] =	vst v4  }
0xfa: {  	v4 =	vld [tilespmem:s8+$0x30];
	_ =	sdelay $0x4  }
0xfb: {  	v4 =	vsub.s32 v4, v5  }
0xfc: {  	v16 =	vsub.s32 $0x0, v4  }
0xfd: {  	v4 =	vmin.u32 v4, v16  }
0xfe: {  	[tilespmem:$0x2030] =	vst v4  }
0xff: {  	v4 =	vld [tilespmem:s8+$0x40];
	_ =	sdelay $0x4  }
0x100: {  	v4 =	vsub.s32 v4, v5  }
0x101: {  	v17 =	vsub.s32 $0x0, v4  }
0x102: {  	v4 =	vmin.u32 v4, v17  }
0x103: {  	[tilespmem:$0x2040] =	vst v4  }
0x104: {  	v4 =	vld [tilespmem:s8+$0x50];
	_ =	sdelay $0x4  }
0x105: {  	v4 =	vsub.s32 v4, v5  }
0x106: {  	v18 =	vsub.s32 $0x0, v4  }
0x107: {  	v4 =	vmin.u32 v4, v18  }
0x108: {  	[tilespmem:$0x2050] =	vst v4  }
0x109: {  	v4 =	vld [tilespmem:s8+$0x60];
	_ =	sdelay $0x4  }
0x10a: {  	v4 =	vsub.s32 v4, v5  }
0x10b: {  	v19 =	vsub.s32 $0x0, v4  }
0x10c: {  	v4 =	vmin.u32 v4, v19  }
0x10d: {  	[tilespmem:$0x2060] =	vst v4  }
0x10e: {  	v4 =	vld [tilespmem:s8+$0x70];
	_ =	sdelay $0x4  }
0x10f: {  	v4 =	vsub.s32 v4, v5  }
0x110: {  	v20 =	vsub.s32 $0x0, v4  }
0x111: {  	v4 =	vmin.u32 v4, v20  }
0x112: {  	[tilespmem:$0x2070] =	vst v4  }
0x113: {  	v4 =	vld [tilespmem:s8+$0x400];
	_ =	sdelay $0x4  }
0x114: {  	v4 =	vsub.s32 v4, v5  }
0x115: {  	v21 =	vsub.s32 $0x0, v4  }
0x116: {  	v4 =	vmin.u32 v4, v21  }
0x117: {  	[tilespmem:$0x2080] =	vst v4  }
0x118: {  	v4 =	vld [tilespmem:s8+$0x410];
	_ =	sdelay $0x4  }
0x119: {  	v4 =	vsub.s32 v4, v5  }
0x11a: {  	v22 =	vsub.s32 $0x0, v4  }
0x11b: {  	v4 =	vmin.u32 v4, v22  }
0x11c: {  	[tilespmem:$0x2090] =	vst v4  }
0x11d: {  	v4 =	vld [tilespmem:s8+$0x420];
	_ =	sdelay $0x4  }
0x11e: {  	v4 =	vsub.s32 v4, v5  }
0x11f: {  	v23 =	vsub.s32 $0x0, v4  }
0x120: {  	v4 =	vmin.u32 v4, v23  }
0x121: {  	[tilespmem:$0x20A0] =	vst v4  }
0x122: {  	v4 =	vld [tilespmem:s8+$0x430];
	_ =	sdelay $0x4  }
0x123: {  	v4 =	vsub.s32 v4, v5  }
0x124: {  	v24 =	vsub.s32 $0x0, v4  }
0x125: {  	v4 =	vmin.u32 v4, v24  }
0x126: {  	[tilespmem:$0x20B0] =	vst v4  }
0x127: {  	v4 =	vld [tilespmem:s8+$0x430]  }
0x128: {  	v25 =	vld.msk [tilespmem:s9+$0x0], $0xff;
	_ =	sdelay $0x2  }
0x129: {  	v5 =	vperm.xlane v5, v0;
	_ =	sdelay $0x1  }
0x12a: {  	v4 =	vsub.s32 v4, v5;
	v5 =	vsub.s32 v25, v5  }
0x12b: {  	v26 =	vsub.s32 $0x0, v4;
	v27 =	vsub.s32 $0x0, v5  }
0x12c: {  	v4 =	vmin.u32 v4, v26;
	v5 =	vmin.u32 v5, v27  }
0x12d: {  	v4 =	vperm.xlane v4, v0;
	v5 =	vperm.xlane v5, v0;
	_ =	sdelay $0x1  }
0x12e: {  	v4 =	vsel vm0, v4, v5  }
0x12f: {  	[tilespmem:$0x20B8] =	vst v4  }
0x130: {  	[tilespmem:s21], [sflag:$0x2] =	stream.indirect.gather [spmem:s1], $0x80, s17, s16, $0xb8;
	[tilespmem:$0x1F680] =	vst v63  }
0x131: {  	_ =	swait.ge [sflag:s22], $0x3000  }
0x132: {  	s9 =	rddreg [dreg:$0x5];
	[sflag:s22] =	ssyncset.done $0x0  }
0x133: {  	[sflag:s22] =	ssyncadd.s32 $0xFFFFD000;
	s8 =	sadd.s32 s5, s9  }
0x134: {  	[hbm4b:s8+s2] =	stream.linear.scatter [tilespmem:s18], [sflag:$0x4], $0x3000, $0x38;
	[tilespmem:$0x1F680] =	vst v63  }
0x135: {  	_ =	swait.ge [sflag:s31], $0x3400  }
0x136: {  	[sflag:s31] =	ssyncset.done $0x0  }
0x137: {  	[sflag:s31] =	ssyncadd.s32 $0xFFFFCC00  }
0x138: {  	[tilespmem:s24], [sflag:$0x3] =	stream.indirect.gather [spmem:s1], $0x80, s20, s19, $0xb8;
	[tilespmem:$0x1F680] =	vst v63  }
0x139: {  	_ =	swait.ge [sflag:s25], $0x3400  }
0x13a: {  	[sflag:s25] =	ssyncset.done $0x0  }
0x13b: {  	s9 =	sadd.s32 $0x1900, s6;
	[sflag:s25] =	ssyncadd.s32 $0xFFFFCC00  }
0x13c: {  	[hbm4b:s9+s2] =	stream.linear.scatter [tilespmem:s21], [sflag:$0x5], $0x3400, $0x38;
	[tilespmem:$0x1F680] =	vst v63  }
0x13d: {  	s8 =	sadd.s32 $0xFFFFFC00, s4;
	s9 =	sadd.s32 $0xFFFFFE00, s3;
	_ =	swait.ge [sflag:s26], $0x3000  }
0x13e: {  	s8 =	sand.u32 $0x7800, s8;
	s9 =	sand.u32 $0x380, s9;
	[sflag:s26] =	ssyncset.done $0x0  }
0x13f: {  	s8 =	sor.u32 s9, s8;
	[sflag:s26] =	ssyncadd.s32 $0xFFFFD000  }
0x140: {  	v4 =	vld [tilespmem:s8+$0x0]  }
0x141: {  	v5 =	vld [tilespmem:s8+$0x10];
	_ =	sdelay $0x1  }
0x142: {  	v28 =	vld [tilespmem:s8+$0x20];
	_ =	sdelay $0x1  }
0x143: {  	v29 =	vld [tilespmem:s8+$0x30]  }
0x144: {  	vm1 =	vlt.s32 v4, v5  }
0x145: {  	v30 =	vld [tilespmem:s8+$0x40];
	v5 =	vsel vm1, v4, v5  }
0x146: {  	vm1 =	vlt.s32 v5, v28  }
0x147: {  	v31 =	vld [tilespmem:s8+$0x50];
	v5 =	vsel vm1, v5, v28  }
0x148: {  	vm1 =	vlt.s32 v5, v29  }
0x149: {  	v32 =	vld [tilespmem:s8+$0x60];
	v5 =	vsel vm1, v5, v29  }
0x14a: {  	vm1 =	vlt.s32 v5, v30  }
0x14b: {  	v33 =	vld [tilespmem:s8+$0x70];
	v5 =	vsel vm1, v5, v30  }
0x14c: {  	vm1 =	vlt.s32 v5, v31  }
0x14d: {  	v34 =	vld [tilespmem:s8+$0x400];
	v5 =	vsel vm1, v5, v31  }
0x14e: {  	vm1 =	vlt.s32 v5, v32  }
0x14f: {  	v35 =	vld [tilespmem:s8+$0x410];
	v5 =	vsel vm1, v5, v32  }
0x150: {  	v36 =	vld [tilespmem:s8+$0x420];
	vm1 =	vlt.s32 v5, v33  }
0x151: {  	s9 =	sor.u32 $0x440, s8;
	v37 =	vld [tilespmem:s8+$0x430];
	v5 =	vsel vm1, v5, v33  }
0x152: {  	v38 =	vld.msk [tilespmem:s9+$0x0], $0xff;
	vm1 =	vlt.s32 v5, v34  }
0x153: {  	v5 =	vsel vm1, v5, v34  }
0x154: {  	vm1 =	vlt.s32 v5, v35  }
0x155: {  	v5 =	vsel vm1, v5, v35  }
0x156: {  	vm1 =	vlt.s32 v5, v36  }
0x157: {  	v39 =	vperm.xlane v37, v0;
	v40 =	vperm.xlane v38, v0;
	v5 =	vsel vm1, v5, v36  }
0x158: {  	vm1 =	vlt.s32 v5, v37  }
0x159: {  	v6 =	vsel vm0, v39, v40;
	v5 =	vsel vm1, v5, v37  }
0x15a: {  	vm1 =	vlt.s32 v5, v6  }
0x15b: {  	v5 =	vsel vm1, v5, v6  }
0x15c: {  	v6 =	vperm.xlane v5, v0;
	_ =	sdelay $0x1  }
0x15d: {  	vm1 =	vlt.s32 v5, v6  }
0x15e: {  	v5 =	vsel vm1, v5, v6  }
0x15f: {  	v6 =	vperm.xlane v5, v1;
	_ =	sdelay $0x1  }
0x160: {  	vm1 =	vlt.s32 v5, v6  }
0x161: {  	v5 =	vsel vm1, v5, v6  }
0x162: {  	v6 =	vperm.xlane v5, v2;
	_ =	sdelay $0x1  }
0x163: {  	vm1 =	vlt.s32 v5, v6  }
0x164: {  	v5 =	vsel vm1, v5, v6  }
0x165: {  	v6 =	vperm.xlane v5, v3;
	_ =	sdelay $0x1  }
0x166: {  	vm1 =	vlt.s32 v5, v6  }
0x167: {  	v5 =	vsel vm1, v5, v6  }
0x168: {  	v4 =	vsub.s32 v4, v5  }
0x169: {  	v41 =	vsub.s32 $0x0, v4  }
0x16a: {  	v4 =	vmin.u32 v4, v41  }
0x16b: {  	[tilespmem:$0x2100] =	vst v4  }
0x16c: {  	v4 =	vld [tilespmem:s8+$0x10];
	_ =	sdelay $0x4  }
0x16d: {  	v4 =	vsub.s32 v4, v5  }
0x16e: {  	v42 =	vsub.s32 $0x0, v4  }
0x16f: {  	v4 =	vmin.u32 v4, v42  }
0x170: {  	[tilespmem:$0x2110] =	vst v4  }
0x171: {  	v4 =	vld [tilespmem:s8+$0x20];
	_ =	sdelay $0x4  }
0x172: {  	v4 =	vsub.s32 v4, v5  }
0x173: {  	v43 =	vsub.s32 $0x0, v4  }
0x174: {  	v4 =	vmin.u32 v4, v43  }
0x175: {  	[tilespmem:$0x2120] =	vst v4  }
0x176: {  	v4 =	vld [tilespmem:s8+$0x30];
	_ =	sdelay $0x4  }
0x177: {  	v4 =	vsub.s32 v4, v5  }
0x178: {  	v44 =	vsub.s32 $0x0, v4  }
0x179: {  	v4 =	vmin.u32 v4, v44  }
0x17a: {  	[tilespmem:$0x2130] =	vst v4  }
0x17b: {  	v4 =	vld [tilespmem:s8+$0x40];
	_ =	sdelay $0x4  }
0x17c: {  	v4 =	vsub.s32 v4, v5  }
0x17d: {  	v45 =	vsub.s32 $0x0, v4  }
0x17e: {  	v4 =	vmin.u32 v4, v45  }
0x17f: {  	[tilespmem:$0x2140] =	vst v4  }
0x180: {  	v4 =	vld [tilespmem:s8+$0x50];
	_ =	sdelay $0x4  }
0x181: {  	v4 =	vsub.s32 v4, v5  }
0x182: {  	v46 =	vsub.s32 $0x0, v4  }
0x183: {  	v4 =	vmin.u32 v4, v46  }
0x184: {  	[tilespmem:$0x2150] =	vst v4  }
0x185: {  	v4 =	vld [tilespmem:s8+$0x60];
	_ =	sdelay $0x4  }
0x186: {  	v4 =	vsub.s32 v4, v5  }
0x187: {  	v47 =	vsub.s32 $0x0, v4  }
0x188: {  	v4 =	vmin.u32 v4, v47  }
0x189: {  	[tilespmem:$0x2160] =	vst v4  }
0x18a: {  	v4 =	vld [tilespmem:s8+$0x70];
	_ =	sdelay $0x4  }
0x18b: {  	v4 =	vsub.s32 v4, v5  }
0x18c: {  	v48 =	vsub.s32 $0x0, v4  }
0x18d: {  	v4 =	vmin.u32 v4, v48  }
0x18e: {  	[tilespmem:$0x2170] =	vst v4  }
0x18f: {  	v4 =	vld [tilespmem:s8+$0x400];
	_ =	sdelay $0x4  }
0x190: {  	v4 =	vsub.s32 v4, v5  }
0x191: {  	v49 =	vsub.s32 $0x0, v4  }
0x192: {  	v4 =	vmin.u32 v4, v49  }
0x193: {  	[tilespmem:$0x2180] =	vst v4  }
0x194: {  	v4 =	vld [tilespmem:s8+$0x410];
	_ =	sdelay $0x4  }
0x195: {  	v4 =	vsub.s32 v4, v5  }
0x196: {  	v50 =	vsub.s32 $0x0, v4  }
0x197: {  	v4 =	vmin.u32 v4, v50  }
0x198: {  	[tilespmem:$0x2190] =	vst v4  }
0x199: {  	v4 =	vld [tilespmem:s8+$0x420];
	_ =	sdelay $0x4  }
0x19a: {  	v4 =	vsub.s32 v4, v5  }
0x19b: {  	v51 =	vsub.s32 $0x0, v4  }
0x19c: {  	v4 =	vmin.u32 v4, v51  }
0x19d: {  	[tilespmem:$0x21A0] =	vst v4  }
0x19e: {  	v4 =	vld [tilespmem:s8+$0x430];
	_ =	sdelay $0x4  }
0x19f: {  	v4 =	vsub.s32 v4, v5  }
0x1a0: {  	v52 =	vsub.s32 $0x0, v4  }
0x1a1: {  	v4 =	vmin.u32 v4, v52  }
0x1a2: {  	[tilespmem:$0x21B0] =	vst v4  }
0x1a3: {  	v4 =	vld [tilespmem:s8+$0x430]  }
0x1a4: {  	v53 =	vld.msk [tilespmem:s9+$0x0], $0xff;
	_ =	sdelay $0x2  }
0x1a5: {  	v5 =	vperm.xlane v5, v0;
	_ =	sdelay $0x1  }
0x1a6: {  	v4 =	vsub.s32 v4, v5;
	v5 =	vsub.s32 v53, v5  }
0x1a7: {  	v54 =	vsub.s32 $0x0, v4;
	v55 =	vsub.s32 $0x0, v5  }
0x1a8: {  	v4 =	vmin.u32 v4, v54;
	v5 =	vmin.u32 v5, v55  }
0x1a9: {  	v4 =	vperm.xlane v4, v0;
	v5 =	vperm.xlane v5, v0;
	_ =	sdelay $0x1  }
0x1aa: {  	v4 =	vsel vm0, v4, v5  }
0x1ab: {  	[tilespmem:$0x21B8] =	vst v4  }
0x1ac: {  	[tilespmem:s18], [sflag:$0x1] =	stream.indirect.gather [spmem:s1], $0x80, s23, s16, $0xb8;
	[tilespmem:$0x1F680] =	vst v63  }
0x1ad: {  	_ =	swait.ge [sflag:s29], $0x3000  }
0x1ae: {  	s9 =	rddreg [dreg:$0xb];
	[sflag:s29] =	ssyncset.done $0x0  }
0x1af: {  	[sflag:s29] =	ssyncadd.s32 $0xFFFFD000;
	s8 =	sadd.s32 s5, s9  }
0x1b0: {  	[hbm4b:s8+s2] =	stream.linear.scatter [tilespmem:s24], [sflag:$0x6], $0x3000, $0x38;
	[tilespmem:$0x1F680] =	vst v63  }
0x1b1: {  	_ =	swait.ge [sflag:s30], $0x3400  }
0x1b2: {  	[sflag:s30] =	ssyncset.done $0x0  }
0x1b3: {  	[sflag:s30] =	ssyncadd.s32 $0xFFFFCC00  }
0x1b4: {  	[tilespmem:s21], [sflag:$0x2] =	stream.indirect.gather [spmem:s1], $0x80, s28, s19, $0xb8;
	[tilespmem:$0x1F680] =	vst v63  }
0x1b5: {  	_ =	swait.ge [sflag:s22], $0x3400  }
0x1b6: {  	[sflag:s22] =	ssyncset.done $0x0  }
0x1b7: {  	s9 =	sadd.s32 $0x2580, s6;
	[sflag:s22] =	ssyncadd.s32 $0xFFFFCC00  }
0x1b8: {  	[hbm4b:s9+s2] =	stream.linear.scatter [tilespmem:s18], [sflag:$0x4], $0x3400, $0x38;
	[tilespmem:$0x1F680] =	vst v63  }
0x1b9: {  	s8 =	sadd.s32 $0xFFFFFD00, s4;
	s9 =	sadd.s32 $0xFFFFFE80, s3;
	_ =	swait.ge [sflag:s31], $0x3000  }
0x1ba: {  	s8 =	sand.u32 $0x7800, s8;
	s9 =	sand.u32 $0x300, s9;
	[sflag:s31] =	ssyncset.done $0x0  }
0x1bb: {  	s8 =	sor.u32 s9, s8;
	[sflag:s31] =	ssyncadd.s32 $0xFFFFD000  }
0x1bc: {  	v4 =	vld [tilespmem:s8+$0x0]  }
0x1bd: {  	v5 =	vld [tilespmem:s8+$0x10];
	_ =	sdelay $0x1  }
0x1be: {  	v56 =	vld [tilespmem:s8+$0x20];
	_ =	sdelay $0x1  }
0x1bf: {  	v57 =	vld [tilespmem:s8+$0x30]  }
0x1c0: {  	vm1 =	vlt.s32 v4, v5  }
0x1c1: {  	v58 =	vld [tilespmem:s8+$0x40];
	v5 =	vsel vm1, v4, v5  }
0x1c2: {  	vm1 =	vlt.s32 v5, v56  }
0x1c3: {  	v59 =	vld [tilespmem:s8+$0x50];
	v5 =	vsel vm1, v5, v56  }
0x1c4: {  	vm1 =	vlt.s32 v5, v57  }
0x1c5: {  	v60 =	vld [tilespmem:s8+$0x60];
	v5 =	vsel vm1, v5, v57  }
0x1c6: {  	vm1 =	vlt.s32 v5, v58  }
0x1c7: {  	v61 =	vld [tilespmem:s8+$0x70];
	v5 =	vsel vm1, v5, v58  }
0x1c8: {  	vm1 =	vlt.s32 v5, v59  }
0x1c9: {  	v62 =	vld [tilespmem:s8+$0x400];
	v5 =	vsel vm1, v5, v59  }
0x1ca: {  	vm1 =	vlt.s32 v5, v60  }
0x1cb: {  	v63 =	vld [tilespmem:s8+$0x410];
	v5 =	vsel vm1, v5, v60  }
0x1cc: {  	v12 =	vld [tilespmem:s8+$0x420];
	vm1 =	vlt.s32 v5, v61  }
0x1cd: {  	s9 =	sor.u32 $0x440, s8;
	v13 =	vld [tilespmem:s8+$0x430];
	v5 =	vsel vm1, v5, v61  }
0x1ce: {  	v14 =	vld.msk [tilespmem:s9+$0x0], $0xff;
	vm1 =	vlt.s32 v5, v62  }
0x1cf: {  	v5 =	vsel vm1, v5, v62  }
0x1d0: {  	vm1 =	vlt.s32 v5, v63  }
0x1d1: {  	v5 =	vsel vm1, v5, v63  }
0x1d2: {  	vm1 =	vlt.s32 v5, v12  }
0x1d3: {  	v15 =	vperm.xlane v13, v0;
	v16 =	vperm.xlane v14, v0;
	v5 =	vsel vm1, v5, v12  }
0x1d4: {  	vm1 =	vlt.s32 v5, v13  }
0x1d5: {  	v6 =	vsel vm0, v15, v16;
	v5 =	vsel vm1, v5, v13  }
0x1d6: {  	vm1 =	vlt.s32 v5, v6  }
0x1d7: {  	v5 =	vsel vm1, v5, v6  }
0x1d8: {  	v6 =	vperm.xlane v5, v0;
	_ =	sdelay $0x1  }
0x1d9: {  	vm1 =	vlt.s32 v5, v6  }
0x1da: {  	v5 =	vsel vm1, v5, v6  }
0x1db: {  	v6 =	vperm.xlane v5, v1;
	_ =	sdelay $0x1  }
0x1dc: {  	vm1 =	vlt.s32 v5, v6  }
0x1dd: {  	v5 =	vsel vm1, v5, v6  }
0x1de: {  	v6 =	vperm.xlane v5, v2;
	_ =	sdelay $0x1  }
0x1df: {  	vm1 =	vlt.s32 v5, v6  }
0x1e0: {  	v5 =	vsel vm1, v5, v6  }
0x1e1: {  	v6 =	vperm.xlane v5, v3;
	_ =	sdelay $0x1  }
0x1e2: {  	vm1 =	vlt.s32 v5, v6  }
0x1e3: {  	v5 =	vsel vm1, v5, v6  }
0x1e4: {  	v4 =	vsub.s32 v4, v5  }
0x1e5: {  	v17 =	vsub.s32 $0x0, v4  }
0x1e6: {  	v4 =	vmin.u32 v4, v17  }
0x1e7: {  	[tilespmem:$0x2000] =	vst v4  }
0x1e8: {  	v4 =	vld [tilespmem:s8+$0x10];
	_ =	sdelay $0x4  }
0x1e9: {  	v4 =	vsub.s32 v4, v5  }
0x1ea: {  	v18 =	vsub.s32 $0x0, v4  }
0x1eb: {  	v4 =	vmin.u32 v4, v18  }
0x1ec: {  	[tilespmem:$0x2010] =	vst v4  }
0x1ed: {  	v4 =	vld [tilespmem:s8+$0x20];
	_ =	sdelay $0x4  }
0x1ee: {  	v4 =	vsub.s32 v4, v5  }
0x1ef: {  	v19 =	vsub.s32 $0x0, v4  }
0x1f0: {  	v4 =	vmin.u32 v4, v19  }
0x1f1: {  	[tilespmem:$0x2020] =	vst v4  }
0x1f2: {  	v4 =	vld [tilespmem:s8+$0x30];
	_ =	sdelay $0x4  }
0x1f3: {  	v4 =	vsub.s32 v4, v5  }
0x1f4: {  	v20 =	vsub.s32 $0x0, v4  }
0x1f5: {  	v4 =	vmin.u32 v4, v20  }
0x1f6: {  	[tilespmem:$0x2030] =	vst v4  }
0x1f7: {  	v4 =	vld [tilespmem:s8+$0x40];
	_ =	sdelay $0x4  }
0x1f8: {  	v4 =	vsub.s32 v4, v5  }
0x1f9: {  	v21 =	vsub.s32 $0x0, v4  }
0x1fa: {  	v4 =	vmin.u32 v4, v21  }
0x1fb: {  	[tilespmem:$0x2040] =	vst v4  }
0x1fc: {  	v4 =	vld [tilespmem:s8+$0x50];
	_ =	sdelay $0x4  }
0x1fd: {  	v4 =	vsub.s32 v4, v5  }
0x1fe: {  	v22 =	vsub.s32 $0x0, v4  }
0x1ff: {  	v4 =	vmin.u32 v4, v22  }
0x200: {  	[tilespmem:$0x2050] =	vst v4  }
0x201: {  	v4 =	vld [tilespmem:s8+$0x60];
	_ =	sdelay $0x4  }
0x202: {  	v4 =	vsub.s32 v4, v5  }
0x203: {  	v23 =	vsub.s32 $0x0, v4  }
0x204: {  	v4 =	vmin.u32 v4, v23  }
0x205: {  	[tilespmem:$0x2060] =	vst v4  }
0x206: {  	v4 =	vld [tilespmem:s8+$0x70];
	_ =	sdelay $0x4  }
0x207: {  	v4 =	vsub.s32 v4, v5  }
0x208: {  	v24 =	vsub.s32 $0x0, v4  }
0x209: {  	v4 =	vmin.u32 v4, v24  }
0x20a: {  	[tilespmem:$0x2070] =	vst v4  }
0x20b: {  	v4 =	vld [tilespmem:s8+$0x400];
	_ =	sdelay $0x4  }
0x20c: {  	v4 =	vsub.s32 v4, v5  }
0x20d: {  	v25 =	vsub.s32 $0x0, v4  }
0x20e: {  	v4 =	vmin.u32 v4, v25  }
0x20f: {  	[tilespmem:$0x2080] =	vst v4  }
0x210: {  	v4 =	vld [tilespmem:s8+$0x410];
	_ =	sdelay $0x4  }
0x211: {  	v4 =	vsub.s32 v4, v5  }
0x212: {  	v26 =	vsub.s32 $0x0, v4  }
0x213: {  	v4 =	vmin.u32 v4, v26  }
0x214: {  	[tilespmem:$0x2090] =	vst v4  }
0x215: {  	v4 =	vld [tilespmem:s8+$0x420];
	_ =	sdelay $0x4  }
0x216: {  	v4 =	vsub.s32 v4, v5  }
0x217: {  	v27 =	vsub.s32 $0x0, v4  }
0x218: {  	v4 =	vmin.u32 v4, v27  }
0x219: {  	[tilespmem:$0x20A0] =	vst v4  }
0x21a: {  	v4 =	vld [tilespmem:s8+$0x430];
	_ =	sdelay $0x4  }
0x21b: {  	v4 =	vsub.s32 v4, v5  }
0x21c: {  	v28 =	vsub.s32 $0x0, v4  }
0x21d: {  	v4 =	vmin.u32 v4, v28  }
0x21e: {  	[tilespmem:$0x20B0] =	vst v4  }
0x21f: {  	v4 =	vld [tilespmem:s8+$0x430]  }
0x220: {  	v29 =	vld.msk [tilespmem:s9+$0x0], $0xff;
	_ =	sdelay $0x2  }
0x221: {  	v5 =	vperm.xlane v5, v0;
	_ =	sdelay $0x1  }
0x222: {  	v4 =	vsub.s32 v4, v5;
	v5 =	vsub.s32 v29, v5  }
0x223: {  	v30 =	vsub.s32 $0x0, v4;
	v31 =	vsub.s32 $0x0, v5  }
0x224: {  	v4 =	vmin.u32 v4, v30;
	v5 =	vmin.u32 v5, v31  }
0x225: {  	v4 =	vperm.xlane v4, v0;
	v5 =	vperm.xlane v5, v0;
	_ =	sdelay $0x1  }
0x226: {  	v4 =	vsel vm0, v4, v5  }
0x227: {  	[tilespmem:$0x20B8] =	vst v4  }
0x228: {  	[tilespmem:s24], [sflag:$0x3] =	stream.indirect.gather [spmem:s1], $0x80, s17, s16, $0xb8;
	[tilespmem:$0x1F680] =	vst v63  }
0x229: {  	_ =	swait.ge [sflag:s25], $0x3000  }
0x22a: {  	s9 =	rddreg [dreg:$0xa];
	[sflag:s25] =	ssyncset.done $0x0  }
0x22b: {  	[sflag:s25] =	ssyncadd.s32 $0xFFFFD000;
	s8 =	sadd.s32 s5, s9  }
0x22c: {  	[hbm4b:s8+s2] =	stream.linear.scatter [tilespmem:s21], [sflag:$0x5], $0x3000, $0x38;
	[tilespmem:$0x1F680] =	vst v63  }
0x22d: {  	_ =	swait.ge [sflag:s26], $0x3400  }
0x22e: {  	[sflag:s26] =	ssyncset.done $0x0  }
0x22f: {  	[sflag:s26] =	ssyncadd.s32 $0xFFFFCC00  }
0x230: {  	[tilespmem:s18], [sflag:$0x1] =	stream.indirect.gather [spmem:s1], $0x80, s20, s19, $0xb8;
	[tilespmem:$0x1F680] =	vst v63  }
0x231: {  	_ =	swait.ge [sflag:s29], $0x3400  }
0x232: {  	[sflag:s29] =	ssyncset.done $0x0  }
0x233: {  	s9 =	sadd.s32 $0x3200, s6;
	[sflag:s29] =	ssyncadd.s32 $0xFFFFCC00  }
0x234: {  	[hbm4b:s9+s2] =	stream.linear.scatter [tilespmem:s24], [sflag:$0x6], $0x3400, $0x38;
	[tilespmem:$0x1F680] =	vst v63  }
0x235: {  	s8 =	sadd.s32 $0xFFFFFE00, s4;
	s9 =	sadd.s32 $0xFFFFFF00, s3;
	_ =	swait.ge [sflag:s30], $0x3000  }
0x236: {  	s8 =	sand.u32 $0x7800, s8;
	s9 =	sand.u32 $0x380, s9;
	[sflag:s30] =	ssyncset.done $0x0  }
0x237: {  	s8 =	sor.u32 s9, s8;
	[sflag:s30] =	ssyncadd.s32 $0xFFFFD000  }
0x238: {  	v4 =	vld [tilespmem:s8+$0x0]  }
0x239: {  	v5 =	vld [tilespmem:s8+$0x10];
	_ =	sdelay $0x1  }
0x23a: {  	v32 =	vld [tilespmem:s8+$0x20];
	_ =	sdelay $0x1  }
0x23b: {  	v33 =	vld [tilespmem:s8+$0x30]  }
0x23c: {  	vm1 =	vlt.s32 v4, v5  }
0x23d: {  	v34 =	vld [tilespmem:s8+$0x40];
	v5 =	vsel vm1, v4, v5  }
0x23e: {  	vm1 =	vlt.s32 v5, v32  }
0x23f: {  	v35 =	vld [tilespmem:s8+$0x50];
	v5 =	vsel vm1, v5, v32  }
0x240: {  	vm1 =	vlt.s32 v5, v33  }
0x241: {  	v36 =	vld [tilespmem:s8+$0x60];
	v5 =	vsel vm1, v5, v33  }
0x242: {  	vm1 =	vlt.s32 v5, v34  }
0x243: {  	v37 =	vld [tilespmem:s8+$0x70];
	v5 =	vsel vm1, v5, v34  }
0x244: {  	vm1 =	vlt.s32 v5, v35  }
0x245: {  	v38 =	vld [tilespmem:s8+$0x400];
	v5 =	vsel vm1, v5, v35  }
0x246: {  	vm1 =	vlt.s32 v5, v36  }
0x247: {  	v39 =	vld [tilespmem:s8+$0x410];
	v5 =	vsel vm1, v5, v36  }
0x248: {  	v40 =	vld [tilespmem:s8+$0x420];
	vm1 =	vlt.s32 v5, v37  }
0x249: {  	s9 =	sor.u32 $0x440, s8;
	v41 =	vld [tilespmem:s8+$0x430];
	v5 =	vsel vm1, v5, v37  }
0x24a: {  	v42 =	vld.msk [tilespmem:s9+$0x0], $0xff;
	vm1 =	vlt.s32 v5, v38  }
0x24b: {  	v5 =	vsel vm1, v5, v38  }
0x24c: {  	vm1 =	vlt.s32 v5, v39  }
0x24d: {  	v5 =	vsel vm1, v5, v39  }
0x24e: {  	vm1 =	vlt.s32 v5, v40  }
0x24f: {  	v43 =	vperm.xlane v41, v0;
	v44 =	vperm.xlane v42, v0;
	v5 =	vsel vm1, v5, v40  }
0x250: {  	vm1 =	vlt.s32 v5, v41  }
0x251: {  	v6 =	vsel vm0, v43, v44;
	v5 =	vsel vm1, v5, v41  }
0x252: {  	vm1 =	vlt.s32 v5, v6  }
0x253: {  	v5 =	vsel vm1, v5, v6  }
0x254: {  	v6 =	vperm.xlane v5, v0;
	_ =	sdelay $0x1  }
0x255: {  	vm1 =	vlt.s32 v5, v6  }
0x256: {  	v5 =	vsel vm1, v5, v6  }
0x257: {  	v6 =	vperm.xlane v5, v1;
	_ =	sdelay $0x1  }
0x258: {  	vm1 =	vlt.s32 v5, v6  }
0x259: {  	v5 =	vsel vm1, v5, v6  }
0x25a: {  	v6 =	vperm.xlane v5, v2;
	_ =	sdelay $0x1  }
0x25b: {  	vm1 =	vlt.s32 v5, v6  }
0x25c: {  	v5 =	vsel vm1, v5, v6  }
0x25d: {  	v6 =	vperm.xlane v5, v3;
	_ =	sdelay $0x1  }
0x25e: {  	vm1 =	vlt.s32 v5, v6  }
0x25f: {  	v5 =	vsel vm1, v5, v6  }
0x260: {  	v4 =	vsub.s32 v4, v5  }
0x261: {  	v45 =	vsub.s32 $0x0, v4  }
0x262: {  	v4 =	vmin.u32 v4, v45  }
0x263: {  	[tilespmem:$0x2100] =	vst v4  }
0x264: {  	v4 =	vld [tilespmem:s8+$0x10];
	_ =	sdelay $0x4  }
0x265: {  	v4 =	vsub.s32 v4, v5  }
0x266: {  	v46 =	vsub.s32 $0x0, v4  }
0x267: {  	v4 =	vmin.u32 v4, v46  }
0x268: {  	[tilespmem:$0x2110] =	vst v4  }
0x269: {  	v4 =	vld [tilespmem:s8+$0x20];
	_ =	sdelay $0x4  }
0x26a: {  	v4 =	vsub.s32 v4, v5  }
0x26b: {  	v47 =	vsub.s32 $0x0, v4  }
0x26c: {  	v4 =	vmin.u32 v4, v47  }
0x26d: {  	[tilespmem:$0x2120] =	vst v4  }
0x26e: {  	v4 =	vld [tilespmem:s8+$0x30];
	_ =	sdelay $0x4  }
0x26f: {  	v4 =	vsub.s32 v4, v5  }
0x270: {  	v48 =	vsub.s32 $0x0, v4  }
0x271: {  	v4 =	vmin.u32 v4, v48  }
0x272: {  	[tilespmem:$0x2130] =	vst v4  }
0x273: {  	v4 =	vld [tilespmem:s8+$0x40];
	_ =	sdelay $0x4  }
0x274: {  	v4 =	vsub.s32 v4, v5  }
0x275: {  	v49 =	vsub.s32 $0x0, v4  }
0x276: {  	v4 =	vmin.u32 v4, v49  }
0x277: {  	[tilespmem:$0x2140] =	vst v4  }
0x278: {  	v4 =	vld [tilespmem:s8+$0x50];
	_ =	sdelay $0x4  }
0x279: {  	v4 =	vsub.s32 v4, v5  }
0x27a: {  	v50 =	vsub.s32 $0x0, v4  }
0x27b: {  	v4 =	vmin.u32 v4, v50  }
0x27c: {  	[tilespmem:$0x2150] =	vst v4  }
0x27d: {  	v4 =	vld [tilespmem:s8+$0x60];
	_ =	sdelay $0x4  }
0x27e: {  	v4 =	vsub.s32 v4, v5  }
0x27f: {  	v51 =	vsub.s32 $0x0, v4  }
0x280: {  	v4 =	vmin.u32 v4, v51  }
0x281: {  	[tilespmem:$0x2160] =	vst v4  }
0x282: {  	v4 =	vld [tilespmem:s8+$0x70];
	_ =	sdelay $0x4  }
0x283: {  	v4 =	vsub.s32 v4, v5  }
0x284: {  	v52 =	vsub.s32 $0x0, v4  }
0x285: {  	v4 =	vmin.u32 v4, v52  }
0x286: {  	[tilespmem:$0x2170] =	vst v4  }
0x287: {  	v4 =	vld [tilespmem:s8+$0x400];
	_ =	sdelay $0x4  }
0x288: {  	v4 =	vsub.s32 v4, v5  }
0x289: {  	v53 =	vsub.s32 $0x0, v4  }
0x28a: {  	v4 =	vmin.u32 v4, v53  }
0x28b: {  	[tilespmem:$0x2180] =	vst v4  }
0x28c: {  	v4 =	vld [tilespmem:s8+$0x410];
	_ =	sdelay $0x4  }
0x28d: {  	v4 =	vsub.s32 v4, v5  }
0x28e: {  	v54 =	vsub.s32 $0x0, v4  }
0x28f: {  	v4 =	vmin.u32 v4, v54  }
0x290: {  	[tilespmem:$0x2190] =	vst v4  }
0x291: {  	v4 =	vld [tilespmem:s8+$0x420];
	_ =	sdelay $0x4  }
0x292: {  	v4 =	vsub.s32 v4, v5  }
0x293: {  	v55 =	vsub.s32 $0x0, v4  }
0x294: {  	v4 =	vmin.u32 v4, v55  }
0x295: {  	[tilespmem:$0x21A0] =	vst v4  }
0x296: {  	v4 =	vld [tilespmem:s8+$0x430];
	_ =	sdelay $0x4  }
0x297: {  	v4 =	vsub.s32 v4, v5  }
0x298: {  	v56 =	vsub.s32 $0x0, v4  }
0x299: {  	v4 =	vmin.u32 v4, v56  }
0x29a: {  	[tilespmem:$0x21B0] =	vst v4  }
0x29b: {  	v4 =	vld [tilespmem:s8+$0x430]  }
0x29c: {  	v57 =	vld.msk [tilespmem:s9+$0x0], $0xff;
	_ =	sdelay $0x2  }
0x29d: {  	v5 =	vperm.xlane v5, v0;
	_ =	sdelay $0x1  }
0x29e: {  	v4 =	vsub.s32 v4, v5;
	v5 =	vsub.s32 v57, v5  }
0x29f: {  	v58 =	vsub.s32 $0x0, v4;
	v59 =	vsub.s32 $0x0, v5  }
0x2a0: {  	v4 =	vmin.u32 v4, v58;
	v5 =	vmin.u32 v5, v59  }
0x2a1: {  	v4 =	vperm.xlane v4, v0;
	v5 =	vperm.xlane v5, v0;
	_ =	sdelay $0x1  }
0x2a2: {  	v4 =	vsel vm0, v4, v5  }
0x2a3: {  	[tilespmem:$0x21B8] =	vst v4  }
0x2a4: {  	[tilespmem:s21], [sflag:$0x2] =	stream.indirect.gather [spmem:s1], $0x80, s23, s16, $0xb8;
	[tilespmem:$0x1F680] =	vst v63  }
0x2a5: {  	_ =	swait.ge [sflag:s22], $0x3000  }
0x2a6: {  	s9 =	rddreg [dreg:$0x9];
	[sflag:s22] =	ssyncset.done $0x0  }
0x2a7: {  	[sflag:s22] =	ssyncadd.s32 $0xFFFFD000;
	s8 =	sadd.s32 s5, s9  }
0x2a8: {  	[hbm4b:s8+s2] =	stream.linear.scatter [tilespmem:s18], [sflag:$0x4], $0x3000, $0x38;
	[tilespmem:$0x1F680] =	vst v63  }
0x2a9: {  	_ =	swait.ge [sflag:s31], $0x3400  }
0x2aa: {  	[sflag:s31] =	ssyncset.done $0x0  }
0x2ab: {  	[sflag:s31] =	ssyncadd.s32 $0xFFFFCC00  }
0x2ac: {  	[tilespmem:s24], [sflag:$0x3] =	stream.indirect.gather [spmem:s1], $0x80, s28, s19, $0xb8;
	[tilespmem:$0x1F680] =	vst v63  }
0x2ad: {  	_ =	swait.ge [sflag:s25], $0x3400  }
0x2ae: {  	[sflag:s25] =	ssyncset.done $0x0  }
0x2af: {  	s9 =	sadd.s32 $0x3E80, s6;
	[sflag:s25] =	ssyncadd.s32 $0xFFFFCC00  }
0x2b0: {  	[hbm4b:s9+s2] =	stream.linear.scatter [tilespmem:s21], [sflag:$0x5], $0x3400, $0x38;
	[tilespmem:$0x1F680] =	vst v63  }
0x2b1: {  	s8 =	sadd.s32 $0xFFFFFF00, s4;
	s9 =	sadd.s32 $0xFFFFFF80, s3;
	_ =	swait.ge [sflag:s26], $0x3000  }
0x2b2: {  	s8 =	sand.u32 $0x7800, s8;
	s9 =	sand.u32 $0x300, s9;
	[sflag:s26] =	ssyncset.done $0x0  }
0x2b3: {  	s8 =	sor.u32 s9, s8;
	[sflag:s26] =	ssyncadd.s32 $0xFFFFD000  }
0x2b4: {  	v4 =	vld [tilespmem:s8+$0x0]  }
0x2b5: {  	v5 =	vld [tilespmem:s8+$0x10];
	_ =	sdelay $0x1  }
0x2b6: {  	v60 =	vld [tilespmem:s8+$0x20];
	_ =	sdelay $0x1  }
0x2b7: {  	v61 =	vld [tilespmem:s8+$0x30]  }
0x2b8: {  	vm1 =	vlt.s32 v4, v5  }
0x2b9: {  	v62 =	vld [tilespmem:s8+$0x40];
	v5 =	vsel vm1, v4, v5  }
0x2ba: {  	vm1 =	vlt.s32 v5, v60  }
0x2bb: {  	v63 =	vld [tilespmem:s8+$0x50];
	v5 =	vsel vm1, v5, v60  }
0x2bc: {  	vm1 =	vlt.s32 v5, v61  }
0x2bd: {  	v12 =	vld [tilespmem:s8+$0x60];
	v5 =	vsel vm1, v5, v61  }
0x2be: {  	vm1 =	vlt.s32 v5, v62  }
0x2bf: {  	v13 =	vld [tilespmem:s8+$0x70];
	v5 =	vsel vm1, v5, v62  }
0x2c0: {  	vm1 =	vlt.s32 v5, v63  }
0x2c1: {  	v14 =	vld [tilespmem:s8+$0x400];
	v5 =	vsel vm1, v5, v63  }
0x2c2: {  	vm1 =	vlt.s32 v5, v12  }
0x2c3: {  	v15 =	vld [tilespmem:s8+$0x410];
	v5 =	vsel vm1, v5, v12  }
0x2c4: {  	v16 =	vld [tilespmem:s8+$0x420];
	vm1 =	vlt.s32 v5, v13  }
0x2c5: {  	s9 =	sor.u32 $0x440, s8;
	v17 =	vld [tilespmem:s8+$0x430];
	v5 =	vsel vm1, v5, v13  }
0x2c6: {  	v18 =	vld.msk [tilespmem:s9+$0x0], $0xff;
	vm1 =	vlt.s32 v5, v14  }
0x2c7: {  	v5 =	vsel vm1, v5, v14  }
0x2c8: {  	vm1 =	vlt.s32 v5, v15  }
0x2c9: {  	v5 =	vsel vm1, v5, v15  }
0x2ca: {  	vm1 =	vlt.s32 v5, v16  }
0x2cb: {  	v19 =	vperm.xlane v17, v0;
	v20 =	vperm.xlane v18, v0;
	v5 =	vsel vm1, v5, v16  }
0x2cc: {  	vm1 =	vlt.s32 v5, v17  }
0x2cd: {  	v6 =	vsel vm0, v19, v20;
	v5 =	vsel vm1, v5, v17  }
0x2ce: {  	vm1 =	vlt.s32 v5, v6  }
0x2cf: {  	v5 =	vsel vm1, v5, v6  }
0x2d0: {  	v6 =	vperm.xlane v5, v0;
	_ =	sdelay $0x1  }
0x2d1: {  	vm1 =	vlt.s32 v5, v6  }
0x2d2: {  	v5 =	vsel vm1, v5, v6  }
0x2d3: {  	v6 =	vperm.xlane v5, v1;
	_ =	sdelay $0x1  }
0x2d4: {  	vm1 =	vlt.s32 v5, v6  }
0x2d5: {  	v5 =	vsel vm1, v5, v6  }
0x2d6: {  	v6 =	vperm.xlane v5, v2;
	_ =	sdelay $0x1  }
0x2d7: {  	vm1 =	vlt.s32 v5, v6  }
0x2d8: {  	v5 =	vsel vm1, v5, v6  }
0x2d9: {  	v6 =	vperm.xlane v5, v3;
	_ =	sdelay $0x1  }
0x2da: {  	vm1 =	vlt.s32 v5, v6  }
0x2db: {  	v5 =	vsel vm1, v5, v6  }
0x2dc: {  	v4 =	vsub.s32 v4, v5  }
0x2dd: {  	v21 =	vsub.s32 $0x0, v4  }
0x2de: {  	v4 =	vmin.u32 v4, v21  }
0x2df: {  	[tilespmem:$0x2000] =	vst v4  }
0x2e0: {  	v4 =	vld [tilespmem:s8+$0x10];
	_ =	sdelay $0x4  }
0x2e1: {  	v4 =	vsub.s32 v4, v5  }
0x2e2: {  	v22 =	vsub.s32 $0x0, v4  }
0x2e3: {  	v4 =	vmin.u32 v4, v22  }
0x2e4: {  	[tilespmem:$0x2010] =	vst v4  }
0x2e5: {  	v4 =	vld [tilespmem:s8+$0x20];
	_ =	sdelay $0x4  }
0x2e6: {  	v4 =	vsub.s32 v4, v5  }
0x2e7: {  	v23 =	vsub.s32 $0x0, v4  }
0x2e8: {  	v4 =	vmin.u32 v4, v23  }
0x2e9: {  	[tilespmem:$0x2020] =	vst v4  }
0x2ea: {  	v4 =	vld [tilespmem:s8+$0x30];
	_ =	sdelay $0x4  }
0x2eb: {  	v4 =	vsub.s32 v4, v5  }
0x2ec: {  	v24 =	vsub.s32 $0x0, v4  }
0x2ed: {  	v4 =	vmin.u32 v4, v24  }
0x2ee: {  	[tilespmem:$0x2030] =	vst v4  }
0x2ef: {  	v4 =	vld [tilespmem:s8+$0x40];
	_ =	sdelay $0x4  }
0x2f0: {  	v4 =	vsub.s32 v4, v5  }
0x2f1: {  	v25 =	vsub.s32 $0x0, v4  }
0x2f2: {  	v4 =	vmin.u32 v4, v25  }
0x2f3: {  	[tilespmem:$0x2040] =	vst v4  }
0x2f4: {  	v4 =	vld [tilespmem:s8+$0x50];
	_ =	sdelay $0x4  }
0x2f5: {  	v4 =	vsub.s32 v4, v5  }
0x2f6: {  	v26 =	vsub.s32 $0x0, v4  }
0x2f7: {  	v4 =	vmin.u32 v4, v26  }
0x2f8: {  	[tilespmem:$0x2050] =	vst v4  }
0x2f9: {  	v4 =	vld [tilespmem:s8+$0x60];
	_ =	sdelay $0x4  }
0x2fa: {  	v4 =	vsub.s32 v4, v5  }
0x2fb: {  	v27 =	vsub.s32 $0x0, v4  }
0x2fc: {  	v4 =	vmin.u32 v4, v27  }
0x2fd: {  	[tilespmem:$0x2060] =	vst v4  }
0x2fe: {  	v4 =	vld [tilespmem:s8+$0x70];
	_ =	sdelay $0x4  }
0x2ff: {  	v4 =	vsub.s32 v4, v5  }
0x300: {  	v28 =	vsub.s32 $0x0, v4  }
0x301: {  	v4 =	vmin.u32 v4, v28  }
0x302: {  	[tilespmem:$0x2070] =	vst v4  }
0x303: {  	v4 =	vld [tilespmem:s8+$0x400];
	_ =	sdelay $0x4  }
0x304: {  	v4 =	vsub.s32 v4, v5  }
0x305: {  	v29 =	vsub.s32 $0x0, v4  }
0x306: {  	v4 =	vmin.u32 v4, v29  }
0x307: {  	[tilespmem:$0x2080] =	vst v4  }
0x308: {  	v4 =	vld [tilespmem:s8+$0x410];
	_ =	sdelay $0x4  }
0x309: {  	v4 =	vsub.s32 v4, v5  }
0x30a: {  	v30 =	vsub.s32 $0x0, v4  }
0x30b: {  	v4 =	vmin.u32 v4, v30  }
0x30c: {  	[tilespmem:$0x2090] =	vst v4  }
0x30d: {  	v4 =	vld [tilespmem:s8+$0x420];
	_ =	sdelay $0x4  }
0x30e: {  	v4 =	vsub.s32 v4, v5  }
0x30f: {  	v31 =	vsub.s32 $0x0, v4  }
0x310: {  	v4 =	vmin.u32 v4, v31  }
0x311: {  	[tilespmem:$0x20A0] =	vst v4  }
0x312: {  	v4 =	vld [tilespmem:s8+$0x430];
	_ =	sdelay $0x4  }
0x313: {  	v4 =	vsub.s32 v4, v5  }
0x314: {  	v32 =	vsub.s32 $0x0, v4  }
0x315: {  	v4 =	vmin.u32 v4, v32  }
0x316: {  	[tilespmem:$0x20B0] =	vst v4  }
0x317: {  	v4 =	vld [tilespmem:s8+$0x430]  }
0x318: {  	v33 =	vld.msk [tilespmem:s9+$0x0], $0xff;
	_ =	sdelay $0x2  }
0x319: {  	v5 =	vperm.xlane v5, v0;
	_ =	sdelay $0x1  }
0x31a: {  	v4 =	vsub.s32 v4, v5;
	v5 =	vsub.s32 v33, v5  }
0x31b: {  	v34 =	vsub.s32 $0x0, v4;
	v35 =	vsub.s32 $0x0, v5  }
0x31c: {  	v4 =	vmin.u32 v4, v34;
	v5 =	vmin.u32 v5, v35  }
0x31d: {  	v4 =	vperm.xlane v4, v0;
	v5 =	vperm.xlane v5, v0;
	_ =	sdelay $0x1  }
0x31e: {  	v4 =	vsel vm0, v4, v5  }
0x31f: {  	[tilespmem:$0x20B8] =	vst v4  }
0x320: {  	[tilespmem:s18], [sflag:$0x1] =	stream.indirect.gather [spmem:s1], $0x80, s17, s16, $0xb8;
	[tilespmem:$0x1F680] =	vst v63  }
0x321: {  	_ =	swait.ge [sflag:s29], $0x3000  }
0x322: {  	s9 =	rddreg [dreg:$0x8];
	[sflag:s29] =	ssyncset.done $0x0  }
0x323: {  	[sflag:s29] =	ssyncadd.s32 $0xFFFFD000;
	s8 =	sadd.s32 s5, s9  }
0x324: {  	[hbm4b:s8+s2] =	stream.linear.scatter [tilespmem:s24], [sflag:$0x6], $0x3000, $0x38;
	[tilespmem:$0x1F680] =	vst v63  }
0x325: {  	_ =	swait.ge [sflag:s30], $0x3400  }
0x326: {  	[sflag:s30] =	ssyncset.done $0x0  }
0x327: {  	[sflag:s30] =	ssyncadd.s32 $0xFFFFCC00  }
0x328: {  	[tilespmem:s21], [sflag:$0x2] =	stream.indirect.gather [spmem:s1], $0x80, s20, s19, $0xb8;
	[tilespmem:$0x1F680] =	vst v63  }
0x329: {  	_ =	swait.ge [sflag:s22], $0x3400  }
0x32a: {  	[sflag:s22] =	ssyncset.done $0x0  }
0x32b: {  	s6 =	sadd.s32 $0x4B00, s6;
	[sflag:s22] =	ssyncadd.s32 $0xFFFFCC00  }
0x32c: {  	[hbm4b:s6+s2] =	stream.linear.scatter [tilespmem:s18], [sflag:$0x4], $0x3400, $0x38;
	[tilespmem:$0x1F680] =	vst v63  }
0x32d: {  	_ =	swait.ge [sflag:s31], $0x3000  }
0x32e: {  	s9 =	sand.u32 $0x380, s3;
	s8 =	sand.u32 $0x7800, s4;
	[sflag:s31] =	ssyncset.done $0x0  }
0x32f: {  	s6 =	sor.u32 s9, s8;
	[sflag:s31] =	ssyncadd.s32 $0xFFFFD000  }
0x330: {  	v4 =	vld [tilespmem:s6+$0x0]  }
0x331: {  	v5 =	vld [tilespmem:s6+$0x10];
	_ =	sdelay $0x1  }
0x332: {  	v36 =	vld [tilespmem:s6+$0x20];
	_ =	sdelay $0x1  }
0x333: {  	v37 =	vld [tilespmem:s6+$0x30]  }
0x334: {  	vm1 =	vlt.s32 v4, v5  }
0x335: {  	v38 =	vld [tilespmem:s6+$0x40];
	v5 =	vsel vm1, v4, v5  }
0x336: {  	vm1 =	vlt.s32 v5, v36  }
0x337: {  	v39 =	vld [tilespmem:s6+$0x50];
	v5 =	vsel vm1, v5, v36  }
0x338: {  	vm1 =	vlt.s32 v5, v37  }
0x339: {  	v40 =	vld [tilespmem:s6+$0x60];
	v5 =	vsel vm1, v5, v37  }
0x33a: {  	vm1 =	vlt.s32 v5, v38  }
0x33b: {  	v41 =	vld [tilespmem:s6+$0x70];
	v5 =	vsel vm1, v5, v38  }
0x33c: {  	vm1 =	vlt.s32 v5, v39  }
0x33d: {  	v42 =	vld [tilespmem:s6+$0x400];
	v5 =	vsel vm1, v5, v39  }
0x33e: {  	vm1 =	vlt.s32 v5, v40  }
0x33f: {  	v43 =	vld [tilespmem:s6+$0x410];
	v5 =	vsel vm1, v5, v40  }
0x340: {  	v44 =	vld [tilespmem:s6+$0x420];
	vm1 =	vlt.s32 v5, v41  }
0x341: {  	s8 =	sor.u32 $0x440, s6;
	v45 =	vld [tilespmem:s6+$0x430];
	v5 =	vsel vm1, v5, v41  }
0x342: {  	v46 =	vld.msk [tilespmem:s8+$0x0], $0xff;
	vm1 =	vlt.s32 v5, v42  }
0x343: {  	v5 =	vsel vm1, v5, v42  }
0x344: {  	vm1 =	vlt.s32 v5, v43  }
0x345: {  	v5 =	vsel vm1, v5, v43  }
0x346: {  	vm1 =	vlt.s32 v5, v44  }
0x347: {  	v47 =	vperm.xlane v45, v0;
	v48 =	vperm.xlane v46, v0;
	v5 =	vsel vm1, v5, v44  }
0x348: {  	vm1 =	vlt.s32 v5, v45  }
0x349: {  	v6 =	vsel vm0, v47, v48;
	v5 =	vsel vm1, v5, v45  }
0x34a: {  	vm1 =	vlt.s32 v5, v6  }
0x34b: {  	v5 =	vsel vm1, v5, v6  }
0x34c: {  	v6 =	vperm.xlane v5, v0;
	_ =	sdelay $0x1  }
0x34d: {  	vm1 =	vlt.s32 v5, v6  }
0x34e: {  	v5 =	vsel vm1, v5, v6  }
0x34f: {  	v6 =	vperm.xlane v5, v1;
	_ =	sdelay $0x1  }
0x350: {  	vm1 =	vlt.s32 v5, v6  }
0x351: {  	v5 =	vsel vm1, v5, v6  }
0x352: {  	v6 =	vperm.xlane v5, v2;
	_ =	sdelay $0x1  }
0x353: {  	vm1 =	vlt.s32 v5, v6  }
0x354: {  	v5 =	vsel vm1, v5, v6  }
0x355: {  	v6 =	vperm.xlane v5, v3;
	_ =	sdelay $0x1  }
0x356: {  	vm1 =	vlt.s32 v5, v6  }
0x357: {  	v5 =	vsel vm1, v5, v6  }
0x358: {  	v4 =	vsub.s32 v4, v5  }
0x359: {  	v49 =	vsub.s32 $0x0, v4  }
0x35a: {  	v4 =	vmin.u32 v4, v49  }
0x35b: {  	[tilespmem:$0x2100] =	vst v4  }
0x35c: {  	v4 =	vld [tilespmem:s6+$0x10];
	_ =	sdelay $0x4  }
0x35d: {  	v4 =	vsub.s32 v4, v5  }
0x35e: {  	v50 =	vsub.s32 $0x0, v4  }
0x35f: {  	v4 =	vmin.u32 v4, v50  }
0x360: {  	[tilespmem:$0x2110] =	vst v4  }
0x361: {  	v4 =	vld [tilespmem:s6+$0x20];
	_ =	sdelay $0x4  }
0x362: {  	v4 =	vsub.s32 v4, v5  }
0x363: {  	v51 =	vsub.s32 $0x0, v4  }
0x364: {  	v4 =	vmin.u32 v4, v51  }
0x365: {  	[tilespmem:$0x2120] =	vst v4  }
0x366: {  	v4 =	vld [tilespmem:s6+$0x30];
	_ =	sdelay $0x4  }
0x367: {  	v4 =	vsub.s32 v4, v5  }
0x368: {  	v52 =	vsub.s32 $0x0, v4  }
0x369: {  	v4 =	vmin.u32 v4, v52  }
0x36a: {  	[tilespmem:$0x2130] =	vst v4  }
0x36b: {  	v4 =	vld [tilespmem:s6+$0x40];
	_ =	sdelay $0x4  }
0x36c: {  	v4 =	vsub.s32 v4, v5  }
0x36d: {  	v53 =	vsub.s32 $0x0, v4  }
0x36e: {  	v4 =	vmin.u32 v4, v53  }
0x36f: {  	[tilespmem:$0x2140] =	vst v4  }
0x370: {  	v4 =	vld [tilespmem:s6+$0x50];
	_ =	sdelay $0x4  }
0x371: {  	v4 =	vsub.s32 v4, v5  }
0x372: {  	v54 =	vsub.s32 $0x0, v4  }
0x373: {  	v4 =	vmin.u32 v4, v54  }
0x374: {  	[tilespmem:$0x2150] =	vst v4  }
0x375: {  	v4 =	vld [tilespmem:s6+$0x60];
	_ =	sdelay $0x4  }
0x376: {  	v4 =	vsub.s32 v4, v5  }
0x377: {  	v55 =	vsub.s32 $0x0, v4  }
0x378: {  	v4 =	vmin.u32 v4, v55  }
0x379: {  	[tilespmem:$0x2160] =	vst v4  }
0x37a: {  	v4 =	vld [tilespmem:s6+$0x70];
	_ =	sdelay $0x4  }
0x37b: {  	v4 =	vsub.s32 v4, v5  }
0x37c: {  	v56 =	vsub.s32 $0x0, v4  }
0x37d: {  	v4 =	vmin.u32 v4, v56  }
0x37e: {  	[tilespmem:$0x2170] =	vst v4  }
0x37f: {  	v4 =	vld [tilespmem:s6+$0x400];
	_ =	sdelay $0x4  }
0x380: {  	v4 =	vsub.s32 v4, v5  }
0x381: {  	v57 =	vsub.s32 $0x0, v4  }
0x382: {  	v4 =	vmin.u32 v4, v57  }
0x383: {  	[tilespmem:$0x2180] =	vst v4  }
0x384: {  	v4 =	vld [tilespmem:s6+$0x410];
	_ =	sdelay $0x4  }
0x385: {  	v4 =	vsub.s32 v4, v5  }
0x386: {  	v58 =	vsub.s32 $0x0, v4  }
0x387: {  	v4 =	vmin.u32 v4, v58  }
0x388: {  	[tilespmem:$0x2190] =	vst v4  }
0x389: {  	v4 =	vld [tilespmem:s6+$0x420];
	_ =	sdelay $0x4  }
0x38a: {  	v4 =	vsub.s32 v4, v5  }
0x38b: {  	v59 =	vsub.s32 $0x0, v4  }
0x38c: {  	v4 =	vmin.u32 v4, v59  }
0x38d: {  	[tilespmem:$0x21A0] =	vst v4  }
0x38e: {  	v4 =	vld [tilespmem:s6+$0x430];
	_ =	sdelay $0x4  }
0x38f: {  	v4 =	vsub.s32 v4, v5  }
0x390: {  	v60 =	vsub.s32 $0x0, v4  }
0x391: {  	v4 =	vmin.u32 v4, v60  }
0x392: {  	[tilespmem:$0x21B0] =	vst v4  }
0x393: {  	v4 =	vld [tilespmem:s6+$0x430]  }
0x394: {  	v61 =	vld.msk [tilespmem:s8+$0x0], $0xff;
	_ =	sdelay $0x2  }
0x395: {  	v5 =	vperm.xlane v5, v0;
	_ =	sdelay $0x1  }
0x396: {  	v4 =	vsub.s32 v4, v5;
	v5 =	vsub.s32 v61, v5  }
0x397: {  	v62 =	vsub.s32 $0x0, v4;
	v63 =	vsub.s32 $0x0, v5  }
0x398: {  	v4 =	vmin.u32 v4, v62;
	v5 =	vmin.u32 v5, v63  }
0x399: {  	v4 =	vperm.xlane v4, v0;
	v5 =	vperm.xlane v5, v0;
	_ =	sdelay $0x1  }
0x39a: {  	v4 =	vsel vm0, v4, v5  }
0x39b: {  	[tilespmem:$0x21B8] =	vst v4  }
0x39c: {  	[tilespmem:s24], [sflag:$0x3] =	stream.indirect.gather [spmem:s1], $0x80, s23, s16, $0xb8;
	[tilespmem:$0x1F680] =	vst v63  }
0x39d: {  	_ =	swait.ge [sflag:s25], $0x3000  }
0x39e: {  	s9 =	rddreg [dreg:$0x7];
	[sflag:s25] =	ssyncset.done $0x0  }
0x39f: {  	p1 =	sne.s32 s5, $0x12C00;
	[sflag:s25] =	ssyncadd.s32 $0xFFFFD000;
	s6 =	sadd.s32 s5, s9  }
0x3a0: {  	[hbm4b:s6+s2] =	stream.linear.scatter [tilespmem:s21], [sflag:$0x5], $0x3000, $0x38;
	[tilespmem:$0x1F680] =	vst v63  }
.Ltmp0:
0x3a1: {  	_ = 	snop;
	(pc) =	sbr.rel @p1 .LBB2_2-.Ltmp0, $4  }
0x3a2: {  	_ =	swait.ge [sflag:s26], $0x3400  }
0x3a3: {  	s3 =	sadd.s32 $0x300, s3;
	[sflag:s26] =	ssyncset.done $0x0  }
0x3a4: {  	s4 =	sadd.s32 $0x600, s4;
	s5 =	sadd.s32 $0x4B00, s5;
	[sflag:s26] =	ssyncadd.s32 $0xFFFFCC00  }
0x3a5: {  	[tilespmem:s18], [sflag:$0x1] =	stream.indirect.gather [spmem:s1], $0x80, s28, s19, $0xb8;
	[tilespmem:$0x1F680] =	vst v63  }
0x3a6: {  	_ =	swait.ge [sflag:s29], $0x3400  }
0x3a7: {  	[sflag:s29] =	ssyncset.done $0x0  }
0x3a8: {  	s3 =	rddreg [dreg:$0x11];
	[sflag:s29] =	ssyncadd.s32 $0xFFFFCC00  }
0x3a9: {  	[hbm4b:s3+s2] =	stream.linear.scatter [tilespmem:s24], [sflag:$0x6], $0x3400, $0x38;
	[tilespmem:$0x1F680] =	vst v63  }
0x3aa: {  	_ =	swait.ge [sflag:s30], $0x3000  }
0x3ab: {  	[sflag:s30] =	ssyncset.done $0x0  }
0x3ac: {  	[sflag:s30] =	ssyncadd.s32 $0xFFFFD000  }
0x3ad: {  	_ =	swait.ge [sflag:s22], $0x3000  }
0x3ae: {  	[sflag:s22] =	ssyncset.done $0x0  }
0x3af: {  	s0 =	sadd.s32 $0x1, s0;
	[sflag:s22] =	ssyncadd.s32 $0xFFFFD000  }
0x3b0: {  	[hbm4b:s10+s2] =	stream.linear.scatter [tilespmem:s18], [sflag:$0x4], $0x3000, $0x38;
	[tilespmem:$0x1F680] =	vst v63  }
0x3b1: {  	p1 =	sne.s32 s0, s11;
	_ =	swait.ge [sflag:s31], $0x3400  }
.Ltmp1:
0x3b2: {  	[sflag:s31] =	ssyncset.done $0x0;
	(pc) =	sbr.rel @p1 .LBB2_1-.Ltmp1, $4  }
0x3b3: {  	[sflag:s31] =	ssyncadd.s32 $0xFFFFCC00  }
0x3b4: {  	_ =	swait.ge [sflag:s26], $0x3000  }
0x3b5: {  	[sflag:s26] =	ssyncset.done $0x0  }
0x3b6: {  	[sflag:s26] =	ssyncadd.s32 $0xFFFFD000  }
0x3b7: {  	_ =	sfence.sel $0x180000  }
0x3b8: {  	[bflag:$0x0] =	sbarrier.arrive $0xFFFF  }
0x3b9: {  	_ =	strace $0x90000047  }
0x3ba: {  	[bflag:$0x2] =	sbarrier.arrive $0xFFFF  }
0x3bb: {  	s0 =	rddreg [dreg:$0x4]  }
0x3bc: {  	s0 =	sadd.s32 @!p0 $0x100000, s0  }
0x3bd: {  	[sflag:s0] =	ssyncadd.tile.s32 @!p0 $0x1;
	_ =	shalt  }
.Lfunc_end2:
_tile_overlayer_lowered:
.L_overlay_start_2:
0x3be: {  	(tag) =	ssettag $0x2  }
0x3bf: {  	s0 =	rddreg [dreg:$0x0];
	s2 =	stileid.u32  }
0x3c0: {  	s1 =	rddreg [dreg:$0x1];
	p0 =	sne.s32 s2, $0x0  }
0x3c1: {  	s3 =	rddreg [dreg:$0x2];
	[bflag:$0x3] =	sbarrier.arrive $0xFFFF;
	s2 =	simm.s32 @!p0 $0x1C08  }
0x3c2: {  	[timem:s3], [sflag:s2] =	dma.local @!p0 [hbm:s0], s1  }
0x3c3: {  	s0 =	simm.s32 @!p0 $0x8  }
0x3c4: {  	_ =	swait.ge @!p0 [sflag:s0], s1  }
0x3c5: {  	s1 =	ssub.s32 @!p0 $0x0, s1;
	[sflag:s0] =	ssyncset.done @!p0 $0x0  }
0x3c6: {  	[sflag:s0] =	ssyncadd.s32 @!p0 s1  }
0x3c7: {  	[bflag:$0x3] =	sbarrier.arrive $0xFFFF  }
0x3c8: {  	_ =	shalt  }

</sc_bundles>
